<compile_context>
chip_gen: v7x
topology: tpu7x:2x2x1
jax: 0.10.2.dev20260603
libtpu: 0.0.44.dev20260713+nightly
codegen_flags: <defaults>
</compile_context>

<pallas_src>
import functools

import jax
import jax.numpy as jnp
from jax import lax
from jax.experimental import pallas as pl
from jax.experimental.pallas import tpu as pltpu
from jax.experimental.pallas import tpu_sc as plsc

D = 128
NREG = D // 16


def _mesh_info():
    info = plsc.get_sparse_core_info()
    return info.num_cores, info.num_subcores


def _dot(a, b):
    return jnp.dot(a.astype(jnp.bfloat16), b.astype(jnp.bfloat16),
                   preferred_element_type=jnp.float32)


def _dense(sum_u, sum_i, uid_r, uid_c, iid_r, iid_c,
           w_enc, b_enc, wp1, bp1, gp, betap, wp2, bp2,
           wq1, bq1, gq, betaq, wq2, bq2):
    bsz = sum_u.shape[0]
    h1 = wp1.shape[1]
    h2 = wp2.shape[1]

    def body(su_ref, si_ref,
             wenc_ref, benc_ref, wp1_ref, bp1_ref, gp_ref, betap_ref,
             wp2_ref, bp2_ref, wq1_ref, bq1_ref, gq_ref, betaq_ref,
             wq2_ref, bq2_ref,
             urep_o, uproj_o, upred_o, irep_o, iproj_o, ipred_o):
        def bn_mlp(x, w1, b1, g, bet, w2, b2):
            h = _dot(x, w1) + b1
            mu = jnp.mean(h, axis=0, keepdims=True)
            var = jnp.mean((h - mu) ** 2, axis=0, keepdims=True)
            hn = (h - mu) / jnp.sqrt(var + 1e-5) * g + bet
            return _dot(jnp.maximum(hn, 0.0), w2) + b2

        wenc = wenc_ref[...]
        benc = benc_ref[...]
        for s_ref, rep_o, proj_o, pred_o in (
                (su_ref, urep_o, uproj_o, upred_o),
                (si_ref, irep_o, iproj_o, ipred_o)):
            pooled = s_ref[...]
            rep = jnp.tanh(_dot(pooled, wenc) + benc)
            rep_o[...] = rep
            proj = bn_mlp(rep, wp1_ref[...], bp1_ref[...], gp_ref[...],
                          betap_ref[...], wp2_ref[...], bp2_ref[...])
            proj_o[...] = proj
            pred_o[...] = bn_mlp(proj, wq1_ref[...], bq1_ref[...], gq_ref[...],
                                 betaq_ref[...], wq2_ref[...], bq2_ref[...])

    def keep_body(idr_ref, idc_ref, keep_o):
        idr = idr_ref[...]
        tri = (lax.broadcasted_iota(jnp.int32, (128, 128), 1)
               > lax.broadcasted_iota(jnp.int32, (128, 128), 0))
        nblk = bsz // 128
        for c in range(nblk):
            idc = idc_ref[c * 128:(c + 1) * 128, :]
            diag = (idr[:, c * 128:(c + 1) * 128] == idc) & tri
            dup = jnp.any(diag, axis=1, keepdims=True)
            if c + 1 < nblk:
                rest = idr[:, (c + 1) * 128:] == idc
                dup = dup | jnp.any(rest, axis=1, keepdims=True)
            keep_o[c * 128:(c + 1) * 128, :] = 1 - dup.astype(jnp.int32)

    f32 = jnp.float32
    outs = pl.pallas_call(
        body,
        out_shape=(
            jax.ShapeDtypeStruct((bsz, D), f32),
            jax.ShapeDtypeStruct((bsz, h2), f32),
            jax.ShapeDtypeStruct((bsz, h2), f32),
            jax.ShapeDtypeStruct((bsz, D), f32),
            jax.ShapeDtypeStruct((bsz, h2), f32),
            jax.ShapeDtypeStruct((bsz, h2), f32),
        ),
    )(sum_u, sum_i,
      w_enc, b_enc, wp1, bp1, gp, betap, wp2, bp2,
      wq1, bq1, gq, betaq, wq2, bq2)
    keep_call = pl.pallas_call(
        keep_body, out_shape=jax.ShapeDtypeStruct((bsz, 1), jnp.int32))
    keepu = keep_call(uid_r, uid_c)
    keepi = keep_call(iid_r, iid_c)
    return outs + (keepu, keepi)


def _scatter(user_emb, item_emb, uids, iids, keepu, keepi, urep, irep):
    nc, ns = _mesh_info()
    nw = nc * ns
    nu = user_emb.shape[0]
    ni = item_emb.shape[0]
    bsz = uids.shape[0]
    gu, gi = nu // 8, ni // 8
    su, ru = (gu // nw) * 8, gu % nw
    si, ri = (gi // nw) * 8, gi % nw
    chunk = 128
    cap = ((min(bsz, max(su, si) + 8) + chunk - 1) // chunk) * chunk
    mesh = plsc.VectorSubcoreMesh(core_axis_name="c", subcore_axis_name="s")

    @functools.partial(
        pl.kernel,
        mesh=mesh,
        out_type=(
            jax.ShapeDtypeStruct((nu, D), jnp.float32),
            jax.ShapeDtypeStruct((ni, D), jnp.float32),
        ),
        scratch_types=[
            pltpu.VMEM((bsz,), jnp.int32),
            pltpu.VMEM((bsz,), jnp.int32),
            pltpu.VMEM((cap // chunk, chunk), jnp.int32),
            pltpu.VMEM((cap // chunk, chunk), jnp.int32),
            pltpu.VMEM((chunk, D), jnp.float32),
            pltpu.VMEM((256, D), jnp.float32),
            pltpu.VMEM((256, D), jnp.float32),
            pltpu.SemaphoreType.DMA,
            pltpu.SemaphoreType.DMA,
            pltpu.SemaphoreType.DMA,
        ],
        compiler_params=pltpu.CompilerParams(needs_layout_passes=False),
    )
    def sk(uemb, iemb, uids_h, iids_h, ku_h, ki_h, urep_h, irep_h,
           out_u, out_i, idsv, keepv, cid, cbv, rows, cb0, cb1,
           sem, semi0, semi1):
        wid = lax.axis_index("s") * nc + lax.axis_index("c")

        def copy_slab(src_emb, out_h, lo, slab):
            ccopy = 256
            nfull = slab // ccopy
            tail = slab - nfull * ccopy
            bufs = (cb0, cb1)
            sems = (semi0, semi1)

            def cp_in(c, b):
                pltpu.async_copy(src_emb.at[pl.ds(lo + c * ccopy, ccopy)],
                                 bufs[b], sems[b])

            cp_in(0, 0)

            def body2(g, carry):
                c0 = 2 * g
                c1 = c0 + 1

                @pl.when(c1 < nfull)
                def _():
                    cp_in(c1, 1)
                pltpu.make_async_copy(src_emb.at[pl.ds(lo, ccopy)], cb0,
                                      semi0).wait()
                pltpu.sync_copy(cb0, out_h.at[pl.ds(lo + c0 * ccopy, ccopy)])

                @pl.when(c1 + 1 < nfull)
                def _():
                    cp_in(c1 + 1, 0)

                @pl.when(c1 < nfull)
                def _():
                    pltpu.make_async_copy(src_emb.at[pl.ds(lo, ccopy)], cb1,
                                          semi1).wait()
                    pltpu.sync_copy(cb1,
                                    out_h.at[pl.ds(lo + c1 * ccopy, ccopy)])
                return carry

            lax.fori_loop(0, (nfull + 1) // 2, body2, 0)
            if tail:
                pltpu.async_copy(
                    src_emb.at[pl.ds(lo + nfull * ccopy, tail)],
                    cb0.at[pl.ds(0, tail)], semi0)
                pltpu.make_async_copy(
                    src_emb.at[pl.ds(lo + nfull * ccopy, tail)],
                    cb0.at[pl.ds(0, tail)], semi0).wait()
                pltpu.sync_copy(cb0.at[pl.ds(0, tail)],
                                out_h.at[pl.ds(lo + nfull * ccopy, tail)])

        copy_slab(uemb, out_u, wid * su, su)
        copy_slab(iemb, out_i, wid * si, si)

        @pl.when(wid < ru)
        def _():
            xl = nw * su + wid * 8
            pltpu.async_copy(uemb.at[pl.ds(xl, 8)], cb0.at[pl.ds(0, 8)],
                             semi0)
            pltpu.make_async_copy(uemb.at[pl.ds(xl, 8)], cb0.at[pl.ds(0, 8)],
                                  semi0).wait()
            pltpu.sync_copy(cb0.at[pl.ds(0, 8)], out_u.at[pl.ds(xl, 8)])

        @pl.when(wid < ri)
        def _():
            xl = nw * si + wid * 8
            pltpu.async_copy(iemb.at[pl.ds(xl, 8)], cb0.at[pl.ds(0, 8)],
                             semi0)
            pltpu.make_async_copy(iemb.at[pl.ds(xl, 8)], cb0.at[pl.ds(0, 8)],
                                  semi0).wait()
            pltpu.sync_copy(cb0.at[pl.ds(0, 8)], out_i.at[pl.ds(xl, 8)])

        def do_table(ids_h, keep_h, rep_h, out_h, slab, rem):
            lo = wid * slab
            hi = lo + slab
            xlo = nw * slab + wid * 8
            xhi = xlo + 8
            has_x = wid < rem
            pltpu.sync_copy(ids_h, idsv)
            pltpu.sync_copy(keep_h, keepv)

            def cbody(c, off):
                idv = idsv[pl.ds(c * 16, 16)]
                kv = keepv[pl.ds(c * 16, 16)]
                m = (kv != 0) & (((idv >= lo) & (idv < hi))
                                 | (has_x & (idv >= xlo) & (idv < xhi)))
                mi = m.astype(jnp.int32)
                cs = plsc.cumsum(mi)
                pos = off + cs - 1
                pr, pc = pos >> 7, pos & (chunk - 1)
                plsc.store_scatter(cid, [pr, pc], idv, mask=m)
                bvec = c * 16 + lax.iota(jnp.int32, 16)
                plsc.store_scatter(cbv, [pr, pc], bvec, mask=m)
                return off + jnp.sum(mi)

            off = lax.fori_loop(0, bsz // 16, cbody, jnp.int32(0))

            @pl.when(off > 0)
            def _():
                lastpos = jnp.full((16,), off - 1, jnp.int32)
                lid = plsc.load_gather(cid, [lastpos >> 7,
                                             lastpos & (chunk - 1)])
                lb = plsc.load_gather(cbv, [lastpos >> 7,
                                            lastpos & (chunk - 1)])
                padded = ((off + chunk - 1) // chunk) * chunk
                for p in range(chunk // 16):
                    idxs = off + p * 16 + lax.iota(jnp.int32, 16)
                    m2 = idxs < padded
                    plsc.store_scatter(cid, [idxs >> 7, idxs & (chunk - 1)],
                                       lid, mask=m2)
                    plsc.store_scatter(cbv, [idxs >> 7, idxs & (chunk - 1)],
                                       lb, mask=m2)

                def sbody(j, carry):
                    pltpu.async_copy(rep_h.at[cbv.at[j]], rows, sem).wait()
                    pltpu.async_copy(rows, out_h.at[cid.at[j]], sem).wait()
                    return carry

                lax.fori_loop(0, padded // chunk, sbody, 0)

        do_table(uids_h, ku_h, urep_h, out_u, su, ru)
        do_table(iids_h, ki_h, irep_h, out_i, si, ri)

    return sk(user_emb, item_emb, uids, iids, keepu, keepi, urep, irep)


def kernel(user, prev_items, prev_items_mask, item, prev_users, prev_users_mask,
           user_embeddings, item_embeddings, user_token, item_token, W_enc, b_enc,
           Wp1, bp1, gp, betap, Wp2, bp2, Wq1, bq1, gq, betaq, Wq2, bq2):
    bsz, seq_len = prev_items.shape
    uid = user.astype(jnp.int32)
    iid = item.astype(jnp.int32)

    def _pool(emb, idxs, tok, mask):
        seq = tok + jnp.take(emb, idxs, axis=0)
        mm = mask.astype(seq.dtype)[..., None]
        s = jnp.sum(seq * mm, axis=1)
        return s / jnp.maximum(jnp.sum(mm, axis=1), 1.0)

    pooled_u = _pool(item_embeddings, prev_items, item_token, prev_items_mask)
    pooled_i = _pool(user_embeddings, prev_users, user_token, prev_users_mask)

    (urep, uproj, upred, irep, iproj, ipred, keepu, keepi) = _dense(
        pooled_u, pooled_i,
        uid.reshape(1, bsz), uid.reshape(bsz, 1),
        iid.reshape(1, bsz), iid.reshape(bsz, 1),
        W_enc, b_enc.reshape(1, -1), Wp1, bp1.reshape(1, -1),
        gp.reshape(1, -1), betap.reshape(1, -1), Wp2, bp2.reshape(1, -1),
        Wq1, bq1.reshape(1, -1), gq.reshape(1, -1), betaq.reshape(1, -1),
        Wq2, bq2.reshape(1, -1))

    new_user_emb, new_item_emb = _scatter(
        user_embeddings, item_embeddings, uid, iid,
        keepu.reshape(-1), keepi.reshape(-1), urep, irep)

    return (urep, uproj, upred, irep, iproj, ipred, new_user_emb, new_item_emb)

# --- scband reference (transcript-rebuilt; emitter-appended) ---
"""Pipeline reference for scband-felrec-p-10307921510815 (READ-ONLY COPY).

The authoritative reference and input builder live on the scoring server;
editing this copy changes nothing except your own understanding.
"""

import jax, jax.numpy as jnp
import numpy as np

D = 128
B = 4096
L = 50
NU = 100000
NI = 100000


def _encode(seq, mask, W, b):
    m = mask.astype(seq.dtype)[..., None]
    pooled = jnp.sum(seq * m, axis=1) / jnp.maximum(jnp.sum(m, axis=1), 1.0)
    return jnp.tanh(pooled @ W + b)


def _bn_mlp(x, W1, b1, g, beta, W2, b2):
    h = x @ W1 + b1
    mu = jnp.mean(h, axis=0)
    var = jnp.var(h, axis=0)
    h = (h - mu) / jnp.sqrt(var + 1e-5) * g + beta
    h = jax.nn.relu(h)
    return h @ W2 + b2


def setup_inputs(seed: int = 0):
    key = jax.random.key(seed)
    ks = jax.random.split(key, 16)
    inp = {}
    inp['user'] = jax.random.randint(ks[0], (B,), 0, NU)
    inp['prev_items'] = jax.random.randint(ks[1], (B, L), 0, NI)
    inp['prev_items_mask'] = jnp.ones((B, L), dtype=bool)
    inp['item'] = jax.random.randint(ks[2], (B,), 0, NI)
    inp['prev_users'] = jax.random.randint(ks[3], (B, L), 0, NU)
    inp['prev_users_mask'] = jnp.ones((B, L), dtype=bool)
    inp['user_embeddings'] = jax.random.normal(ks[4], (NU, D), dtype=jnp.float32) * 0.02
    inp['item_embeddings'] = jax.random.normal(ks[5], (NI, D), dtype=jnp.float32) * 0.02
    inp['user_token'] = jax.random.normal(ks[6], (1, 1, D), dtype=jnp.float32)
    inp['item_token'] = jax.random.normal(ks[7], (1, 1, D), dtype=jnp.float32)
    inp['W_enc'] = jax.random.normal(ks[8], (D, D), dtype=jnp.float32) / np.sqrt(D)
    inp['b_enc'] = jnp.zeros((D,), dtype=jnp.float32)
    inp['Wp1'] = jax.random.normal(ks[9], (D, 2 * D), dtype=jnp.float32) / np.sqrt(D)
    inp['bp1'] = jnp.zeros((2 * D,), dtype=jnp.float32)
    inp['gp'] = jnp.ones((2 * D,), dtype=jnp.float32)
    inp['betap'] = jnp.zeros((2 * D,), dtype=jnp.float32)
    inp['Wp2'] = jax.random.normal(ks[10], (2 * D, D // 2), dtype=jnp.float32) / np.sqrt(2 * D)
    inp['bp2'] = jnp.zeros((D // 2,), dtype=jnp.float32)
    inp['Wq1'] = jax.random.normal(ks[11], (D // 2, 2 * D), dtype=jnp.float32) / np.sqrt(D // 2)
    inp['bq1'] = jnp.zeros((2 * D,), dtype=jnp.float32)
    inp['gq'] = jnp.ones((2 * D,), dtype=jnp.float32)
    inp['betaq'] = jnp.zeros((2 * D,), dtype=jnp.float32)
    inp['Wq2'] = jax.random.normal(ks[12], (2 * D, D // 2), dtype=jnp.float32) / np.sqrt(2 * D)
    inp['bq2'] = jnp.zeros((D // 2,), dtype=jnp.float32)
    return inp


def reference(user, prev_items, prev_items_mask, item, prev_users, prev_users_mask,
              user_embeddings, item_embeddings, user_token, item_token, W_enc, b_enc,
              Wp1, bp1, gp, betap, Wp2, bp2, Wq1, bq1, gq, betaq, Wq2, bq2):
    # gather previous interaction embeddings from large tables + add learned token
    prev_items_e = item_token + jnp.take(item_embeddings, prev_items, axis=0)
    prev_users_e = user_token + jnp.take(user_embeddings, prev_users, axis=0)
    # shared encoder over both sequences
    user_representation = _encode(prev_items_e, prev_items_mask, W_enc, b_enc)
    item_representation = _encode(prev_users_e, prev_users_mask, W_enc, b_enc)
    # scatter-overwrite detached representations into the memory buffers
    new_user_embeddings = user_embeddings.at[user].set(jax.lax.stop_gradient(user_representation))
    new_item_embeddings = item_embeddings.at[item].set(jax.lax.stop_gradient(item_representation))
    # training branch: projection + prediction heads (share_mlp=True)
    user_projection = _bn_mlp(user_representation, Wp1, bp1, gp, betap, Wp2, bp2)
    user_prediction = _bn_mlp(user_projection, Wq1, bq1, gq, betaq, Wq2, bq2)
    item_projection = _bn_mlp(item_representation, Wp1, bp1, gp, betap, Wp2, bp2)
    item_prediction = _bn_mlp(item_projection, Wq1, bq1, gq, betaq, Wq2, bq2)
    return (user_representation, user_projection, user_prediction,
            item_representation, item_projection, item_prediction,
            new_user_embeddings, new_item_embeddings)

if __name__ == "__main__":
    import jax
    _d = setup_inputs()
    print(jax.jit(kernel)(*tuple(_d.values())))

</pallas_src>

<mosaic_0001>
#map = affine_map<(d0, d1) -> (0, 0)>
#map1 = affine_map<(d0, d1) -> (0)>
module attributes {stable_mosaic.version = 14 : i64} {
  func.func @sk(%arg0: i32, %arg1: i32, %arg2: memref<100000x128xf32, #tpu.memory_space<hbm>>, %arg3: memref<100000x128xf32, #tpu.memory_space<hbm>>, %arg4: memref<4096xi32, #tpu.memory_space<hbm>>, %arg5: memref<4096xi32, #tpu.memory_space<hbm>>, %arg6: memref<4096xi32, #tpu.memory_space<hbm>>, %arg7: memref<4096xi32, #tpu.memory_space<hbm>>, %arg8: memref<4096x128xf32, #tpu.memory_space<hbm>>, %arg9: memref<4096x128xf32, #tpu.memory_space<hbm>>, %arg10: memref<100000x128xf32, #tpu.memory_space<hbm>>, %arg11: memref<100000x128xf32, #tpu.memory_space<hbm>>, %arg12: memref<4096xi32, #tpu.memory_space<vmem>>, %arg13: memref<4096xi32, #tpu.memory_space<vmem>>, %arg14: memref<25x128xi32, #tpu.memory_space<vmem>>, %arg15: memref<25x128xi32, #tpu.memory_space<vmem>>, %arg16: memref<128x128xf32, #tpu.memory_space<vmem>>, %arg17: memref<256x128xf32, #tpu.memory_space<vmem>>, %arg18: memref<256x128xf32, #tpu.memory_space<vmem>>, %arg19: memref<!tpu.dma_semaphore, #tpu.memory_space<semaphore_mem>>, %arg20: memref<!tpu.dma_semaphore, #tpu.memory_space<semaphore_mem>>, %arg21: memref<!tpu.dma_semaphore, #tpu.memory_space<semaphore_mem>>) attributes {dimension_semantics = [#tpu.dimension_semantics<core_parallel>, #tpu.dimension_semantics<subcore_parallel>], iteration_bounds = array<i64: 2, 16>, scalar_prefetch = 0 : i64, scratch_operands = 10 : i64, tpu.core_type = #tpu.core_type<sc_vector_subcore>, window_params = [{transform_indices = #map}, {transform_indices = #map}, {transform_indices = #map1}, {transform_indices = #map1}, {transform_indices = #map1}, {transform_indices = #map1}, {transform_indices = #map}, {transform_indices = #map}, {transform_indices = #map}, {transform_indices = #map}]} {
    %mul3A = arith.constant 2 : i32
    %mul3A_0 = arith.muli %arg1, %mul3A : i32
    %add3A = arith.addi %mul3A_0, %arg0 : i32
    %mul3A_1 = arith.constant 3120 : i32
    %mul3A_2 = arith.muli %add3A, %mul3A_1 : i32
    %add3A_3 = arith.constant 0 : i32
    %add3A_4 = arith.addi %mul3A_2, %add3A_3 : i32
    %dma_start3A = arith.constant 0 : i32
    %dma_start3A_5 = tpu.memref_slice %arg2[%add3A_4, %dma_start3A] : memref<100000x128xf32, #tpu.memory_space<hbm>> -> memref<256x128xf32, #tpu.memory_space<hbm>>
    %dma_start3A_6 = arith.constant 0 : i32
    %dma_start3A_7 = tpu.memref_slice %arg2[%add3A_4, %dma_start3A_6] : memref<100000x128xf32, #tpu.memory_space<hbm>> -> memref<256x128xf32, #tpu.memory_space<hbm>>
    tpu.enqueue_dma source(%dma_start3A_7 : memref<256x128xf32, #tpu.memory_space<hbm>>) target(%arg17 : memref<256x128xf32, #tpu.memory_space<vmem>>) target_semaphore(%arg20 : memref<!tpu.dma_semaphore, #tpu.memory_space<semaphore_mem>>)
    %scan3A = arith.constant 0 : i32
    %scan3A_8 = arith.constant 0 : i32
    %scan3A_9 = arith.constant 6 : i32
    %scan3A_10 = arith.addi %scan3A_8, %scan3A_9 : i32
    %scan3A_11 = arith.constant 1 : i32
    scf.for %scan3A_132 = %scan3A_8 to %scan3A_10 step %scan3A_11  : i32 {
      %mul3A_133 = arith.constant 2 : i32
      %mul3A_134 = arith.muli %mul3A_133, %scan3A_132 : i32
      %add3A_135 = arith.constant 1 : i32
      %add3A_136 = arith.addi %mul3A_134, %add3A_135 : i32
      %lt3A_137 = arith.constant 12 : i32
      %lt3A_138 = arith.cmpi slt, %add3A_136, %lt3A_137 : i32
      %convert_element_type3A_139 = arith.extui %lt3A_138 : i1 to i32
      %cond3A_140 = arith.constant 0 : i32
      %cond3A_141 = arith.cmpi ne, %convert_element_type3A_139, %cond3A_140 : i32
      scf.if %cond3A_141 {
        %mul3A_161 = arith.constant 256 : i32
        %mul3A_162 = arith.muli %add3A_136, %mul3A_161 : i32
        %add3A_163 = arith.addi %mul3A_2, %mul3A_162 : i32
        %dma_start3A_164 = arith.constant 0 : i32
        %dma_start3A_165 = tpu.memref_slice %arg2[%add3A_163, %dma_start3A_164] : memref<100000x128xf32, #tpu.memory_space<hbm>> -> memref<256x128xf32, #tpu.memory_space<hbm>>
        %dma_start3A_166 = arith.constant 0 : i32
        %dma_start3A_167 = tpu.memref_slice %arg2[%add3A_163, %dma_start3A_166] : memref<100000x128xf32, #tpu.memory_space<hbm>> -> memref<256x128xf32, #tpu.memory_space<hbm>>
        tpu.enqueue_dma source(%dma_start3A_167 : memref<256x128xf32, #tpu.memory_space<hbm>>) target(%arg18 : memref<256x128xf32, #tpu.memory_space<vmem>>) target_semaphore(%arg21 : memref<!tpu.dma_semaphore, #tpu.memory_space<semaphore_mem>>)
      } else {
      }
      %dma_wait3A_142 = arith.constant 0 : i32
      %dma_wait3A_143 = tpu.memref_slice %arg2[%mul3A_2, %dma_wait3A_142] : memref<100000x128xf32, #tpu.memory_space<hbm>> -> memref<256x128xf32, #tpu.memory_space<hbm>>
      %dma_wait3A_144 = arith.constant 0 : i32
      %dma_wait3A_145 = tpu.memref_slice %arg2[%mul3A_2, %dma_wait3A_144] : memref<100000x128xf32, #tpu.memory_space<hbm>> -> memref<256x128xf32, #tpu.memory_space<hbm>>
      tpu.wait_dma2 semaphore(%arg20 : memref<!tpu.dma_semaphore, #tpu.memory_space<semaphore_mem>>) src(%dma_wait3A_145 : memref<256x128xf32, #tpu.memory_space<hbm>>) dst(%arg17 : memref<256x128xf32, #tpu.memory_space<vmem>>)
      %mul3A_146 = arith.constant 256 : i32
      %mul3A_147 = arith.muli %mul3A_134, %mul3A_146 : i32
      %add3A_148 = arith.addi %mul3A_2, %mul3A_147 : i32
      "tpu.region"() ({
        %run_scoped3A = tpu.sem_alloc : memref<!tpu.dma_semaphore, #tpu.memory_space<semaphore_mem>>
        %dma_start3A_161 = arith.constant 0 : i32
        %dma_start3A_162 = tpu.memref_slice %arg10[%add3A_148, %dma_start3A_161] : memref<100000x128xf32, #tpu.memory_space<hbm>> -> memref<256x128xf32, #tpu.memory_space<hbm>>
        %dma_start3A_163 = arith.constant 0 : i32
        %dma_start3A_164 = tpu.memref_slice %arg10[%add3A_148, %dma_start3A_163] : memref<100000x128xf32, #tpu.memory_space<hbm>> -> memref<256x128xf32, #tpu.memory_space<hbm>>
        tpu.enqueue_dma source(%arg17 : memref<256x128xf32, #tpu.memory_space<vmem>>) target(%dma_start3A_164 : memref<256x128xf32, #tpu.memory_space<hbm>>) target_semaphore(%run_scoped3A : memref<!tpu.dma_semaphore, #tpu.memory_space<semaphore_mem>>)
        %dma_wait3A_165 = arith.constant 0 : i32
        %dma_wait3A_166 = tpu.memref_slice %arg10[%add3A_148, %dma_wait3A_165] : memref<100000x128xf32, #tpu.memory_space<hbm>> -> memref<256x128xf32, #tpu.memory_space<hbm>>
        %dma_wait3A_167 = arith.constant 0 : i32
        %dma_wait3A_168 = tpu.memref_slice %arg10[%add3A_148, %dma_wait3A_167] : memref<100000x128xf32, #tpu.memory_space<hbm>> -> memref<256x128xf32, #tpu.memory_space<hbm>>
        tpu.wait_dma2 semaphore(%run_scoped3A : memref<!tpu.dma_semaphore, #tpu.memory_space<semaphore_mem>>) src(%arg17 : memref<256x128xf32, #tpu.memory_space<vmem>>) dst(%dma_wait3A_168 : memref<256x128xf32, #tpu.memory_space<hbm>>)
        tpu.yield
      }) : () -> ()
      %add3A_149 = arith.constant 1 : i32
      %add3A_150 = arith.addi %add3A_136, %add3A_149 : i32
      %lt3A_151 = arith.constant 12 : i32
      %lt3A_152 = arith.cmpi slt, %add3A_150, %lt3A_151 : i32
      %convert_element_type3A_153 = arith.extui %lt3A_152 : i1 to i32
      %cond3A_154 = arith.constant 0 : i32
      %cond3A_155 = arith.cmpi ne, %convert_element_type3A_153, %cond3A_154 : i32
      scf.if %cond3A_155 {
        %add3A_161 = arith.constant 1 : i32
        %add3A_162 = arith.addi %add3A_136, %add3A_161 : i32
        %mul3A_163 = arith.constant 256 : i32
        %mul3A_164 = arith.muli %add3A_162, %mul3A_163 : i32
        %add3A_165 = arith.addi %mul3A_2, %mul3A_164 : i32
        %dma_start3A_166 = arith.constant 0 : i32
        %dma_start3A_167 = tpu.memref_slice %arg2[%add3A_165, %dma_start3A_166] : memref<100000x128xf32, #tpu.memory_space<hbm>> -> memref<256x128xf32, #tpu.memory_space<hbm>>
        %dma_start3A_168 = arith.constant 0 : i32
        %dma_start3A_169 = tpu.memref_slice %arg2[%add3A_165, %dma_start3A_168] : memref<100000x128xf32, #tpu.memory_space<hbm>> -> memref<256x128xf32, #tpu.memory_space<hbm>>
        tpu.enqueue_dma source(%dma_start3A_169 : memref<256x128xf32, #tpu.memory_space<hbm>>) target(%arg17 : memref<256x128xf32, #tpu.memory_space<vmem>>) target_semaphore(%arg20 : memref<!tpu.dma_semaphore, #tpu.memory_space<semaphore_mem>>)
      } else {
      }
      %lt3A_156 = arith.constant 12 : i32
      %lt3A_157 = arith.cmpi slt, %add3A_136, %lt3A_156 : i32
      %convert_element_type3A_158 = arith.extui %lt3A_157 : i1 to i32
      %cond3A_159 = arith.constant 0 : i32
      %cond3A_160 = arith.cmpi ne, %convert_element_type3A_158, %cond3A_159 : i32
      scf.if %cond3A_160 {
        %dma_wait3A_161 = arith.constant 0 : i32
        %dma_wait3A_162 = tpu.memref_slice %arg2[%mul3A_2, %dma_wait3A_161] : memref<100000x128xf32, #tpu.memory_space<hbm>> -> memref<256x128xf32, #tpu.memory_space<hbm>>
        %dma_wait3A_163 = arith.constant 0 : i32
        %dma_wait3A_164 = tpu.memref_slice %arg2[%mul3A_2, %dma_wait3A_163] : memref<100000x128xf32, #tpu.memory_space<hbm>> -> memref<256x128xf32, #tpu.memory_space<hbm>>
        tpu.wait_dma2 semaphore(%arg21 : memref<!tpu.dma_semaphore, #tpu.memory_space<semaphore_mem>>) src(%dma_wait3A_164 : memref<256x128xf32, #tpu.memory_space<hbm>>) dst(%arg18 : memref<256x128xf32, #tpu.memory_space<vmem>>)
        %mul3A_165 = arith.constant 256 : i32
        %mul3A_166 = arith.muli %add3A_136, %mul3A_165 : i32
        %add3A_167 = arith.addi %mul3A_2, %mul3A_166 : i32
        "tpu.region"() ({
          %run_scoped3A = tpu.sem_alloc : memref<!tpu.dma_semaphore, #tpu.memory_space<semaphore_mem>>
          %dma_start3A_168 = arith.constant 0 : i32
          %dma_start3A_169 = tpu.memref_slice %arg10[%add3A_167, %dma_start3A_168] : memref<100000x128xf32, #tpu.memory_space<hbm>> -> memref<256x128xf32, #tpu.memory_space<hbm>>
          %dma_start3A_170 = arith.constant 0 : i32
          %dma_start3A_171 = tpu.memref_slice %arg10[%add3A_167, %dma_start3A_170] : memref<100000x128xf32, #tpu.memory_space<hbm>> -> memref<256x128xf32, #tpu.memory_space<hbm>>
          tpu.enqueue_dma source(%arg18 : memref<256x128xf32, #tpu.memory_space<vmem>>) target(%dma_start3A_171 : memref<256x128xf32, #tpu.memory_space<hbm>>) target_semaphore(%run_scoped3A : memref<!tpu.dma_semaphore, #tpu.memory_space<semaphore_mem>>)
          %dma_wait3A_172 = arith.constant 0 : i32
          %dma_wait3A_173 = tpu.memref_slice %arg10[%add3A_167, %dma_wait3A_172] : memref<100000x128xf32, #tpu.memory_space<hbm>> -> memref<256x128xf32, #tpu.memory_space<hbm>>
          %dma_wait3A_174 = arith.constant 0 : i32
          %dma_wait3A_175 = tpu.memref_slice %arg10[%add3A_167, %dma_wait3A_174] : memref<100000x128xf32, #tpu.memory_space<hbm>> -> memref<256x128xf32, #tpu.memory_space<hbm>>
          tpu.wait_dma2 semaphore(%run_scoped3A : memref<!tpu.dma_semaphore, #tpu.memory_space<semaphore_mem>>) src(%arg18 : memref<256x128xf32, #tpu.memory_space<vmem>>) dst(%dma_wait3A_175 : memref<256x128xf32, #tpu.memory_space<hbm>>)
          tpu.yield
        }) : () -> ()
      } else {
      }
    }
    %scan3A_12 = arith.constant 6 : i32
    %add3A_13 = arith.constant 3072 : i32
    %add3A_14 = arith.addi %mul3A_2, %add3A_13 : i32
    %dma_start3A_15 = arith.constant 0 : i32
    %dma_start3A_16 = arith.constant 0 : i32
    %dma_start3A_17 = tpu.memref_slice %arg17[%dma_start3A_15, %dma_start3A_16] : memref<256x128xf32, #tpu.memory_space<vmem>> -> memref<48x128xf32, #tpu.memory_space<vmem>>
    %dma_start3A_18 = arith.constant 0 : i32
    %dma_start3A_19 = tpu.memref_slice %arg2[%add3A_14, %dma_start3A_18] : memref<100000x128xf32, #tpu.memory_space<hbm>> -> memref<48x128xf32, #tpu.memory_space<hbm>>
    %dma_start3A_20 = arith.constant 0 : i32
    %dma_start3A_21 = arith.constant 0 : i32
    %dma_start3A_22 = tpu.memref_slice %arg17[%dma_start3A_20, %dma_start3A_21] : memref<256x128xf32, #tpu.memory_space<vmem>> -> memref<48x128xf32, #tpu.memory_space<vmem>>
    %dma_start3A_23 = arith.constant 0 : i32
    %dma_start3A_24 = tpu.memref_slice %arg2[%add3A_14, %dma_start3A_23] : memref<100000x128xf32, #tpu.memory_space<hbm>> -> memref<48x128xf32, #tpu.memory_space<hbm>>
    tpu.enqueue_dma source(%dma_start3A_24 : memref<48x128xf32, #tpu.memory_space<hbm>>) target(%dma_start3A_22 : memref<48x128xf32, #tpu.memory_space<vmem>>) target_semaphore(%arg20 : memref<!tpu.dma_semaphore, #tpu.memory_space<semaphore_mem>>)
    %add3A_25 = arith.constant 3072 : i32
    %add3A_26 = arith.addi %mul3A_2, %add3A_25 : i32
    %dma_wait3A = arith.constant 0 : i32
    %dma_wait3A_27 = arith.constant 0 : i32
    %dma_wait3A_28 = tpu.memref_slice %arg17[%dma_wait3A, %dma_wait3A_27] : memref<256x128xf32, #tpu.memory_space<vmem>> -> memref<48x128xf32, #tpu.memory_space<vmem>>
    %dma_wait3A_29 = arith.constant 0 : i32
    %dma_wait3A_30 = tpu.memref_slice %arg2[%add3A_26, %dma_wait3A_29] : memref<100000x128xf32, #tpu.memory_space<hbm>> -> memref<48x128xf32, #tpu.memory_space<hbm>>
    %dma_wait3A_31 = arith.constant 0 : i32
    %dma_wait3A_32 = arith.constant 0 : i32
    %dma_wait3A_33 = tpu.memref_slice %arg17[%dma_wait3A_31, %dma_wait3A_32] : memref<256x128xf32, #tpu.memory_space<vmem>> -> memref<48x128xf32, #tpu.memory_space<vmem>>
    %dma_wait3A_34 = arith.constant 0 : i32
    %dma_wait3A_35 = tpu.memref_slice %arg2[%add3A_26, %dma_wait3A_34] : memref<100000x128xf32, #tpu.memory_space<hbm>> -> memref<48x128xf32, #tpu.memory_space<hbm>>
    tpu.wait_dma2 semaphore(%arg20 : memref<!tpu.dma_semaphore, #tpu.memory_space<semaphore_mem>>) src(%dma_wait3A_35 : memref<48x128xf32, #tpu.memory_space<hbm>>) dst(%dma_wait3A_33 : memref<48x128xf32, #tpu.memory_space<vmem>>)
    %add3A_36 = arith.constant 3072 : i32
    %add3A_37 = arith.addi %mul3A_2, %add3A_36 : i32
    "tpu.region"() ({
      %run_scoped3A = tpu.sem_alloc : memref<!tpu.dma_semaphore, #tpu.memory_space<semaphore_mem>>
      %dma_start3A_132 = arith.constant 0 : i32
      %dma_start3A_133 = arith.constant 0 : i32
      %dma_start3A_134 = tpu.memref_slice %arg17[%dma_start3A_132, %dma_start3A_133] : memref<256x128xf32, #tpu.memory_space<vmem>> -> memref<48x128xf32, #tpu.memory_space<vmem>>
      %dma_start3A_135 = arith.constant 0 : i32
      %dma_start3A_136 = tpu.memref_slice %arg10[%add3A_37, %dma_start3A_135] : memref<100000x128xf32, #tpu.memory_space<hbm>> -> memref<48x128xf32, #tpu.memory_space<hbm>>
      %dma_start3A_137 = arith.constant 0 : i32
      %dma_start3A_138 = tpu.memref_slice %arg10[%add3A_37, %dma_start3A_137] : memref<100000x128xf32, #tpu.memory_space<hbm>> -> memref<48x128xf32, #tpu.memory_space<hbm>>
      %dma_start3A_139 = arith.constant 0 : i32
      %dma_start3A_140 = arith.constant 0 : i32
      %dma_start3A_141 = tpu.memref_slice %arg17[%dma_start3A_139, %dma_start3A_140] : memref<256x128xf32, #tpu.memory_space<vmem>> -> memref<48x128xf32, #tpu.memory_space<vmem>>
      tpu.enqueue_dma source(%dma_start3A_141 : memref<48x128xf32, #tpu.memory_space<vmem>>) target(%dma_start3A_138 : memref<48x128xf32, #tpu.memory_space<hbm>>) target_semaphore(%run_scoped3A : memref<!tpu.dma_semaphore, #tpu.memory_space<semaphore_mem>>)
      %dma_wait3A_142 = arith.constant 0 : i32
      %dma_wait3A_143 = arith.constant 0 : i32
      %dma_wait3A_144 = tpu.memref_slice %arg17[%dma_wait3A_142, %dma_wait3A_143] : memref<256x128xf32, #tpu.memory_space<vmem>> -> memref<48x128xf32, #tpu.memory_space<vmem>>
      %dma_wait3A_145 = arith.constant 0 : i32
      %dma_wait3A_146 = tpu.memref_slice %arg10[%add3A_37, %dma_wait3A_145] : memref<100000x128xf32, #tpu.memory_space<hbm>> -> memref<48x128xf32, #tpu.memory_space<hbm>>
      %dma_wait3A_147 = arith.constant 0 : i32
      %dma_wait3A_148 = tpu.memref_slice %arg10[%add3A_37, %dma_wait3A_147] : memref<100000x128xf32, #tpu.memory_space<hbm>> -> memref<48x128xf32, #tpu.memory_space<hbm>>
      %dma_wait3A_149 = arith.constant 0 : i32
      %dma_wait3A_150 = arith.constant 0 : i32
      %dma_wait3A_151 = tpu.memref_slice %arg17[%dma_wait3A_149, %dma_wait3A_150] : memref<256x128xf32, #tpu.memory_space<vmem>> -> memref<48x128xf32, #tpu.memory_space<vmem>>
      tpu.wait_dma2 semaphore(%run_scoped3A : memref<!tpu.dma_semaphore, #tpu.memory_space<semaphore_mem>>) src(%dma_wait3A_151 : memref<48x128xf32, #tpu.memory_space<vmem>>) dst(%dma_wait3A_148 : memref<48x128xf32, #tpu.memory_space<hbm>>)
      tpu.yield
    }) : () -> ()
    %mul3A_38 = arith.constant 3120 : i32
    %mul3A_39 = arith.muli %add3A, %mul3A_38 : i32
    %add3A_40 = arith.constant 0 : i32
    %add3A_41 = arith.addi %mul3A_39, %add3A_40 : i32
    %dma_start3A_42 = arith.constant 0 : i32
    %dma_start3A_43 = tpu.memref_slice %arg3[%add3A_41, %dma_start3A_42] : memref<100000x128xf32, #tpu.memory_space<hbm>> -> memref<256x128xf32, #tpu.memory_space<hbm>>
    %dma_start3A_44 = arith.constant 0 : i32
    %dma_start3A_45 = tpu.memref_slice %arg3[%add3A_41, %dma_start3A_44] : memref<100000x128xf32, #tpu.memory_space<hbm>> -> memref<256x128xf32, #tpu.memory_space<hbm>>
    tpu.enqueue_dma source(%dma_start3A_45 : memref<256x128xf32, #tpu.memory_space<hbm>>) target(%arg17 : memref<256x128xf32, #tpu.memory_space<vmem>>) target_semaphore(%arg20 : memref<!tpu.dma_semaphore, #tpu.memory_space<semaphore_mem>>)
    %scan3A_46 = arith.constant 0 : i32
    %scan3A_47 = arith.constant 0 : i32
    %scan3A_48 = arith.constant 6 : i32
    %scan3A_49 = arith.addi %scan3A_47, %scan3A_48 : i32
    %scan3A_50 = arith.constant 1 : i32
    scf.for %scan3A_132 = %scan3A_47 to %scan3A_49 step %scan3A_50  : i32 {
      %mul3A_133 = arith.constant 2 : i32
      %mul3A_134 = arith.muli %mul3A_133, %scan3A_132 : i32
      %add3A_135 = arith.constant 1 : i32
      %add3A_136 = arith.addi %mul3A_134, %add3A_135 : i32
      %lt3A_137 = arith.constant 12 : i32
      %lt3A_138 = arith.cmpi slt, %add3A_136, %lt3A_137 : i32
      %convert_element_type3A_139 = arith.extui %lt3A_138 : i1 to i32
      %cond3A_140 = arith.constant 0 : i32
      %cond3A_141 = arith.cmpi ne, %convert_element_type3A_139, %cond3A_140 : i32
      scf.if %cond3A_141 {
        %mul3A_161 = arith.constant 256 : i32
        %mul3A_162 = arith.muli %add3A_136, %mul3A_161 : i32
        %add3A_163 = arith.addi %mul3A_39, %mul3A_162 : i32
        %dma_start3A_164 = arith.constant 0 : i32
        %dma_start3A_165 = tpu.memref_slice %arg3[%add3A_163, %dma_start3A_164] : memref<100000x128xf32, #tpu.memory_space<hbm>> -> memref<256x128xf32, #tpu.memory_space<hbm>>
        %dma_start3A_166 = arith.constant 0 : i32
        %dma_start3A_167 = tpu.memref_slice %arg3[%add3A_163, %dma_start3A_166] : memref<100000x128xf32, #tpu.memory_space<hbm>> -> memref<256x128xf32, #tpu.memory_space<hbm>>
        tpu.enqueue_dma source(%dma_start3A_167 : memref<256x128xf32, #tpu.memory_space<hbm>>) target(%arg18 : memref<256x128xf32, #tpu.memory_space<vmem>>) target_semaphore(%arg21 : memref<!tpu.dma_semaphore, #tpu.memory_space<semaphore_mem>>)
      } else {
      }
      %dma_wait3A_142 = arith.constant 0 : i32
      %dma_wait3A_143 = tpu.memref_slice %arg3[%mul3A_39, %dma_wait3A_142] : memref<100000x128xf32, #tpu.memory_space<hbm>> -> memref<256x128xf32, #tpu.memory_space<hbm>>
      %dma_wait3A_144 = arith.constant 0 : i32
      %dma_wait3A_145 = tpu.memref_slice %arg3[%mul3A_39, %dma_wait3A_144] : memref<100000x128xf32, #tpu.memory_space<hbm>> -> memref<256x128xf32, #tpu.memory_space<hbm>>
      tpu.wait_dma2 semaphore(%arg20 : memref<!tpu.dma_semaphore, #tpu.memory_space<semaphore_mem>>) src(%dma_wait3A_145 : memref<256x128xf32, #tpu.memory_space<hbm>>) dst(%arg17 : memref<256x128xf32, #tpu.memory_space<vmem>>)
      %mul3A_146 = arith.constant 256 : i32
      %mul3A_147 = arith.muli %mul3A_134, %mul3A_146 : i32
      %add3A_148 = arith.addi %mul3A_39, %mul3A_147 : i32
      "tpu.region"() ({
        %run_scoped3A = tpu.sem_alloc : memref<!tpu.dma_semaphore, #tpu.memory_space<semaphore_mem>>
        %dma_start3A_161 = arith.constant 0 : i32
        %dma_start3A_162 = tpu.memref_slice %arg11[%add3A_148, %dma_start3A_161] : memref<100000x128xf32, #tpu.memory_space<hbm>> -> memref<256x128xf32, #tpu.memory_space<hbm>>
        %dma_start3A_163 = arith.constant 0 : i32
        %dma_start3A_164 = tpu.memref_slice %arg11[%add3A_148, %dma_start3A_163] : memref<100000x128xf32, #tpu.memory_space<hbm>> -> memref<256x128xf32, #tpu.memory_space<hbm>>
        tpu.enqueue_dma source(%arg17 : memref<256x128xf32, #tpu.memory_space<vmem>>) target(%dma_start3A_164 : memref<256x128xf32, #tpu.memory_space<hbm>>) target_semaphore(%run_scoped3A : memref<!tpu.dma_semaphore, #tpu.memory_space<semaphore_mem>>)
        %dma_wait3A_165 = arith.constant 0 : i32
        %dma_wait3A_166 = tpu.memref_slice %arg11[%add3A_148, %dma_wait3A_165] : memref<100000x128xf32, #tpu.memory_space<hbm>> -> memref<256x128xf32, #tpu.memory_space<hbm>>
        %dma_wait3A_167 = arith.constant 0 : i32
        %dma_wait3A_168 = tpu.memref_slice %arg11[%add3A_148, %dma_wait3A_167] : memref<100000x128xf32, #tpu.memory_space<hbm>> -> memref<256x128xf32, #tpu.memory_space<hbm>>
        tpu.wait_dma2 semaphore(%run_scoped3A : memref<!tpu.dma_semaphore, #tpu.memory_space<semaphore_mem>>) src(%arg17 : memref<256x128xf32, #tpu.memory_space<vmem>>) dst(%dma_wait3A_168 : memref<256x128xf32, #tpu.memory_space<hbm>>)
        tpu.yield
      }) : () -> ()
      %add3A_149 = arith.constant 1 : i32
      %add3A_150 = arith.addi %add3A_136, %add3A_149 : i32
      %lt3A_151 = arith.constant 12 : i32
      %lt3A_152 = arith.cmpi slt, %add3A_150, %lt3A_151 : i32
      %convert_element_type3A_153 = arith.extui %lt3A_152 : i1 to i32
      %cond3A_154 = arith.constant 0 : i32
      %cond3A_155 = arith.cmpi ne, %convert_element_type3A_153, %cond3A_154 : i32
      scf.if %cond3A_155 {
        %add3A_161 = arith.constant 1 : i32
        %add3A_162 = arith.addi %add3A_136, %add3A_161 : i32
        %mul3A_163 = arith.constant 256 : i32
        %mul3A_164 = arith.muli %add3A_162, %mul3A_163 : i32
        %add3A_165 = arith.addi %mul3A_39, %mul3A_164 : i32
        %dma_start3A_166 = arith.constant 0 : i32
        %dma_start3A_167 = tpu.memref_slice %arg3[%add3A_165, %dma_start3A_166] : memref<100000x128xf32, #tpu.memory_space<hbm>> -> memref<256x128xf32, #tpu.memory_space<hbm>>
        %dma_start3A_168 = arith.constant 0 : i32
        %dma_start3A_169 = tpu.memref_slice %arg3[%add3A_165, %dma_start3A_168] : memref<100000x128xf32, #tpu.memory_space<hbm>> -> memref<256x128xf32, #tpu.memory_space<hbm>>
        tpu.enqueue_dma source(%dma_start3A_169 : memref<256x128xf32, #tpu.memory_space<hbm>>) target(%arg17 : memref<256x128xf32, #tpu.memory_space<vmem>>) target_semaphore(%arg20 : memref<!tpu.dma_semaphore, #tpu.memory_space<semaphore_mem>>)
      } else {
      }
      %lt3A_156 = arith.constant 12 : i32
      %lt3A_157 = arith.cmpi slt, %add3A_136, %lt3A_156 : i32
      %convert_element_type3A_158 = arith.extui %lt3A_157 : i1 to i32
      %cond3A_159 = arith.constant 0 : i32
      %cond3A_160 = arith.cmpi ne, %convert_element_type3A_158, %cond3A_159 : i32
      scf.if %cond3A_160 {
        %dma_wait3A_161 = arith.constant 0 : i32
        %dma_wait3A_162 = tpu.memref_slice %arg3[%mul3A_39, %dma_wait3A_161] : memref<100000x128xf32, #tpu.memory_space<hbm>> -> memref<256x128xf32, #tpu.memory_space<hbm>>
        %dma_wait3A_163 = arith.constant 0 : i32
        %dma_wait3A_164 = tpu.memref_slice %arg3[%mul3A_39, %dma_wait3A_163] : memref<100000x128xf32, #tpu.memory_space<hbm>> -> memref<256x128xf32, #tpu.memory_space<hbm>>
        tpu.wait_dma2 semaphore(%arg21 : memref<!tpu.dma_semaphore, #tpu.memory_space<semaphore_mem>>) src(%dma_wait3A_164 : memref<256x128xf32, #tpu.memory_space<hbm>>) dst(%arg18 : memref<256x128xf32, #tpu.memory_space<vmem>>)
        %mul3A_165 = arith.constant 256 : i32
        %mul3A_166 = arith.muli %add3A_136, %mul3A_165 : i32
        %add3A_167 = arith.addi %mul3A_39, %mul3A_166 : i32
        "tpu.region"() ({
          %run_scoped3A = tpu.sem_alloc : memref<!tpu.dma_semaphore, #tpu.memory_space<semaphore_mem>>
          %dma_start3A_168 = arith.constant 0 : i32
          %dma_start3A_169 = tpu.memref_slice %arg11[%add3A_167, %dma_start3A_168] : memref<100000x128xf32, #tpu.memory_space<hbm>> -> memref<256x128xf32, #tpu.memory_space<hbm>>
          %dma_start3A_170 = arith.constant 0 : i32
          %dma_start3A_171 = tpu.memref_slice %arg11[%add3A_167, %dma_start3A_170] : memref<100000x128xf32, #tpu.memory_space<hbm>> -> memref<256x128xf32, #tpu.memory_space<hbm>>
          tpu.enqueue_dma source(%arg18 : memref<256x128xf32, #tpu.memory_space<vmem>>) target(%dma_start3A_171 : memref<256x128xf32, #tpu.memory_space<hbm>>) target_semaphore(%run_scoped3A : memref<!tpu.dma_semaphore, #tpu.memory_space<semaphore_mem>>)
          %dma_wait3A_172 = arith.constant 0 : i32
          %dma_wait3A_173 = tpu.memref_slice %arg11[%add3A_167, %dma_wait3A_172] : memref<100000x128xf32, #tpu.memory_space<hbm>> -> memref<256x128xf32, #tpu.memory_space<hbm>>
          %dma_wait3A_174 = arith.constant 0 : i32
          %dma_wait3A_175 = tpu.memref_slice %arg11[%add3A_167, %dma_wait3A_174] : memref<100000x128xf32, #tpu.memory_space<hbm>> -> memref<256x128xf32, #tpu.memory_space<hbm>>
          tpu.wait_dma2 semaphore(%run_scoped3A : memref<!tpu.dma_semaphore, #tpu.memory_space<semaphore_mem>>) src(%arg18 : memref<256x128xf32, #tpu.memory_space<vmem>>) dst(%dma_wait3A_175 : memref<256x128xf32, #tpu.memory_space<hbm>>)
          tpu.yield
        }) : () -> ()
      } else {
      }
    }
    %scan3A_51 = arith.constant 6 : i32
    %add3A_52 = arith.constant 3072 : i32
    %add3A_53 = arith.addi %mul3A_39, %add3A_52 : i32
    %dma_start3A_54 = arith.constant 0 : i32
    %dma_start3A_55 = arith.constant 0 : i32
    %dma_start3A_56 = tpu.memref_slice %arg17[%dma_start3A_54, %dma_start3A_55] : memref<256x128xf32, #tpu.memory_space<vmem>> -> memref<48x128xf32, #tpu.memory_space<vmem>>
    %dma_start3A_57 = arith.constant 0 : i32
    %dma_start3A_58 = tpu.memref_slice %arg3[%add3A_53, %dma_start3A_57] : memref<100000x128xf32, #tpu.memory_space<hbm>> -> memref<48x128xf32, #tpu.memory_space<hbm>>
    %dma_start3A_59 = arith.constant 0 : i32
    %dma_start3A_60 = arith.constant 0 : i32
    %dma_start3A_61 = tpu.memref_slice %arg17[%dma_start3A_59, %dma_start3A_60] : memref<256x128xf32, #tpu.memory_space<vmem>> -> memref<48x128xf32, #tpu.memory_space<vmem>>
    %dma_start3A_62 = arith.constant 0 : i32
    %dma_start3A_63 = tpu.memref_slice %arg3[%add3A_53, %dma_start3A_62] : memref<100000x128xf32, #tpu.memory_space<hbm>> -> memref<48x128xf32, #tpu.memory_space<hbm>>
    tpu.enqueue_dma source(%dma_start3A_63 : memref<48x128xf32, #tpu.memory_space<hbm>>) target(%dma_start3A_61 : memref<48x128xf32, #tpu.memory_space<vmem>>) target_semaphore(%arg20 : memref<!tpu.dma_semaphore, #tpu.memory_space<semaphore_mem>>)
    %add3A_64 = arith.constant 3072 : i32
    %add3A_65 = arith.addi %mul3A_39, %add3A_64 : i32
    %dma_wait3A_66 = arith.constant 0 : i32
    %dma_wait3A_67 = arith.constant 0 : i32
    %dma_wait3A_68 = tpu.memref_slice %arg17[%dma_wait3A_66, %dma_wait3A_67] : memref<256x128xf32, #tpu.memory_space<vmem>> -> memref<48x128xf32, #tpu.memory_space<vmem>>
    %dma_wait3A_69 = arith.constant 0 : i32
    %dma_wait3A_70 = tpu.memref_slice %arg3[%add3A_65, %dma_wait3A_69] : memref<100000x128xf32, #tpu.memory_space<hbm>> -> memref<48x128xf32, #tpu.memory_space<hbm>>
    %dma_wait3A_71 = arith.constant 0 : i32
    %dma_wait3A_72 = arith.constant 0 : i32
    %dma_wait3A_73 = tpu.memref_slice %arg17[%dma_wait3A_71, %dma_wait3A_72] : memref<256x128xf32, #tpu.memory_space<vmem>> -> memref<48x128xf32, #tpu.memory_space<vmem>>
    %dma_wait3A_74 = arith.constant 0 : i32
    %dma_wait3A_75 = tpu.memref_slice %arg3[%add3A_65, %dma_wait3A_74] : memref<100000x128xf32, #tpu.memory_space<hbm>> -> memref<48x128xf32, #tpu.memory_space<hbm>>
    tpu.wait_dma2 semaphore(%arg20 : memref<!tpu.dma_semaphore, #tpu.memory_space<semaphore_mem>>) src(%dma_wait3A_75 : memref<48x128xf32, #tpu.memory_space<hbm>>) dst(%dma_wait3A_73 : memref<48x128xf32, #tpu.memory_space<vmem>>)
    %add3A_76 = arith.constant 3072 : i32
    %add3A_77 = arith.addi %mul3A_39, %add3A_76 : i32
    "tpu.region"() ({
      %run_scoped3A = tpu.sem_alloc : memref<!tpu.dma_semaphore, #tpu.memory_space<semaphore_mem>>
      %dma_start3A_132 = arith.constant 0 : i32
      %dma_start3A_133 = arith.constant 0 : i32
      %dma_start3A_134 = tpu.memref_slice %arg17[%dma_start3A_132, %dma_start3A_133] : memref<256x128xf32, #tpu.memory_space<vmem>> -> memref<48x128xf32, #tpu.memory_space<vmem>>
      %dma_start3A_135 = arith.constant 0 : i32
      %dma_start3A_136 = tpu.memref_slice %arg11[%add3A_77, %dma_start3A_135] : memref<100000x128xf32, #tpu.memory_space<hbm>> -> memref<48x128xf32, #tpu.memory_space<hbm>>
      %dma_start3A_137 = arith.constant 0 : i32
      %dma_start3A_138 = tpu.memref_slice %arg11[%add3A_77, %dma_start3A_137] : memref<100000x128xf32, #tpu.memory_space<hbm>> -> memref<48x128xf32, #tpu.memory_space<hbm>>
      %dma_start3A_139 = arith.constant 0 : i32
      %dma_start3A_140 = arith.constant 0 : i32
      %dma_start3A_141 = tpu.memref_slice %arg17[%dma_start3A_139, %dma_start3A_140] : memref<256x128xf32, #tpu.memory_space<vmem>> -> memref<48x128xf32, #tpu.memory_space<vmem>>
      tpu.enqueue_dma source(%dma_start3A_141 : memref<48x128xf32, #tpu.memory_space<vmem>>) target(%dma_start3A_138 : memref<48x128xf32, #tpu.memory_space<hbm>>) target_semaphore(%run_scoped3A : memref<!tpu.dma_semaphore, #tpu.memory_space<semaphore_mem>>)
      %dma_wait3A_142 = arith.constant 0 : i32
      %dma_wait3A_143 = arith.constant 0 : i32
      %dma_wait3A_144 = tpu.memref_slice %arg17[%dma_wait3A_142, %dma_wait3A_143] : memref<256x128xf32, #tpu.memory_space<vmem>> -> memref<48x128xf32, #tpu.memory_space<vmem>>
      %dma_wait3A_145 = arith.constant 0 : i32
      %dma_wait3A_146 = tpu.memref_slice %arg11[%add3A_77, %dma_wait3A_145] : memref<100000x128xf32, #tpu.memory_space<hbm>> -> memref<48x128xf32, #tpu.memory_space<hbm>>
      %dma_wait3A_147 = arith.constant 0 : i32
      %dma_wait3A_148 = tpu.memref_slice %arg11[%add3A_77, %dma_wait3A_147] : memref<100000x128xf32, #tpu.memory_space<hbm>> -> memref<48x128xf32, #tpu.memory_space<hbm>>
      %dma_wait3A_149 = arith.constant 0 : i32
      %dma_wait3A_150 = arith.constant 0 : i32
      %dma_wait3A_151 = tpu.memref_slice %arg17[%dma_wait3A_149, %dma_wait3A_150] : memref<256x128xf32, #tpu.memory_space<vmem>> -> memref<48x128xf32, #tpu.memory_space<vmem>>
      tpu.wait_dma2 semaphore(%run_scoped3A : memref<!tpu.dma_semaphore, #tpu.memory_space<semaphore_mem>>) src(%dma_wait3A_151 : memref<48x128xf32, #tpu.memory_space<vmem>>) dst(%dma_wait3A_148 : memref<48x128xf32, #tpu.memory_space<hbm>>)
      tpu.yield
    }) : () -> ()
    %lt3A = arith.constant 20 : i32
    %lt3A_78 = arith.cmpi slt, %add3A, %lt3A : i32
    %convert_element_type3A = arith.extui %lt3A_78 : i1 to i32
    %cond3A = arith.constant 0 : i32
    %cond3A_79 = arith.cmpi ne, %convert_element_type3A, %cond3A : i32
    scf.if %cond3A_79 {
      %mul3A_132 = arith.constant 8 : i32
      %mul3A_133 = arith.muli %add3A, %mul3A_132 : i32
      %add3A_134 = arith.constant 99840 : i32
      %add3A_135 = arith.addi %add3A_134, %mul3A_133 : i32
      %dma_start3A_136 = arith.constant 0 : i32
      %dma_start3A_137 = arith.constant 0 : i32
      %dma_start3A_138 = tpu.memref_slice %arg17[%dma_start3A_136, %dma_start3A_137] : memref<256x128xf32, #tpu.memory_space<vmem>> -> memref<8x128xf32, #tpu.memory_space<vmem>>
      %dma_start3A_139 = arith.constant 0 : i32
      %dma_start3A_140 = tpu.memref_slice %arg2[%add3A_135, %dma_start3A_139] : memref<100000x128xf32, #tpu.memory_space<hbm>> -> memref<8x128xf32, #tpu.memory_space<hbm>>
      %dma_start3A_141 = arith.constant 0 : i32
      %dma_start3A_142 = arith.constant 0 : i32
      %dma_start3A_143 = tpu.memref_slice %arg17[%dma_start3A_141, %dma_start3A_142] : memref<256x128xf32, #tpu.memory_space<vmem>> -> memref<8x128xf32, #tpu.memory_space<vmem>>
      %dma_start3A_144 = arith.constant 0 : i32
      %dma_start3A_145 = tpu.memref_slice %arg2[%add3A_135, %dma_start3A_144] : memref<100000x128xf32, #tpu.memory_space<hbm>> -> memref<8x128xf32, #tpu.memory_space<hbm>>
      tpu.enqueue_dma source(%dma_start3A_145 : memref<8x128xf32, #tpu.memory_space<hbm>>) target(%dma_start3A_143 : memref<8x128xf32, #tpu.memory_space<vmem>>) target_semaphore(%arg20 : memref<!tpu.dma_semaphore, #tpu.memory_space<semaphore_mem>>)
      %dma_wait3A_146 = arith.constant 0 : i32
      %dma_wait3A_147 = arith.constant 0 : i32
      %dma_wait3A_148 = tpu.memref_slice %arg17[%dma_wait3A_146, %dma_wait3A_147] : memref<256x128xf32, #tpu.memory_space<vmem>> -> memref<8x128xf32, #tpu.memory_space<vmem>>
      %dma_wait3A_149 = arith.constant 0 : i32
      %dma_wait3A_150 = tpu.memref_slice %arg2[%add3A_135, %dma_wait3A_149] : memref<100000x128xf32, #tpu.memory_space<hbm>> -> memref<8x128xf32, #tpu.memory_space<hbm>>
      %dma_wait3A_151 = arith.constant 0 : i32
      %dma_wait3A_152 = arith.constant 0 : i32
      %dma_wait3A_153 = tpu.memref_slice %arg17[%dma_wait3A_151, %dma_wait3A_152] : memref<256x128xf32, #tpu.memory_space<vmem>> -> memref<8x128xf32, #tpu.memory_space<vmem>>
      %dma_wait3A_154 = arith.constant 0 : i32
      %dma_wait3A_155 = tpu.memref_slice %arg2[%add3A_135, %dma_wait3A_154] : memref<100000x128xf32, #tpu.memory_space<hbm>> -> memref<8x128xf32, #tpu.memory_space<hbm>>
      tpu.wait_dma2 semaphore(%arg20 : memref<!tpu.dma_semaphore, #tpu.memory_space<semaphore_mem>>) src(%dma_wait3A_155 : memref<8x128xf32, #tpu.memory_space<hbm>>) dst(%dma_wait3A_153 : memref<8x128xf32, #tpu.memory_space<vmem>>)
      "tpu.region"() ({
        %run_scoped3A = tpu.sem_alloc : memref<!tpu.dma_semaphore, #tpu.memory_space<semaphore_mem>>
        %dma_start3A_156 = arith.constant 0 : i32
        %dma_start3A_157 = arith.constant 0 : i32
        %dma_start3A_158 = tpu.memref_slice %arg17[%dma_start3A_156, %dma_start3A_157] : memref<256x128xf32, #tpu.memory_space<vmem>> -> memref<8x128xf32, #tpu.memory_space<vmem>>
        %dma_start3A_159 = arith.constant 0 : i32
        %dma_start3A_160 = tpu.memref_slice %arg10[%add3A_135, %dma_start3A_159] : memref<100000x128xf32, #tpu.memory_space<hbm>> -> memref<8x128xf32, #tpu.memory_space<hbm>>
        %dma_start3A_161 = arith.constant 0 : i32
        %dma_start3A_162 = tpu.memref_slice %arg10[%add3A_135, %dma_start3A_161] : memref<100000x128xf32, #tpu.memory_space<hbm>> -> memref<8x128xf32, #tpu.memory_space<hbm>>
        %dma_start3A_163 = arith.constant 0 : i32
        %dma_start3A_164 = arith.constant 0 : i32
        %dma_start3A_165 = tpu.memref_slice %arg17[%dma_start3A_163, %dma_start3A_164] : memref<256x128xf32, #tpu.memory_space<vmem>> -> memref<8x128xf32, #tpu.memory_space<vmem>>
        tpu.enqueue_dma source(%dma_start3A_165 : memref<8x128xf32, #tpu.memory_space<vmem>>) target(%dma_start3A_162 : memref<8x128xf32, #tpu.memory_space<hbm>>) target_semaphore(%run_scoped3A : memref<!tpu.dma_semaphore, #tpu.memory_space<semaphore_mem>>)
        %dma_wait3A_166 = arith.constant 0 : i32
        %dma_wait3A_167 = arith.constant 0 : i32
        %dma_wait3A_168 = tpu.memref_slice %arg17[%dma_wait3A_166, %dma_wait3A_167] : memref<256x128xf32, #tpu.memory_space<vmem>> -> memref<8x128xf32, #tpu.memory_space<vmem>>
        %dma_wait3A_169 = arith.constant 0 : i32
        %dma_wait3A_170 = tpu.memref_slice %arg10[%add3A_135, %dma_wait3A_169] : memref<100000x128xf32, #tpu.memory_space<hbm>> -> memref<8x128xf32, #tpu.memory_space<hbm>>
        %dma_wait3A_171 = arith.constant 0 : i32
        %dma_wait3A_172 = tpu.memref_slice %arg10[%add3A_135, %dma_wait3A_171] : memref<100000x128xf32, #tpu.memory_space<hbm>> -> memref<8x128xf32, #tpu.memory_space<hbm>>
        %dma_wait3A_173 = arith.constant 0 : i32
        %dma_wait3A_174 = arith.constant 0 : i32
        %dma_wait3A_175 = tpu.memref_slice %arg17[%dma_wait3A_173, %dma_wait3A_174] : memref<256x128xf32, #tpu.memory_space<vmem>> -> memref<8x128xf32, #tpu.memory_space<vmem>>
        tpu.wait_dma2 semaphore(%run_scoped3A : memref<!tpu.dma_semaphore, #tpu.memory_space<semaphore_mem>>) src(%dma_wait3A_175 : memref<8x128xf32, #tpu.memory_space<vmem>>) dst(%dma_wait3A_172 : memref<8x128xf32, #tpu.memory_space<hbm>>)
        tpu.yield
      }) : () -> ()
    } else {
    }
    %lt3A_80 = arith.constant 20 : i32
    %lt3A_81 = arith.cmpi slt, %add3A, %lt3A_80 : i32
    %convert_element_type3A_82 = arith.extui %lt3A_81 : i1 to i32
    %cond3A_83 = arith.constant 0 : i32
    %cond3A_84 = arith.cmpi ne, %convert_element_type3A_82, %cond3A_83 : i32
    scf.if %cond3A_84 {
      %mul3A_132 = arith.constant 8 : i32
      %mul3A_133 = arith.muli %add3A, %mul3A_132 : i32
      %add3A_134 = arith.constant 99840 : i32
      %add3A_135 = arith.addi %add3A_134, %mul3A_133 : i32
      %dma_start3A_136 = arith.constant 0 : i32
      %dma_start3A_137 = arith.constant 0 : i32
      %dma_start3A_138 = tpu.memref_slice %arg17[%dma_start3A_136, %dma_start3A_137] : memref<256x128xf32, #tpu.memory_space<vmem>> -> memref<8x128xf32, #tpu.memory_space<vmem>>
      %dma_start3A_139 = arith.constant 0 : i32
      %dma_start3A_140 = tpu.memref_slice %arg3[%add3A_135, %dma_start3A_139] : memref<100000x128xf32, #tpu.memory_space<hbm>> -> memref<8x128xf32, #tpu.memory_space<hbm>>
      %dma_start3A_141 = arith.constant 0 : i32
      %dma_start3A_142 = arith.constant 0 : i32
      %dma_start3A_143 = tpu.memref_slice %arg17[%dma_start3A_141, %dma_start3A_142] : memref<256x128xf32, #tpu.memory_space<vmem>> -> memref<8x128xf32, #tpu.memory_space<vmem>>
      %dma_start3A_144 = arith.constant 0 : i32
      %dma_start3A_145 = tpu.memref_slice %arg3[%add3A_135, %dma_start3A_144] : memref<100000x128xf32, #tpu.memory_space<hbm>> -> memref<8x128xf32, #tpu.memory_space<hbm>>
      tpu.enqueue_dma source(%dma_start3A_145 : memref<8x128xf32, #tpu.memory_space<hbm>>) target(%dma_start3A_143 : memref<8x128xf32, #tpu.memory_space<vmem>>) target_semaphore(%arg20 : memref<!tpu.dma_semaphore, #tpu.memory_space<semaphore_mem>>)
      %dma_wait3A_146 = arith.constant 0 : i32
      %dma_wait3A_147 = arith.constant 0 : i32
      %dma_wait3A_148 = tpu.memref_slice %arg17[%dma_wait3A_146, %dma_wait3A_147] : memref<256x128xf32, #tpu.memory_space<vmem>> -> memref<8x128xf32, #tpu.memory_space<vmem>>
      %dma_wait3A_149 = arith.constant 0 : i32
      %dma_wait3A_150 = tpu.memref_slice %arg3[%add3A_135, %dma_wait3A_149] : memref<100000x128xf32, #tpu.memory_space<hbm>> -> memref<8x128xf32, #tpu.memory_space<hbm>>
      %dma_wait3A_151 = arith.constant 0 : i32
      %dma_wait3A_152 = arith.constant 0 : i32
      %dma_wait3A_153 = tpu.memref_slice %arg17[%dma_wait3A_151, %dma_wait3A_152] : memref<256x128xf32, #tpu.memory_space<vmem>> -> memref<8x128xf32, #tpu.memory_space<vmem>>
      %dma_wait3A_154 = arith.constant 0 : i32
      %dma_wait3A_155 = tpu.memref_slice %arg3[%add3A_135, %dma_wait3A_154] : memref<100000x128xf32, #tpu.memory_space<hbm>> -> memref<8x128xf32, #tpu.memory_space<hbm>>
      tpu.wait_dma2 semaphore(%arg20 : memref<!tpu.dma_semaphore, #tpu.memory_space<semaphore_mem>>) src(%dma_wait3A_155 : memref<8x128xf32, #tpu.memory_space<hbm>>) dst(%dma_wait3A_153 : memref<8x128xf32, #tpu.memory_space<vmem>>)
      "tpu.region"() ({
        %run_scoped3A = tpu.sem_alloc : memref<!tpu.dma_semaphore, #tpu.memory_space<semaphore_mem>>
        %dma_start3A_156 = arith.constant 0 : i32
        %dma_start3A_157 = arith.constant 0 : i32
        %dma_start3A_158 = tpu.memref_slice %arg17[%dma_start3A_156, %dma_start3A_157] : memref<256x128xf32, #tpu.memory_space<vmem>> -> memref<8x128xf32, #tpu.memory_space<vmem>>
        %dma_start3A_159 = arith.constant 0 : i32
        %dma_start3A_160 = tpu.memref_slice %arg11[%add3A_135, %dma_start3A_159] : memref<100000x128xf32, #tpu.memory_space<hbm>> -> memref<8x128xf32, #tpu.memory_space<hbm>>
        %dma_start3A_161 = arith.constant 0 : i32
        %dma_start3A_162 = tpu.memref_slice %arg11[%add3A_135, %dma_start3A_161] : memref<100000x128xf32, #tpu.memory_space<hbm>> -> memref<8x128xf32, #tpu.memory_space<hbm>>
        %dma_start3A_163 = arith.constant 0 : i32
        %dma_start3A_164 = arith.constant 0 : i32
        %dma_start3A_165 = tpu.memref_slice %arg17[%dma_start3A_163, %dma_start3A_164] : memref<256x128xf32, #tpu.memory_space<vmem>> -> memref<8x128xf32, #tpu.memory_space<vmem>>
        tpu.enqueue_dma source(%dma_start3A_165 : memref<8x128xf32, #tpu.memory_space<vmem>>) target(%dma_start3A_162 : memref<8x128xf32, #tpu.memory_space<hbm>>) target_semaphore(%run_scoped3A : memref<!tpu.dma_semaphore, #tpu.memory_space<semaphore_mem>>)
        %dma_wait3A_166 = arith.constant 0 : i32
        %dma_wait3A_167 = arith.constant 0 : i32
        %dma_wait3A_168 = tpu.memref_slice %arg17[%dma_wait3A_166, %dma_wait3A_167] : memref<256x128xf32, #tpu.memory_space<vmem>> -> memref<8x128xf32, #tpu.memory_space<vmem>>
        %dma_wait3A_169 = arith.constant 0 : i32
        %dma_wait3A_170 = tpu.memref_slice %arg11[%add3A_135, %dma_wait3A_169] : memref<100000x128xf32, #tpu.memory_space<hbm>> -> memref<8x128xf32, #tpu.memory_space<hbm>>
        %dma_wait3A_171 = arith.constant 0 : i32
        %dma_wait3A_172 = tpu.memref_slice %arg11[%add3A_135, %dma_wait3A_171] : memref<100000x128xf32, #tpu.memory_space<hbm>> -> memref<8x128xf32, #tpu.memory_space<hbm>>
        %dma_wait3A_173 = arith.constant 0 : i32
        %dma_wait3A_174 = arith.constant 0 : i32
        %dma_wait3A_175 = tpu.memref_slice %arg17[%dma_wait3A_173, %dma_wait3A_174] : memref<256x128xf32, #tpu.memory_space<vmem>> -> memref<8x128xf32, #tpu.memory_space<vmem>>
        tpu.wait_dma2 semaphore(%run_scoped3A : memref<!tpu.dma_semaphore, #tpu.memory_space<semaphore_mem>>) src(%dma_wait3A_175 : memref<8x128xf32, #tpu.memory_space<vmem>>) dst(%dma_wait3A_172 : memref<8x128xf32, #tpu.memory_space<hbm>>)
        tpu.yield
      }) : () -> ()
    } else {
    }
    %mul3A_85 = arith.constant 3120 : i32
    %mul3A_86 = arith.muli %add3A, %mul3A_85 : i32
    %add3A_87 = arith.constant 3120 : i32
    %add3A_88 = arith.addi %mul3A_86, %add3A_87 : i32
    %mul3A_89 = arith.constant 8 : i32
    %mul3A_90 = arith.muli %add3A, %mul3A_89 : i32
    %add3A_91 = arith.constant 99840 : i32
    %add3A_92 = arith.addi %add3A_91, %mul3A_90 : i32
    %add3A_93 = arith.constant 8 : i32
    %add3A_94 = arith.addi %add3A_92, %add3A_93 : i32
    %lt3A_95 = arith.constant 20 : i32
    %lt3A_96 = arith.cmpi slt, %add3A, %lt3A_95 : i32
    "tpu.region"() ({
      %run_scoped3A = tpu.sem_alloc : memref<!tpu.dma_semaphore, #tpu.memory_space<semaphore_mem>>
      tpu.enqueue_dma source(%arg4 : memref<4096xi32, #tpu.memory_space<hbm>>) target(%arg12 : memref<4096xi32, #tpu.memory_space<vmem>>) target_semaphore(%run_scoped3A : memref<!tpu.dma_semaphore, #tpu.memory_space<semaphore_mem>>)
      tpu.wait_dma2 semaphore(%run_scoped3A : memref<!tpu.dma_semaphore, #tpu.memory_space<semaphore_mem>>) src(%arg4 : memref<4096xi32, #tpu.memory_space<hbm>>) dst(%arg12 : memref<4096xi32, #tpu.memory_space<vmem>>)
      tpu.yield
    }) : () -> ()
    "tpu.region"() ({
      %run_scoped3A = tpu.sem_alloc : memref<!tpu.dma_semaphore, #tpu.memory_space<semaphore_mem>>
      tpu.enqueue_dma source(%arg6 : memref<4096xi32, #tpu.memory_space<hbm>>) target(%arg13 : memref<4096xi32, #tpu.memory_space<vmem>>) target_semaphore(%run_scoped3A : memref<!tpu.dma_semaphore, #tpu.memory_space<semaphore_mem>>)
      tpu.wait_dma2 semaphore(%run_scoped3A : memref<!tpu.dma_semaphore, #tpu.memory_space<semaphore_mem>>) src(%arg6 : memref<4096xi32, #tpu.memory_space<hbm>>) dst(%arg13 : memref<4096xi32, #tpu.memory_space<vmem>>)
      tpu.yield
    }) : () -> ()
    %scan3A_97 = arith.constant 0 : i32
    %scan3A_98 = arith.constant 0 : i32
    %scan3A_99 = arith.constant 256 : i32
    %scan3A_100 = arith.addi %scan3A_98, %scan3A_99 : i32
    %scan3A_101 = arith.constant 1 : i32
    %scan3A_102 = scf.for %scan3A_132 = %scan3A_98 to %scan3A_100 step %scan3A_101 iter_args(%scan3A_133 = %scan3A_97) -> (i32)  : i32 {
      %mul3A_134 = arith.constant 16 : i32
      %mul3A_135 = arith.muli %scan3A_132, %mul3A_134 : i32
      %get3A = arith.index_cast %mul3A_135 : i32 to index
      %get3A_136 = tpu.vector_load %arg12[%get3A] {strides = array<i32>} : memref<4096xi32, #tpu.memory_space<vmem>>, vector<16xi32>,
      %mul3A_137 = arith.constant 16 : i32
      %mul3A_138 = arith.muli %scan3A_132, %mul3A_137 : i32
      %get3A_139 = arith.index_cast %mul3A_138 : i32 to index
      %get3A_140 = tpu.vector_load %arg13[%get3A_139] {strides = array<i32>} : memref<4096xi32, #tpu.memory_space<vmem>>, vector<16xi32>,
      %ne3A = arith.constant 0 : i32
      %ne3A_141 = vector.broadcast %ne3A : i32 to vector<16xi32>
      %ne3A_142 = arith.cmpi ne, %get3A_140, %ne3A_141 : vector<16xi32>
      %ge3A = vector.broadcast %mul3A_86 : i32 to vector<16xi32>
      %ge3A_143 = arith.cmpi sge, %get3A_136, %ge3A : vector<16xi32>
      %lt3A_144 = vector.broadcast %add3A_88 : i32 to vector<16xi32>
      %lt3A_145 = arith.cmpi slt, %get3A_136, %lt3A_144 : vector<16xi32>
      %and3A = arith.andi %ge3A_143, %lt3A_145 : vector<16xi1>
      %ge3A_146 = vector.broadcast %add3A_92 : i32 to vector<16xi32>
      %ge3A_147 = arith.cmpi sge, %get3A_136, %ge3A_146 : vector<16xi32>
      %and3A_148 = vector.broadcast %lt3A_96 : i1 to vector<16xi1>
      %and3A_149 = arith.andi %and3A_148, %ge3A_147 : vector<16xi1>
      %lt3A_150 = vector.broadcast %add3A_94 : i32 to vector<16xi32>
      %lt3A_151 = arith.cmpi slt, %get3A_136, %lt3A_150 : vector<16xi32>
      %and3A_152 = arith.andi %and3A_149, %lt3A_151 : vector<16xi1>
      %or3A = arith.ori %and3A, %and3A_152 : vector<16xi1>
      %and3A_153 = arith.andi %ne3A_142, %or3A : vector<16xi1>
      %convert_element_type3A_154 = arith.extui %and3A_153 : vector<16xi1> to vector<16xi32>
      %broadcast_in_dim3A = arith.constant true
      %broadcast_in_dim3A_155 = vector.broadcast %broadcast_in_dim3A : i1 to vector<16xi1>
      %masked_cumsum3A = tpu.scan <sum>, %convert_element_type3A_154 masked %broadcast_in_dim3A_155 : vector<16xi32>, vector<16xi1> -> vector<16xi32>
      %add3A_156 = vector.broadcast %scan3A_133 : i32 to vector<16xi32>
      %add3A_157 = arith.addi %add3A_156, %masked_cumsum3A : vector<16xi32>
      %sub3A = arith.constant 1 : i32
      %sub3A_158 = vector.broadcast %sub3A : i32 to vector<16xi32>
      %sub3A_159 = arith.subi %add3A_157, %sub3A_158 : vector<16xi32>
      %shift_right_arithmetic3A = arith.constant 7 : i32
      %shift_right_arithmetic3A_160 = vector.broadcast %shift_right_arithmetic3A : i32 to vector<16xi32>
      %shift_right_arithmetic3A_161 = arith.shrsi %sub3A_159, %shift_right_arithmetic3A_160 : vector<16xi32>
      %and3A_162 = arith.constant 127 : i32
      %and3A_163 = vector.broadcast %and3A_162 : i32 to vector<16xi32>
      %and3A_164 = arith.andi %sub3A_159, %and3A_163 : vector<16xi32>
      tpu.vector_store_idx %arg14[%shift_right_arithmetic3A_161, %and3A_164], %get3A_136 masked %and3A_153 : memref<25x128xi32, #tpu.memory_space<vmem>>[vector<16xi32>, vector<16xi32>], vector<16xi32>, vector<16xi1>
      %mul3A_165 = arith.constant 16 : i32
      %mul3A_166 = arith.muli %scan3A_132, %mul3A_165 : i32
      %iota3A = tpu.iota {dimensions = array<i32: 0>} : vector<16xi32>
      %add3A_167 = vector.broadcast %mul3A_166 : i32 to vector<16xi32>
      %add3A_168 = arith.addi %add3A_167, %iota3A : vector<16xi32>
      tpu.vector_store_idx %arg15[%shift_right_arithmetic3A_161, %and3A_164], %add3A_168 masked %and3A_153 : memref<25x128xi32, #tpu.memory_space<vmem>>[vector<16xi32>, vector<16xi32>], vector<16xi32>, vector<16xi1>
      %reduce_sum3A = arith.constant true
      %reduce_sum3A_169 = vector.broadcast %reduce_sum3A : i1 to vector<16xi1>
      %reduce_sum3A_170 = tpu.scan <sum>, %convert_element_type3A_154 masked %reduce_sum3A_169 : vector<16xi32>, vector<16xi1> -> vector<16xi32>
      %reduce_sum3A_171 = vector.extract %reduce_sum3A_170[15] : i32 from vector<16xi32>
      %add3A_172 = arith.addi %scan3A_133, %reduce_sum3A_171 : i32
      scf.yield %add3A_172 : i32
    }
    %scan3A_103 = arith.constant 256 : i32
    %gt3A = arith.constant 0 : i32
    %gt3A_104 = arith.cmpi sgt, %scan3A_102, %gt3A : i32
    %convert_element_type3A_105 = arith.extui %gt3A_104 : i1 to i32
    %cond3A_106 = arith.constant 0 : i32
    %cond3A_107 = arith.cmpi ne, %convert_element_type3A_105, %cond3A_106 : i32
    scf.if %cond3A_107 {
      %sub3A = arith.constant 1 : i32
      %sub3A_132 = arith.subi %scan3A_102, %sub3A : i32
      %broadcast_in_dim3A = vector.broadcast %sub3A_132 : i32 to vector<16xi32>
      %shift_right_arithmetic3A = arith.constant 7 : i32
      %shift_right_arithmetic3A_133 = vector.broadcast %shift_right_arithmetic3A : i32 to vector<16xi32>
      %shift_right_arithmetic3A_134 = arith.shrsi %broadcast_in_dim3A, %shift_right_arithmetic3A_133 : vector<16xi32>
      %and3A = arith.constant 127 : i32
      %and3A_135 = vector.broadcast %and3A : i32 to vector<16xi32>
      %and3A_136 = arith.andi %broadcast_in_dim3A, %and3A_135 : vector<16xi32>
      %gather3A = tpu.vector_load_idx %arg14[%shift_right_arithmetic3A_134, %and3A_136] : memref<25x128xi32, #tpu.memory_space<vmem>>[vector<16xi32>, vector<16xi32>], vector<16xi32>,
      %shift_right_arithmetic3A_137 = arith.constant 7 : i32
      %shift_right_arithmetic3A_138 = vector.broadcast %shift_right_arithmetic3A_137 : i32 to vector<16xi32>
      %shift_right_arithmetic3A_139 = arith.shrsi %broadcast_in_dim3A, %shift_right_arithmetic3A_138 : vector<16xi32>
      %and3A_140 = arith.constant 127 : i32
      %and3A_141 = vector.broadcast %and3A_140 : i32 to vector<16xi32>
      %and3A_142 = arith.andi %broadcast_in_dim3A, %and3A_141 : vector<16xi32>
      %gather3A_143 = tpu.vector_load_idx %arg15[%shift_right_arithmetic3A_139, %and3A_142] : memref<25x128xi32, #tpu.memory_space<vmem>>[vector<16xi32>, vector<16xi32>], vector<16xi32>,
      %add3A_144 = arith.constant 128 : i32
      %add3A_145 = arith.addi %scan3A_102, %add3A_144 : i32
      %sub3A_146 = arith.constant 1 : i32
      %sub3A_147 = arith.subi %add3A_145, %sub3A_146 : i32
      %jit3A = arith.constant 128 : i32
      %div3A = arith.divsi %sub3A_147, %jit3A : i32
      %sign3A = arith.constant 0 : i32
      %sign3A_148 = arith.cmpi sgt, %sub3A_147, %sign3A : i32
      %sign3A_149 = arith.extui %sign3A_148 : i1 to i32
      %sign3A_150 = arith.constant 0 : i32
      %sign3A_151 = arith.cmpi slt, %sub3A_147, %sign3A_150 : i32
      %sign3A_152 = arith.extui %sign3A_151 : i1 to i32
      %sign3A_153 = arith.subi %sign3A_149, %sign3A_152 : i32
      %sign3A_154 = arith.constant 0 : i32
      %sign3A_155 = arith.cmpi sgt, %jit3A, %sign3A_154 : i32
      %sign3A_156 = arith.extui %sign3A_155 : i1 to i32
      %sign3A_157 = arith.constant 0 : i32
      %sign3A_158 = arith.cmpi slt, %jit3A, %sign3A_157 : i32
      %sign3A_159 = arith.extui %sign3A_158 : i1 to i32
      %sign3A_160 = arith.subi %sign3A_156, %sign3A_159 : i32
      %ne3A = arith.cmpi ne, %sign3A_153, %sign3A_160 : i32
      %rem3A = arith.remsi %sub3A_147, %jit3A : i32
      %ne3A_161 = arith.constant 0 : i32
      %ne3A_162 = arith.cmpi ne, %rem3A, %ne3A_161 : i32
      %and3A_163 = arith.andi %ne3A, %ne3A_162 : i1
      %sub3A_164 = arith.constant 1 : i32
      %sub3A_165 = arith.subi %div3A, %sub3A_164 : i32
      %select_n3A = arith.select %and3A_163, %sub3A_165, %div3A : i32
      %mul3A_166 = arith.constant 128 : i32
      %mul3A_167 = arith.muli %select_n3A, %mul3A_166 : i32
      %add3A_168 = arith.constant 0 : i32
      %add3A_169 = arith.addi %scan3A_102, %add3A_168 : i32
      %iota3A = tpu.iota {dimensions = array<i32: 0>} : vector<16xi32>
      %add3A_170 = vector.broadcast %add3A_169 : i32 to vector<16xi32>
      %add3A_171 = arith.addi %add3A_170, %iota3A : vector<16xi32>
      %lt3A_172 = vector.broadcast %mul3A_167 : i32 to vector<16xi32>
      %lt3A_173 = arith.cmpi slt, %add3A_171, %lt3A_172 : vector<16xi32>
      %shift_right_arithmetic3A_174 = arith.constant 7 : i32
      %shift_right_arithmetic3A_175 = vector.broadcast %shift_right_arithmetic3A_174 : i32 to vector<16xi32>
      %shift_right_arithmetic3A_176 = arith.shrsi %add3A_171, %shift_right_arithmetic3A_175 : vector<16xi32>
      %and3A_177 = arith.constant 127 : i32
      %and3A_178 = vector.broadcast %and3A_177 : i32 to vector<16xi32>
      %and3A_179 = arith.andi %add3A_171, %and3A_178 : vector<16xi32>
      tpu.vector_store_idx %arg14[%shift_right_arithmetic3A_176, %and3A_179], %gather3A masked %lt3A_173 : memref<25x128xi32, #tpu.memory_space<vmem>>[vector<16xi32>, vector<16xi32>], vector<16xi32>, vector<16xi1>
      %shift_right_arithmetic3A_180 = arith.constant 7 : i32
      %shift_right_arithmetic3A_181 = vector.broadcast %shift_right_arithmetic3A_180 : i32 to vector<16xi32>
      %shift_right_arithmetic3A_182 = arith.shrsi %add3A_171, %shift_right_arithmetic3A_181 : vector<16xi32>
      %and3A_183 = arith.constant 127 : i32
      %and3A_184 = vector.broadcast %and3A_183 : i32 to vector<16xi32>
      %and3A_185 = arith.andi %add3A_171, %and3A_184 : vector<16xi32>
      tpu.vector_store_idx %arg15[%shift_right_arithmetic3A_182, %and3A_185], %gather3A_143 masked %lt3A_173 : memref<25x128xi32, #tpu.memory_space<vmem>>[vector<16xi32>, vector<16xi32>], vector<16xi32>, vector<16xi1>
      %add3A_186 = arith.constant 16 : i32
      %add3A_187 = arith.addi %scan3A_102, %add3A_186 : i32
      %iota3A_188 = tpu.iota {dimensions = array<i32: 0>} : vector<16xi32>
      %add3A_189 = vector.broadcast %add3A_187 : i32 to vector<16xi32>
      %add3A_190 = arith.addi %add3A_189, %iota3A_188 : vector<16xi32>
      %lt3A_191 = vector.broadcast %mul3A_167 : i32 to vector<16xi32>
      %lt3A_192 = arith.cmpi slt, %add3A_190, %lt3A_191 : vector<16xi32>
      %shift_right_arithmetic3A_193 = arith.constant 7 : i32
      %shift_right_arithmetic3A_194 = vector.broadcast %shift_right_arithmetic3A_193 : i32 to vector<16xi32>
      %shift_right_arithmetic3A_195 = arith.shrsi %add3A_190, %shift_right_arithmetic3A_194 : vector<16xi32>
      %and3A_196 = arith.constant 127 : i32
      %and3A_197 = vector.broadcast %and3A_196 : i32 to vector<16xi32>
      %and3A_198 = arith.andi %add3A_190, %and3A_197 : vector<16xi32>
      tpu.vector_store_idx %arg14[%shift_right_arithmetic3A_195, %and3A_198], %gather3A masked %lt3A_192 : memref<25x128xi32, #tpu.memory_space<vmem>>[vector<16xi32>, vector<16xi32>], vector<16xi32>, vector<16xi1>
      %shift_right_arithmetic3A_199 = arith.constant 7 : i32
      %shift_right_arithmetic3A_200 = vector.broadcast %shift_right_arithmetic3A_199 : i32 to vector<16xi32>
      %shift_right_arithmetic3A_201 = arith.shrsi %add3A_190, %shift_right_arithmetic3A_200 : vector<16xi32>
      %and3A_202 = arith.constant 127 : i32
      %and3A_203 = vector.broadcast %and3A_202 : i32 to vector<16xi32>
      %and3A_204 = arith.andi %add3A_190, %and3A_203 : vector<16xi32>
      tpu.vector_store_idx %arg15[%shift_right_arithmetic3A_201, %and3A_204], %gather3A_143 masked %lt3A_192 : memref<25x128xi32, #tpu.memory_space<vmem>>[vector<16xi32>, vector<16xi32>], vector<16xi32>, vector<16xi1>
      %add3A_205 = arith.constant 32 : i32
      %add3A_206 = arith.addi %scan3A_102, %add3A_205 : i32
      %iota3A_207 = tpu.iota {dimensions = array<i32: 0>} : vector<16xi32>
      %add3A_208 = vector.broadcast %add3A_206 : i32 to vector<16xi32>
      %add3A_209 = arith.addi %add3A_208, %iota3A_207 : vector<16xi32>
      %lt3A_210 = vector.broadcast %mul3A_167 : i32 to vector<16xi32>
      %lt3A_211 = arith.cmpi slt, %add3A_209, %lt3A_210 : vector<16xi32>
      %shift_right_arithmetic3A_212 = arith.constant 7 : i32
      %shift_right_arithmetic3A_213 = vector.broadcast %shift_right_arithmetic3A_212 : i32 to vector<16xi32>
      %shift_right_arithmetic3A_214 = arith.shrsi %add3A_209, %shift_right_arithmetic3A_213 : vector<16xi32>
      %and3A_215 = arith.constant 127 : i32
      %and3A_216 = vector.broadcast %and3A_215 : i32 to vector<16xi32>
      %and3A_217 = arith.andi %add3A_209, %and3A_216 : vector<16xi32>
      tpu.vector_store_idx %arg14[%shift_right_arithmetic3A_214, %and3A_217], %gather3A masked %lt3A_211 : memref<25x128xi32, #tpu.memory_space<vmem>>[vector<16xi32>, vector<16xi32>], vector<16xi32>, vector<16xi1>
      %shift_right_arithmetic3A_218 = arith.constant 7 : i32
      %shift_right_arithmetic3A_219 = vector.broadcast %shift_right_arithmetic3A_218 : i32 to vector<16xi32>
      %shift_right_arithmetic3A_220 = arith.shrsi %add3A_209, %shift_right_arithmetic3A_219 : vector<16xi32>
      %and3A_221 = arith.constant 127 : i32
      %and3A_222 = vector.broadcast %and3A_221 : i32 to vector<16xi32>
      %and3A_223 = arith.andi %add3A_209, %and3A_222 : vector<16xi32>
      tpu.vector_store_idx %arg15[%shift_right_arithmetic3A_220, %and3A_223], %gather3A_143 masked %lt3A_211 : memref<25x128xi32, #tpu.memory_space<vmem>>[vector<16xi32>, vector<16xi32>], vector<16xi32>, vector<16xi1>
      %add3A_224 = arith.constant 48 : i32
      %add3A_225 = arith.addi %scan3A_102, %add3A_224 : i32
      %iota3A_226 = tpu.iota {dimensions = array<i32: 0>} : vector<16xi32>
      %add3A_227 = vector.broadcast %add3A_225 : i32 to vector<16xi32>
      %add3A_228 = arith.addi %add3A_227, %iota3A_226 : vector<16xi32>
      %lt3A_229 = vector.broadcast %mul3A_167 : i32 to vector<16xi32>
      %lt3A_230 = arith.cmpi slt, %add3A_228, %lt3A_229 : vector<16xi32>
      %shift_right_arithmetic3A_231 = arith.constant 7 : i32
      %shift_right_arithmetic3A_232 = vector.broadcast %shift_right_arithmetic3A_231 : i32 to vector<16xi32>
      %shift_right_arithmetic3A_233 = arith.shrsi %add3A_228, %shift_right_arithmetic3A_232 : vector<16xi32>
      %and3A_234 = arith.constant 127 : i32
      %and3A_235 = vector.broadcast %and3A_234 : i32 to vector<16xi32>
      %and3A_236 = arith.andi %add3A_228, %and3A_235 : vector<16xi32>
      tpu.vector_store_idx %arg14[%shift_right_arithmetic3A_233, %and3A_236], %gather3A masked %lt3A_230 : memref<25x128xi32, #tpu.memory_space<vmem>>[vector<16xi32>, vector<16xi32>], vector<16xi32>, vector<16xi1>
      %shift_right_arithmetic3A_237 = arith.constant 7 : i32
      %shift_right_arithmetic3A_238 = vector.broadcast %shift_right_arithmetic3A_237 : i32 to vector<16xi32>
      %shift_right_arithmetic3A_239 = arith.shrsi %add3A_228, %shift_right_arithmetic3A_238 : vector<16xi32>
      %and3A_240 = arith.constant 127 : i32
      %and3A_241 = vector.broadcast %and3A_240 : i32 to vector<16xi32>
      %and3A_242 = arith.andi %add3A_228, %and3A_241 : vector<16xi32>
      tpu.vector_store_idx %arg15[%shift_right_arithmetic3A_239, %and3A_242], %gather3A_143 masked %lt3A_230 : memref<25x128xi32, #tpu.memory_space<vmem>>[vector<16xi32>, vector<16xi32>], vector<16xi32>, vector<16xi1>
      %add3A_243 = arith.constant 64 : i32
      %add3A_244 = arith.addi %scan3A_102, %add3A_243 : i32
      %iota3A_245 = tpu.iota {dimensions = array<i32: 0>} : vector<16xi32>
      %add3A_246 = vector.broadcast %add3A_244 : i32 to vector<16xi32>
      %add3A_247 = arith.addi %add3A_246, %iota3A_245 : vector<16xi32>
      %lt3A_248 = vector.broadcast %mul3A_167 : i32 to vector<16xi32>
      %lt3A_249 = arith.cmpi slt, %add3A_247, %lt3A_248 : vector<16xi32>
      %shift_right_arithmetic3A_250 = arith.constant 7 : i32
      %shift_right_arithmetic3A_251 = vector.broadcast %shift_right_arithmetic3A_250 : i32 to vector<16xi32>
      %shift_right_arithmetic3A_252 = arith.shrsi %add3A_247, %shift_right_arithmetic3A_251 : vector<16xi32>
      %and3A_253 = arith.constant 127 : i32
      %and3A_254 = vector.broadcast %and3A_253 : i32 to vector<16xi32>
      %and3A_255 = arith.andi %add3A_247, %and3A_254 : vector<16xi32>
      tpu.vector_store_idx %arg14[%shift_right_arithmetic3A_252, %and3A_255], %gather3A masked %lt3A_249 : memref<25x128xi32, #tpu.memory_space<vmem>>[vector<16xi32>, vector<16xi32>], vector<16xi32>, vector<16xi1>
      %shift_right_arithmetic3A_256 = arith.constant 7 : i32
      %shift_right_arithmetic3A_257 = vector.broadcast %shift_right_arithmetic3A_256 : i32 to vector<16xi32>
      %shift_right_arithmetic3A_258 = arith.shrsi %add3A_247, %shift_right_arithmetic3A_257 : vector<16xi32>
      %and3A_259 = arith.constant 127 : i32
      %and3A_260 = vector.broadcast %and3A_259 : i32 to vector<16xi32>
      %and3A_261 = arith.andi %add3A_247, %and3A_260 : vector<16xi32>
      tpu.vector_store_idx %arg15[%shift_right_arithmetic3A_258, %and3A_261], %gather3A_143 masked %lt3A_249 : memref<25x128xi32, #tpu.memory_space<vmem>>[vector<16xi32>, vector<16xi32>], vector<16xi32>, vector<16xi1>
      %add3A_262 = arith.constant 80 : i32
      %add3A_263 = arith.addi %scan3A_102, %add3A_262 : i32
      %iota3A_264 = tpu.iota {dimensions = array<i32: 0>} : vector<16xi32>
      %add3A_265 = vector.broadcast %add3A_263 : i32 to vector<16xi32>
      %add3A_266 = arith.addi %add3A_265, %iota3A_264 : vector<16xi32>
      %lt3A_267 = vector.broadcast %mul3A_167 : i32 to vector<16xi32>
      %lt3A_268 = arith.cmpi slt, %add3A_266, %lt3A_267 : vector<16xi32>
      %shift_right_arithmetic3A_269 = arith.constant 7 : i32
      %shift_right_arithmetic3A_270 = vector.broadcast %shift_right_arithmetic3A_269 : i32 to vector<16xi32>
      %shift_right_arithmetic3A_271 = arith.shrsi %add3A_266, %shift_right_arithmetic3A_270 : vector<16xi32>
      %and3A_272 = arith.constant 127 : i32
      %and3A_273 = vector.broadcast %and3A_272 : i32 to vector<16xi32>
      %and3A_274 = arith.andi %add3A_266, %and3A_273 : vector<16xi32>
      tpu.vector_store_idx %arg14[%shift_right_arithmetic3A_271, %and3A_274], %gather3A masked %lt3A_268 : memref<25x128xi32, #tpu.memory_space<vmem>>[vector<16xi32>, vector<16xi32>], vector<16xi32>, vector<16xi1>
      %shift_right_arithmetic3A_275 = arith.constant 7 : i32
      %shift_right_arithmetic3A_276 = vector.broadcast %shift_right_arithmetic3A_275 : i32 to vector<16xi32>
      %shift_right_arithmetic3A_277 = arith.shrsi %add3A_266, %shift_right_arithmetic3A_276 : vector<16xi32>
      %and3A_278 = arith.constant 127 : i32
      %and3A_279 = vector.broadcast %and3A_278 : i32 to vector<16xi32>
      %and3A_280 = arith.andi %add3A_266, %and3A_279 : vector<16xi32>
      tpu.vector_store_idx %arg15[%shift_right_arithmetic3A_277, %and3A_280], %gather3A_143 masked %lt3A_268 : memref<25x128xi32, #tpu.memory_space<vmem>>[vector<16xi32>, vector<16xi32>], vector<16xi32>, vector<16xi1>
      %add3A_281 = arith.constant 96 : i32
      %add3A_282 = arith.addi %scan3A_102, %add3A_281 : i32
      %iota3A_283 = tpu.iota {dimensions = array<i32: 0>} : vector<16xi32>
      %add3A_284 = vector.broadcast %add3A_282 : i32 to vector<16xi32>
      %add3A_285 = arith.addi %add3A_284, %iota3A_283 : vector<16xi32>
      %lt3A_286 = vector.broadcast %mul3A_167 : i32 to vector<16xi32>
      %lt3A_287 = arith.cmpi slt, %add3A_285, %lt3A_286 : vector<16xi32>
      %shift_right_arithmetic3A_288 = arith.constant 7 : i32
      %shift_right_arithmetic3A_289 = vector.broadcast %shift_right_arithmetic3A_288 : i32 to vector<16xi32>
      %shift_right_arithmetic3A_290 = arith.shrsi %add3A_285, %shift_right_arithmetic3A_289 : vector<16xi32>
      %and3A_291 = arith.constant 127 : i32
      %and3A_292 = vector.broadcast %and3A_291 : i32 to vector<16xi32>
      %and3A_293 = arith.andi %add3A_285, %and3A_292 : vector<16xi32>
      tpu.vector_store_idx %arg14[%shift_right_arithmetic3A_290, %and3A_293], %gather3A masked %lt3A_287 : memref<25x128xi32, #tpu.memory_space<vmem>>[vector<16xi32>, vector<16xi32>], vector<16xi32>, vector<16xi1>
      %shift_right_arithmetic3A_294 = arith.constant 7 : i32
      %shift_right_arithmetic3A_295 = vector.broadcast %shift_right_arithmetic3A_294 : i32 to vector<16xi32>
      %shift_right_arithmetic3A_296 = arith.shrsi %add3A_285, %shift_right_arithmetic3A_295 : vector<16xi32>
      %and3A_297 = arith.constant 127 : i32
      %and3A_298 = vector.broadcast %and3A_297 : i32 to vector<16xi32>
      %and3A_299 = arith.andi %add3A_285, %and3A_298 : vector<16xi32>
      tpu.vector_store_idx %arg15[%shift_right_arithmetic3A_296, %and3A_299], %gather3A_143 masked %lt3A_287 : memref<25x128xi32, #tpu.memory_space<vmem>>[vector<16xi32>, vector<16xi32>], vector<16xi32>, vector<16xi1>
      %add3A_300 = arith.constant 112 : i32
      %add3A_301 = arith.addi %scan3A_102, %add3A_300 : i32
      %iota3A_302 = tpu.iota {dimensions = array<i32: 0>} : vector<16xi32>
      %add3A_303 = vector.broadcast %add3A_301 : i32 to vector<16xi32>
      %add3A_304 = arith.addi %add3A_303, %iota3A_302 : vector<16xi32>
      %lt3A_305 = vector.broadcast %mul3A_167 : i32 to vector<16xi32>
      %lt3A_306 = arith.cmpi slt, %add3A_304, %lt3A_305 : vector<16xi32>
      %shift_right_arithmetic3A_307 = arith.constant 7 : i32
      %shift_right_arithmetic3A_308 = vector.broadcast %shift_right_arithmetic3A_307 : i32 to vector<16xi32>
      %shift_right_arithmetic3A_309 = arith.shrsi %add3A_304, %shift_right_arithmetic3A_308 : vector<16xi32>
      %and3A_310 = arith.constant 127 : i32
      %and3A_311 = vector.broadcast %and3A_310 : i32 to vector<16xi32>
      %and3A_312 = arith.andi %add3A_304, %and3A_311 : vector<16xi32>
      tpu.vector_store_idx %arg14[%shift_right_arithmetic3A_309, %and3A_312], %gather3A masked %lt3A_306 : memref<25x128xi32, #tpu.memory_space<vmem>>[vector<16xi32>, vector<16xi32>], vector<16xi32>, vector<16xi1>
      %shift_right_arithmetic3A_313 = arith.constant 7 : i32
      %shift_right_arithmetic3A_314 = vector.broadcast %shift_right_arithmetic3A_313 : i32 to vector<16xi32>
      %shift_right_arithmetic3A_315 = arith.shrsi %add3A_304, %shift_right_arithmetic3A_314 : vector<16xi32>
      %and3A_316 = arith.constant 127 : i32
      %and3A_317 = vector.broadcast %and3A_316 : i32 to vector<16xi32>
      %and3A_318 = arith.andi %add3A_304, %and3A_317 : vector<16xi32>
      tpu.vector_store_idx %arg15[%shift_right_arithmetic3A_315, %and3A_318], %gather3A_143 masked %lt3A_306 : memref<25x128xi32, #tpu.memory_space<vmem>>[vector<16xi32>, vector<16xi32>], vector<16xi32>, vector<16xi1>
      %jit3A_319 = arith.constant 128 : i32
      %div3A_320 = arith.divsi %mul3A_167, %jit3A_319 : i32
      %sign3A_321 = arith.constant 0 : i32
      %sign3A_322 = arith.cmpi sgt, %mul3A_167, %sign3A_321 : i32
      %sign3A_323 = arith.extui %sign3A_322 : i1 to i32
      %sign3A_324 = arith.constant 0 : i32
      %sign3A_325 = arith.cmpi slt, %mul3A_167, %sign3A_324 : i32
      %sign3A_326 = arith.extui %sign3A_325 : i1 to i32
      %sign3A_327 = arith.subi %sign3A_323, %sign3A_326 : i32
      %sign3A_328 = arith.constant 0 : i32
      %sign3A_329 = arith.cmpi sgt, %jit3A_319, %sign3A_328 : i32
      %sign3A_330 = arith.extui %sign3A_329 : i1 to i32
      %sign3A_331 = arith.constant 0 : i32
      %sign3A_332 = arith.cmpi slt, %jit3A_319, %sign3A_331 : i32
      %sign3A_333 = arith.extui %sign3A_332 : i1 to i32
      %sign3A_334 = arith.subi %sign3A_330, %sign3A_333 : i32
      %ne3A_335 = arith.cmpi ne, %sign3A_327, %sign3A_334 : i32
      %rem3A_336 = arith.remsi %mul3A_167, %jit3A_319 : i32
      %ne3A_337 = arith.constant 0 : i32
      %ne3A_338 = arith.cmpi ne, %rem3A_336, %ne3A_337 : i32
      %and3A_339 = arith.andi %ne3A_335, %ne3A_338 : i1
      %sub3A_340 = arith.constant 1 : i32
      %sub3A_341 = arith.subi %div3A_320, %sub3A_340 : i32
      %select_n3A_342 = arith.select %and3A_339, %sub3A_341, %div3A_320 : i32
      %while3A = arith.constant 0 : i32
      %while3A_343 = arith.constant 0 : i32
      %while3A_344 = arith.subi %select_n3A_342, %while3A_343 : i32
      %while3A_345 = arith.addi %while3A_343, %while3A_344 : i32
      %while3A_346 = arith.constant 1 : i32
      %while3A_347 = arith.divsi %while3A_344, %while3A_346 : i32
      %while3A_348 = arith.muli %while3A_347, %while3A_346 : i32
      %while3A_349 = arith.addi %while3A_343, %while3A_348 : i32
      %while3A_350 = arith.constant 1 : i32
      scf.for %while3A_352 = %while3A_343 to %while3A_349 step %while3A_350  : i32 {
        %dma_start3A_353 = arith.constant 0 : i32
        %dma_start3A_354 = tpu.memref_slice %arg15[%while3A_352, %dma_start3A_353] : memref<25x128xi32, #tpu.memory_space<vmem>> -> memref<1x128xi32, #tpu.memory_space<vmem>>
        %dma_start3A_355 = tpu.memref_squeeze %dma_start3A_354 : memref<1x128xi32, #tpu.memory_space<vmem>> -> memref<128xi32, #tpu.memory_space<vmem>>
        %dma_start3A_356 = arith.constant 0 : i32
        %dma_start3A_357 = arith.constant 0 : i32
        %dma_start3A_358 = tpu.memref_slice %arg8[%dma_start3A_356, %dma_start3A_357] : memref<4096x128xf32, #tpu.memory_space<hbm>> -> memref<4096x128xf32, #tpu.memory_space<hbm>>
        tpu.enqueue_indirect_dma source(%dma_start3A_358 : memref<4096x128xf32, #tpu.memory_space<hbm>>) target(%arg16 : memref<128x128xf32, #tpu.memory_space<vmem>>) offsets(%dma_start3A_355 : memref<128xi32, #tpu.memory_space<vmem>>) semaphore(%arg19 : memref<!tpu.dma_semaphore, #tpu.memory_space<semaphore_mem>>)
        %dma_wait3A_359 = arith.constant 0 : i32
        %dma_wait3A_360 = tpu.memref_slice %arg15[%while3A_352, %dma_wait3A_359] : memref<25x128xi32, #tpu.memory_space<vmem>> -> memref<1x128xi32, #tpu.memory_space<vmem>>
        %dma_wait3A_361 = tpu.memref_squeeze %dma_wait3A_360 : memref<1x128xi32, #tpu.memory_space<vmem>> -> memref<128xi32, #tpu.memory_space<vmem>>
        %dma_wait3A_362 = arith.constant 0 : i32
        %dma_wait3A_363 = arith.constant 0 : i32
        %dma_wait3A_364 = tpu.memref_slice %arg8[%dma_wait3A_362, %dma_wait3A_363] : memref<4096x128xf32, #tpu.memory_space<hbm>> -> memref<4096x128xf32, #tpu.memory_space<hbm>>
        tpu.wait_indirect_dma semaphore(%arg19 : memref<!tpu.dma_semaphore, #tpu.memory_space<semaphore_mem>>) src(%dma_wait3A_364 : memref<4096x128xf32, #tpu.memory_space<hbm>>) dst(%arg16 : memref<128x128xf32, #tpu.memory_space<vmem>>)
        %dma_start3A_365 = arith.constant 0 : i32
        %dma_start3A_366 = tpu.memref_slice %arg14[%while3A_352, %dma_start3A_365] : memref<25x128xi32, #tpu.memory_space<vmem>> -> memref<1x128xi32, #tpu.memory_space<vmem>>
        %dma_start3A_367 = tpu.memref_squeeze %dma_start3A_366 : memref<1x128xi32, #tpu.memory_space<vmem>> -> memref<128xi32, #tpu.memory_space<vmem>>
        %dma_start3A_368 = arith.constant 0 : i32
        %dma_start3A_369 = arith.constant 0 : i32
        %dma_start3A_370 = tpu.memref_slice %arg10[%dma_start3A_368, %dma_start3A_369] : memref<100000x128xf32, #tpu.memory_space<hbm>> -> memref<100000x128xf32, #tpu.memory_space<hbm>>
        tpu.enqueue_indirect_dma source(%arg16 : memref<128x128xf32, #tpu.memory_space<vmem>>) target(%dma_start3A_370 : memref<100000x128xf32, #tpu.memory_space<hbm>>) offsets(%dma_start3A_367 : memref<128xi32, #tpu.memory_space<vmem>>) semaphore(%arg19 : memref<!tpu.dma_semaphore, #tpu.memory_space<semaphore_mem>>)
        %dma_wait3A_371 = arith.constant 0 : i32
        %dma_wait3A_372 = tpu.memref_slice %arg14[%while3A_352, %dma_wait3A_371] : memref<25x128xi32, #tpu.memory_space<vmem>> -> memref<1x128xi32, #tpu.memory_space<vmem>>
        %dma_wait3A_373 = tpu.memref_squeeze %dma_wait3A_372 : memref<1x128xi32, #tpu.memory_space<vmem>> -> memref<128xi32, #tpu.memory_space<vmem>>
        %dma_wait3A_374 = arith.constant 0 : i32
        %dma_wait3A_375 = arith.constant 0 : i32
        %dma_wait3A_376 = tpu.memref_slice %arg10[%dma_wait3A_374, %dma_wait3A_375] : memref<100000x128xf32, #tpu.memory_space<hbm>> -> memref<100000x128xf32, #tpu.memory_space<hbm>>
        tpu.wait_indirect_dma semaphore(%arg19 : memref<!tpu.dma_semaphore, #tpu.memory_space<semaphore_mem>>) src(%arg16 : memref<128x128xf32, #tpu.memory_space<vmem>>) dst(%dma_wait3A_376 : memref<100000x128xf32, #tpu.memory_space<hbm>>)
      }
      %while3A_351 = arith.constant 1 : i32
      scf.for %while3A_352 = %while3A_349 to %while3A_345 step %while3A_351  : i32 {
        %dma_start3A_353 = arith.constant 0 : i32
        %dma_start3A_354 = tpu.memref_slice %arg15[%while3A_352, %dma_start3A_353] : memref<25x128xi32, #tpu.memory_space<vmem>> -> memref<1x128xi32, #tpu.memory_space<vmem>>
        %dma_start3A_355 = tpu.memref_squeeze %dma_start3A_354 : memref<1x128xi32, #tpu.memory_space<vmem>> -> memref<128xi32, #tpu.memory_space<vmem>>
        %dma_start3A_356 = arith.constant 0 : i32
        %dma_start3A_357 = arith.constant 0 : i32
        %dma_start3A_358 = tpu.memref_slice %arg8[%dma_start3A_356, %dma_start3A_357] : memref<4096x128xf32, #tpu.memory_space<hbm>> -> memref<4096x128xf32, #tpu.memory_space<hbm>>
        tpu.enqueue_indirect_dma source(%dma_start3A_358 : memref<4096x128xf32, #tpu.memory_space<hbm>>) target(%arg16 : memref<128x128xf32, #tpu.memory_space<vmem>>) offsets(%dma_start3A_355 : memref<128xi32, #tpu.memory_space<vmem>>) semaphore(%arg19 : memref<!tpu.dma_semaphore, #tpu.memory_space<semaphore_mem>>)
        %dma_wait3A_359 = arith.constant 0 : i32
        %dma_wait3A_360 = tpu.memref_slice %arg15[%while3A_352, %dma_wait3A_359] : memref<25x128xi32, #tpu.memory_space<vmem>> -> memref<1x128xi32, #tpu.memory_space<vmem>>
        %dma_wait3A_361 = tpu.memref_squeeze %dma_wait3A_360 : memref<1x128xi32, #tpu.memory_space<vmem>> -> memref<128xi32, #tpu.memory_space<vmem>>
        %dma_wait3A_362 = arith.constant 0 : i32
        %dma_wait3A_363 = arith.constant 0 : i32
        %dma_wait3A_364 = tpu.memref_slice %arg8[%dma_wait3A_362, %dma_wait3A_363] : memref<4096x128xf32, #tpu.memory_space<hbm>> -> memref<4096x128xf32, #tpu.memory_space<hbm>>
        tpu.wait_indirect_dma semaphore(%arg19 : memref<!tpu.dma_semaphore, #tpu.memory_space<semaphore_mem>>) src(%dma_wait3A_364 : memref<4096x128xf32, #tpu.memory_space<hbm>>) dst(%arg16 : memref<128x128xf32, #tpu.memory_space<vmem>>)
        %dma_start3A_365 = arith.constant 0 : i32
        %dma_start3A_366 = tpu.memref_slice %arg14[%while3A_352, %dma_start3A_365] : memref<25x128xi32, #tpu.memory_space<vmem>> -> memref<1x128xi32, #tpu.memory_space<vmem>>
        %dma_start3A_367 = tpu.memref_squeeze %dma_start3A_366 : memref<1x128xi32, #tpu.memory_space<vmem>> -> memref<128xi32, #tpu.memory_space<vmem>>
        %dma_start3A_368 = arith.constant 0 : i32
        %dma_start3A_369 = arith.constant 0 : i32
        %dma_start3A_370 = tpu.memref_slice %arg10[%dma_start3A_368, %dma_start3A_369] : memref<100000x128xf32, #tpu.memory_space<hbm>> -> memref<100000x128xf32, #tpu.memory_space<hbm>>
        tpu.enqueue_indirect_dma source(%arg16 : memref<128x128xf32, #tpu.memory_space<vmem>>) target(%dma_start3A_370 : memref<100000x128xf32, #tpu.memory_space<hbm>>) offsets(%dma_start3A_367 : memref<128xi32, #tpu.memory_space<vmem>>) semaphore(%arg19 : memref<!tpu.dma_semaphore, #tpu.memory_space<semaphore_mem>>)
        %dma_wait3A_371 = arith.constant 0 : i32
        %dma_wait3A_372 = tpu.memref_slice %arg14[%while3A_352, %dma_wait3A_371] : memref<25x128xi32, #tpu.memory_space<vmem>> -> memref<1x128xi32, #tpu.memory_space<vmem>>
        %dma_wait3A_373 = tpu.memref_squeeze %dma_wait3A_372 : memref<1x128xi32, #tpu.memory_space<vmem>> -> memref<128xi32, #tpu.memory_space<vmem>>
        %dma_wait3A_374 = arith.constant 0 : i32
        %dma_wait3A_375 = arith.constant 0 : i32
        %dma_wait3A_376 = tpu.memref_slice %arg10[%dma_wait3A_374, %dma_wait3A_375] : memref<100000x128xf32, #tpu.memory_space<hbm>> -> memref<100000x128xf32, #tpu.memory_space<hbm>>
        tpu.wait_indirect_dma semaphore(%arg19 : memref<!tpu.dma_semaphore, #tpu.memory_space<semaphore_mem>>) src(%arg16 : memref<128x128xf32, #tpu.memory_space<vmem>>) dst(%dma_wait3A_376 : memref<100000x128xf32, #tpu.memory_space<hbm>>)
      }
    } else {
    }
    %mul3A_108 = arith.constant 3120 : i32
    %mul3A_109 = arith.muli %add3A, %mul3A_108 : i32
    %add3A_110 = arith.constant 3120 : i32
    %add3A_111 = arith.addi %mul3A_109, %add3A_110 : i32
    %mul3A_112 = arith.constant 8 : i32
    %mul3A_113 = arith.muli %add3A, %mul3A_112 : i32
    %add3A_114 = arith.constant 99840 : i32
    %add3A_115 = arith.addi %add3A_114, %mul3A_113 : i32
    %add3A_116 = arith.constant 8 : i32
    %add3A_117 = arith.addi %add3A_115, %add3A_116 : i32
    %lt3A_118 = arith.constant 20 : i32
    %lt3A_119 = arith.cmpi slt, %add3A, %lt3A_118 : i32
    "tpu.region"() ({
      %run_scoped3A = tpu.sem_alloc : memref<!tpu.dma_semaphore, #tpu.memory_space<semaphore_mem>>
      tpu.enqueue_dma source(%arg5 : memref<4096xi32, #tpu.memory_space<hbm>>) target(%arg12 : memref<4096xi32, #tpu.memory_space<vmem>>) target_semaphore(%run_scoped3A : memref<!tpu.dma_semaphore, #tpu.memory_space<semaphore_mem>>)
      tpu.wait_dma2 semaphore(%run_scoped3A : memref<!tpu.dma_semaphore, #tpu.memory_space<semaphore_mem>>) src(%arg5 : memref<4096xi32, #tpu.memory_space<hbm>>) dst(%arg12 : memref<4096xi32, #tpu.memory_space<vmem>>)
      tpu.yield
    }) : () -> ()
    "tpu.region"() ({
      %run_scoped3A = tpu.sem_alloc : memref<!tpu.dma_semaphore, #tpu.memory_space<semaphore_mem>>
      tpu.enqueue_dma source(%arg7 : memref<4096xi32, #tpu.memory_space<hbm>>) target(%arg13 : memref<4096xi32, #tpu.memory_space<vmem>>) target_semaphore(%run_scoped3A : memref<!tpu.dma_semaphore, #tpu.memory_space<semaphore_mem>>)
      tpu.wait_dma2 semaphore(%run_scoped3A : memref<!tpu.dma_semaphore, #tpu.memory_space<semaphore_mem>>) src(%arg7 : memref<4096xi32, #tpu.memory_space<hbm>>) dst(%arg13 : memref<4096xi32, #tpu.memory_space<vmem>>)
      tpu.yield
    }) : () -> ()
    %scan3A_120 = arith.constant 0 : i32
    %scan3A_121 = arith.constant 0 : i32
    %scan3A_122 = arith.constant 256 : i32
    %scan3A_123 = arith.addi %scan3A_121, %scan3A_122 : i32
    %scan3A_124 = arith.constant 1 : i32
    %scan3A_125 = scf.for %scan3A_132 = %scan3A_121 to %scan3A_123 step %scan3A_124 iter_args(%scan3A_133 = %scan3A_120) -> (i32)  : i32 {
      %mul3A_134 = arith.constant 16 : i32
      %mul3A_135 = arith.muli %scan3A_132, %mul3A_134 : i32
      %get3A = arith.index_cast %mul3A_135 : i32 to index
      %get3A_136 = tpu.vector_load %arg12[%get3A] {strides = array<i32>} : memref<4096xi32, #tpu.memory_space<vmem>>, vector<16xi32>,
      %mul3A_137 = arith.constant 16 : i32
      %mul3A_138 = arith.muli %scan3A_132, %mul3A_137 : i32
      %get3A_139 = arith.index_cast %mul3A_138 : i32 to index
      %get3A_140 = tpu.vector_load %arg13[%get3A_139] {strides = array<i32>} : memref<4096xi32, #tpu.memory_space<vmem>>, vector<16xi32>,
      %ne3A = arith.constant 0 : i32
      %ne3A_141 = vector.broadcast %ne3A : i32 to vector<16xi32>
      %ne3A_142 = arith.cmpi ne, %get3A_140, %ne3A_141 : vector<16xi32>
      %ge3A = vector.broadcast %mul3A_109 : i32 to vector<16xi32>
      %ge3A_143 = arith.cmpi sge, %get3A_136, %ge3A : vector<16xi32>
      %lt3A_144 = vector.broadcast %add3A_111 : i32 to vector<16xi32>
      %lt3A_145 = arith.cmpi slt, %get3A_136, %lt3A_144 : vector<16xi32>
      %and3A = arith.andi %ge3A_143, %lt3A_145 : vector<16xi1>
      %ge3A_146 = vector.broadcast %add3A_115 : i32 to vector<16xi32>
      %ge3A_147 = arith.cmpi sge, %get3A_136, %ge3A_146 : vector<16xi32>
      %and3A_148 = vector.broadcast %lt3A_119 : i1 to vector<16xi1>
      %and3A_149 = arith.andi %and3A_148, %ge3A_147 : vector<16xi1>
      %lt3A_150 = vector.broadcast %add3A_117 : i32 to vector<16xi32>
      %lt3A_151 = arith.cmpi slt, %get3A_136, %lt3A_150 : vector<16xi32>
      %and3A_152 = arith.andi %and3A_149, %lt3A_151 : vector<16xi1>
      %or3A = arith.ori %and3A, %and3A_152 : vector<16xi1>
      %and3A_153 = arith.andi %ne3A_142, %or3A : vector<16xi1>
      %convert_element_type3A_154 = arith.extui %and3A_153 : vector<16xi1> to vector<16xi32>
      %broadcast_in_dim3A = arith.constant true
      %broadcast_in_dim3A_155 = vector.broadcast %broadcast_in_dim3A : i1 to vector<16xi1>
      %masked_cumsum3A = tpu.scan <sum>, %convert_element_type3A_154 masked %broadcast_in_dim3A_155 : vector<16xi32>, vector<16xi1> -> vector<16xi32>
      %add3A_156 = vector.broadcast %scan3A_133 : i32 to vector<16xi32>
      %add3A_157 = arith.addi %add3A_156, %masked_cumsum3A : vector<16xi32>
      %sub3A = arith.constant 1 : i32
      %sub3A_158 = vector.broadcast %sub3A : i32 to vector<16xi32>
      %sub3A_159 = arith.subi %add3A_157, %sub3A_158 : vector<16xi32>
      %shift_right_arithmetic3A = arith.constant 7 : i32
      %shift_right_arithmetic3A_160 = vector.broadcast %shift_right_arithmetic3A : i32 to vector<16xi32>
      %shift_right_arithmetic3A_161 = arith.shrsi %sub3A_159, %shift_right_arithmetic3A_160 : vector<16xi32>
      %and3A_162 = arith.constant 127 : i32
      %and3A_163 = vector.broadcast %and3A_162 : i32 to vector<16xi32>
      %and3A_164 = arith.andi %sub3A_159, %and3A_163 : vector<16xi32>
      tpu.vector_store_idx %arg14[%shift_right_arithmetic3A_161, %and3A_164], %get3A_136 masked %and3A_153 : memref<25x128xi32, #tpu.memory_space<vmem>>[vector<16xi32>, vector<16xi32>], vector<16xi32>, vector<16xi1>
      %mul3A_165 = arith.constant 16 : i32
      %mul3A_166 = arith.muli %scan3A_132, %mul3A_165 : i32
      %iota3A = tpu.iota {dimensions = array<i32: 0>} : vector<16xi32>
      %add3A_167 = vector.broadcast %mul3A_166 : i32 to vector<16xi32>
      %add3A_168 = arith.addi %add3A_167, %iota3A : vector<16xi32>
      tpu.vector_store_idx %arg15[%shift_right_arithmetic3A_161, %and3A_164], %add3A_168 masked %and3A_153 : memref<25x128xi32, #tpu.memory_space<vmem>>[vector<16xi32>, vector<16xi32>], vector<16xi32>, vector<16xi1>
      %reduce_sum3A = arith.constant true
      %reduce_sum3A_169 = vector.broadcast %reduce_sum3A : i1 to vector<16xi1>
      %reduce_sum3A_170 = tpu.scan <sum>, %convert_element_type3A_154 masked %reduce_sum3A_169 : vector<16xi32>, vector<16xi1> -> vector<16xi32>
      %reduce_sum3A_171 = vector.extract %reduce_sum3A_170[15] : i32 from vector<16xi32>
      %add3A_172 = arith.addi %scan3A_133, %reduce_sum3A_171 : i32
      scf.yield %add3A_172 : i32
    }
    %scan3A_126 = arith.constant 256 : i32
    %gt3A_127 = arith.constant 0 : i32
    %gt3A_128 = arith.cmpi sgt, %scan3A_125, %gt3A_127 : i32
    %convert_element_type3A_129 = arith.extui %gt3A_128 : i1 to i32
    %cond3A_130 = arith.constant 0 : i32
    %cond3A_131 = arith.cmpi ne, %convert_element_type3A_129, %cond3A_130 : i32
    scf.if %cond3A_131 {
      %sub3A = arith.constant 1 : i32
      %sub3A_132 = arith.subi %scan3A_125, %sub3A : i32
      %broadcast_in_dim3A = vector.broadcast %sub3A_132 : i32 to vector<16xi32>
      %shift_right_arithmetic3A = arith.constant 7 : i32
      %shift_right_arithmetic3A_133 = vector.broadcast %shift_right_arithmetic3A : i32 to vector<16xi32>
      %shift_right_arithmetic3A_134 = arith.shrsi %broadcast_in_dim3A, %shift_right_arithmetic3A_133 : vector<16xi32>
      %and3A = arith.constant 127 : i32
      %and3A_135 = vector.broadcast %and3A : i32 to vector<16xi32>
      %and3A_136 = arith.andi %broadcast_in_dim3A, %and3A_135 : vector<16xi32>
      %gather3A = tpu.vector_load_idx %arg14[%shift_right_arithmetic3A_134, %and3A_136] : memref<25x128xi32, #tpu.memory_space<vmem>>[vector<16xi32>, vector<16xi32>], vector<16xi32>,
      %shift_right_arithmetic3A_137 = arith.constant 7 : i32
      %shift_right_arithmetic3A_138 = vector.broadcast %shift_right_arithmetic3A_137 : i32 to vector<16xi32>
      %shift_right_arithmetic3A_139 = arith.shrsi %broadcast_in_dim3A, %shift_right_arithmetic3A_138 : vector<16xi32>
      %and3A_140 = arith.constant 127 : i32
      %and3A_141 = vector.broadcast %and3A_140 : i32 to vector<16xi32>
      %and3A_142 = arith.andi %broadcast_in_dim3A, %and3A_141 : vector<16xi32>
      %gather3A_143 = tpu.vector_load_idx %arg15[%shift_right_arithmetic3A_139, %and3A_142] : memref<25x128xi32, #tpu.memory_space<vmem>>[vector<16xi32>, vector<16xi32>], vector<16xi32>,
      %add3A_144 = arith.constant 128 : i32
      %add3A_145 = arith.addi %scan3A_125, %add3A_144 : i32
      %sub3A_146 = arith.constant 1 : i32
      %sub3A_147 = arith.subi %add3A_145, %sub3A_146 : i32
      %jit3A = arith.constant 128 : i32
      %div3A = arith.divsi %sub3A_147, %jit3A : i32
      %sign3A = arith.constant 0 : i32
      %sign3A_148 = arith.cmpi sgt, %sub3A_147, %sign3A : i32
      %sign3A_149 = arith.extui %sign3A_148 : i1 to i32
      %sign3A_150 = arith.constant 0 : i32
      %sign3A_151 = arith.cmpi slt, %sub3A_147, %sign3A_150 : i32
      %sign3A_152 = arith.extui %sign3A_151 : i1 to i32
      %sign3A_153 = arith.subi %sign3A_149, %sign3A_152 : i32
      %sign3A_154 = arith.constant 0 : i32
      %sign3A_155 = arith.cmpi sgt, %jit3A, %sign3A_154 : i32
      %sign3A_156 = arith.extui %sign3A_155 : i1 to i32
      %sign3A_157 = arith.constant 0 : i32
      %sign3A_158 = arith.cmpi slt, %jit3A, %sign3A_157 : i32
      %sign3A_159 = arith.extui %sign3A_158 : i1 to i32
      %sign3A_160 = arith.subi %sign3A_156, %sign3A_159 : i32
      %ne3A = arith.cmpi ne, %sign3A_153, %sign3A_160 : i32
      %rem3A = arith.remsi %sub3A_147, %jit3A : i32
      %ne3A_161 = arith.constant 0 : i32
      %ne3A_162 = arith.cmpi ne, %rem3A, %ne3A_161 : i32
      %and3A_163 = arith.andi %ne3A, %ne3A_162 : i1
      %sub3A_164 = arith.constant 1 : i32
      %sub3A_165 = arith.subi %div3A, %sub3A_164 : i32
      %select_n3A = arith.select %and3A_163, %sub3A_165, %div3A : i32
      %mul3A_166 = arith.constant 128 : i32
      %mul3A_167 = arith.muli %select_n3A, %mul3A_166 : i32
      %add3A_168 = arith.constant 0 : i32
      %add3A_169 = arith.addi %scan3A_125, %add3A_168 : i32
      %iota3A = tpu.iota {dimensions = array<i32: 0>} : vector<16xi32>
      %add3A_170 = vector.broadcast %add3A_169 : i32 to vector<16xi32>
      %add3A_171 = arith.addi %add3A_170, %iota3A : vector<16xi32>
      %lt3A_172 = vector.broadcast %mul3A_167 : i32 to vector<16xi32>
      %lt3A_173 = arith.cmpi slt, %add3A_171, %lt3A_172 : vector<16xi32>
      %shift_right_arithmetic3A_174 = arith.constant 7 : i32
      %shift_right_arithmetic3A_175 = vector.broadcast %shift_right_arithmetic3A_174 : i32 to vector<16xi32>
      %shift_right_arithmetic3A_176 = arith.shrsi %add3A_171, %shift_right_arithmetic3A_175 : vector<16xi32>
      %and3A_177 = arith.constant 127 : i32
      %and3A_178 = vector.broadcast %and3A_177 : i32 to vector<16xi32>
      %and3A_179 = arith.andi %add3A_171, %and3A_178 : vector<16xi32>
      tpu.vector_store_idx %arg14[%shift_right_arithmetic3A_176, %and3A_179], %gather3A masked %lt3A_173 : memref<25x128xi32, #tpu.memory_space<vmem>>[vector<16xi32>, vector<16xi32>], vector<16xi32>, vector<16xi1>
      %shift_right_arithmetic3A_180 = arith.constant 7 : i32
      %shift_right_arithmetic3A_181 = vector.broadcast %shift_right_arithmetic3A_180 : i32 to vector<16xi32>
      %shift_right_arithmetic3A_182 = arith.shrsi %add3A_171, %shift_right_arithmetic3A_181 : vector<16xi32>
      %and3A_183 = arith.constant 127 : i32
      %and3A_184 = vector.broadcast %and3A_183 : i32 to vector<16xi32>
      %and3A_185 = arith.andi %add3A_171, %and3A_184 : vector<16xi32>
      tpu.vector_store_idx %arg15[%shift_right_arithmetic3A_182, %and3A_185], %gather3A_143 masked %lt3A_173 : memref<25x128xi32, #tpu.memory_space<vmem>>[vector<16xi32>, vector<16xi32>], vector<16xi32>, vector<16xi1>
      %add3A_186 = arith.constant 16 : i32
      %add3A_187 = arith.addi %scan3A_125, %add3A_186 : i32
      %iota3A_188 = tpu.iota {dimensions = array<i32: 0>} : vector<16xi32>
      %add3A_189 = vector.broadcast %add3A_187 : i32 to vector<16xi32>
      %add3A_190 = arith.addi %add3A_189, %iota3A_188 : vector<16xi32>
      %lt3A_191 = vector.broadcast %mul3A_167 : i32 to vector<16xi32>
      %lt3A_192 = arith.cmpi slt, %add3A_190, %lt3A_191 : vector<16xi32>
      %shift_right_arithmetic3A_193 = arith.constant 7 : i32
      %shift_right_arithmetic3A_194 = vector.broadcast %shift_right_arithmetic3A_193 : i32 to vector<16xi32>
      %shift_right_arithmetic3A_195 = arith.shrsi %add3A_190, %shift_right_arithmetic3A_194 : vector<16xi32>
      %and3A_196 = arith.constant 127 : i32
      %and3A_197 = vector.broadcast %and3A_196 : i32 to vector<16xi32>
      %and3A_198 = arith.andi %add3A_190, %and3A_197 : vector<16xi32>
      tpu.vector_store_idx %arg14[%shift_right_arithmetic3A_195, %and3A_198], %gather3A masked %lt3A_192 : memref<25x128xi32, #tpu.memory_space<vmem>>[vector<16xi32>, vector<16xi32>], vector<16xi32>, vector<16xi1>
      %shift_right_arithmetic3A_199 = arith.constant 7 : i32
      %shift_right_arithmetic3A_200 = vector.broadcast %shift_right_arithmetic3A_199 : i32 to vector<16xi32>
      %shift_right_arithmetic3A_201 = arith.shrsi %add3A_190, %shift_right_arithmetic3A_200 : vector<16xi32>
      %and3A_202 = arith.constant 127 : i32
      %and3A_203 = vector.broadcast %and3A_202 : i32 to vector<16xi32>
      %and3A_204 = arith.andi %add3A_190, %and3A_203 : vector<16xi32>
      tpu.vector_store_idx %arg15[%shift_right_arithmetic3A_201, %and3A_204], %gather3A_143 masked %lt3A_192 : memref<25x128xi32, #tpu.memory_space<vmem>>[vector<16xi32>, vector<16xi32>], vector<16xi32>, vector<16xi1>
      %add3A_205 = arith.constant 32 : i32
      %add3A_206 = arith.addi %scan3A_125, %add3A_205 : i32
      %iota3A_207 = tpu.iota {dimensions = array<i32: 0>} : vector<16xi32>
      %add3A_208 = vector.broadcast %add3A_206 : i32 to vector<16xi32>
      %add3A_209 = arith.addi %add3A_208, %iota3A_207 : vector<16xi32>
      %lt3A_210 = vector.broadcast %mul3A_167 : i32 to vector<16xi32>
      %lt3A_211 = arith.cmpi slt, %add3A_209, %lt3A_210 : vector<16xi32>
      %shift_right_arithmetic3A_212 = arith.constant 7 : i32
      %shift_right_arithmetic3A_213 = vector.broadcast %shift_right_arithmetic3A_212 : i32 to vector<16xi32>
      %shift_right_arithmetic3A_214 = arith.shrsi %add3A_209, %shift_right_arithmetic3A_213 : vector<16xi32>
      %and3A_215 = arith.constant 127 : i32
      %and3A_216 = vector.broadcast %and3A_215 : i32 to vector<16xi32>
      %and3A_217 = arith.andi %add3A_209, %and3A_216 : vector<16xi32>
      tpu.vector_store_idx %arg14[%shift_right_arithmetic3A_214, %and3A_217], %gather3A masked %lt3A_211 : memref<25x128xi32, #tpu.memory_space<vmem>>[vector<16xi32>, vector<16xi32>], vector<16xi32>, vector<16xi1>
      %shift_right_arithmetic3A_218 = arith.constant 7 : i32
      %shift_right_arithmetic3A_219 = vector.broadcast %shift_right_arithmetic3A_218 : i32 to vector<16xi32>
      %shift_right_arithmetic3A_220 = arith.shrsi %add3A_209, %shift_right_arithmetic3A_219 : vector<16xi32>
      %and3A_221 = arith.constant 127 : i32
      %and3A_222 = vector.broadcast %and3A_221 : i32 to vector<16xi32>
      %and3A_223 = arith.andi %add3A_209, %and3A_222 : vector<16xi32>
      tpu.vector_store_idx %arg15[%shift_right_arithmetic3A_220, %and3A_223], %gather3A_143 masked %lt3A_211 : memref<25x128xi32, #tpu.memory_space<vmem>>[vector<16xi32>, vector<16xi32>], vector<16xi32>, vector<16xi1>
      %add3A_224 = arith.constant 48 : i32
      %add3A_225 = arith.addi %scan3A_125, %add3A_224 : i32
      %iota3A_226 = tpu.iota {dimensions = array<i32: 0>} : vector<16xi32>
      %add3A_227 = vector.broadcast %add3A_225 : i32 to vector<16xi32>
      %add3A_228 = arith.addi %add3A_227, %iota3A_226 : vector<16xi32>
      %lt3A_229 = vector.broadcast %mul3A_167 : i32 to vector<16xi32>
      %lt3A_230 = arith.cmpi slt, %add3A_228, %lt3A_229 : vector<16xi32>
      %shift_right_arithmetic3A_231 = arith.constant 7 : i32
      %shift_right_arithmetic3A_232 = vector.broadcast %shift_right_arithmetic3A_231 : i32 to vector<16xi32>
      %shift_right_arithmetic3A_233 = arith.shrsi %add3A_228, %shift_right_arithmetic3A_232 : vector<16xi32>
      %and3A_234 = arith.constant 127 : i32
      %and3A_235 = vector.broadcast %and3A_234 : i32 to vector<16xi32>
      %and3A_236 = arith.andi %add3A_228, %and3A_235 : vector<16xi32>
      tpu.vector_store_idx %arg14[%shift_right_arithmetic3A_233, %and3A_236], %gather3A masked %lt3A_230 : memref<25x128xi32, #tpu.memory_space<vmem>>[vector<16xi32>, vector<16xi32>], vector<16xi32>, vector<16xi1>
      %shift_right_arithmetic3A_237 = arith.constant 7 : i32
      %shift_right_arithmetic3A_238 = vector.broadcast %shift_right_arithmetic3A_237 : i32 to vector<16xi32>
      %shift_right_arithmetic3A_239 = arith.shrsi %add3A_228, %shift_right_arithmetic3A_238 : vector<16xi32>
      %and3A_240 = arith.constant 127 : i32
      %and3A_241 = vector.broadcast %and3A_240 : i32 to vector<16xi32>
      %and3A_242 = arith.andi %add3A_228, %and3A_241 : vector<16xi32>
      tpu.vector_store_idx %arg15[%shift_right_arithmetic3A_239, %and3A_242], %gather3A_143 masked %lt3A_230 : memref<25x128xi32, #tpu.memory_space<vmem>>[vector<16xi32>, vector<16xi32>], vector<16xi32>, vector<16xi1>
      %add3A_243 = arith.constant 64 : i32
      %add3A_244 = arith.addi %scan3A_125, %add3A_243 : i32
      %iota3A_245 = tpu.iota {dimensions = array<i32: 0>} : vector<16xi32>
      %add3A_246 = vector.broadcast %add3A_244 : i32 to vector<16xi32>
      %add3A_247 = arith.addi %add3A_246, %iota3A_245 : vector<16xi32>
      %lt3A_248 = vector.broadcast %mul3A_167 : i32 to vector<16xi32>
      %lt3A_249 = arith.cmpi slt, %add3A_247, %lt3A_248 : vector<16xi32>
      %shift_right_arithmetic3A_250 = arith.constant 7 : i32
      %shift_right_arithmetic3A_251 = vector.broadcast %shift_right_arithmetic3A_250 : i32 to vector<16xi32>
      %shift_right_arithmetic3A_252 = arith.shrsi %add3A_247, %shift_right_arithmetic3A_251 : vector<16xi32>
      %and3A_253 = arith.constant 127 : i32
      %and3A_254 = vector.broadcast %and3A_253 : i32 to vector<16xi32>
      %and3A_255 = arith.andi %add3A_247, %and3A_254 : vector<16xi32>
      tpu.vector_store_idx %arg14[%shift_right_arithmetic3A_252, %and3A_255], %gather3A masked %lt3A_249 : memref<25x128xi32, #tpu.memory_space<vmem>>[vector<16xi32>, vector<16xi32>], vector<16xi32>, vector<16xi1>
      %shift_right_arithmetic3A_256 = arith.constant 7 : i32
      %shift_right_arithmetic3A_257 = vector.broadcast %shift_right_arithmetic3A_256 : i32 to vector<16xi32>
      %shift_right_arithmetic3A_258 = arith.shrsi %add3A_247, %shift_right_arithmetic3A_257 : vector<16xi32>
      %and3A_259 = arith.constant 127 : i32
      %and3A_260 = vector.broadcast %and3A_259 : i32 to vector<16xi32>
      %and3A_261 = arith.andi %add3A_247, %and3A_260 : vector<16xi32>
      tpu.vector_store_idx %arg15[%shift_right_arithmetic3A_258, %and3A_261], %gather3A_143 masked %lt3A_249 : memref<25x128xi32, #tpu.memory_space<vmem>>[vector<16xi32>, vector<16xi32>], vector<16xi32>, vector<16xi1>
      %add3A_262 = arith.constant 80 : i32
      %add3A_263 = arith.addi %scan3A_125, %add3A_262 : i32
      %iota3A_264 = tpu.iota {dimensions = array<i32: 0>} : vector<16xi32>
      %add3A_265 = vector.broadcast %add3A_263 : i32 to vector<16xi32>
      %add3A_266 = arith.addi %add3A_265, %iota3A_264 : vector<16xi32>
      %lt3A_267 = vector.broadcast %mul3A_167 : i32 to vector<16xi32>
      %lt3A_268 = arith.cmpi slt, %add3A_266, %lt3A_267 : vector<16xi32>
      %shift_right_arithmetic3A_269 = arith.constant 7 : i32
      %shift_right_arithmetic3A_270 = vector.broadcast %shift_right_arithmetic3A_269 : i32 to vector<16xi32>
      %shift_right_arithmetic3A_271 = arith.shrsi %add3A_266, %shift_right_arithmetic3A_270 : vector<16xi32>
      %and3A_272 = arith.constant 127 : i32
      %and3A_273 = vector.broadcast %and3A_272 : i32 to vector<16xi32>
      %and3A_274 = arith.andi %add3A_266, %and3A_273 : vector<16xi32>
      tpu.vector_store_idx %arg14[%shift_right_arithmetic3A_271, %and3A_274], %gather3A masked %lt3A_268 : memref<25x128xi32, #tpu.memory_space<vmem>>[vector<16xi32>, vector<16xi32>], vector<16xi32>, vector<16xi1>
      %shift_right_arithmetic3A_275 = arith.constant 7 : i32
      %shift_right_arithmetic3A_276 = vector.broadcast %shift_right_arithmetic3A_275 : i32 to vector<16xi32>
      %shift_right_arithmetic3A_277 = arith.shrsi %add3A_266, %shift_right_arithmetic3A_276 : vector<16xi32>
      %and3A_278 = arith.constant 127 : i32
      %and3A_279 = vector.broadcast %and3A_278 : i32 to vector<16xi32>
      %and3A_280 = arith.andi %add3A_266, %and3A_279 : vector<16xi32>
      tpu.vector_store_idx %arg15[%shift_right_arithmetic3A_277, %and3A_280], %gather3A_143 masked %lt3A_268 : memref<25x128xi32, #tpu.memory_space<vmem>>[vector<16xi32>, vector<16xi32>], vector<16xi32>, vector<16xi1>
      %add3A_281 = arith.constant 96 : i32
      %add3A_282 = arith.addi %scan3A_125, %add3A_281 : i32
      %iota3A_283 = tpu.iota {dimensions = array<i32: 0>} : vector<16xi32>
      %add3A_284 = vector.broadcast %add3A_282 : i32 to vector<16xi32>
      %add3A_285 = arith.addi %add3A_284, %iota3A_283 : vector<16xi32>
      %lt3A_286 = vector.broadcast %mul3A_167 : i32 to vector<16xi32>
      %lt3A_287 = arith.cmpi slt, %add3A_285, %lt3A_286 : vector<16xi32>
      %shift_right_arithmetic3A_288 = arith.constant 7 : i32
      %shift_right_arithmetic3A_289 = vector.broadcast %shift_right_arithmetic3A_288 : i32 to vector<16xi32>
      %shift_right_arithmetic3A_290 = arith.shrsi %add3A_285, %shift_right_arithmetic3A_289 : vector<16xi32>
      %and3A_291 = arith.constant 127 : i32
      %and3A_292 = vector.broadcast %and3A_291 : i32 to vector<16xi32>
      %and3A_293 = arith.andi %add3A_285, %and3A_292 : vector<16xi32>
      tpu.vector_store_idx %arg14[%shift_right_arithmetic3A_290, %and3A_293], %gather3A masked %lt3A_287 : memref<25x128xi32, #tpu.memory_space<vmem>>[vector<16xi32>, vector<16xi32>], vector<16xi32>, vector<16xi1>
      %shift_right_arithmetic3A_294 = arith.constant 7 : i32
      %shift_right_arithmetic3A_295 = vector.broadcast %shift_right_arithmetic3A_294 : i32 to vector<16xi32>
      %shift_right_arithmetic3A_296 = arith.shrsi %add3A_285, %shift_right_arithmetic3A_295 : vector<16xi32>
      %and3A_297 = arith.constant 127 : i32
      %and3A_298 = vector.broadcast %and3A_297 : i32 to vector<16xi32>
      %and3A_299 = arith.andi %add3A_285, %and3A_298 : vector<16xi32>
      tpu.vector_store_idx %arg15[%shift_right_arithmetic3A_296, %and3A_299], %gather3A_143 masked %lt3A_287 : memref<25x128xi32, #tpu.memory_space<vmem>>[vector<16xi32>, vector<16xi32>], vector<16xi32>, vector<16xi1>
      %add3A_300 = arith.constant 112 : i32
      %add3A_301 = arith.addi %scan3A_125, %add3A_300 : i32
      %iota3A_302 = tpu.iota {dimensions = array<i32: 0>} : vector<16xi32>
      %add3A_303 = vector.broadcast %add3A_301 : i32 to vector<16xi32>
      %add3A_304 = arith.addi %add3A_303, %iota3A_302 : vector<16xi32>
      %lt3A_305 = vector.broadcast %mul3A_167 : i32 to vector<16xi32>
      %lt3A_306 = arith.cmpi slt, %add3A_304, %lt3A_305 : vector<16xi32>
      %shift_right_arithmetic3A_307 = arith.constant 7 : i32
      %shift_right_arithmetic3A_308 = vector.broadcast %shift_right_arithmetic3A_307 : i32 to vector<16xi32>
      %shift_right_arithmetic3A_309 = arith.shrsi %add3A_304, %shift_right_arithmetic3A_308 : vector<16xi32>
      %and3A_310 = arith.constant 127 : i32
      %and3A_311 = vector.broadcast %and3A_310 : i32 to vector<16xi32>
      %and3A_312 = arith.andi %add3A_304, %and3A_311 : vector<16xi32>
      tpu.vector_store_idx %arg14[%shift_right_arithmetic3A_309, %and3A_312], %gather3A masked %lt3A_306 : memref<25x128xi32, #tpu.memory_space<vmem>>[vector<16xi32>, vector<16xi32>], vector<16xi32>, vector<16xi1>
      %shift_right_arithmetic3A_313 = arith.constant 7 : i32
      %shift_right_arithmetic3A_314 = vector.broadcast %shift_right_arithmetic3A_313 : i32 to vector<16xi32>
      %shift_right_arithmetic3A_315 = arith.shrsi %add3A_304, %shift_right_arithmetic3A_314 : vector<16xi32>
      %and3A_316 = arith.constant 127 : i32
      %and3A_317 = vector.broadcast %and3A_316 : i32 to vector<16xi32>
      %and3A_318 = arith.andi %add3A_304, %and3A_317 : vector<16xi32>
      tpu.vector_store_idx %arg15[%shift_right_arithmetic3A_315, %and3A_318], %gather3A_143 masked %lt3A_306 : memref<25x128xi32, #tpu.memory_space<vmem>>[vector<16xi32>, vector<16xi32>], vector<16xi32>, vector<16xi1>
      %jit3A_319 = arith.constant 128 : i32
      %div3A_320 = arith.divsi %mul3A_167, %jit3A_319 : i32
      %sign3A_321 = arith.constant 0 : i32
      %sign3A_322 = arith.cmpi sgt, %mul3A_167, %sign3A_321 : i32
      %sign3A_323 = arith.extui %sign3A_322 : i1 to i32
      %sign3A_324 = arith.constant 0 : i32
      %sign3A_325 = arith.cmpi slt, %mul3A_167, %sign3A_324 : i32
      %sign3A_326 = arith.extui %sign3A_325 : i1 to i32
      %sign3A_327 = arith.subi %sign3A_323, %sign3A_326 : i32
      %sign3A_328 = arith.constant 0 : i32
      %sign3A_329 = arith.cmpi sgt, %jit3A_319, %sign3A_328 : i32
      %sign3A_330 = arith.extui %sign3A_329 : i1 to i32
      %sign3A_331 = arith.constant 0 : i32
      %sign3A_332 = arith.cmpi slt, %jit3A_319, %sign3A_331 : i32
      %sign3A_333 = arith.extui %sign3A_332 : i1 to i32
      %sign3A_334 = arith.subi %sign3A_330, %sign3A_333 : i32
      %ne3A_335 = arith.cmpi ne, %sign3A_327, %sign3A_334 : i32
      %rem3A_336 = arith.remsi %mul3A_167, %jit3A_319 : i32
      %ne3A_337 = arith.constant 0 : i32
      %ne3A_338 = arith.cmpi ne, %rem3A_336, %ne3A_337 : i32
      %and3A_339 = arith.andi %ne3A_335, %ne3A_338 : i1
      %sub3A_340 = arith.constant 1 : i32
      %sub3A_341 = arith.subi %div3A_320, %sub3A_340 : i32
      %select_n3A_342 = arith.select %and3A_339, %sub3A_341, %div3A_320 : i32
      %while3A = arith.constant 0 : i32
      %while3A_343 = arith.constant 0 : i32
      %while3A_344 = arith.subi %select_n3A_342, %while3A_343 : i32
      %while3A_345 = arith.addi %while3A_343, %while3A_344 : i32
      %while3A_346 = arith.constant 1 : i32
      %while3A_347 = arith.divsi %while3A_344, %while3A_346 : i32
      %while3A_348 = arith.muli %while3A_347, %while3A_346 : i32
      %while3A_349 = arith.addi %while3A_343, %while3A_348 : i32
      %while3A_350 = arith.constant 1 : i32
      scf.for %while3A_352 = %while3A_343 to %while3A_349 step %while3A_350  : i32 {
        %dma_start3A_353 = arith.constant 0 : i32
        %dma_start3A_354 = tpu.memref_slice %arg15[%while3A_352, %dma_start3A_353] : memref<25x128xi32, #tpu.memory_space<vmem>> -> memref<1x128xi32, #tpu.memory_space<vmem>>
        %dma_start3A_355 = tpu.memref_squeeze %dma_start3A_354 : memref<1x128xi32, #tpu.memory_space<vmem>> -> memref<128xi32, #tpu.memory_space<vmem>>
        %dma_start3A_356 = arith.constant 0 : i32
        %dma_start3A_357 = arith.constant 0 : i32
        %dma_start3A_358 = tpu.memref_slice %arg9[%dma_start3A_356, %dma_start3A_357] : memref<4096x128xf32, #tpu.memory_space<hbm>> -> memref<4096x128xf32, #tpu.memory_space<hbm>>
        tpu.enqueue_indirect_dma source(%dma_start3A_358 : memref<4096x128xf32, #tpu.memory_space<hbm>>) target(%arg16 : memref<128x128xf32, #tpu.memory_space<vmem>>) offsets(%dma_start3A_355 : memref<128xi32, #tpu.memory_space<vmem>>) semaphore(%arg19 : memref<!tpu.dma_semaphore, #tpu.memory_space<semaphore_mem>>)
        %dma_wait3A_359 = arith.constant 0 : i32
        %dma_wait3A_360 = tpu.memref_slice %arg15[%while3A_352, %dma_wait3A_359] : memref<25x128xi32, #tpu.memory_space<vmem>> -> memref<1x128xi32, #tpu.memory_space<vmem>>
        %dma_wait3A_361 = tpu.memref_squeeze %dma_wait3A_360 : memref<1x128xi32, #tpu.memory_space<vmem>> -> memref<128xi32, #tpu.memory_space<vmem>>
        %dma_wait3A_362 = arith.constant 0 : i32
        %dma_wait3A_363 = arith.constant 0 : i32
        %dma_wait3A_364 = tpu.memref_slice %arg9[%dma_wait3A_362, %dma_wait3A_363] : memref<4096x128xf32, #tpu.memory_space<hbm>> -> memref<4096x128xf32, #tpu.memory_space<hbm>>
        tpu.wait_indirect_dma semaphore(%arg19 : memref<!tpu.dma_semaphore, #tpu.memory_space<semaphore_mem>>) src(%dma_wait3A_364 : memref<4096x128xf32, #tpu.memory_space<hbm>>) dst(%arg16 : memref<128x128xf32, #tpu.memory_space<vmem>>)
        %dma_start3A_365 = arith.constant 0 : i32
        %dma_start3A_366 = tpu.memref_slice %arg14[%while3A_352, %dma_start3A_365] : memref<25x128xi32, #tpu.memory_space<vmem>> -> memref<1x128xi32, #tpu.memory_space<vmem>>
        %dma_start3A_367 = tpu.memref_squeeze %dma_start3A_366 : memref<1x128xi32, #tpu.memory_space<vmem>> -> memref<128xi32, #tpu.memory_space<vmem>>
        %dma_start3A_368 = arith.constant 0 : i32
        %dma_start3A_369 = arith.constant 0 : i32
        %dma_start3A_370 = tpu.memref_slice %arg11[%dma_start3A_368, %dma_start3A_369] : memref<100000x128xf32, #tpu.memory_space<hbm>> -> memref<100000x128xf32, #tpu.memory_space<hbm>>
        tpu.enqueue_indirect_dma source(%arg16 : memref<128x128xf32, #tpu.memory_space<vmem>>) target(%dma_start3A_370 : memref<100000x128xf32, #tpu.memory_space<hbm>>) offsets(%dma_start3A_367 : memref<128xi32, #tpu.memory_space<vmem>>) semaphore(%arg19 : memref<!tpu.dma_semaphore, #tpu.memory_space<semaphore_mem>>)
        %dma_wait3A_371 = arith.constant 0 : i32
        %dma_wait3A_372 = tpu.memref_slice %arg14[%while3A_352, %dma_wait3A_371] : memref<25x128xi32, #tpu.memory_space<vmem>> -> memref<1x128xi32, #tpu.memory_space<vmem>>
        %dma_wait3A_373 = tpu.memref_squeeze %dma_wait3A_372 : memref<1x128xi32, #tpu.memory_space<vmem>> -> memref<128xi32, #tpu.memory_space<vmem>>
        %dma_wait3A_374 = arith.constant 0 : i32
        %dma_wait3A_375 = arith.constant 0 : i32
        %dma_wait3A_376 = tpu.memref_slice %arg11[%dma_wait3A_374, %dma_wait3A_375] : memref<100000x128xf32, #tpu.memory_space<hbm>> -> memref<100000x128xf32, #tpu.memory_space<hbm>>
        tpu.wait_indirect_dma semaphore(%arg19 : memref<!tpu.dma_semaphore, #tpu.memory_space<semaphore_mem>>) src(%arg16 : memref<128x128xf32, #tpu.memory_space<vmem>>) dst(%dma_wait3A_376 : memref<100000x128xf32, #tpu.memory_space<hbm>>)
      }
      %while3A_351 = arith.constant 1 : i32
      scf.for %while3A_352 = %while3A_349 to %while3A_345 step %while3A_351  : i32 {
        %dma_start3A_353 = arith.constant 0 : i32
        %dma_start3A_354 = tpu.memref_slice %arg15[%while3A_352, %dma_start3A_353] : memref<25x128xi32, #tpu.memory_space<vmem>> -> memref<1x128xi32, #tpu.memory_space<vmem>>
        %dma_start3A_355 = tpu.memref_squeeze %dma_start3A_354 : memref<1x128xi32, #tpu.memory_space<vmem>> -> memref<128xi32, #tpu.memory_space<vmem>>
        %dma_start3A_356 = arith.constant 0 : i32
        %dma_start3A_357 = arith.constant 0 : i32
        %dma_start3A_358 = tpu.memref_slice %arg9[%dma_start3A_356, %dma_start3A_357] : memref<4096x128xf32, #tpu.memory_space<hbm>> -> memref<4096x128xf32, #tpu.memory_space<hbm>>
        tpu.enqueue_indirect_dma source(%dma_start3A_358 : memref<4096x128xf32, #tpu.memory_space<hbm>>) target(%arg16 : memref<128x128xf32, #tpu.memory_space<vmem>>) offsets(%dma_start3A_355 : memref<128xi32, #tpu.memory_space<vmem>>) semaphore(%arg19 : memref<!tpu.dma_semaphore, #tpu.memory_space<semaphore_mem>>)
        %dma_wait3A_359 = arith.constant 0 : i32
        %dma_wait3A_360 = tpu.memref_slice %arg15[%while3A_352, %dma_wait3A_359] : memref<25x128xi32, #tpu.memory_space<vmem>> -> memref<1x128xi32, #tpu.memory_space<vmem>>
        %dma_wait3A_361 = tpu.memref_squeeze %dma_wait3A_360 : memref<1x128xi32, #tpu.memory_space<vmem>> -> memref<128xi32, #tpu.memory_space<vmem>>
        %dma_wait3A_362 = arith.constant 0 : i32
        %dma_wait3A_363 = arith.constant 0 : i32
        %dma_wait3A_364 = tpu.memref_slice %arg9[%dma_wait3A_362, %dma_wait3A_363] : memref<4096x128xf32, #tpu.memory_space<hbm>> -> memref<4096x128xf32, #tpu.memory_space<hbm>>
        tpu.wait_indirect_dma semaphore(%arg19 : memref<!tpu.dma_semaphore, #tpu.memory_space<semaphore_mem>>) src(%dma_wait3A_364 : memref<4096x128xf32, #tpu.memory_space<hbm>>) dst(%arg16 : memref<128x128xf32, #tpu.memory_space<vmem>>)
        %dma_start3A_365 = arith.constant 0 : i32
        %dma_start3A_366 = tpu.memref_slice %arg14[%while3A_352, %dma_start3A_365] : memref<25x128xi32, #tpu.memory_space<vmem>> -> memref<1x128xi32, #tpu.memory_space<vmem>>
        %dma_start3A_367 = tpu.memref_squeeze %dma_start3A_366 : memref<1x128xi32, #tpu.memory_space<vmem>> -> memref<128xi32, #tpu.memory_space<vmem>>
        %dma_start3A_368 = arith.constant 0 : i32
        %dma_start3A_369 = arith.constant 0 : i32
        %dma_start3A_370 = tpu.memref_slice %arg11[%dma_start3A_368, %dma_start3A_369] : memref<100000x128xf32, #tpu.memory_space<hbm>> -> memref<100000x128xf32, #tpu.memory_space<hbm>>
        tpu.enqueue_indirect_dma source(%arg16 : memref<128x128xf32, #tpu.memory_space<vmem>>) target(%dma_start3A_370 : memref<100000x128xf32, #tpu.memory_space<hbm>>) offsets(%dma_start3A_367 : memref<128xi32, #tpu.memory_space<vmem>>) semaphore(%arg19 : memref<!tpu.dma_semaphore, #tpu.memory_space<semaphore_mem>>)
        %dma_wait3A_371 = arith.constant 0 : i32
        %dma_wait3A_372 = tpu.memref_slice %arg14[%while3A_352, %dma_wait3A_371] : memref<25x128xi32, #tpu.memory_space<vmem>> -> memref<1x128xi32, #tpu.memory_space<vmem>>
        %dma_wait3A_373 = tpu.memref_squeeze %dma_wait3A_372 : memref<1x128xi32, #tpu.memory_space<vmem>> -> memref<128xi32, #tpu.memory_space<vmem>>
        %dma_wait3A_374 = arith.constant 0 : i32
        %dma_wait3A_375 = arith.constant 0 : i32
        %dma_wait3A_376 = tpu.memref_slice %arg11[%dma_wait3A_374, %dma_wait3A_375] : memref<100000x128xf32, #tpu.memory_space<hbm>> -> memref<100000x128xf32, #tpu.memory_space<hbm>>
        tpu.wait_indirect_dma semaphore(%arg19 : memref<!tpu.dma_semaphore, #tpu.memory_space<semaphore_mem>>) src(%arg16 : memref<128x128xf32, #tpu.memory_space<vmem>>) dst(%dma_wait3A_376 : memref<100000x128xf32, #tpu.memory_space<hbm>>)
      }
    } else {
    }
    return
  }
}

module attributes {stable_mosaic.version = 14 : i64} {
  func.func @keep_body(%arg0: memref<1x4096xi32, #tpu.memory_space<vmem>>, %arg1: memref<4096x1xi32, #tpu.memory_space<vmem>>, %arg2: memref<4096x1xi32, #tpu.memory_space<vmem>>) attributes {dimension_semantics = [], scalar_prefetch = 0 : i64, scratch_operands = 0 : i64, tpu.core_type = #tpu.core_type<tc>} {
    %get3A = arith.constant 0 : index
    %get3A_0 = arith.constant 0 : index
    %get3A_1 = vector.load %arg0[%get3A, %get3A_0] : memref<1x4096xi32, #tpu.memory_space<vmem>>, vector<1x4096xi32>
    %iota3A = tpu.iota {dimensions = array<i32: 1>} : vector<128x128xi32>
    %iota3A_2 = tpu.iota {dimensions = array<i32: 0>} : vector<128x128xi32>
    %gt3A = arith.cmpi sgt, %iota3A, %iota3A_2 : vector<128x128xi32>
    %get3A_3 = arith.constant 0 : index
    %get3A_4 = arith.constant 0 : index
    %get3A_5 = vector.load %arg1[%get3A_3, %get3A_4] : memref<4096x1xi32, #tpu.memory_space<vmem>>, vector<128x1xi32>
    %slice3A = vector.extract_strided_slice %get3A_1 {offsets = [0, 0], sizes = [1, 128], strides = [1, 1]} : vector<1x4096xi32> to vector<1x128xi32>
    %eq3A = vector.broadcast %slice3A : vector<1x128xi32> to vector<128x128xi32>
    %eq3A_6 = vector.broadcast %get3A_5 : vector<128x1xi32> to vector<128x128xi32>
    %eq3A_7 = arith.cmpi eq, %eq3A, %eq3A_6 : vector<128x128xi32>
    %and3A = arith.andi %eq3A_7, %gt3A : vector<128x128xi1>
    %reduce_or3A = arith.constant 1.000000e+00 : f32
    %reduce_or3A_8 = arith.constant 0.000000e+00 : f32
    %reduce_or3A_9 = vector.broadcast %reduce_or3A : f32 to vector<128x128xf32>
    %reduce_or3A_10 = vector.broadcast %reduce_or3A_8 : f32 to vector<128x128xf32>
    %reduce_or3A_11 = arith.select %and3A, %reduce_or3A_9, %reduce_or3A_10 : vector<128x128xi1>, vector<128x128xf32>
    %reduce_or3A_12 = arith.constant dense<0xFF800000> : vector<128xf32>
    %reduce_or3A_13 = vector.multi_reduction <maximumf>, %reduce_or3A_11, %reduce_or3A_12 [1] : vector<128x128xf32> to vector<128xf32>
    %reduce_or3A_14 = arith.constant 0.000000e+00 : f32
    %reduce_or3A_15 = vector.broadcast %reduce_or3A_14 : f32 to vector<128xf32>
    %reduce_or3A_16 = arith.cmpf ogt, %reduce_or3A_13, %reduce_or3A_15 : vector<128xf32>
    %broadcast_in_dim3A = vector.shape_cast %reduce_or3A_16 : vector<128xi1> to vector<128x1xi1>
    %slice3A_17 = vector.extract_strided_slice %get3A_1 {offsets = [0, 128], sizes = [1, 3968], strides = [1, 1]} : vector<1x4096xi32> to vector<1x3968xi32>
    %eq3A_18 = vector.broadcast %slice3A_17 : vector<1x3968xi32> to vector<128x3968xi32>
    %eq3A_19 = vector.broadcast %get3A_5 : vector<128x1xi32> to vector<128x3968xi32>
    %eq3A_20 = arith.cmpi eq, %eq3A_18, %eq3A_19 : vector<128x3968xi32>
    %reduce_or3A_21 = arith.constant 1.000000e+00 : f32
    %reduce_or3A_22 = arith.constant 0.000000e+00 : f32
    %reduce_or3A_23 = vector.broadcast %reduce_or3A_21 : f32 to vector<128x3968xf32>
    %reduce_or3A_24 = vector.broadcast %reduce_or3A_22 : f32 to vector<128x3968xf32>
    %reduce_or3A_25 = arith.select %eq3A_20, %reduce_or3A_23, %reduce_or3A_24 : vector<128x3968xi1>, vector<128x3968xf32>
    %reduce_or3A_26 = arith.constant dense<0xFF800000> : vector<128xf32>
    %reduce_or3A_27 = vector.multi_reduction <maximumf>, %reduce_or3A_25, %reduce_or3A_26 [1] : vector<128x3968xf32> to vector<128xf32>
    %reduce_or3A_28 = arith.constant 0.000000e+00 : f32
    %reduce_or3A_29 = vector.broadcast %reduce_or3A_28 : f32 to vector<128xf32>
    %reduce_or3A_30 = arith.cmpf ogt, %reduce_or3A_27, %reduce_or3A_29 : vector<128xf32>
    %broadcast_in_dim3A_31 = vector.shape_cast %reduce_or3A_30 : vector<128xi1> to vector<128x1xi1>
    %or3A = arith.ori %broadcast_in_dim3A, %broadcast_in_dim3A_31 : vector<128x1xi1>
    %convert_element_type3A = arith.extui %or3A : vector<128x1xi1> to vector<128x1xi32>
    %sub3A = arith.constant 1 : i32
    %sub3A_32 = vector.broadcast %sub3A : i32 to vector<128x1xi32>
    %sub3A_33 = arith.subi %sub3A_32, %convert_element_type3A : vector<128x1xi32>
    %swap3A = arith.constant 0 : index
    %swap3A_34 = arith.constant 0 : index
    %swap3A_35 = vector.load %arg2[%swap3A, %swap3A_34] : memref<4096x1xi32, #tpu.memory_space<vmem>>, vector<128x1xi32>
    tpu.vector_store %arg2[%swap3A, %swap3A_34], %sub3A_33 {strides = array<i32>} : memref<4096x1xi32, #tpu.memory_space<vmem>>, vector<128x1xi32>,
    %get3A_36 = arith.constant 128 : index
    %get3A_37 = arith.constant 0 : index
    %get3A_38 = vector.load %arg1[%get3A_36, %get3A_37] : memref<4096x1xi32, #tpu.memory_space<vmem>>, vector<128x1xi32>
    %slice3A_39 = vector.extract_strided_slice %get3A_1 {offsets = [0, 128], sizes = [1, 128], strides = [1, 1]} : vector<1x4096xi32> to vector<1x128xi32>
    %eq3A_40 = vector.broadcast %slice3A_39 : vector<1x128xi32> to vector<128x128xi32>
    %eq3A_41 = vector.broadcast %get3A_38 : vector<128x1xi32> to vector<128x128xi32>
    %eq3A_42 = arith.cmpi eq, %eq3A_40, %eq3A_41 : vector<128x128xi32>
    %and3A_43 = arith.andi %eq3A_42, %gt3A : vector<128x128xi1>
    %reduce_or3A_44 = arith.constant 1.000000e+00 : f32
    %reduce_or3A_45 = arith.constant 0.000000e+00 : f32
    %reduce_or3A_46 = vector.broadcast %reduce_or3A_44 : f32 to vector<128x128xf32>
    %reduce_or3A_47 = vector.broadcast %reduce_or3A_45 : f32 to vector<128x128xf32>
    %reduce_or3A_48 = arith.select %and3A_43, %reduce_or3A_46, %reduce_or3A_47 : vector<128x128xi1>, vector<128x128xf32>
    %reduce_or3A_49 = arith.constant dense<0xFF800000> : vector<128xf32>
    %reduce_or3A_50 = vector.multi_reduction <maximumf>, %reduce_or3A_48, %reduce_or3A_49 [1] : vector<128x128xf32> to vector<128xf32>
    %reduce_or3A_51 = arith.constant 0.000000e+00 : f32
    %reduce_or3A_52 = vector.broadcast %reduce_or3A_51 : f32 to vector<128xf32>
    %reduce_or3A_53 = arith.cmpf ogt, %reduce_or3A_50, %reduce_or3A_52 : vector<128xf32>
    %broadcast_in_dim3A_54 = vector.shape_cast %reduce_or3A_53 : vector<128xi1> to vector<128x1xi1>
    %slice3A_55 = vector.extract_strided_slice %get3A_1 {offsets = [0, 256], sizes = [1, 3840], strides = [1, 1]} : vector<1x4096xi32> to vector<1x3840xi32>
    %eq3A_56 = vector.broadcast %slice3A_55 : vector<1x3840xi32> to vector<128x3840xi32>
    %eq3A_57 = vector.broadcast %get3A_38 : vector<128x1xi32> to vector<128x3840xi32>
    %eq3A_58 = arith.cmpi eq, %eq3A_56, %eq3A_57 : vector<128x3840xi32>
    %reduce_or3A_59 = arith.constant 1.000000e+00 : f32
    %reduce_or3A_60 = arith.constant 0.000000e+00 : f32
    %reduce_or3A_61 = vector.broadcast %reduce_or3A_59 : f32 to vector<128x3840xf32>
    %reduce_or3A_62 = vector.broadcast %reduce_or3A_60 : f32 to vector<128x3840xf32>
    %reduce_or3A_63 = arith.select %eq3A_58, %reduce_or3A_61, %reduce_or3A_62 : vector<128x3840xi1>, vector<128x3840xf32>
    %reduce_or3A_64 = arith.constant dense<0xFF800000> : vector<128xf32>
    %reduce_or3A_65 = vector.multi_reduction <maximumf>, %reduce_or3A_63, %reduce_or3A_64 [1] : vector<128x3840xf32> to vector<128xf32>
    %reduce_or3A_66 = arith.constant 0.000000e+00 : f32
    %reduce_or3A_67 = vector.broadcast %reduce_or3A_66 : f32 to vector<128xf32>
    %reduce_or3A_68 = arith.cmpf ogt, %reduce_or3A_65, %reduce_or3A_67 : vector<128xf32>
    %broadcast_in_dim3A_69 = vector.shape_cast %reduce_or3A_68 : vector<128xi1> to vector<128x1xi1>
    %or3A_70 = arith.ori %broadcast_in_dim3A_54, %broadcast_in_dim3A_69 : vector<128x1xi1>
    %convert_element_type3A_71 = arith.extui %or3A_70 : vector<128x1xi1> to vector<128x1xi32>
    %sub3A_72 = arith.constant 1 : i32
    %sub3A_73 = vector.broadcast %sub3A_72 : i32 to vector<128x1xi32>
    %sub3A_74 = arith.subi %sub3A_73, %convert_element_type3A_71 : vector<128x1xi32>
    %swap3A_75 = arith.constant 128 : index
    %swap3A_76 = arith.constant 0 : index
    %swap3A_77 = vector.load %arg2[%swap3A_75, %swap3A_76] : memref<4096x1xi32, #tpu.memory_space<vmem>>, vector<128x1xi32>
    tpu.vector_store %arg2[%swap3A_75, %swap3A_76], %sub3A_74 {strides = array<i32>} : memref<4096x1xi32, #tpu.memory_space<vmem>>, vector<128x1xi32>,
    %get3A_78 = arith.constant 256 : index
    %get3A_79 = arith.constant 0 : index
    %get3A_80 = vector.load %arg1[%get3A_78, %get3A_79] : memref<4096x1xi32, #tpu.memory_space<vmem>>, vector<128x1xi32>
    %slice3A_81 = vector.extract_strided_slice %get3A_1 {offsets = [0, 256], sizes = [1, 128], strides = [1, 1]} : vector<1x4096xi32> to vector<1x128xi32>
    %eq3A_82 = vector.broadcast %slice3A_81 : vector<1x128xi32> to vector<128x128xi32>
    %eq3A_83 = vector.broadcast %get3A_80 : vector<128x1xi32> to vector<128x128xi32>
    %eq3A_84 = arith.cmpi eq, %eq3A_82, %eq3A_83 : vector<128x128xi32>
    %and3A_85 = arith.andi %eq3A_84, %gt3A : vector<128x128xi1>
    %reduce_or3A_86 = arith.constant 1.000000e+00 : f32
    %reduce_or3A_87 = arith.constant 0.000000e+00 : f32
    %reduce_or3A_88 = vector.broadcast %reduce_or3A_86 : f32 to vector<128x128xf32>
    %reduce_or3A_89 = vector.broadcast %reduce_or3A_87 : f32 to vector<128x128xf32>
    %reduce_or3A_90 = arith.select %and3A_85, %reduce_or3A_88, %reduce_or3A_89 : vector<128x128xi1>, vector<128x128xf32>
    %reduce_or3A_91 = arith.constant dense<0xFF800000> : vector<128xf32>
    %reduce_or3A_92 = vector.multi_reduction <maximumf>, %reduce_or3A_90, %reduce_or3A_91 [1] : vector<128x128xf32> to vector<128xf32>
    %reduce_or3A_93 = arith.constant 0.000000e+00 : f32
    %reduce_or3A_94 = vector.broadcast %reduce_or3A_93 : f32 to vector<128xf32>
    %reduce_or3A_95 = arith.cmpf ogt, %reduce_or3A_92, %reduce_or3A_94 : vector<128xf32>
    %broadcast_in_dim3A_96 = vector.shape_cast %reduce_or3A_95 : vector<128xi1> to vector<128x1xi1>
    %slice3A_97 = vector.extract_strided_slice %get3A_1 {offsets = [0, 384], sizes = [1, 3712], strides = [1, 1]} : vector<1x4096xi32> to vector<1x3712xi32>
    %eq3A_98 = vector.broadcast %slice3A_97 : vector<1x3712xi32> to vector<128x3712xi32>
    %eq3A_99 = vector.broadcast %get3A_80 : vector<128x1xi32> to vector<128x3712xi32>
    %eq3A_100 = arith.cmpi eq, %eq3A_98, %eq3A_99 : vector<128x3712xi32>
    %reduce_or3A_101 = arith.constant 1.000000e+00 : f32
    %reduce_or3A_102 = arith.constant 0.000000e+00 : f32
    %reduce_or3A_103 = vector.broadcast %reduce_or3A_101 : f32 to vector<128x3712xf32>
    %reduce_or3A_104 = vector.broadcast %reduce_or3A_102 : f32 to vector<128x3712xf32>
    %reduce_or3A_105 = arith.select %eq3A_100, %reduce_or3A_103, %reduce_or3A_104 : vector<128x3712xi1>, vector<128x3712xf32>
    %reduce_or3A_106 = arith.constant dense<0xFF800000> : vector<128xf32>
    %reduce_or3A_107 = vector.multi_reduction <maximumf>, %reduce_or3A_105, %reduce_or3A_106 [1] : vector<128x3712xf32> to vector<128xf32>
    %reduce_or3A_108 = arith.constant 0.000000e+00 : f32
    %reduce_or3A_109 = vector.broadcast %reduce_or3A_108 : f32 to vector<128xf32>
    %reduce_or3A_110 = arith.cmpf ogt, %reduce_or3A_107, %reduce_or3A_109 : vector<128xf32>
    %broadcast_in_dim3A_111 = vector.shape_cast %reduce_or3A_110 : vector<128xi1> to vector<128x1xi1>
    %or3A_112 = arith.ori %broadcast_in_dim3A_96, %broadcast_in_dim3A_111 : vector<128x1xi1>
    %convert_element_type3A_113 = arith.extui %or3A_112 : vector<128x1xi1> to vector<128x1xi32>
    %sub3A_114 = arith.constant 1 : i32
    %sub3A_115 = vector.broadcast %sub3A_114 : i32 to vector<128x1xi32>
    %sub3A_116 = arith.subi %sub3A_115, %convert_element_type3A_113 : vector<128x1xi32>
    %swap3A_117 = arith.constant 256 : index
    %swap3A_118 = arith.constant 0 : index
    %swap3A_119 = vector.load %arg2[%swap3A_117, %swap3A_118] : memref<4096x1xi32, #tpu.memory_space<vmem>>, vector<128x1xi32>
    tpu.vector_store %arg2[%swap3A_117, %swap3A_118], %sub3A_116 {strides = array<i32>} : memref<4096x1xi32, #tpu.memory_space<vmem>>, vector<128x1xi32>,
    %get3A_120 = arith.constant 384 : index
    %get3A_121 = arith.constant 0 : index
    %get3A_122 = vector.load %arg1[%get3A_120, %get3A_121] : memref<4096x1xi32, #tpu.memory_space<vmem>>, vector<128x1xi32>
    %slice3A_123 = vector.extract_strided_slice %get3A_1 {offsets = [0, 384], sizes = [1, 128], strides = [1, 1]} : vector<1x4096xi32> to vector<1x128xi32>
    %eq3A_124 = vector.broadcast %slice3A_123 : vector<1x128xi32> to vector<128x128xi32>
    %eq3A_125 = vector.broadcast %get3A_122 : vector<128x1xi32> to vector<128x128xi32>
    %eq3A_126 = arith.cmpi eq, %eq3A_124, %eq3A_125 : vector<128x128xi32>
    %and3A_127 = arith.andi %eq3A_126, %gt3A : vector<128x128xi1>
    %reduce_or3A_128 = arith.constant 1.000000e+00 : f32
    %reduce_or3A_129 = arith.constant 0.000000e+00 : f32
    %reduce_or3A_130 = vector.broadcast %reduce_or3A_128 : f32 to vector<128x128xf32>
    %reduce_or3A_131 = vector.broadcast %reduce_or3A_129 : f32 to vector<128x128xf32>
    %reduce_or3A_132 = arith.select %and3A_127, %reduce_or3A_130, %reduce_or3A_131 : vector<128x128xi1>, vector<128x128xf32>
    %reduce_or3A_133 = arith.constant dense<0xFF800000> : vector<128xf32>
    %reduce_or3A_134 = vector.multi_reduction <maximumf>, %reduce_or3A_132, %reduce_or3A_133 [1] : vector<128x128xf32> to vector<128xf32>
    %reduce_or3A_135 = arith.constant 0.000000e+00 : f32
    %reduce_or3A_136 = vector.broadcast %reduce_or3A_135 : f32 to vector<128xf32>
    %reduce_or3A_137 = arith.cmpf ogt, %reduce_or3A_134, %reduce_or3A_136 : vector<128xf32>
    %broadcast_in_dim3A_138 = vector.shape_cast %reduce_or3A_137 : vector<128xi1> to vector<128x1xi1>
    %slice3A_139 = vector.extract_strided_slice %get3A_1 {offsets = [0, 512], sizes = [1, 3584], strides = [1, 1]} : vector<1x4096xi32> to vector<1x3584xi32>
    %eq3A_140 = vector.broadcast %slice3A_139 : vector<1x3584xi32> to vector<128x3584xi32>
    %eq3A_141 = vector.broadcast %get3A_122 : vector<128x1xi32> to vector<128x3584xi32>
    %eq3A_142 = arith.cmpi eq, %eq3A_140, %eq3A_141 : vector<128x3584xi32>
    %reduce_or3A_143 = arith.constant 1.000000e+00 : f32
    %reduce_or3A_144 = arith.constant 0.000000e+00 : f32
    %reduce_or3A_145 = vector.broadcast %reduce_or3A_143 : f32 to vector<128x3584xf32>
    %reduce_or3A_146 = vector.broadcast %reduce_or3A_144 : f32 to vector<128x3584xf32>
    %reduce_or3A_147 = arith.select %eq3A_142, %reduce_or3A_145, %reduce_or3A_146 : vector<128x3584xi1>, vector<128x3584xf32>
    %reduce_or3A_148 = arith.constant dense<0xFF800000> : vector<128xf32>
    %reduce_or3A_149 = vector.multi_reduction <maximumf>, %reduce_or3A_147, %reduce_or3A_148 [1] : vector<128x3584xf32> to vector<128xf32>
    %reduce_or3A_150 = arith.constant 0.000000e+00 : f32
    %reduce_or3A_151 = vector.broadcast %reduce_or3A_150 : f32 to vector<128xf32>
    %reduce_or3A_152 = arith.cmpf ogt, %reduce_or3A_149, %reduce_or3A_151 : vector<128xf32>
    %broadcast_in_dim3A_153 = vector.shape_cast %reduce_or3A_152 : vector<128xi1> to vector<128x1xi1>
    %or3A_154 = arith.ori %broadcast_in_dim3A_138, %broadcast_in_dim3A_153 : vector<128x1xi1>
    %convert_element_type3A_155 = arith.extui %or3A_154 : vector<128x1xi1> to vector<128x1xi32>
    %sub3A_156 = arith.constant 1 : i32
    %sub3A_157 = vector.broadcast %sub3A_156 : i32 to vector<128x1xi32>
    %sub3A_158 = arith.subi %sub3A_157, %convert_element_type3A_155 : vector<128x1xi32>
    %swap3A_159 = arith.constant 384 : index
    %swap3A_160 = arith.constant 0 : index
    %swap3A_161 = vector.load %arg2[%swap3A_159, %swap3A_160] : memref<4096x1xi32, #tpu.memory_space<vmem>>, vector<128x1xi32>
    tpu.vector_store %arg2[%swap3A_159, %swap3A_160], %sub3A_158 {strides = array<i32>} : memref<4096x1xi32, #tpu.memory_space<vmem>>, vector<128x1xi32>,
    %get3A_162 = arith.constant 512 : index
    %get3A_163 = arith.constant 0 : index
    %get3A_164 = vector.load %arg1[%get3A_162, %get3A_163] : memref<4096x1xi32, #tpu.memory_space<vmem>>, vector<128x1xi32>
    %slice3A_165 = vector.extract_strided_slice %get3A_1 {offsets = [0, 512], sizes = [1, 128], strides = [1, 1]} : vector<1x4096xi32> to vector<1x128xi32>
    %eq3A_166 = vector.broadcast %slice3A_165 : vector<1x128xi32> to vector<128x128xi32>
    %eq3A_167 = vector.broadcast %get3A_164 : vector<128x1xi32> to vector<128x128xi32>
    %eq3A_168 = arith.cmpi eq, %eq3A_166, %eq3A_167 : vector<128x128xi32>
    %and3A_169 = arith.andi %eq3A_168, %gt3A : vector<128x128xi1>
    %reduce_or3A_170 = arith.constant 1.000000e+00 : f32
    %reduce_or3A_171 = arith.constant 0.000000e+00 : f32
    %reduce_or3A_172 = vector.broadcast %reduce_or3A_170 : f32 to vector<128x128xf32>
    %reduce_or3A_173 = vector.broadcast %reduce_or3A_171 : f32 to vector<128x128xf32>
    %reduce_or3A_174 = arith.select %and3A_169, %reduce_or3A_172, %reduce_or3A_173 : vector<128x128xi1>, vector<128x128xf32>
    %reduce_or3A_175 = arith.constant dense<0xFF800000> : vector<128xf32>
    %reduce_or3A_176 = vector.multi_reduction <maximumf>, %reduce_or3A_174, %reduce_or3A_175 [1] : vector<128x128xf32> to vector<128xf32>
    %reduce_or3A_177 = arith.constant 0.000000e+00 : f32
    %reduce_or3A_178 = vector.broadcast %reduce_or3A_177 : f32 to vector<128xf32>
    %reduce_or3A_179 = arith.cmpf ogt, %reduce_or3A_176, %reduce_or3A_178 : vector<128xf32>
    %broadcast_in_dim3A_180 = vector.shape_cast %reduce_or3A_179 : vector<128xi1> to vector<128x1xi1>
    %slice3A_181 = vector.extract_strided_slice %get3A_1 {offsets = [0, 640], sizes = [1, 3456], strides = [1, 1]} : vector<1x4096xi32> to vector<1x3456xi32>
    %eq3A_182 = vector.broadcast %slice3A_181 : vector<1x3456xi32> to vector<128x3456xi32>
    %eq3A_183 = vector.broadcast %get3A_164 : vector<128x1xi32> to vector<128x3456xi32>
    %eq3A_184 = arith.cmpi eq, %eq3A_182, %eq3A_183 : vector<128x3456xi32>
    %reduce_or3A_185 = arith.constant 1.000000e+00 : f32
    %reduce_or3A_186 = arith.constant 0.000000e+00 : f32
    %reduce_or3A_187 = vector.broadcast %reduce_or3A_185 : f32 to vector<128x3456xf32>
    %reduce_or3A_188 = vector.broadcast %reduce_or3A_186 : f32 to vector<128x3456xf32>
    %reduce_or3A_189 = arith.select %eq3A_184, %reduce_or3A_187, %reduce_or3A_188 : vector<128x3456xi1>, vector<128x3456xf32>
    %reduce_or3A_190 = arith.constant dense<0xFF800000> : vector<128xf32>
    %reduce_or3A_191 = vector.multi_reduction <maximumf>, %reduce_or3A_189, %reduce_or3A_190 [1] : vector<128x3456xf32> to vector<128xf32>
    %reduce_or3A_192 = arith.constant 0.000000e+00 : f32
    %reduce_or3A_193 = vector.broadcast %reduce_or3A_192 : f32 to vector<128xf32>
    %reduce_or3A_194 = arith.cmpf ogt, %reduce_or3A_191, %reduce_or3A_193 : vector<128xf32>
    %broadcast_in_dim3A_195 = vector.shape_cast %reduce_or3A_194 : vector<128xi1> to vector<128x1xi1>
    %or3A_196 = arith.ori %broadcast_in_dim3A_180, %broadcast_in_dim3A_195 : vector<128x1xi1>
    %convert_element_type3A_197 = arith.extui %or3A_196 : vector<128x1xi1> to vector<128x1xi32>
    %sub3A_198 = arith.constant 1 : i32
    %sub3A_199 = vector.broadcast %sub3A_198 : i32 to vector<128x1xi32>
    %sub3A_200 = arith.subi %sub3A_199, %convert_element_type3A_197 : vector<128x1xi32>
    %swap3A_201 = arith.constant 512 : index
    %swap3A_202 = arith.constant 0 : index
    %swap3A_203 = vector.load %arg2[%swap3A_201, %swap3A_202] : memref<4096x1xi32, #tpu.memory_space<vmem>>, vector<128x1xi32>
    tpu.vector_store %arg2[%swap3A_201, %swap3A_202], %sub3A_200 {strides = array<i32>} : memref<4096x1xi32, #tpu.memory_space<vmem>>, vector<128x1xi32>,
    %get3A_204 = arith.constant 640 : index
    %get3A_205 = arith.constant 0 : index
    %get3A_206 = vector.load %arg1[%get3A_204, %get3A_205] : memref<4096x1xi32, #tpu.memory_space<vmem>>, vector<128x1xi32>
    %slice3A_207 = vector.extract_strided_slice %get3A_1 {offsets = [0, 640], sizes = [1, 128], strides = [1, 1]} : vector<1x4096xi32> to vector<1x128xi32>
    %eq3A_208 = vector.broadcast %slice3A_207 : vector<1x128xi32> to vector<128x128xi32>
    %eq3A_209 = vector.broadcast %get3A_206 : vector<128x1xi32> to vector<128x128xi32>
    %eq3A_210 = arith.cmpi eq, %eq3A_208, %eq3A_209 : vector<128x128xi32>
    %and3A_211 = arith.andi %eq3A_210, %gt3A : vector<128x128xi1>
    %reduce_or3A_212 = arith.constant 1.000000e+00 : f32
    %reduce_or3A_213 = arith.constant 0.000000e+00 : f32
    %reduce_or3A_214 = vector.broadcast %reduce_or3A_212 : f32 to vector<128x128xf32>
    %reduce_or3A_215 = vector.broadcast %reduce_or3A_213 : f32 to vector<128x128xf32>
    %reduce_or3A_216 = arith.select %and3A_211, %reduce_or3A_214, %reduce_or3A_215 : vector<128x128xi1>, vector<128x128xf32>
    %reduce_or3A_217 = arith.constant dense<0xFF800000> : vector<128xf32>
    %reduce_or3A_218 = vector.multi_reduction <maximumf>, %reduce_or3A_216, %reduce_or3A_217 [1] : vector<128x128xf32> to vector<128xf32>
    %reduce_or3A_219 = arith.constant 0.000000e+00 : f32
    %reduce_or3A_220 = vector.broadcast %reduce_or3A_219 : f32 to vector<128xf32>
    %reduce_or3A_221 = arith.cmpf ogt, %reduce_or3A_218, %reduce_or3A_220 : vector<128xf32>
    %broadcast_in_dim3A_222 = vector.shape_cast %reduce_or3A_221 : vector<128xi1> to vector<128x1xi1>
    %slice3A_223 = vector.extract_strided_slice %get3A_1 {offsets = [0, 768], sizes = [1, 3328], strides = [1, 1]} : vector<1x4096xi32> to vector<1x3328xi32>
    %eq3A_224 = vector.broadcast %slice3A_223 : vector<1x3328xi32> to vector<128x3328xi32>
    %eq3A_225 = vector.broadcast %get3A_206 : vector<128x1xi32> to vector<128x3328xi32>
    %eq3A_226 = arith.cmpi eq, %eq3A_224, %eq3A_225 : vector<128x3328xi32>
    %reduce_or3A_227 = arith.constant 1.000000e+00 : f32
    %reduce_or3A_228 = arith.constant 0.000000e+00 : f32
    %reduce_or3A_229 = vector.broadcast %reduce_or3A_227 : f32 to vector<128x3328xf32>
    %reduce_or3A_230 = vector.broadcast %reduce_or3A_228 : f32 to vector<128x3328xf32>
    %reduce_or3A_231 = arith.select %eq3A_226, %reduce_or3A_229, %reduce_or3A_230 : vector<128x3328xi1>, vector<128x3328xf32>
    %reduce_or3A_232 = arith.constant dense<0xFF800000> : vector<128xf32>
    %reduce_or3A_233 = vector.multi_reduction <maximumf>, %reduce_or3A_231, %reduce_or3A_232 [1] : vector<128x3328xf32> to vector<128xf32>
    %reduce_or3A_234 = arith.constant 0.000000e+00 : f32
    %reduce_or3A_235 = vector.broadcast %reduce_or3A_234 : f32 to vector<128xf32>
    %reduce_or3A_236 = arith.cmpf ogt, %reduce_or3A_233, %reduce_or3A_235 : vector<128xf32>
    %broadcast_in_dim3A_237 = vector.shape_cast %reduce_or3A_236 : vector<128xi1> to vector<128x1xi1>
    %or3A_238 = arith.ori %broadcast_in_dim3A_222, %broadcast_in_dim3A_237 : vector<128x1xi1>
    %convert_element_type3A_239 = arith.extui %or3A_238 : vector<128x1xi1> to vector<128x1xi32>
    %sub3A_240 = arith.constant 1 : i32
    %sub3A_241 = vector.broadcast %sub3A_240 : i32 to vector<128x1xi32>
    %sub3A_242 = arith.subi %sub3A_241, %convert_element_type3A_239 : vector<128x1xi32>
    %swap3A_243 = arith.constant 640 : index
    %swap3A_244 = arith.constant 0 : index
    %swap3A_245 = vector.load %arg2[%swap3A_243, %swap3A_244] : memref<4096x1xi32, #tpu.memory_space<vmem>>, vector<128x1xi32>
    tpu.vector_store %arg2[%swap3A_243, %swap3A_244], %sub3A_242 {strides = array<i32>} : memref<4096x1xi32, #tpu.memory_space<vmem>>, vector<128x1xi32>,
    %get3A_246 = arith.constant 768 : index
    %get3A_247 = arith.constant 0 : index
    %get3A_248 = vector.load %arg1[%get3A_246, %get3A_247] : memref<4096x1xi32, #tpu.memory_space<vmem>>, vector<128x1xi32>
    %slice3A_249 = vector.extract_strided_slice %get3A_1 {offsets = [0, 768], sizes = [1, 128], strides = [1, 1]} : vector<1x4096xi32> to vector<1x128xi32>
    %eq3A_250 = vector.broadcast %slice3A_249 : vector<1x128xi32> to vector<128x128xi32>
    %eq3A_251 = vector.broadcast %get3A_248 : vector<128x1xi32> to vector<128x128xi32>
    %eq3A_252 = arith.cmpi eq, %eq3A_250, %eq3A_251 : vector<128x128xi32>
    %and3A_253 = arith.andi %eq3A_252, %gt3A : vector<128x128xi1>
    %reduce_or3A_254 = arith.constant 1.000000e+00 : f32
    %reduce_or3A_255 = arith.constant 0.000000e+00 : f32
    %reduce_or3A_256 = vector.broadcast %reduce_or3A_254 : f32 to vector<128x128xf32>
    %reduce_or3A_257 = vector.broadcast %reduce_or3A_255 : f32 to vector<128x128xf32>
    %reduce_or3A_258 = arith.select %and3A_253, %reduce_or3A_256, %reduce_or3A_257 : vector<128x128xi1>, vector<128x128xf32>
    %reduce_or3A_259 = arith.constant dense<0xFF800000> : vector<128xf32>
    %reduce_or3A_260 = vector.multi_reduction <maximumf>, %reduce_or3A_258, %reduce_or3A_259 [1] : vector<128x128xf32> to vector<128xf32>
    %reduce_or3A_261 = arith.constant 0.000000e+00 : f32
    %reduce_or3A_262 = vector.broadcast %reduce_or3A_261 : f32 to vector<128xf32>
    %reduce_or3A_263 = arith.cmpf ogt, %reduce_or3A_260, %reduce_or3A_262 : vector<128xf32>
    %broadcast_in_dim3A_264 = vector.shape_cast %reduce_or3A_263 : vector<128xi1> to vector<128x1xi1>
    %slice3A_265 = vector.extract_strided_slice %get3A_1 {offsets = [0, 896], sizes = [1, 3200], strides = [1, 1]} : vector<1x4096xi32> to vector<1x3200xi32>
    %eq3A_266 = vector.broadcast %slice3A_265 : vector<1x3200xi32> to vector<128x3200xi32>
    %eq3A_267 = vector.broadcast %get3A_248 : vector<128x1xi32> to vector<128x3200xi32>
    %eq3A_268 = arith.cmpi eq, %eq3A_266, %eq3A_267 : vector<128x3200xi32>
    %reduce_or3A_269 = arith.constant 1.000000e+00 : f32
    %reduce_or3A_270 = arith.constant 0.000000e+00 : f32
    %reduce_or3A_271 = vector.broadcast %reduce_or3A_269 : f32 to vector<128x3200xf32>
    %reduce_or3A_272 = vector.broadcast %reduce_or3A_270 : f32 to vector<128x3200xf32>
    %reduce_or3A_273 = arith.select %eq3A_268, %reduce_or3A_271, %reduce_or3A_272 : vector<128x3200xi1>, vector<128x3200xf32>
    %reduce_or3A_274 = arith.constant dense<0xFF800000> : vector<128xf32>
    %reduce_or3A_275 = vector.multi_reduction <maximumf>, %reduce_or3A_273, %reduce_or3A_274 [1] : vector<128x3200xf32> to vector<128xf32>
    %reduce_or3A_276 = arith.constant 0.000000e+00 : f32
    %reduce_or3A_277 = vector.broadcast %reduce_or3A_276 : f32 to vector<128xf32>
    %reduce_or3A_278 = arith.cmpf ogt, %reduce_or3A_275, %reduce_or3A_277 : vector<128xf32>
    %broadcast_in_dim3A_279 = vector.shape_cast %reduce_or3A_278 : vector<128xi1> to vector<128x1xi1>
    %or3A_280 = arith.ori %broadcast_in_dim3A_264, %broadcast_in_dim3A_279 : vector<128x1xi1>
    %convert_element_type3A_281 = arith.extui %or3A_280 : vector<128x1xi1> to vector<128x1xi32>
    %sub3A_282 = arith.constant 1 : i32
    %sub3A_283 = vector.broadcast %sub3A_282 : i32 to vector<128x1xi32>
    %sub3A_284 = arith.subi %sub3A_283, %convert_element_type3A_281 : vector<128x1xi32>
    %swap3A_285 = arith.constant 768 : index
    %swap3A_286 = arith.constant 0 : index
    %swap3A_287 = vector.load %arg2[%swap3A_285, %swap3A_286] : memref<4096x1xi32, #tpu.memory_space<vmem>>, vector<128x1xi32>
    tpu.vector_store %arg2[%swap3A_285, %swap3A_286], %sub3A_284 {strides = array<i32>} : memref<4096x1xi32, #tpu.memory_space<vmem>>, vector<128x1xi32>,
    %get3A_288 = arith.constant 896 : index
    %get3A_289 = arith.constant 0 : index
    %get3A_290 = vector.load %arg1[%get3A_288, %get3A_289] : memref<4096x1xi32, #tpu.memory_space<vmem>>, vector<128x1xi32>
    %slice3A_291 = vector.extract_strided_slice %get3A_1 {offsets = [0, 896], sizes = [1, 128], strides = [1, 1]} : vector<1x4096xi32> to vector<1x128xi32>
    %eq3A_292 = vector.broadcast %slice3A_291 : vector<1x128xi32> to vector<128x128xi32>
    %eq3A_293 = vector.broadcast %get3A_290 : vector<128x1xi32> to vector<128x128xi32>
    %eq3A_294 = arith.cmpi eq, %eq3A_292, %eq3A_293 : vector<128x128xi32>
    %and3A_295 = arith.andi %eq3A_294, %gt3A : vector<128x128xi1>
    %reduce_or3A_296 = arith.constant 1.000000e+00 : f32
    %reduce_or3A_297 = arith.constant 0.000000e+00 : f32
    %reduce_or3A_298 = vector.broadcast %reduce_or3A_296 : f32 to vector<128x128xf32>
    %reduce_or3A_299 = vector.broadcast %reduce_or3A_297 : f32 to vector<128x128xf32>
    %reduce_or3A_300 = arith.select %and3A_295, %reduce_or3A_298, %reduce_or3A_299 : vector<128x128xi1>, vector<128x128xf32>
    %reduce_or3A_301 = arith.constant dense<0xFF800000> : vector<128xf32>
    %reduce_or3A_302 = vector.multi_reduction <maximumf>, %reduce_or3A_300, %reduce_or3A_301 [1] : vector<128x128xf32> to vector<128xf32>
    %reduce_or3A_303 = arith.constant 0.000000e+00 : f32
    %reduce_or3A_304 = vector.broadcast %reduce_or3A_303 : f32 to vector<128xf32>
    %reduce_or3A_305 = arith.cmpf ogt, %reduce_or3A_302, %reduce_or3A_304 : vector<128xf32>
    %broadcast_in_dim3A_306 = vector.shape_cast %reduce_or3A_305 : vector<128xi1> to vector<128x1xi1>
    %slice3A_307 = vector.extract_strided_slice %get3A_1 {offsets = [0, 1024], sizes = [1, 3072], strides = [1, 1]} : vector<1x4096xi32> to vector<1x3072xi32>
    %eq3A_308 = vector.broadcast %slice3A_307 : vector<1x3072xi32> to vector<128x3072xi32>
    %eq3A_309 = vector.broadcast %get3A_290 : vector<128x1xi32> to vector<128x3072xi32>
    %eq3A_310 = arith.cmpi eq, %eq3A_308, %eq3A_309 : vector<128x3072xi32>
    %reduce_or3A_311 = arith.constant 1.000000e+00 : f32
    %reduce_or3A_312 = arith.constant 0.000000e+00 : f32
    %reduce_or3A_313 = vector.broadcast %reduce_or3A_311 : f32 to vector<128x3072xf32>
    %reduce_or3A_314 = vector.broadcast %reduce_or3A_312 : f32 to vector<128x3072xf32>
    %reduce_or3A_315 = arith.select %eq3A_310, %reduce_or3A_313, %reduce_or3A_314 : vector<128x3072xi1>, vector<128x3072xf32>
    %reduce_or3A_316 = arith.constant dense<0xFF800000> : vector<128xf32>
    %reduce_or3A_317 = vector.multi_reduction <maximumf>, %reduce_or3A_315, %reduce_or3A_316 [1] : vector<128x3072xf32> to vector<128xf32>
    %reduce_or3A_318 = arith.constant 0.000000e+00 : f32
    %reduce_or3A_319 = vector.broadcast %reduce_or3A_318 : f32 to vector<128xf32>
    %reduce_or3A_320 = arith.cmpf ogt, %reduce_or3A_317, %reduce_or3A_319 : vector<128xf32>
    %broadcast_in_dim3A_321 = vector.shape_cast %reduce_or3A_320 : vector<128xi1> to vector<128x1xi1>
    %or3A_322 = arith.ori %broadcast_in_dim3A_306, %broadcast_in_dim3A_321 : vector<128x1xi1>
    %convert_element_type3A_323 = arith.extui %or3A_322 : vector<128x1xi1> to vector<128x1xi32>
    %sub3A_324 = arith.constant 1 : i32
    %sub3A_325 = vector.broadcast %sub3A_324 : i32 to vector<128x1xi32>
    %sub3A_326 = arith.subi %sub3A_325, %convert_element_type3A_323 : vector<128x1xi32>
    %swap3A_327 = arith.constant 896 : index
    %swap3A_328 = arith.constant 0 : index
    %swap3A_329 = vector.load %arg2[%swap3A_327, %swap3A_328] : memref<4096x1xi32, #tpu.memory_space<vmem>>, vector<128x1xi32>
    tpu.vector_store %arg2[%swap3A_327, %swap3A_328], %sub3A_326 {strides = array<i32>} : memref<4096x1xi32, #tpu.memory_space<vmem>>, vector<128x1xi32>,
    %get3A_330 = arith.constant 1024 : index
    %get3A_331 = arith.constant 0 : index
    %get3A_332 = vector.load %arg1[%get3A_330, %get3A_331] : memref<4096x1xi32, #tpu.memory_space<vmem>>, vector<128x1xi32>
    %slice3A_333 = vector.extract_strided_slice %get3A_1 {offsets = [0, 1024], sizes = [1, 128], strides = [1, 1]} : vector<1x4096xi32> to vector<1x128xi32>
    %eq3A_334 = vector.broadcast %slice3A_333 : vector<1x128xi32> to vector<128x128xi32>
    %eq3A_335 = vector.broadcast %get3A_332 : vector<128x1xi32> to vector<128x128xi32>
    %eq3A_336 = arith.cmpi eq, %eq3A_334, %eq3A_335 : vector<128x128xi32>
    %and3A_337 = arith.andi %eq3A_336, %gt3A : vector<128x128xi1>
    %reduce_or3A_338 = arith.constant 1.000000e+00 : f32
    %reduce_or3A_339 = arith.constant 0.000000e+00 : f32
    %reduce_or3A_340 = vector.broadcast %reduce_or3A_338 : f32 to vector<128x128xf32>
    %reduce_or3A_341 = vector.broadcast %reduce_or3A_339 : f32 to vector<128x128xf32>
    %reduce_or3A_342 = arith.select %and3A_337, %reduce_or3A_340, %reduce_or3A_341 : vector<128x128xi1>, vector<128x128xf32>
    %reduce_or3A_343 = arith.constant dense<0xFF800000> : vector<128xf32>
    %reduce_or3A_344 = vector.multi_reduction <maximumf>, %reduce_or3A_342, %reduce_or3A_343 [1] : vector<128x128xf32> to vector<128xf32>
    %reduce_or3A_345 = arith.constant 0.000000e+00 : f32
    %reduce_or3A_346 = vector.broadcast %reduce_or3A_345 : f32 to vector<128xf32>
    %reduce_or3A_347 = arith.cmpf ogt, %reduce_or3A_344, %reduce_or3A_346 : vector<128xf32>
    %broadcast_in_dim3A_348 = vector.shape_cast %reduce_or3A_347 : vector<128xi1> to vector<128x1xi1>
    %slice3A_349 = vector.extract_strided_slice %get3A_1 {offsets = [0, 1152], sizes = [1, 2944], strides = [1, 1]} : vector<1x4096xi32> to vector<1x2944xi32>
    %eq3A_350 = vector.broadcast %slice3A_349 : vector<1x2944xi32> to vector<128x2944xi32>
    %eq3A_351 = vector.broadcast %get3A_332 : vector<128x1xi32> to vector<128x2944xi32>
    %eq3A_352 = arith.cmpi eq, %eq3A_350, %eq3A_351 : vector<128x2944xi32>
    %reduce_or3A_353 = arith.constant 1.000000e+00 : f32
    %reduce_or3A_354 = arith.constant 0.000000e+00 : f32
    %reduce_or3A_355 = vector.broadcast %reduce_or3A_353 : f32 to vector<128x2944xf32>
    %reduce_or3A_356 = vector.broadcast %reduce_or3A_354 : f32 to vector<128x2944xf32>
    %reduce_or3A_357 = arith.select %eq3A_352, %reduce_or3A_355, %reduce_or3A_356 : vector<128x2944xi1>, vector<128x2944xf32>
    %reduce_or3A_358 = arith.constant dense<0xFF800000> : vector<128xf32>
    %reduce_or3A_359 = vector.multi_reduction <maximumf>, %reduce_or3A_357, %reduce_or3A_358 [1] : vector<128x2944xf32> to vector<128xf32>
    %reduce_or3A_360 = arith.constant 0.000000e+00 : f32
    %reduce_or3A_361 = vector.broadcast %reduce_or3A_360 : f32 to vector<128xf32>
    %reduce_or3A_362 = arith.cmpf ogt, %reduce_or3A_359, %reduce_or3A_361 : vector<128xf32>
    %broadcast_in_dim3A_363 = vector.shape_cast %reduce_or3A_362 : vector<128xi1> to vector<128x1xi1>
    %or3A_364 = arith.ori %broadcast_in_dim3A_348, %broadcast_in_dim3A_363 : vector<128x1xi1>
    %convert_element_type3A_365 = arith.extui %or3A_364 : vector<128x1xi1> to vector<128x1xi32>
    %sub3A_366 = arith.constant 1 : i32
    %sub3A_367 = vector.broadcast %sub3A_366 : i32 to vector<128x1xi32>
    %sub3A_368 = arith.subi %sub3A_367, %convert_element_type3A_365 : vector<128x1xi32>
    %swap3A_369 = arith.constant 1024 : index
    %swap3A_370 = arith.constant 0 : index
    %swap3A_371 = vector.load %arg2[%swap3A_369, %swap3A_370] : memref<4096x1xi32, #tpu.memory_space<vmem>>, vector<128x1xi32>
    tpu.vector_store %arg2[%swap3A_369, %swap3A_370], %sub3A_368 {strides = array<i32>} : memref<4096x1xi32, #tpu.memory_space<vmem>>, vector<128x1xi32>,
    %get3A_372 = arith.constant 1152 : index
    %get3A_373 = arith.constant 0 : index
    %get3A_374 = vector.load %arg1[%get3A_372, %get3A_373] : memref<4096x1xi32, #tpu.memory_space<vmem>>, vector<128x1xi32>
    %slice3A_375 = vector.extract_strided_slice %get3A_1 {offsets = [0, 1152], sizes = [1, 128], strides = [1, 1]} : vector<1x4096xi32> to vector<1x128xi32>
    %eq3A_376 = vector.broadcast %slice3A_375 : vector<1x128xi32> to vector<128x128xi32>
    %eq3A_377 = vector.broadcast %get3A_374 : vector<128x1xi32> to vector<128x128xi32>
    %eq3A_378 = arith.cmpi eq, %eq3A_376, %eq3A_377 : vector<128x128xi32>
    %and3A_379 = arith.andi %eq3A_378, %gt3A : vector<128x128xi1>
    %reduce_or3A_380 = arith.constant 1.000000e+00 : f32
    %reduce_or3A_381 = arith.constant 0.000000e+00 : f32
    %reduce_or3A_382 = vector.broadcast %reduce_or3A_380 : f32 to vector<128x128xf32>
    %reduce_or3A_383 = vector.broadcast %reduce_or3A_381 : f32 to vector<128x128xf32>
    %reduce_or3A_384 = arith.select %and3A_379, %reduce_or3A_382, %reduce_or3A_383 : vector<128x128xi1>, vector<128x128xf32>
    %reduce_or3A_385 = arith.constant dense<0xFF800000> : vector<128xf32>
    %reduce_or3A_386 = vector.multi_reduction <maximumf>, %reduce_or3A_384, %reduce_or3A_385 [1] : vector<128x128xf32> to vector<128xf32>
    %reduce_or3A_387 = arith.constant 0.000000e+00 : f32
    %reduce_or3A_388 = vector.broadcast %reduce_or3A_387 : f32 to vector<128xf32>
    %reduce_or3A_389 = arith.cmpf ogt, %reduce_or3A_386, %reduce_or3A_388 : vector<128xf32>
    %broadcast_in_dim3A_390 = vector.shape_cast %reduce_or3A_389 : vector<128xi1> to vector<128x1xi1>
    %slice3A_391 = vector.extract_strided_slice %get3A_1 {offsets = [0, 1280], sizes = [1, 2816], strides = [1, 1]} : vector<1x4096xi32> to vector<1x2816xi32>
    %eq3A_392 = vector.broadcast %slice3A_391 : vector<1x2816xi32> to vector<128x2816xi32>
    %eq3A_393 = vector.broadcast %get3A_374 : vector<128x1xi32> to vector<128x2816xi32>
    %eq3A_394 = arith.cmpi eq, %eq3A_392, %eq3A_393 : vector<128x2816xi32>
    %reduce_or3A_395 = arith.constant 1.000000e+00 : f32
    %reduce_or3A_396 = arith.constant 0.000000e+00 : f32
    %reduce_or3A_397 = vector.broadcast %reduce_or3A_395 : f32 to vector<128x2816xf32>
    %reduce_or3A_398 = vector.broadcast %reduce_or3A_396 : f32 to vector<128x2816xf32>
    %reduce_or3A_399 = arith.select %eq3A_394, %reduce_or3A_397, %reduce_or3A_398 : vector<128x2816xi1>, vector<128x2816xf32>
    %reduce_or3A_400 = arith.constant dense<0xFF800000> : vector<128xf32>
    %reduce_or3A_401 = vector.multi_reduction <maximumf>, %reduce_or3A_399, %reduce_or3A_400 [1] : vector<128x2816xf32> to vector<128xf32>
    %reduce_or3A_402 = arith.constant 0.000000e+00 : f32
    %reduce_or3A_403 = vector.broadcast %reduce_or3A_402 : f32 to vector<128xf32>
    %reduce_or3A_404 = arith.cmpf ogt, %reduce_or3A_401, %reduce_or3A_403 : vector<128xf32>
    %broadcast_in_dim3A_405 = vector.shape_cast %reduce_or3A_404 : vector<128xi1> to vector<128x1xi1>
    %or3A_406 = arith.ori %broadcast_in_dim3A_390, %broadcast_in_dim3A_405 : vector<128x1xi1>
    %convert_element_type3A_407 = arith.extui %or3A_406 : vector<128x1xi1> to vector<128x1xi32>
    %sub3A_408 = arith.constant 1 : i32
    %sub3A_409 = vector.broadcast %sub3A_408 : i32 to vector<128x1xi32>
    %sub3A_410 = arith.subi %sub3A_409, %convert_element_type3A_407 : vector<128x1xi32>
    %swap3A_411 = arith.constant 1152 : index
    %swap3A_412 = arith.constant 0 : index
    %swap3A_413 = vector.load %arg2[%swap3A_411, %swap3A_412] : memref<4096x1xi32, #tpu.memory_space<vmem>>, vector<128x1xi32>
    tpu.vector_store %arg2[%swap3A_411, %swap3A_412], %sub3A_410 {strides = array<i32>} : memref<4096x1xi32, #tpu.memory_space<vmem>>, vector<128x1xi32>,
    %get3A_414 = arith.constant 1280 : index
    %get3A_415 = arith.constant 0 : index
    %get3A_416 = vector.load %arg1[%get3A_414, %get3A_415] : memref<4096x1xi32, #tpu.memory_space<vmem>>, vector<128x1xi32>
    %slice3A_417 = vector.extract_strided_slice %get3A_1 {offsets = [0, 1280], sizes = [1, 128], strides = [1, 1]} : vector<1x4096xi32> to vector<1x128xi32>
    %eq3A_418 = vector.broadcast %slice3A_417 : vector<1x128xi32> to vector<128x128xi32>
    %eq3A_419 = vector.broadcast %get3A_416 : vector<128x1xi32> to vector<128x128xi32>
    %eq3A_420 = arith.cmpi eq, %eq3A_418, %eq3A_419 : vector<128x128xi32>
    %and3A_421 = arith.andi %eq3A_420, %gt3A : vector<128x128xi1>
    %reduce_or3A_422 = arith.constant 1.000000e+00 : f32
    %reduce_or3A_423 = arith.constant 0.000000e+00 : f32
    %reduce_or3A_424 = vector.broadcast %reduce_or3A_422 : f32 to vector<128x128xf32>
    %reduce_or3A_425 = vector.broadcast %reduce_or3A_423 : f32 to vector<128x128xf32>
    %reduce_or3A_426 = arith.select %and3A_421, %reduce_or3A_424, %reduce_or3A_425 : vector<128x128xi1>, vector<128x128xf32>
    %reduce_or3A_427 = arith.constant dense<0xFF800000> : vector<128xf32>
    %reduce_or3A_428 = vector.multi_reduction <maximumf>, %reduce_or3A_426, %reduce_or3A_427 [1] : vector<128x128xf32> to vector<128xf32>
    %reduce_or3A_429 = arith.constant 0.000000e+00 : f32
    %reduce_or3A_430 = vector.broadcast %reduce_or3A_429 : f32 to vector<128xf32>
    %reduce_or3A_431 = arith.cmpf ogt, %reduce_or3A_428, %reduce_or3A_430 : vector<128xf32>
    %broadcast_in_dim3A_432 = vector.shape_cast %reduce_or3A_431 : vector<128xi1> to vector<128x1xi1>
    %slice3A_433 = vector.extract_strided_slice %get3A_1 {offsets = [0, 1408], sizes = [1, 2688], strides = [1, 1]} : vector<1x4096xi32> to vector<1x2688xi32>
    %eq3A_434 = vector.broadcast %slice3A_433 : vector<1x2688xi32> to vector<128x2688xi32>
    %eq3A_435 = vector.broadcast %get3A_416 : vector<128x1xi32> to vector<128x2688xi32>
    %eq3A_436 = arith.cmpi eq, %eq3A_434, %eq3A_435 : vector<128x2688xi32>
    %reduce_or3A_437 = arith.constant 1.000000e+00 : f32
    %reduce_or3A_438 = arith.constant 0.000000e+00 : f32
    %reduce_or3A_439 = vector.broadcast %reduce_or3A_437 : f32 to vector<128x2688xf32>
    %reduce_or3A_440 = vector.broadcast %reduce_or3A_438 : f32 to vector<128x2688xf32>
    %reduce_or3A_441 = arith.select %eq3A_436, %reduce_or3A_439, %reduce_or3A_440 : vector<128x2688xi1>, vector<128x2688xf32>
    %reduce_or3A_442 = arith.constant dense<0xFF800000> : vector<128xf32>
    %reduce_or3A_443 = vector.multi_reduction <maximumf>, %reduce_or3A_441, %reduce_or3A_442 [1] : vector<128x2688xf32> to vector<128xf32>
    %reduce_or3A_444 = arith.constant 0.000000e+00 : f32
    %reduce_or3A_445 = vector.broadcast %reduce_or3A_444 : f32 to vector<128xf32>
    %reduce_or3A_446 = arith.cmpf ogt, %reduce_or3A_443, %reduce_or3A_445 : vector<128xf32>
    %broadcast_in_dim3A_447 = vector.shape_cast %reduce_or3A_446 : vector<128xi1> to vector<128x1xi1>
    %or3A_448 = arith.ori %broadcast_in_dim3A_432, %broadcast_in_dim3A_447 : vector<128x1xi1>
    %convert_element_type3A_449 = arith.extui %or3A_448 : vector<128x1xi1> to vector<128x1xi32>
    %sub3A_450 = arith.constant 1 : i32
    %sub3A_451 = vector.broadcast %sub3A_450 : i32 to vector<128x1xi32>
    %sub3A_452 = arith.subi %sub3A_451, %convert_element_type3A_449 : vector<128x1xi32>
    %swap3A_453 = arith.constant 1280 : index
    %swap3A_454 = arith.constant 0 : index
    %swap3A_455 = vector.load %arg2[%swap3A_453, %swap3A_454] : memref<4096x1xi32, #tpu.memory_space<vmem>>, vector<128x1xi32>
    tpu.vector_store %arg2[%swap3A_453, %swap3A_454], %sub3A_452 {strides = array<i32>} : memref<4096x1xi32, #tpu.memory_space<vmem>>, vector<128x1xi32>,
    %get3A_456 = arith.constant 1408 : index
    %get3A_457 = arith.constant 0 : index
    %get3A_458 = vector.load %arg1[%get3A_456, %get3A_457] : memref<4096x1xi32, #tpu.memory_space<vmem>>, vector<128x1xi32>
    %slice3A_459 = vector.extract_strided_slice %get3A_1 {offsets = [0, 1408], sizes = [1, 128], strides = [1, 1]} : vector<1x4096xi32> to vector<1x128xi32>
    %eq3A_460 = vector.broadcast %slice3A_459 : vector<1x128xi32> to vector<128x128xi32>
    %eq3A_461 = vector.broadcast %get3A_458 : vector<128x1xi32> to vector<128x128xi32>
    %eq3A_462 = arith.cmpi eq, %eq3A_460, %eq3A_461 : vector<128x128xi32>
    %and3A_463 = arith.andi %eq3A_462, %gt3A : vector<128x128xi1>
    %reduce_or3A_464 = arith.constant 1.000000e+00 : f32
    %reduce_or3A_465 = arith.constant 0.000000e+00 : f32
    %reduce_or3A_466 = vector.broadcast %reduce_or3A_464 : f32 to vector<128x128xf32>
    %reduce_or3A_467 = vector.broadcast %reduce_or3A_465 : f32 to vector<128x128xf32>
    %reduce_or3A_468 = arith.select %and3A_463, %reduce_or3A_466, %reduce_or3A_467 : vector<128x128xi1>, vector<128x128xf32>
    %reduce_or3A_469 = arith.constant dense<0xFF800000> : vector<128xf32>
    %reduce_or3A_470 = vector.multi_reduction <maximumf>, %reduce_or3A_468, %reduce_or3A_469 [1] : vector<128x128xf32> to vector<128xf32>
    %reduce_or3A_471 = arith.constant 0.000000e+00 : f32
    %reduce_or3A_472 = vector.broadcast %reduce_or3A_471 : f32 to vector<128xf32>
    %reduce_or3A_473 = arith.cmpf ogt, %reduce_or3A_470, %reduce_or3A_472 : vector<128xf32>
    %broadcast_in_dim3A_474 = vector.shape_cast %reduce_or3A_473 : vector<128xi1> to vector<128x1xi1>
    %slice3A_475 = vector.extract_strided_slice %get3A_1 {offsets = [0, 1536], sizes = [1, 2560], strides = [1, 1]} : vector<1x4096xi32> to vector<1x2560xi32>
    %eq3A_476 = vector.broadcast %slice3A_475 : vector<1x2560xi32> to vector<128x2560xi32>
    %eq3A_477 = vector.broadcast %get3A_458 : vector<128x1xi32> to vector<128x2560xi32>
    %eq3A_478 = arith.cmpi eq, %eq3A_476, %eq3A_477 : vector<128x2560xi32>
    %reduce_or3A_479 = arith.constant 1.000000e+00 : f32
    %reduce_or3A_480 = arith.constant 0.000000e+00 : f32
    %reduce_or3A_481 = vector.broadcast %reduce_or3A_479 : f32 to vector<128x2560xf32>
    %reduce_or3A_482 = vector.broadcast %reduce_or3A_480 : f32 to vector<128x2560xf32>
    %reduce_or3A_483 = arith.select %eq3A_478, %reduce_or3A_481, %reduce_or3A_482 : vector<128x2560xi1>, vector<128x2560xf32>
    %reduce_or3A_484 = arith.constant dense<0xFF800000> : vector<128xf32>
    %reduce_or3A_485 = vector.multi_reduction <maximumf>, %reduce_or3A_483, %reduce_or3A_484 [1] : vector<128x2560xf32> to vector<128xf32>
    %reduce_or3A_486 = arith.constant 0.000000e+00 : f32
    %reduce_or3A_487 = vector.broadcast %reduce_or3A_486 : f32 to vector<128xf32>
    %reduce_or3A_488 = arith.cmpf ogt, %reduce_or3A_485, %reduce_or3A_487 : vector<128xf32>
    %broadcast_in_dim3A_489 = vector.shape_cast %reduce_or3A_488 : vector<128xi1> to vector<128x1xi1>
    %or3A_490 = arith.ori %broadcast_in_dim3A_474, %broadcast_in_dim3A_489 : vector<128x1xi1>
    %convert_element_type3A_491 = arith.extui %or3A_490 : vector<128x1xi1> to vector<128x1xi32>
    %sub3A_492 = arith.constant 1 : i32
    %sub3A_493 = vector.broadcast %sub3A_492 : i32 to vector<128x1xi32>
    %sub3A_494 = arith.subi %sub3A_493, %convert_element_type3A_491 : vector<128x1xi32>
    %swap3A_495 = arith.constant 1408 : index
    %swap3A_496 = arith.constant 0 : index
    %swap3A_497 = vector.load %arg2[%swap3A_495, %swap3A_496] : memref<4096x1xi32, #tpu.memory_space<vmem>>, vector<128x1xi32>
    tpu.vector_store %arg2[%swap3A_495, %swap3A_496], %sub3A_494 {strides = array<i32>} : memref<4096x1xi32, #tpu.memory_space<vmem>>, vector<128x1xi32>,
    %get3A_498 = arith.constant 1536 : index
    %get3A_499 = arith.constant 0 : index
    %get3A_500 = vector.load %arg1[%get3A_498, %get3A_499] : memref<4096x1xi32, #tpu.memory_space<vmem>>, vector<128x1xi32>
    %slice3A_501 = vector.extract_strided_slice %get3A_1 {offsets = [0, 1536], sizes = [1, 128], strides = [1, 1]} : vector<1x4096xi32> to vector<1x128xi32>
    %eq3A_502 = vector.broadcast %slice3A_501 : vector<1x128xi32> to vector<128x128xi32>
    %eq3A_503 = vector.broadcast %get3A_500 : vector<128x1xi32> to vector<128x128xi32>
    %eq3A_504 = arith.cmpi eq, %eq3A_502, %eq3A_503 : vector<128x128xi32>
    %and3A_505 = arith.andi %eq3A_504, %gt3A : vector<128x128xi1>
    %reduce_or3A_506 = arith.constant 1.000000e+00 : f32
    %reduce_or3A_507 = arith.constant 0.000000e+00 : f32
    %reduce_or3A_508 = vector.broadcast %reduce_or3A_506 : f32 to vector<128x128xf32>
    %reduce_or3A_509 = vector.broadcast %reduce_or3A_507 : f32 to vector<128x128xf32>
    %reduce_or3A_510 = arith.select %and3A_505, %reduce_or3A_508, %reduce_or3A_509 : vector<128x128xi1>, vector<128x128xf32>
    %reduce_or3A_511 = arith.constant dense<0xFF800000> : vector<128xf32>
    %reduce_or3A_512 = vector.multi_reduction <maximumf>, %reduce_or3A_510, %reduce_or3A_511 [1] : vector<128x128xf32> to vector<128xf32>
    %reduce_or3A_513 = arith.constant 0.000000e+00 : f32
    %reduce_or3A_514 = vector.broadcast %reduce_or3A_513 : f32 to vector<128xf32>
    %reduce_or3A_515 = arith.cmpf ogt, %reduce_or3A_512, %reduce_or3A_514 : vector<128xf32>
    %broadcast_in_dim3A_516 = vector.shape_cast %reduce_or3A_515 : vector<128xi1> to vector<128x1xi1>
    %slice3A_517 = vector.extract_strided_slice %get3A_1 {offsets = [0, 1664], sizes = [1, 2432], strides = [1, 1]} : vector<1x4096xi32> to vector<1x2432xi32>
    %eq3A_518 = vector.broadcast %slice3A_517 : vector<1x2432xi32> to vector<128x2432xi32>
    %eq3A_519 = vector.broadcast %get3A_500 : vector<128x1xi32> to vector<128x2432xi32>
    %eq3A_520 = arith.cmpi eq, %eq3A_518, %eq3A_519 : vector<128x2432xi32>
    %reduce_or3A_521 = arith.constant 1.000000e+00 : f32
    %reduce_or3A_522 = arith.constant 0.000000e+00 : f32
    %reduce_or3A_523 = vector.broadcast %reduce_or3A_521 : f32 to vector<128x2432xf32>
    %reduce_or3A_524 = vector.broadcast %reduce_or3A_522 : f32 to vector<128x2432xf32>
    %reduce_or3A_525 = arith.select %eq3A_520, %reduce_or3A_523, %reduce_or3A_524 : vector<128x2432xi1>, vector<128x2432xf32>
    %reduce_or3A_526 = arith.constant dense<0xFF800000> : vector<128xf32>
    %reduce_or3A_527 = vector.multi_reduction <maximumf>, %reduce_or3A_525, %reduce_or3A_526 [1] : vector<128x2432xf32> to vector<128xf32>
    %reduce_or3A_528 = arith.constant 0.000000e+00 : f32
    %reduce_or3A_529 = vector.broadcast %reduce_or3A_528 : f32 to vector<128xf32>
    %reduce_or3A_530 = arith.cmpf ogt, %reduce_or3A_527, %reduce_or3A_529 : vector<128xf32>
    %broadcast_in_dim3A_531 = vector.shape_cast %reduce_or3A_530 : vector<128xi1> to vector<128x1xi1>
    %or3A_532 = arith.ori %broadcast_in_dim3A_516, %broadcast_in_dim3A_531 : vector<128x1xi1>
    %convert_element_type3A_533 = arith.extui %or3A_532 : vector<128x1xi1> to vector<128x1xi32>
    %sub3A_534 = arith.constant 1 : i32
    %sub3A_535 = vector.broadcast %sub3A_534 : i32 to vector<128x1xi32>
    %sub3A_536 = arith.subi %sub3A_535, %convert_element_type3A_533 : vector<128x1xi32>
    %swap3A_537 = arith.constant 1536 : index
    %swap3A_538 = arith.constant 0 : index
    %swap3A_539 = vector.load %arg2[%swap3A_537, %swap3A_538] : memref<4096x1xi32, #tpu.memory_space<vmem>>, vector<128x1xi32>
    tpu.vector_store %arg2[%swap3A_537, %swap3A_538], %sub3A_536 {strides = array<i32>} : memref<4096x1xi32, #tpu.memory_space<vmem>>, vector<128x1xi32>,
    %get3A_540 = arith.constant 1664 : index
    %get3A_541 = arith.constant 0 : index
    %get3A_542 = vector.load %arg1[%get3A_540, %get3A_541] : memref<4096x1xi32, #tpu.memory_space<vmem>>, vector<128x1xi32>
    %slice3A_543 = vector.extract_strided_slice %get3A_1 {offsets = [0, 1664], sizes = [1, 128], strides = [1, 1]} : vector<1x4096xi32> to vector<1x128xi32>
    %eq3A_544 = vector.broadcast %slice3A_543 : vector<1x128xi32> to vector<128x128xi32>
    %eq3A_545 = vector.broadcast %get3A_542 : vector<128x1xi32> to vector<128x128xi32>
    %eq3A_546 = arith.cmpi eq, %eq3A_544, %eq3A_545 : vector<128x128xi32>
    %and3A_547 = arith.andi %eq3A_546, %gt3A : vector<128x128xi1>
    %reduce_or3A_548 = arith.constant 1.000000e+00 : f32
    %reduce_or3A_549 = arith.constant 0.000000e+00 : f32
    %reduce_or3A_550 = vector.broadcast %reduce_or3A_548 : f32 to vector<128x128xf32>
    %reduce_or3A_551 = vector.broadcast %reduce_or3A_549 : f32 to vector<128x128xf32>
    %reduce_or3A_552 = arith.select %and3A_547, %reduce_or3A_550, %reduce_or3A_551 : vector<128x128xi1>, vector<128x128xf32>
    %reduce_or3A_553 = arith.constant dense<0xFF800000> : vector<128xf32>
    %reduce_or3A_554 = vector.multi_reduction <maximumf>, %reduce_or3A_552, %reduce_or3A_553 [1] : vector<128x128xf32> to vector<128xf32>
    %reduce_or3A_555 = arith.constant 0.000000e+00 : f32
    %reduce_or3A_556 = vector.broadcast %reduce_or3A_555 : f32 to vector<128xf32>
    %reduce_or3A_557 = arith.cmpf ogt, %reduce_or3A_554, %reduce_or3A_556 : vector<128xf32>
    %broadcast_in_dim3A_558 = vector.shape_cast %reduce_or3A_557 : vector<128xi1> to vector<128x1xi1>
    %slice3A_559 = vector.extract_strided_slice %get3A_1 {offsets = [0, 1792], sizes = [1, 2304], strides = [1, 1]} : vector<1x4096xi32> to vector<1x2304xi32>
    %eq3A_560 = vector.broadcast %slice3A_559 : vector<1x2304xi32> to vector<128x2304xi32>
    %eq3A_561 = vector.broadcast %get3A_542 : vector<128x1xi32> to vector<128x2304xi32>
    %eq3A_562 = arith.cmpi eq, %eq3A_560, %eq3A_561 : vector<128x2304xi32>
    %reduce_or3A_563 = arith.constant 1.000000e+00 : f32
    %reduce_or3A_564 = arith.constant 0.000000e+00 : f32
    %reduce_or3A_565 = vector.broadcast %reduce_or3A_563 : f32 to vector<128x2304xf32>
    %reduce_or3A_566 = vector.broadcast %reduce_or3A_564 : f32 to vector<128x2304xf32>
    %reduce_or3A_567 = arith.select %eq3A_562, %reduce_or3A_565, %reduce_or3A_566 : vector<128x2304xi1>, vector<128x2304xf32>
    %reduce_or3A_568 = arith.constant dense<0xFF800000> : vector<128xf32>
    %reduce_or3A_569 = vector.multi_reduction <maximumf>, %reduce_or3A_567, %reduce_or3A_568 [1] : vector<128x2304xf32> to vector<128xf32>
    %reduce_or3A_570 = arith.constant 0.000000e+00 : f32
    %reduce_or3A_571 = vector.broadcast %reduce_or3A_570 : f32 to vector<128xf32>
    %reduce_or3A_572 = arith.cmpf ogt, %reduce_or3A_569, %reduce_or3A_571 : vector<128xf32>
    %broadcast_in_dim3A_573 = vector.shape_cast %reduce_or3A_572 : vector<128xi1> to vector<128x1xi1>
    %or3A_574 = arith.ori %broadcast_in_dim3A_558, %broadcast_in_dim3A_573 : vector<128x1xi1>
    %convert_element_type3A_575 = arith.extui %or3A_574 : vector<128x1xi1> to vector<128x1xi32>
    %sub3A_576 = arith.constant 1 : i32
    %sub3A_577 = vector.broadcast %sub3A_576 : i32 to vector<128x1xi32>
    %sub3A_578 = arith.subi %sub3A_577, %convert_element_type3A_575 : vector<128x1xi32>
    %swap3A_579 = arith.constant 1664 : index
    %swap3A_580 = arith.constant 0 : index
    %swap3A_581 = vector.load %arg2[%swap3A_579, %swap3A_580] : memref<4096x1xi32, #tpu.memory_space<vmem>>, vector<128x1xi32>
    tpu.vector_store %arg2[%swap3A_579, %swap3A_580], %sub3A_578 {strides = array<i32>} : memref<4096x1xi32, #tpu.memory_space<vmem>>, vector<128x1xi32>,
    %get3A_582 = arith.constant 1792 : index
    %get3A_583 = arith.constant 0 : index
    %get3A_584 = vector.load %arg1[%get3A_582, %get3A_583] : memref<4096x1xi32, #tpu.memory_space<vmem>>, vector<128x1xi32>
    %slice3A_585 = vector.extract_strided_slice %get3A_1 {offsets = [0, 1792], sizes = [1, 128], strides = [1, 1]} : vector<1x4096xi32> to vector<1x128xi32>
    %eq3A_586 = vector.broadcast %slice3A_585 : vector<1x128xi32> to vector<128x128xi32>
    %eq3A_587 = vector.broadcast %get3A_584 : vector<128x1xi32> to vector<128x128xi32>
    %eq3A_588 = arith.cmpi eq, %eq3A_586, %eq3A_587 : vector<128x128xi32>
    %and3A_589 = arith.andi %eq3A_588, %gt3A : vector<128x128xi1>
    %reduce_or3A_590 = arith.constant 1.000000e+00 : f32
    %reduce_or3A_591 = arith.constant 0.000000e+00 : f32
    %reduce_or3A_592 = vector.broadcast %reduce_or3A_590 : f32 to vector<128x128xf32>
    %reduce_or3A_593 = vector.broadcast %reduce_or3A_591 : f32 to vector<128x128xf32>
    %reduce_or3A_594 = arith.select %and3A_589, %reduce_or3A_592, %reduce_or3A_593 : vector<128x128xi1>, vector<128x128xf32>
    %reduce_or3A_595 = arith.constant dense<0xFF800000> : vector<128xf32>
    %reduce_or3A_596 = vector.multi_reduction <maximumf>, %reduce_or3A_594, %reduce_or3A_595 [1] : vector<128x128xf32> to vector<128xf32>
    %reduce_or3A_597 = arith.constant 0.000000e+00 : f32
    %reduce_or3A_598 = vector.broadcast %reduce_or3A_597 : f32 to vector<128xf32>
    %reduce_or3A_599 = arith.cmpf ogt, %reduce_or3A_596, %reduce_or3A_598 : vector<128xf32>
    %broadcast_in_dim3A_600 = vector.shape_cast %reduce_or3A_599 : vector<128xi1> to vector<128x1xi1>
    %slice3A_601 = vector.extract_strided_slice %get3A_1 {offsets = [0, 1920], sizes = [1, 2176], strides = [1, 1]} : vector<1x4096xi32> to vector<1x2176xi32>
    %eq3A_602 = vector.broadcast %slice3A_601 : vector<1x2176xi32> to vector<128x2176xi32>
    %eq3A_603 = vector.broadcast %get3A_584 : vector<128x1xi32> to vector<128x2176xi32>
    %eq3A_604 = arith.cmpi eq, %eq3A_602, %eq3A_603 : vector<128x2176xi32>
    %reduce_or3A_605 = arith.constant 1.000000e+00 : f32
    %reduce_or3A_606 = arith.constant 0.000000e+00 : f32
    %reduce_or3A_607 = vector.broadcast %reduce_or3A_605 : f32 to vector<128x2176xf32>
    %reduce_or3A_608 = vector.broadcast %reduce_or3A_606 : f32 to vector<128x2176xf32>
    %reduce_or3A_609 = arith.select %eq3A_604, %reduce_or3A_607, %reduce_or3A_608 : vector<128x2176xi1>, vector<128x2176xf32>
    %reduce_or3A_610 = arith.constant dense<0xFF800000> : vector<128xf32>
    %reduce_or3A_611 = vector.multi_reduction <maximumf>, %reduce_or3A_609, %reduce_or3A_610 [1] : vector<128x2176xf32> to vector<128xf32>
    %reduce_or3A_612 = arith.constant 0.000000e+00 : f32
    %reduce_or3A_613 = vector.broadcast %reduce_or3A_612 : f32 to vector<128xf32>
    %reduce_or3A_614 = arith.cmpf ogt, %reduce_or3A_611, %reduce_or3A_613 : vector<128xf32>
    %broadcast_in_dim3A_615 = vector.shape_cast %reduce_or3A_614 : vector<128xi1> to vector<128x1xi1>
    %or3A_616 = arith.ori %broadcast_in_dim3A_600, %broadcast_in_dim3A_615 : vector<128x1xi1>
    %convert_element_type3A_617 = arith.extui %or3A_616 : vector<128x1xi1> to vector<128x1xi32>
    %sub3A_618 = arith.constant 1 : i32
    %sub3A_619 = vector.broadcast %sub3A_618 : i32 to vector<128x1xi32>
    %sub3A_620 = arith.subi %sub3A_619, %convert_element_type3A_617 : vector<128x1xi32>
    %swap3A_621 = arith.constant 1792 : index
    %swap3A_622 = arith.constant 0 : index
    %swap3A_623 = vector.load %arg2[%swap3A_621, %swap3A_622] : memref<4096x1xi32, #tpu.memory_space<vmem>>, vector<128x1xi32>
    tpu.vector_store %arg2[%swap3A_621, %swap3A_622], %sub3A_620 {strides = array<i32>} : memref<4096x1xi32, #tpu.memory_space<vmem>>, vector<128x1xi32>,
    %get3A_624 = arith.constant 1920 : index
    %get3A_625 = arith.constant 0 : index
    %get3A_626 = vector.load %arg1[%get3A_624, %get3A_625] : memref<4096x1xi32, #tpu.memory_space<vmem>>, vector<128x1xi32>
    %slice3A_627 = vector.extract_strided_slice %get3A_1 {offsets = [0, 1920], sizes = [1, 128], strides = [1, 1]} : vector<1x4096xi32> to vector<1x128xi32>
    %eq3A_628 = vector.broadcast %slice3A_627 : vector<1x128xi32> to vector<128x128xi32>
    %eq3A_629 = vector.broadcast %get3A_626 : vector<128x1xi32> to vector<128x128xi32>
    %eq3A_630 = arith.cmpi eq, %eq3A_628, %eq3A_629 : vector<128x128xi32>
    %and3A_631 = arith.andi %eq3A_630, %gt3A : vector<128x128xi1>
    %reduce_or3A_632 = arith.constant 1.000000e+00 : f32
    %reduce_or3A_633 = arith.constant 0.000000e+00 : f32
    %reduce_or3A_634 = vector.broadcast %reduce_or3A_632 : f32 to vector<128x128xf32>
    %reduce_or3A_635 = vector.broadcast %reduce_or3A_633 : f32 to vector<128x128xf32>
    %reduce_or3A_636 = arith.select %and3A_631, %reduce_or3A_634, %reduce_or3A_635 : vector<128x128xi1>, vector<128x128xf32>
    %reduce_or3A_637 = arith.constant dense<0xFF800000> : vector<128xf32>
    %reduce_or3A_638 = vector.multi_reduction <maximumf>, %reduce_or3A_636, %reduce_or3A_637 [1] : vector<128x128xf32> to vector<128xf32>
    %reduce_or3A_639 = arith.constant 0.000000e+00 : f32
    %reduce_or3A_640 = vector.broadcast %reduce_or3A_639 : f32 to vector<128xf32>
    %reduce_or3A_641 = arith.cmpf ogt, %reduce_or3A_638, %reduce_or3A_640 : vector<128xf32>
    %broadcast_in_dim3A_642 = vector.shape_cast %reduce_or3A_641 : vector<128xi1> to vector<128x1xi1>
    %slice3A_643 = vector.extract_strided_slice %get3A_1 {offsets = [0, 2048], sizes = [1, 2048], strides = [1, 1]} : vector<1x4096xi32> to vector<1x2048xi32>
    %eq3A_644 = vector.broadcast %slice3A_643 : vector<1x2048xi32> to vector<128x2048xi32>
    %eq3A_645 = vector.broadcast %get3A_626 : vector<128x1xi32> to vector<128x2048xi32>
    %eq3A_646 = arith.cmpi eq, %eq3A_644, %eq3A_645 : vector<128x2048xi32>
    %reduce_or3A_647 = arith.constant 1.000000e+00 : f32
    %reduce_or3A_648 = arith.constant 0.000000e+00 : f32
    %reduce_or3A_649 = vector.broadcast %reduce_or3A_647 : f32 to vector<128x2048xf32>
    %reduce_or3A_650 = vector.broadcast %reduce_or3A_648 : f32 to vector<128x2048xf32>
    %reduce_or3A_651 = arith.select %eq3A_646, %reduce_or3A_649, %reduce_or3A_650 : vector<128x2048xi1>, vector<128x2048xf32>
    %reduce_or3A_652 = arith.constant dense<0xFF800000> : vector<128xf32>
    %reduce_or3A_653 = vector.multi_reduction <maximumf>, %reduce_or3A_651, %reduce_or3A_652 [1] : vector<128x2048xf32> to vector<128xf32>
    %reduce_or3A_654 = arith.constant 0.000000e+00 : f32
    %reduce_or3A_655 = vector.broadcast %reduce_or3A_654 : f32 to vector<128xf32>
    %reduce_or3A_656 = arith.cmpf ogt, %reduce_or3A_653, %reduce_or3A_655 : vector<128xf32>
    %broadcast_in_dim3A_657 = vector.shape_cast %reduce_or3A_656 : vector<128xi1> to vector<128x1xi1>
    %or3A_658 = arith.ori %broadcast_in_dim3A_642, %broadcast_in_dim3A_657 : vector<128x1xi1>
    %convert_element_type3A_659 = arith.extui %or3A_658 : vector<128x1xi1> to vector<128x1xi32>
    %sub3A_660 = arith.constant 1 : i32
    %sub3A_661 = vector.broadcast %sub3A_660 : i32 to vector<128x1xi32>
    %sub3A_662 = arith.subi %sub3A_661, %convert_element_type3A_659 : vector<128x1xi32>
    %swap3A_663 = arith.constant 1920 : index
    %swap3A_664 = arith.constant 0 : index
    %swap3A_665 = vector.load %arg2[%swap3A_663, %swap3A_664] : memref<4096x1xi32, #tpu.memory_space<vmem>>, vector<128x1xi32>
    tpu.vector_store %arg2[%swap3A_663, %swap3A_664], %sub3A_662 {strides = array<i32>} : memref<4096x1xi32, #tpu.memory_space<vmem>>, vector<128x1xi32>,
    %get3A_666 = arith.constant 2048 : index
    %get3A_667 = arith.constant 0 : index
    %get3A_668 = vector.load %arg1[%get3A_666, %get3A_667] : memref<4096x1xi32, #tpu.memory_space<vmem>>, vector<128x1xi32>
    %slice3A_669 = vector.extract_strided_slice %get3A_1 {offsets = [0, 2048], sizes = [1, 128], strides = [1, 1]} : vector<1x4096xi32> to vector<1x128xi32>
    %eq3A_670 = vector.broadcast %slice3A_669 : vector<1x128xi32> to vector<128x128xi32>
    %eq3A_671 = vector.broadcast %get3A_668 : vector<128x1xi32> to vector<128x128xi32>
    %eq3A_672 = arith.cmpi eq, %eq3A_670, %eq3A_671 : vector<128x128xi32>
    %and3A_673 = arith.andi %eq3A_672, %gt3A : vector<128x128xi1>
    %reduce_or3A_674 = arith.constant 1.000000e+00 : f32
    %reduce_or3A_675 = arith.constant 0.000000e+00 : f32
    %reduce_or3A_676 = vector.broadcast %reduce_or3A_674 : f32 to vector<128x128xf32>
    %reduce_or3A_677 = vector.broadcast %reduce_or3A_675 : f32 to vector<128x128xf32>
    %reduce_or3A_678 = arith.select %and3A_673, %reduce_or3A_676, %reduce_or3A_677 : vector<128x128xi1>, vector<128x128xf32>
    %reduce_or3A_679 = arith.constant dense<0xFF800000> : vector<128xf32>
    %reduce_or3A_680 = vector.multi_reduction <maximumf>, %reduce_or3A_678, %reduce_or3A_679 [1] : vector<128x128xf32> to vector<128xf32>
    %reduce_or3A_681 = arith.constant 0.000000e+00 : f32
    %reduce_or3A_682 = vector.broadcast %reduce_or3A_681 : f32 to vector<128xf32>
    %reduce_or3A_683 = arith.cmpf ogt, %reduce_or3A_680, %reduce_or3A_682 : vector<128xf32>
    %broadcast_in_dim3A_684 = vector.shape_cast %reduce_or3A_683 : vector<128xi1> to vector<128x1xi1>
    %slice3A_685 = vector.extract_strided_slice %get3A_1 {offsets = [0, 2176], sizes = [1, 1920], strides = [1, 1]} : vector<1x4096xi32> to vector<1x1920xi32>
    %eq3A_686 = vector.broadcast %slice3A_685 : vector<1x1920xi32> to vector<128x1920xi32>
    %eq3A_687 = vector.broadcast %get3A_668 : vector<128x1xi32> to vector<128x1920xi32>
    %eq3A_688 = arith.cmpi eq, %eq3A_686, %eq3A_687 : vector<128x1920xi32>
    %reduce_or3A_689 = arith.constant 1.000000e+00 : f32
    %reduce_or3A_690 = arith.constant 0.000000e+00 : f32
    %reduce_or3A_691 = vector.broadcast %reduce_or3A_689 : f32 to vector<128x1920xf32>
    %reduce_or3A_692 = vector.broadcast %reduce_or3A_690 : f32 to vector<128x1920xf32>
    %reduce_or3A_693 = arith.select %eq3A_688, %reduce_or3A_691, %reduce_or3A_692 : vector<128x1920xi1>, vector<128x1920xf32>
    %reduce_or3A_694 = arith.constant dense<0xFF800000> : vector<128xf32>
    %reduce_or3A_695 = vector.multi_reduction <maximumf>, %reduce_or3A_693, %reduce_or3A_694 [1] : vector<128x1920xf32> to vector<128xf32>
    %reduce_or3A_696 = arith.constant 0.000000e+00 : f32
    %reduce_or3A_697 = vector.broadcast %reduce_or3A_696 : f32 to vector<128xf32>
    %reduce_or3A_698 = arith.cmpf ogt, %reduce_or3A_695, %reduce_or3A_697 : vector<128xf32>
    %broadcast_in_dim3A_699 = vector.shape_cast %reduce_or3A_698 : vector<128xi1> to vector<128x1xi1>
    %or3A_700 = arith.ori %broadcast_in_dim3A_684, %broadcast_in_dim3A_699 : vector<128x1xi1>
    %convert_element_type3A_701 = arith.extui %or3A_700 : vector<128x1xi1> to vector<128x1xi32>
    %sub3A_702 = arith.constant 1 : i32
    %sub3A_703 = vector.broadcast %sub3A_702 : i32 to vector<128x1xi32>
    %sub3A_704 = arith.subi %sub3A_703, %convert_element_type3A_701 : vector<128x1xi32>
    %swap3A_705 = arith.constant 2048 : index
    %swap3A_706 = arith.constant 0 : index
    %swap3A_707 = vector.load %arg2[%swap3A_705, %swap3A_706] : memref<4096x1xi32, #tpu.memory_space<vmem>>, vector<128x1xi32>
    tpu.vector_store %arg2[%swap3A_705, %swap3A_706], %sub3A_704 {strides = array<i32>} : memref<4096x1xi32, #tpu.memory_space<vmem>>, vector<128x1xi32>,
    %get3A_708 = arith.constant 2176 : index
    %get3A_709 = arith.constant 0 : index
    %get3A_710 = vector.load %arg1[%get3A_708, %get3A_709] : memref<4096x1xi32, #tpu.memory_space<vmem>>, vector<128x1xi32>
    %slice3A_711 = vector.extract_strided_slice %get3A_1 {offsets = [0, 2176], sizes = [1, 128], strides = [1, 1]} : vector<1x4096xi32> to vector<1x128xi32>
    %eq3A_712 = vector.broadcast %slice3A_711 : vector<1x128xi32> to vector<128x128xi32>
    %eq3A_713 = vector.broadcast %get3A_710 : vector<128x1xi32> to vector<128x128xi32>
    %eq3A_714 = arith.cmpi eq, %eq3A_712, %eq3A_713 : vector<128x128xi32>
    %and3A_715 = arith.andi %eq3A_714, %gt3A : vector<128x128xi1>
    %reduce_or3A_716 = arith.constant 1.000000e+00 : f32
    %reduce_or3A_717 = arith.constant 0.000000e+00 : f32
    %reduce_or3A_718 = vector.broadcast %reduce_or3A_716 : f32 to vector<128x128xf32>
    %reduce_or3A_719 = vector.broadcast %reduce_or3A_717 : f32 to vector<128x128xf32>
    %reduce_or3A_720 = arith.select %and3A_715, %reduce_or3A_718, %reduce_or3A_719 : vector<128x128xi1>, vector<128x128xf32>
    %reduce_or3A_721 = arith.constant dense<0xFF800000> : vector<128xf32>
    %reduce_or3A_722 = vector.multi_reduction <maximumf>, %reduce_or3A_720, %reduce_or3A_721 [1] : vector<128x128xf32> to vector<128xf32>
    %reduce_or3A_723 = arith.constant 0.000000e+00 : f32
    %reduce_or3A_724 = vector.broadcast %reduce_or3A_723 : f32 to vector<128xf32>
    %reduce_or3A_725 = arith.cmpf ogt, %reduce_or3A_722, %reduce_or3A_724 : vector<128xf32>
    %broadcast_in_dim3A_726 = vector.shape_cast %reduce_or3A_725 : vector<128xi1> to vector<128x1xi1>
    %slice3A_727 = vector.extract_strided_slice %get3A_1 {offsets = [0, 2304], sizes = [1, 1792], strides = [1, 1]} : vector<1x4096xi32> to vector<1x1792xi32>
    %eq3A_728 = vector.broadcast %slice3A_727 : vector<1x1792xi32> to vector<128x1792xi32>
    %eq3A_729 = vector.broadcast %get3A_710 : vector<128x1xi32> to vector<128x1792xi32>
    %eq3A_730 = arith.cmpi eq, %eq3A_728, %eq3A_729 : vector<128x1792xi32>
    %reduce_or3A_731 = arith.constant 1.000000e+00 : f32
    %reduce_or3A_732 = arith.constant 0.000000e+00 : f32
    %reduce_or3A_733 = vector.broadcast %reduce_or3A_731 : f32 to vector<128x1792xf32>
    %reduce_or3A_734 = vector.broadcast %reduce_or3A_732 : f32 to vector<128x1792xf32>
    %reduce_or3A_735 = arith.select %eq3A_730, %reduce_or3A_733, %reduce_or3A_734 : vector<128x1792xi1>, vector<128x1792xf32>
    %reduce_or3A_736 = arith.constant dense<0xFF800000> : vector<128xf32>
    %reduce_or3A_737 = vector.multi_reduction <maximumf>, %reduce_or3A_735, %reduce_or3A_736 [1] : vector<128x1792xf32> to vector<128xf32>
    %reduce_or3A_738 = arith.constant 0.000000e+00 : f32
    %reduce_or3A_739 = vector.broadcast %reduce_or3A_738 : f32 to vector<128xf32>
    %reduce_or3A_740 = arith.cmpf ogt, %reduce_or3A_737, %reduce_or3A_739 : vector<128xf32>
    %broadcast_in_dim3A_741 = vector.shape_cast %reduce_or3A_740 : vector<128xi1> to vector<128x1xi1>
    %or3A_742 = arith.ori %broadcast_in_dim3A_726, %broadcast_in_dim3A_741 : vector<128x1xi1>
    %convert_element_type3A_743 = arith.extui %or3A_742 : vector<128x1xi1> to vector<128x1xi32>
    %sub3A_744 = arith.constant 1 : i32
    %sub3A_745 = vector.broadcast %sub3A_744 : i32 to vector<128x1xi32>
    %sub3A_746 = arith.subi %sub3A_745, %convert_element_type3A_743 : vector<128x1xi32>
    %swap3A_747 = arith.constant 2176 : index
    %swap3A_748 = arith.constant 0 : index
    %swap3A_749 = vector.load %arg2[%swap3A_747, %swap3A_748] : memref<4096x1xi32, #tpu.memory_space<vmem>>, vector<128x1xi32>
    tpu.vector_store %arg2[%swap3A_747, %swap3A_748], %sub3A_746 {strides = array<i32>} : memref<4096x1xi32, #tpu.memory_space<vmem>>, vector<128x1xi32>,
    %get3A_750 = arith.constant 2304 : index
    %get3A_751 = arith.constant 0 : index
    %get3A_752 = vector.load %arg1[%get3A_750, %get3A_751] : memref<4096x1xi32, #tpu.memory_space<vmem>>, vector<128x1xi32>
    %slice3A_753 = vector.extract_strided_slice %get3A_1 {offsets = [0, 2304], sizes = [1, 128], strides = [1, 1]} : vector<1x4096xi32> to vector<1x128xi32>
    %eq3A_754 = vector.broadcast %slice3A_753 : vector<1x128xi32> to vector<128x128xi32>
    %eq3A_755 = vector.broadcast %get3A_752 : vector<128x1xi32> to vector<128x128xi32>
    %eq3A_756 = arith.cmpi eq, %eq3A_754, %eq3A_755 : vector<128x128xi32>
    %and3A_757 = arith.andi %eq3A_756, %gt3A : vector<128x128xi1>
    %reduce_or3A_758 = arith.constant 1.000000e+00 : f32
    %reduce_or3A_759 = arith.constant 0.000000e+00 : f32
    %reduce_or3A_760 = vector.broadcast %reduce_or3A_758 : f32 to vector<128x128xf32>
    %reduce_or3A_761 = vector.broadcast %reduce_or3A_759 : f32 to vector<128x128xf32>
    %reduce_or3A_762 = arith.select %and3A_757, %reduce_or3A_760, %reduce_or3A_761 : vector<128x128xi1>, vector<128x128xf32>
    %reduce_or3A_763 = arith.constant dense<0xFF800000> : vector<128xf32>
    %reduce_or3A_764 = vector.multi_reduction <maximumf>, %reduce_or3A_762, %reduce_or3A_763 [1] : vector<128x128xf32> to vector<128xf32>
    %reduce_or3A_765 = arith.constant 0.000000e+00 : f32
    %reduce_or3A_766 = vector.broadcast %reduce_or3A_765 : f32 to vector<128xf32>
    %reduce_or3A_767 = arith.cmpf ogt, %reduce_or3A_764, %reduce_or3A_766 : vector<128xf32>
    %broadcast_in_dim3A_768 = vector.shape_cast %reduce_or3A_767 : vector<128xi1> to vector<128x1xi1>
    %slice3A_769 = vector.extract_strided_slice %get3A_1 {offsets = [0, 2432], sizes = [1, 1664], strides = [1, 1]} : vector<1x4096xi32> to vector<1x1664xi32>
    %eq3A_770 = vector.broadcast %slice3A_769 : vector<1x1664xi32> to vector<128x1664xi32>
    %eq3A_771 = vector.broadcast %get3A_752 : vector<128x1xi32> to vector<128x1664xi32>
    %eq3A_772 = arith.cmpi eq, %eq3A_770, %eq3A_771 : vector<128x1664xi32>
    %reduce_or3A_773 = arith.constant 1.000000e+00 : f32
    %reduce_or3A_774 = arith.constant 0.000000e+00 : f32
    %reduce_or3A_775 = vector.broadcast %reduce_or3A_773 : f32 to vector<128x1664xf32>
    %reduce_or3A_776 = vector.broadcast %reduce_or3A_774 : f32 to vector<128x1664xf32>
    %reduce_or3A_777 = arith.select %eq3A_772, %reduce_or3A_775, %reduce_or3A_776 : vector<128x1664xi1>, vector<128x1664xf32>
    %reduce_or3A_778 = arith.constant dense<0xFF800000> : vector<128xf32>
    %reduce_or3A_779 = vector.multi_reduction <maximumf>, %reduce_or3A_777, %reduce_or3A_778 [1] : vector<128x1664xf32> to vector<128xf32>
    %reduce_or3A_780 = arith.constant 0.000000e+00 : f32
    %reduce_or3A_781 = vector.broadcast %reduce_or3A_780 : f32 to vector<128xf32>
    %reduce_or3A_782 = arith.cmpf ogt, %reduce_or3A_779, %reduce_or3A_781 : vector<128xf32>
    %broadcast_in_dim3A_783 = vector.shape_cast %reduce_or3A_782 : vector<128xi1> to vector<128x1xi1>
    %or3A_784 = arith.ori %broadcast_in_dim3A_768, %broadcast_in_dim3A_783 : vector<128x1xi1>
    %convert_element_type3A_785 = arith.extui %or3A_784 : vector<128x1xi1> to vector<128x1xi32>
    %sub3A_786 = arith.constant 1 : i32
    %sub3A_787 = vector.broadcast %sub3A_786 : i32 to vector<128x1xi32>
    %sub3A_788 = arith.subi %sub3A_787, %convert_element_type3A_785 : vector<128x1xi32>
    %swap3A_789 = arith.constant 2304 : index
    %swap3A_790 = arith.constant 0 : index
    %swap3A_791 = vector.load %arg2[%swap3A_789, %swap3A_790] : memref<4096x1xi32, #tpu.memory_space<vmem>>, vector<128x1xi32>
    tpu.vector_store %arg2[%swap3A_789, %swap3A_790], %sub3A_788 {strides = array<i32>} : memref<4096x1xi32, #tpu.memory_space<vmem>>, vector<128x1xi32>,
    %get3A_792 = arith.constant 2432 : index
    %get3A_793 = arith.constant 0 : index
    %get3A_794 = vector.load %arg1[%get3A_792, %get3A_793] : memref<4096x1xi32, #tpu.memory_space<vmem>>, vector<128x1xi32>
    %slice3A_795 = vector.extract_strided_slice %get3A_1 {offsets = [0, 2432], sizes = [1, 128], strides = [1, 1]} : vector<1x4096xi32> to vector<1x128xi32>
    %eq3A_796 = vector.broadcast %slice3A_795 : vector<1x128xi32> to vector<128x128xi32>
    %eq3A_797 = vector.broadcast %get3A_794 : vector<128x1xi32> to vector<128x128xi32>
    %eq3A_798 = arith.cmpi eq, %eq3A_796, %eq3A_797 : vector<128x128xi32>
    %and3A_799 = arith.andi %eq3A_798, %gt3A : vector<128x128xi1>
    %reduce_or3A_800 = arith.constant 1.000000e+00 : f32
    %reduce_or3A_801 = arith.constant 0.000000e+00 : f32
    %reduce_or3A_802 = vector.broadcast %reduce_or3A_800 : f32 to vector<128x128xf32>
    %reduce_or3A_803 = vector.broadcast %reduce_or3A_801 : f32 to vector<128x128xf32>
    %reduce_or3A_804 = arith.select %and3A_799, %reduce_or3A_802, %reduce_or3A_803 : vector<128x128xi1>, vector<128x128xf32>
    %reduce_or3A_805 = arith.constant dense<0xFF800000> : vector<128xf32>
    %reduce_or3A_806 = vector.multi_reduction <maximumf>, %reduce_or3A_804, %reduce_or3A_805 [1] : vector<128x128xf32> to vector<128xf32>
    %reduce_or3A_807 = arith.constant 0.000000e+00 : f32
    %reduce_or3A_808 = vector.broadcast %reduce_or3A_807 : f32 to vector<128xf32>
    %reduce_or3A_809 = arith.cmpf ogt, %reduce_or3A_806, %reduce_or3A_808 : vector<128xf32>
    %broadcast_in_dim3A_810 = vector.shape_cast %reduce_or3A_809 : vector<128xi1> to vector<128x1xi1>
    %slice3A_811 = vector.extract_strided_slice %get3A_1 {offsets = [0, 2560], sizes = [1, 1536], strides = [1, 1]} : vector<1x4096xi32> to vector<1x1536xi32>
    %eq3A_812 = vector.broadcast %slice3A_811 : vector<1x1536xi32> to vector<128x1536xi32>
    %eq3A_813 = vector.broadcast %get3A_794 : vector<128x1xi32> to vector<128x1536xi32>
    %eq3A_814 = arith.cmpi eq, %eq3A_812, %eq3A_813 : vector<128x1536xi32>
    %reduce_or3A_815 = arith.constant 1.000000e+00 : f32
    %reduce_or3A_816 = arith.constant 0.000000e+00 : f32
    %reduce_or3A_817 = vector.broadcast %reduce_or3A_815 : f32 to vector<128x1536xf32>
    %reduce_or3A_818 = vector.broadcast %reduce_or3A_816 : f32 to vector<128x1536xf32>
    %reduce_or3A_819 = arith.select %eq3A_814, %reduce_or3A_817, %reduce_or3A_818 : vector<128x1536xi1>, vector<128x1536xf32>
    %reduce_or3A_820 = arith.constant dense<0xFF800000> : vector<128xf32>
    %reduce_or3A_821 = vector.multi_reduction <maximumf>, %reduce_or3A_819, %reduce_or3A_820 [1] : vector<128x1536xf32> to vector<128xf32>
    %reduce_or3A_822 = arith.constant 0.000000e+00 : f32
    %reduce_or3A_823 = vector.broadcast %reduce_or3A_822 : f32 to vector<128xf32>
    %reduce_or3A_824 = arith.cmpf ogt, %reduce_or3A_821, %reduce_or3A_823 : vector<128xf32>
    %broadcast_in_dim3A_825 = vector.shape_cast %reduce_or3A_824 : vector<128xi1> to vector<128x1xi1>
    %or3A_826 = arith.ori %broadcast_in_dim3A_810, %broadcast_in_dim3A_825 : vector<128x1xi1>
    %convert_element_type3A_827 = arith.extui %or3A_826 : vector<128x1xi1> to vector<128x1xi32>
    %sub3A_828 = arith.constant 1 : i32
    %sub3A_829 = vector.broadcast %sub3A_828 : i32 to vector<128x1xi32>
    %sub3A_830 = arith.subi %sub3A_829, %convert_element_type3A_827 : vector<128x1xi32>
    %swap3A_831 = arith.constant 2432 : index
    %swap3A_832 = arith.constant 0 : index
    %swap3A_833 = vector.load %arg2[%swap3A_831, %swap3A_832] : memref<4096x1xi32, #tpu.memory_space<vmem>>, vector<128x1xi32>
    tpu.vector_store %arg2[%swap3A_831, %swap3A_832], %sub3A_830 {strides = array<i32>} : memref<4096x1xi32, #tpu.memory_space<vmem>>, vector<128x1xi32>,
    %get3A_834 = arith.constant 2560 : index
    %get3A_835 = arith.constant 0 : index
    %get3A_836 = vector.load %arg1[%get3A_834, %get3A_835] : memref<4096x1xi32, #tpu.memory_space<vmem>>, vector<128x1xi32>
    %slice3A_837 = vector.extract_strided_slice %get3A_1 {offsets = [0, 2560], sizes = [1, 128], strides = [1, 1]} : vector<1x4096xi32> to vector<1x128xi32>
    %eq3A_838 = vector.broadcast %slice3A_837 : vector<1x128xi32> to vector<128x128xi32>
    %eq3A_839 = vector.broadcast %get3A_836 : vector<128x1xi32> to vector<128x128xi32>
    %eq3A_840 = arith.cmpi eq, %eq3A_838, %eq3A_839 : vector<128x128xi32>
    %and3A_841 = arith.andi %eq3A_840, %gt3A : vector<128x128xi1>
    %reduce_or3A_842 = arith.constant 1.000000e+00 : f32
    %reduce_or3A_843 = arith.constant 0.000000e+00 : f32
    %reduce_or3A_844 = vector.broadcast %reduce_or3A_842 : f32 to vector<128x128xf32>
    %reduce_or3A_845 = vector.broadcast %reduce_or3A_843 : f32 to vector<128x128xf32>
    %reduce_or3A_846 = arith.select %and3A_841, %reduce_or3A_844, %reduce_or3A_845 : vector<128x128xi1>, vector<128x128xf32>
    %reduce_or3A_847 = arith.constant dense<0xFF800000> : vector<128xf32>
    %reduce_or3A_848 = vector.multi_reduction <maximumf>, %reduce_or3A_846, %reduce_or3A_847 [1] : vector<128x128xf32> to vector<128xf32>
    %reduce_or3A_849 = arith.constant 0.000000e+00 : f32
    %reduce_or3A_850 = vector.broadcast %reduce_or3A_849 : f32 to vector<128xf32>
    %reduce_or3A_851 = arith.cmpf ogt, %reduce_or3A_848, %reduce_or3A_850 : vector<128xf32>
    %broadcast_in_dim3A_852 = vector.shape_cast %reduce_or3A_851 : vector<128xi1> to vector<128x1xi1>
    %slice3A_853 = vector.extract_strided_slice %get3A_1 {offsets = [0, 2688], sizes = [1, 1408], strides = [1, 1]} : vector<1x4096xi32> to vector<1x1408xi32>
    %eq3A_854 = vector.broadcast %slice3A_853 : vector<1x1408xi32> to vector<128x1408xi32>
    %eq3A_855 = vector.broadcast %get3A_836 : vector<128x1xi32> to vector<128x1408xi32>
    %eq3A_856 = arith.cmpi eq, %eq3A_854, %eq3A_855 : vector<128x1408xi32>
    %reduce_or3A_857 = arith.constant 1.000000e+00 : f32
    %reduce_or3A_858 = arith.constant 0.000000e+00 : f32
    %reduce_or3A_859 = vector.broadcast %reduce_or3A_857 : f32 to vector<128x1408xf32>
    %reduce_or3A_860 = vector.broadcast %reduce_or3A_858 : f32 to vector<128x1408xf32>
    %reduce_or3A_861 = arith.select %eq3A_856, %reduce_or3A_859, %reduce_or3A_860 : vector<128x1408xi1>, vector<128x1408xf32>
    %reduce_or3A_862 = arith.constant dense<0xFF800000> : vector<128xf32>
    %reduce_or3A_863 = vector.multi_reduction <maximumf>, %reduce_or3A_861, %reduce_or3A_862 [1] : vector<128x1408xf32> to vector<128xf32>
    %reduce_or3A_864 = arith.constant 0.000000e+00 : f32
    %reduce_or3A_865 = vector.broadcast %reduce_or3A_864 : f32 to vector<128xf32>
    %reduce_or3A_866 = arith.cmpf ogt, %reduce_or3A_863, %reduce_or3A_865 : vector<128xf32>
    %broadcast_in_dim3A_867 = vector.shape_cast %reduce_or3A_866 : vector<128xi1> to vector<128x1xi1>
    %or3A_868 = arith.ori %broadcast_in_dim3A_852, %broadcast_in_dim3A_867 : vector<128x1xi1>
    %convert_element_type3A_869 = arith.extui %or3A_868 : vector<128x1xi1> to vector<128x1xi32>
    %sub3A_870 = arith.constant 1 : i32
    %sub3A_871 = vector.broadcast %sub3A_870 : i32 to vector<128x1xi32>
    %sub3A_872 = arith.subi %sub3A_871, %convert_element_type3A_869 : vector<128x1xi32>
    %swap3A_873 = arith.constant 2560 : index
    %swap3A_874 = arith.constant 0 : index
    %swap3A_875 = vector.load %arg2[%swap3A_873, %swap3A_874] : memref<4096x1xi32, #tpu.memory_space<vmem>>, vector<128x1xi32>
    tpu.vector_store %arg2[%swap3A_873, %swap3A_874], %sub3A_872 {strides = array<i32>} : memref<4096x1xi32, #tpu.memory_space<vmem>>, vector<128x1xi32>,
    %get3A_876 = arith.constant 2688 : index
    %get3A_877 = arith.constant 0 : index
    %get3A_878 = vector.load %arg1[%get3A_876, %get3A_877] : memref<4096x1xi32, #tpu.memory_space<vmem>>, vector<128x1xi32>
    %slice3A_879 = vector.extract_strided_slice %get3A_1 {offsets = [0, 2688], sizes = [1, 128], strides = [1, 1]} : vector<1x4096xi32> to vector<1x128xi32>
    %eq3A_880 = vector.broadcast %slice3A_879 : vector<1x128xi32> to vector<128x128xi32>
    %eq3A_881 = vector.broadcast %get3A_878 : vector<128x1xi32> to vector<128x128xi32>
    %eq3A_882 = arith.cmpi eq, %eq3A_880, %eq3A_881 : vector<128x128xi32>
    %and3A_883 = arith.andi %eq3A_882, %gt3A : vector<128x128xi1>
    %reduce_or3A_884 = arith.constant 1.000000e+00 : f32
    %reduce_or3A_885 = arith.constant 0.000000e+00 : f32
    %reduce_or3A_886 = vector.broadcast %reduce_or3A_884 : f32 to vector<128x128xf32>
    %reduce_or3A_887 = vector.broadcast %reduce_or3A_885 : f32 to vector<128x128xf32>
    %reduce_or3A_888 = arith.select %and3A_883, %reduce_or3A_886, %reduce_or3A_887 : vector<128x128xi1>, vector<128x128xf32>
    %reduce_or3A_889 = arith.constant dense<0xFF800000> : vector<128xf32>
    %reduce_or3A_890 = vector.multi_reduction <maximumf>, %reduce_or3A_888, %reduce_or3A_889 [1] : vector<128x128xf32> to vector<128xf32>
    %reduce_or3A_891 = arith.constant 0.000000e+00 : f32
    %reduce_or3A_892 = vector.broadcast %reduce_or3A_891 : f32 to vector<128xf32>
    %reduce_or3A_893 = arith.cmpf ogt, %reduce_or3A_890, %reduce_or3A_892 : vector<128xf32>
    %broadcast_in_dim3A_894 = vector.shape_cast %reduce_or3A_893 : vector<128xi1> to vector<128x1xi1>
    %slice3A_895 = vector.extract_strided_slice %get3A_1 {offsets = [0, 2816], sizes = [1, 1280], strides = [1, 1]} : vector<1x4096xi32> to vector<1x1280xi32>
    %eq3A_896 = vector.broadcast %slice3A_895 : vector<1x1280xi32> to vector<128x1280xi32>
    %eq3A_897 = vector.broadcast %get3A_878 : vector<128x1xi32> to vector<128x1280xi32>
    %eq3A_898 = arith.cmpi eq, %eq3A_896, %eq3A_897 : vector<128x1280xi32>
    %reduce_or3A_899 = arith.constant 1.000000e+00 : f32
    %reduce_or3A_900 = arith.constant 0.000000e+00 : f32
    %reduce_or3A_901 = vector.broadcast %reduce_or3A_899 : f32 to vector<128x1280xf32>
    %reduce_or3A_902 = vector.broadcast %reduce_or3A_900 : f32 to vector<128x1280xf32>
    %reduce_or3A_903 = arith.select %eq3A_898, %reduce_or3A_901, %reduce_or3A_902 : vector<128x1280xi1>, vector<128x1280xf32>
    %reduce_or3A_904 = arith.constant dense<0xFF800000> : vector<128xf32>
    %reduce_or3A_905 = vector.multi_reduction <maximumf>, %reduce_or3A_903, %reduce_or3A_904 [1] : vector<128x1280xf32> to vector<128xf32>
    %reduce_or3A_906 = arith.constant 0.000000e+00 : f32
    %reduce_or3A_907 = vector.broadcast %reduce_or3A_906 : f32 to vector<128xf32>
    %reduce_or3A_908 = arith.cmpf ogt, %reduce_or3A_905, %reduce_or3A_907 : vector<128xf32>
    %broadcast_in_dim3A_909 = vector.shape_cast %reduce_or3A_908 : vector<128xi1> to vector<128x1xi1>
    %or3A_910 = arith.ori %broadcast_in_dim3A_894, %broadcast_in_dim3A_909 : vector<128x1xi1>
    %convert_element_type3A_911 = arith.extui %or3A_910 : vector<128x1xi1> to vector<128x1xi32>
    %sub3A_912 = arith.constant 1 : i32
    %sub3A_913 = vector.broadcast %sub3A_912 : i32 to vector<128x1xi32>
    %sub3A_914 = arith.subi %sub3A_913, %convert_element_type3A_911 : vector<128x1xi32>
    %swap3A_915 = arith.constant 2688 : index
    %swap3A_916 = arith.constant 0 : index
    %swap3A_917 = vector.load %arg2[%swap3A_915, %swap3A_916] : memref<4096x1xi32, #tpu.memory_space<vmem>>, vector<128x1xi32>
    tpu.vector_store %arg2[%swap3A_915, %swap3A_916], %sub3A_914 {strides = array<i32>} : memref<4096x1xi32, #tpu.memory_space<vmem>>, vector<128x1xi32>,
    %get3A_918 = arith.constant 2816 : index
    %get3A_919 = arith.constant 0 : index
    %get3A_920 = vector.load %arg1[%get3A_918, %get3A_919] : memref<4096x1xi32, #tpu.memory_space<vmem>>, vector<128x1xi32>
    %slice3A_921 = vector.extract_strided_slice %get3A_1 {offsets = [0, 2816], sizes = [1, 128], strides = [1, 1]} : vector<1x4096xi32> to vector<1x128xi32>
    %eq3A_922 = vector.broadcast %slice3A_921 : vector<1x128xi32> to vector<128x128xi32>
    %eq3A_923 = vector.broadcast %get3A_920 : vector<128x1xi32> to vector<128x128xi32>
    %eq3A_924 = arith.cmpi eq, %eq3A_922, %eq3A_923 : vector<128x128xi32>
    %and3A_925 = arith.andi %eq3A_924, %gt3A : vector<128x128xi1>
    %reduce_or3A_926 = arith.constant 1.000000e+00 : f32
    %reduce_or3A_927 = arith.constant 0.000000e+00 : f32
    %reduce_or3A_928 = vector.broadcast %reduce_or3A_926 : f32 to vector<128x128xf32>
    %reduce_or3A_929 = vector.broadcast %reduce_or3A_927 : f32 to vector<128x128xf32>
    %reduce_or3A_930 = arith.select %and3A_925, %reduce_or3A_928, %reduce_or3A_929 : vector<128x128xi1>, vector<128x128xf32>
    %reduce_or3A_931 = arith.constant dense<0xFF800000> : vector<128xf32>
    %reduce_or3A_932 = vector.multi_reduction <maximumf>, %reduce_or3A_930, %reduce_or3A_931 [1] : vector<128x128xf32> to vector<128xf32>
    %reduce_or3A_933 = arith.constant 0.000000e+00 : f32
    %reduce_or3A_934 = vector.broadcast %reduce_or3A_933 : f32 to vector<128xf32>
    %reduce_or3A_935 = arith.cmpf ogt, %reduce_or3A_932, %reduce_or3A_934 : vector<128xf32>
    %broadcast_in_dim3A_936 = vector.shape_cast %reduce_or3A_935 : vector<128xi1> to vector<128x1xi1>
    %slice3A_937 = vector.extract_strided_slice %get3A_1 {offsets = [0, 2944], sizes = [1, 1152], strides = [1, 1]} : vector<1x4096xi32> to vector<1x1152xi32>
    %eq3A_938 = vector.broadcast %slice3A_937 : vector<1x1152xi32> to vector<128x1152xi32>
    %eq3A_939 = vector.broadcast %get3A_920 : vector<128x1xi32> to vector<128x1152xi32>
    %eq3A_940 = arith.cmpi eq, %eq3A_938, %eq3A_939 : vector<128x1152xi32>
    %reduce_or3A_941 = arith.constant 1.000000e+00 : f32
    %reduce_or3A_942 = arith.constant 0.000000e+00 : f32
    %reduce_or3A_943 = vector.broadcast %reduce_or3A_941 : f32 to vector<128x1152xf32>
    %reduce_or3A_944 = vector.broadcast %reduce_or3A_942 : f32 to vector<128x1152xf32>
    %reduce_or3A_945 = arith.select %eq3A_940, %reduce_or3A_943, %reduce_or3A_944 : vector<128x1152xi1>, vector<128x1152xf32>
    %reduce_or3A_946 = arith.constant dense<0xFF800000> : vector<128xf32>
    %reduce_or3A_947 = vector.multi_reduction <maximumf>, %reduce_or3A_945, %reduce_or3A_946 [1] : vector<128x1152xf32> to vector<128xf32>
    %reduce_or3A_948 = arith.constant 0.000000e+00 : f32
    %reduce_or3A_949 = vector.broadcast %reduce_or3A_948 : f32 to vector<128xf32>
    %reduce_or3A_950 = arith.cmpf ogt, %reduce_or3A_947, %reduce_or3A_949 : vector<128xf32>
    %broadcast_in_dim3A_951 = vector.shape_cast %reduce_or3A_950 : vector<128xi1> to vector<128x1xi1>
    %or3A_952 = arith.ori %broadcast_in_dim3A_936, %broadcast_in_dim3A_951 : vector<128x1xi1>
    %convert_element_type3A_953 = arith.extui %or3A_952 : vector<128x1xi1> to vector<128x1xi32>
    %sub3A_954 = arith.constant 1 : i32
    %sub3A_955 = vector.broadcast %sub3A_954 : i32 to vector<128x1xi32>
    %sub3A_956 = arith.subi %sub3A_955, %convert_element_type3A_953 : vector<128x1xi32>
    %swap3A_957 = arith.constant 2816 : index
    %swap3A_958 = arith.constant 0 : index
    %swap3A_959 = vector.load %arg2[%swap3A_957, %swap3A_958] : memref<4096x1xi32, #tpu.memory_space<vmem>>, vector<128x1xi32>
    tpu.vector_store %arg2[%swap3A_957, %swap3A_958], %sub3A_956 {strides = array<i32>} : memref<4096x1xi32, #tpu.memory_space<vmem>>, vector<128x1xi32>,
    %get3A_960 = arith.constant 2944 : index
    %get3A_961 = arith.constant 0 : index
    %get3A_962 = vector.load %arg1[%get3A_960, %get3A_961] : memref<4096x1xi32, #tpu.memory_space<vmem>>, vector<128x1xi32>
    %slice3A_963 = vector.extract_strided_slice %get3A_1 {offsets = [0, 2944], sizes = [1, 128], strides = [1, 1]} : vector<1x4096xi32> to vector<1x128xi32>
    %eq3A_964 = vector.broadcast %slice3A_963 : vector<1x128xi32> to vector<128x128xi32>
    %eq3A_965 = vector.broadcast %get3A_962 : vector<128x1xi32> to vector<128x128xi32>
    %eq3A_966 = arith.cmpi eq, %eq3A_964, %eq3A_965 : vector<128x128xi32>
    %and3A_967 = arith.andi %eq3A_966, %gt3A : vector<128x128xi1>
    %reduce_or3A_968 = arith.constant 1.000000e+00 : f32
    %reduce_or3A_969 = arith.constant 0.000000e+00 : f32
    %reduce_or3A_970 = vector.broadcast %reduce_or3A_968 : f32 to vector<128x128xf32>
    %reduce_or3A_971 = vector.broadcast %reduce_or3A_969 : f32 to vector<128x128xf32>
    %reduce_or3A_972 = arith.select %and3A_967, %reduce_or3A_970, %reduce_or3A_971 : vector<128x128xi1>, vector<128x128xf32>
    %reduce_or3A_973 = arith.constant dense<0xFF800000> : vector<128xf32>
    %reduce_or3A_974 = vector.multi_reduction <maximumf>, %reduce_or3A_972, %reduce_or3A_973 [1] : vector<128x128xf32> to vector<128xf32>
    %reduce_or3A_975 = arith.constant 0.000000e+00 : f32
    %reduce_or3A_976 = vector.broadcast %reduce_or3A_975 : f32 to vector<128xf32>
    %reduce_or3A_977 = arith.cmpf ogt, %reduce_or3A_974, %reduce_or3A_976 : vector<128xf32>
    %broadcast_in_dim3A_978 = vector.shape_cast %reduce_or3A_977 : vector<128xi1> to vector<128x1xi1>
    %slice3A_979 = vector.extract_strided_slice %get3A_1 {offsets = [0, 3072], sizes = [1, 1024], strides = [1, 1]} : vector<1x4096xi32> to vector<1x1024xi32>
    %eq3A_980 = vector.broadcast %slice3A_979 : vector<1x1024xi32> to vector<128x1024xi32>
    %eq3A_981 = vector.broadcast %get3A_962 : vector<128x1xi32> to vector<128x1024xi32>
    %eq3A_982 = arith.cmpi eq, %eq3A_980, %eq3A_981 : vector<128x1024xi32>
    %reduce_or3A_983 = arith.constant 1.000000e+00 : f32
    %reduce_or3A_984 = arith.constant 0.000000e+00 : f32
    %reduce_or3A_985 = vector.broadcast %reduce_or3A_983 : f32 to vector<128x1024xf32>
    %reduce_or3A_986 = vector.broadcast %reduce_or3A_984 : f32 to vector<128x1024xf32>
    %reduce_or3A_987 = arith.select %eq3A_982, %reduce_or3A_985, %reduce_or3A_986 : vector<128x1024xi1>, vector<128x1024xf32>
    %reduce_or3A_988 = arith.constant dense<0xFF800000> : vector<128xf32>
    %reduce_or3A_989 = vector.multi_reduction <maximumf>, %reduce_or3A_987, %reduce_or3A_988 [1] : vector<128x1024xf32> to vector<128xf32>
    %reduce_or3A_990 = arith.constant 0.000000e+00 : f32
    %reduce_or3A_991 = vector.broadcast %reduce_or3A_990 : f32 to vector<128xf32>
    %reduce_or3A_992 = arith.cmpf ogt, %reduce_or3A_989, %reduce_or3A_991 : vector<128xf32>
    %broadcast_in_dim3A_993 = vector.shape_cast %reduce_or3A_992 : vector<128xi1> to vector<128x1xi1>
    %or3A_994 = arith.ori %broadcast_in_dim3A_978, %broadcast_in_dim3A_993 : vector<128x1xi1>
    %convert_element_type3A_995 = arith.extui %or3A_994 : vector<128x1xi1> to vector<128x1xi32>
    %sub3A_996 = arith.constant 1 : i32
    %sub3A_997 = vector.broadcast %sub3A_996 : i32 to vector<128x1xi32>
    %sub3A_998 = arith.subi %sub3A_997, %convert_element_type3A_995 : vector<128x1xi32>
    %swap3A_999 = arith.constant 2944 : index
    %swap3A_1000 = arith.constant 0 : index
    %swap3A_1001 = vector.load %arg2[%swap3A_999, %swap3A_1000] : memref<4096x1xi32, #tpu.memory_space<vmem>>, vector<128x1xi32>
    tpu.vector_store %arg2[%swap3A_999, %swap3A_1000], %sub3A_998 {strides = array<i32>} : memref<4096x1xi32, #tpu.memory_space<vmem>>, vector<128x1xi32>,
    %get3A_1002 = arith.constant 3072 : index
    %get3A_1003 = arith.constant 0 : index
    %get3A_1004 = vector.load %arg1[%get3A_1002, %get3A_1003] : memref<4096x1xi32, #tpu.memory_space<vmem>>, vector<128x1xi32>
    %slice3A_1005 = vector.extract_strided_slice %get3A_1 {offsets = [0, 3072], sizes = [1, 128], strides = [1, 1]} : vector<1x4096xi32> to vector<1x128xi32>
    %eq3A_1006 = vector.broadcast %slice3A_1005 : vector<1x128xi32> to vector<128x128xi32>
    %eq3A_1007 = vector.broadcast %get3A_1004 : vector<128x1xi32> to vector<128x128xi32>
    %eq3A_1008 = arith.cmpi eq, %eq3A_1006, %eq3A_1007 : vector<128x128xi32>
    %and3A_1009 = arith.andi %eq3A_1008, %gt3A : vector<128x128xi1>
    %reduce_or3A_1010 = arith.constant 1.000000e+00 : f32
    %reduce_or3A_1011 = arith.constant 0.000000e+00 : f32
    %reduce_or3A_1012 = vector.broadcast %reduce_or3A_1010 : f32 to vector<128x128xf32>
    %reduce_or3A_1013 = vector.broadcast %reduce_or3A_1011 : f32 to vector<128x128xf32>
    %reduce_or3A_1014 = arith.select %and3A_1009, %reduce_or3A_1012, %reduce_or3A_1013 : vector<128x128xi1>, vector<128x128xf32>
    %reduce_or3A_1015 = arith.constant dense<0xFF800000> : vector<128xf32>
    %reduce_or3A_1016 = vector.multi_reduction <maximumf>, %reduce_or3A_1014, %reduce_or3A_1015 [1] : vector<128x128xf32> to vector<128xf32>
    %reduce_or3A_1017 = arith.constant 0.000000e+00 : f32
    %reduce_or3A_1018 = vector.broadcast %reduce_or3A_1017 : f32 to vector<128xf32>
    %reduce_or3A_1019 = arith.cmpf ogt, %reduce_or3A_1016, %reduce_or3A_1018 : vector<128xf32>
    %broadcast_in_dim3A_1020 = vector.shape_cast %reduce_or3A_1019 : vector<128xi1> to vector<128x1xi1>
    %slice3A_1021 = vector.extract_strided_slice %get3A_1 {offsets = [0, 3200], sizes = [1, 896], strides = [1, 1]} : vector<1x4096xi32> to vector<1x896xi32>
    %eq3A_1022 = vector.broadcast %slice3A_1021 : vector<1x896xi32> to vector<128x896xi32>
    %eq3A_1023 = vector.broadcast %get3A_1004 : vector<128x1xi32> to vector<128x896xi32>
    %eq3A_1024 = arith.cmpi eq, %eq3A_1022, %eq3A_1023 : vector<128x896xi32>
    %reduce_or3A_1025 = arith.constant 1.000000e+00 : f32
    %reduce_or3A_1026 = arith.constant 0.000000e+00 : f32
    %reduce_or3A_1027 = vector.broadcast %reduce_or3A_1025 : f32 to vector<128x896xf32>
    %reduce_or3A_1028 = vector.broadcast %reduce_or3A_1026 : f32 to vector<128x896xf32>
    %reduce_or3A_1029 = arith.select %eq3A_1024, %reduce_or3A_1027, %reduce_or3A_1028 : vector<128x896xi1>, vector<128x896xf32>
    %reduce_or3A_1030 = arith.constant dense<0xFF800000> : vector<128xf32>
    %reduce_or3A_1031 = vector.multi_reduction <maximumf>, %reduce_or3A_1029, %reduce_or3A_1030 [1] : vector<128x896xf32> to vector<128xf32>
    %reduce_or3A_1032 = arith.constant 0.000000e+00 : f32
    %reduce_or3A_1033 = vector.broadcast %reduce_or3A_1032 : f32 to vector<128xf32>
    %reduce_or3A_1034 = arith.cmpf ogt, %reduce_or3A_1031, %reduce_or3A_1033 : vector<128xf32>
    %broadcast_in_dim3A_1035 = vector.shape_cast %reduce_or3A_1034 : vector<128xi1> to vector<128x1xi1>
    %or3A_1036 = arith.ori %broadcast_in_dim3A_1020, %broadcast_in_dim3A_1035 : vector<128x1xi1>
    %convert_element_type3A_1037 = arith.extui %or3A_1036 : vector<128x1xi1> to vector<128x1xi32>
    %sub3A_1038 = arith.constant 1 : i32
    %sub3A_1039 = vector.broadcast %sub3A_1038 : i32 to vector<128x1xi32>
    %sub3A_1040 = arith.subi %sub3A_1039, %convert_element_type3A_1037 : vector<128x1xi32>
    %swap3A_1041 = arith.constant 3072 : index
    %swap3A_1042 = arith.constant 0 : index
    %swap3A_1043 = vector.load %arg2[%swap3A_1041, %swap3A_1042] : memref<4096x1xi32, #tpu.memory_space<vmem>>, vector<128x1xi32>
    tpu.vector_store %arg2[%swap3A_1041, %swap3A_1042], %sub3A_1040 {strides = array<i32>} : memref<4096x1xi32, #tpu.memory_space<vmem>>, vector<128x1xi32>,
    %get3A_1044 = arith.constant 3200 : index
    %get3A_1045 = arith.constant 0 : index
    %get3A_1046 = vector.load %arg1[%get3A_1044, %get3A_1045] : memref<4096x1xi32, #tpu.memory_space<vmem>>, vector<128x1xi32>
    %slice3A_1047 = vector.extract_strided_slice %get3A_1 {offsets = [0, 3200], sizes = [1, 128], strides = [1, 1]} : vector<1x4096xi32> to vector<1x128xi32>
    %eq3A_1048 = vector.broadcast %slice3A_1047 : vector<1x128xi32> to vector<128x128xi32>
    %eq3A_1049 = vector.broadcast %get3A_1046 : vector<128x1xi32> to vector<128x128xi32>
    %eq3A_1050 = arith.cmpi eq, %eq3A_1048, %eq3A_1049 : vector<128x128xi32>
    %and3A_1051 = arith.andi %eq3A_1050, %gt3A : vector<128x128xi1>
    %reduce_or3A_1052 = arith.constant 1.000000e+00 : f32
    %reduce_or3A_1053 = arith.constant 0.000000e+00 : f32
    %reduce_or3A_1054 = vector.broadcast %reduce_or3A_1052 : f32 to vector<128x128xf32>
    %reduce_or3A_1055 = vector.broadcast %reduce_or3A_1053 : f32 to vector<128x128xf32>
    %reduce_or3A_1056 = arith.select %and3A_1051, %reduce_or3A_1054, %reduce_or3A_1055 : vector<128x128xi1>, vector<128x128xf32>
    %reduce_or3A_1057 = arith.constant dense<0xFF800000> : vector<128xf32>
    %reduce_or3A_1058 = vector.multi_reduction <maximumf>, %reduce_or3A_1056, %reduce_or3A_1057 [1] : vector<128x128xf32> to vector<128xf32>
    %reduce_or3A_1059 = arith.constant 0.000000e+00 : f32
    %reduce_or3A_1060 = vector.broadcast %reduce_or3A_1059 : f32 to vector<128xf32>
    %reduce_or3A_1061 = arith.cmpf ogt, %reduce_or3A_1058, %reduce_or3A_1060 : vector<128xf32>
    %broadcast_in_dim3A_1062 = vector.shape_cast %reduce_or3A_1061 : vector<128xi1> to vector<128x1xi1>
    %slice3A_1063 = vector.extract_strided_slice %get3A_1 {offsets = [0, 3328], sizes = [1, 768], strides = [1, 1]} : vector<1x4096xi32> to vector<1x768xi32>
    %eq3A_1064 = vector.broadcast %slice3A_1063 : vector<1x768xi32> to vector<128x768xi32>
    %eq3A_1065 = vector.broadcast %get3A_1046 : vector<128x1xi32> to vector<128x768xi32>
    %eq3A_1066 = arith.cmpi eq, %eq3A_1064, %eq3A_1065 : vector<128x768xi32>
    %reduce_or3A_1067 = arith.constant 1.000000e+00 : f32
    %reduce_or3A_1068 = arith.constant 0.000000e+00 : f32
    %reduce_or3A_1069 = vector.broadcast %reduce_or3A_1067 : f32 to vector<128x768xf32>
    %reduce_or3A_1070 = vector.broadcast %reduce_or3A_1068 : f32 to vector<128x768xf32>
    %reduce_or3A_1071 = arith.select %eq3A_1066, %reduce_or3A_1069, %reduce_or3A_1070 : vector<128x768xi1>, vector<128x768xf32>
    %reduce_or3A_1072 = arith.constant dense<0xFF800000> : vector<128xf32>
    %reduce_or3A_1073 = vector.multi_reduction <maximumf>, %reduce_or3A_1071, %reduce_or3A_1072 [1] : vector<128x768xf32> to vector<128xf32>
    %reduce_or3A_1074 = arith.constant 0.000000e+00 : f32
    %reduce_or3A_1075 = vector.broadcast %reduce_or3A_1074 : f32 to vector<128xf32>
    %reduce_or3A_1076 = arith.cmpf ogt, %reduce_or3A_1073, %reduce_or3A_1075 : vector<128xf32>
    %broadcast_in_dim3A_1077 = vector.shape_cast %reduce_or3A_1076 : vector<128xi1> to vector<128x1xi1>
    %or3A_1078 = arith.ori %broadcast_in_dim3A_1062, %broadcast_in_dim3A_1077 : vector<128x1xi1>
    %convert_element_type3A_1079 = arith.extui %or3A_1078 : vector<128x1xi1> to vector<128x1xi32>
    %sub3A_1080 = arith.constant 1 : i32
    %sub3A_1081 = vector.broadcast %sub3A_1080 : i32 to vector<128x1xi32>
    %sub3A_1082 = arith.subi %sub3A_1081, %convert_element_type3A_1079 : vector<128x1xi32>
    %swap3A_1083 = arith.constant 3200 : index
    %swap3A_1084 = arith.constant 0 : index
    %swap3A_1085 = vector.load %arg2[%swap3A_1083, %swap3A_1084] : memref<4096x1xi32, #tpu.memory_space<vmem>>, vector<128x1xi32>
    tpu.vector_store %arg2[%swap3A_1083, %swap3A_1084], %sub3A_1082 {strides = array<i32>} : memref<4096x1xi32, #tpu.memory_space<vmem>>, vector<128x1xi32>,
    %get3A_1086 = arith.constant 3328 : index
    %get3A_1087 = arith.constant 0 : index
    %get3A_1088 = vector.load %arg1[%get3A_1086, %get3A_1087] : memref<4096x1xi32, #tpu.memory_space<vmem>>, vector<128x1xi32>
    %slice3A_1089 = vector.extract_strided_slice %get3A_1 {offsets = [0, 3328], sizes = [1, 128], strides = [1, 1]} : vector<1x4096xi32> to vector<1x128xi32>
    %eq3A_1090 = vector.broadcast %slice3A_1089 : vector<1x128xi32> to vector<128x128xi32>
    %eq3A_1091 = vector.broadcast %get3A_1088 : vector<128x1xi32> to vector<128x128xi32>
    %eq3A_1092 = arith.cmpi eq, %eq3A_1090, %eq3A_1091 : vector<128x128xi32>
    %and3A_1093 = arith.andi %eq3A_1092, %gt3A : vector<128x128xi1>
    %reduce_or3A_1094 = arith.constant 1.000000e+00 : f32
    %reduce_or3A_1095 = arith.constant 0.000000e+00 : f32
    %reduce_or3A_1096 = vector.broadcast %reduce_or3A_1094 : f32 to vector<128x128xf32>
    %reduce_or3A_1097 = vector.broadcast %reduce_or3A_1095 : f32 to vector<128x128xf32>
    %reduce_or3A_1098 = arith.select %and3A_1093, %reduce_or3A_1096, %reduce_or3A_1097 : vector<128x128xi1>, vector<128x128xf32>
    %reduce_or3A_1099 = arith.constant dense<0xFF800000> : vector<128xf32>
    %reduce_or3A_1100 = vector.multi_reduction <maximumf>, %reduce_or3A_1098, %reduce_or3A_1099 [1] : vector<128x128xf32> to vector<128xf32>
    %reduce_or3A_1101 = arith.constant 0.000000e+00 : f32
    %reduce_or3A_1102 = vector.broadcast %reduce_or3A_1101 : f32 to vector<128xf32>
    %reduce_or3A_1103 = arith.cmpf ogt, %reduce_or3A_1100, %reduce_or3A_1102 : vector<128xf32>
    %broadcast_in_dim3A_1104 = vector.shape_cast %reduce_or3A_1103 : vector<128xi1> to vector<128x1xi1>
    %slice3A_1105 = vector.extract_strided_slice %get3A_1 {offsets = [0, 3456], sizes = [1, 640], strides = [1, 1]} : vector<1x4096xi32> to vector<1x640xi32>
    %eq3A_1106 = vector.broadcast %slice3A_1105 : vector<1x640xi32> to vector<128x640xi32>
    %eq3A_1107 = vector.broadcast %get3A_1088 : vector<128x1xi32> to vector<128x640xi32>
    %eq3A_1108 = arith.cmpi eq, %eq3A_1106, %eq3A_1107 : vector<128x640xi32>
    %reduce_or3A_1109 = arith.constant 1.000000e+00 : f32
    %reduce_or3A_1110 = arith.constant 0.000000e+00 : f32
    %reduce_or3A_1111 = vector.broadcast %reduce_or3A_1109 : f32 to vector<128x640xf32>
    %reduce_or3A_1112 = vector.broadcast %reduce_or3A_1110 : f32 to vector<128x640xf32>
    %reduce_or3A_1113 = arith.select %eq3A_1108, %reduce_or3A_1111, %reduce_or3A_1112 : vector<128x640xi1>, vector<128x640xf32>
    %reduce_or3A_1114 = arith.constant dense<0xFF800000> : vector<128xf32>
    %reduce_or3A_1115 = vector.multi_reduction <maximumf>, %reduce_or3A_1113, %reduce_or3A_1114 [1] : vector<128x640xf32> to vector<128xf32>
    %reduce_or3A_1116 = arith.constant 0.000000e+00 : f32
    %reduce_or3A_1117 = vector.broadcast %reduce_or3A_1116 : f32 to vector<128xf32>
    %reduce_or3A_1118 = arith.cmpf ogt, %reduce_or3A_1115, %reduce_or3A_1117 : vector<128xf32>
    %broadcast_in_dim3A_1119 = vector.shape_cast %reduce_or3A_1118 : vector<128xi1> to vector<128x1xi1>
    %or3A_1120 = arith.ori %broadcast_in_dim3A_1104, %broadcast_in_dim3A_1119 : vector<128x1xi1>
    %convert_element_type3A_1121 = arith.extui %or3A_1120 : vector<128x1xi1> to vector<128x1xi32>
    %sub3A_1122 = arith.constant 1 : i32
    %sub3A_1123 = vector.broadcast %sub3A_1122 : i32 to vector<128x1xi32>
    %sub3A_1124 = arith.subi %sub3A_1123, %convert_element_type3A_1121 : vector<128x1xi32>
    %swap3A_1125 = arith.constant 3328 : index
    %swap3A_1126 = arith.constant 0 : index
    %swap3A_1127 = vector.load %arg2[%swap3A_1125, %swap3A_1126] : memref<4096x1xi32, #tpu.memory_space<vmem>>, vector<128x1xi32>
    tpu.vector_store %arg2[%swap3A_1125, %swap3A_1126], %sub3A_1124 {strides = array<i32>} : memref<4096x1xi32, #tpu.memory_space<vmem>>, vector<128x1xi32>,
    %get3A_1128 = arith.constant 3456 : index
    %get3A_1129 = arith.constant 0 : index
    %get3A_1130 = vector.load %arg1[%get3A_1128, %get3A_1129] : memref<4096x1xi32, #tpu.memory_space<vmem>>, vector<128x1xi32>
    %slice3A_1131 = vector.extract_strided_slice %get3A_1 {offsets = [0, 3456], sizes = [1, 128], strides = [1, 1]} : vector<1x4096xi32> to vector<1x128xi32>
    %eq3A_1132 = vector.broadcast %slice3A_1131 : vector<1x128xi32> to vector<128x128xi32>
    %eq3A_1133 = vector.broadcast %get3A_1130 : vector<128x1xi32> to vector<128x128xi32>
    %eq3A_1134 = arith.cmpi eq, %eq3A_1132, %eq3A_1133 : vector<128x128xi32>
    %and3A_1135 = arith.andi %eq3A_1134, %gt3A : vector<128x128xi1>
    %reduce_or3A_1136 = arith.constant 1.000000e+00 : f32
    %reduce_or3A_1137 = arith.constant 0.000000e+00 : f32
    %reduce_or3A_1138 = vector.broadcast %reduce_or3A_1136 : f32 to vector<128x128xf32>
    %reduce_or3A_1139 = vector.broadcast %reduce_or3A_1137 : f32 to vector<128x128xf32>
    %reduce_or3A_1140 = arith.select %and3A_1135, %reduce_or3A_1138, %reduce_or3A_1139 : vector<128x128xi1>, vector<128x128xf32>
    %reduce_or3A_1141 = arith.constant dense<0xFF800000> : vector<128xf32>
    %reduce_or3A_1142 = vector.multi_reduction <maximumf>, %reduce_or3A_1140, %reduce_or3A_1141 [1] : vector<128x128xf32> to vector<128xf32>
    %reduce_or3A_1143 = arith.constant 0.000000e+00 : f32
    %reduce_or3A_1144 = vector.broadcast %reduce_or3A_1143 : f32 to vector<128xf32>
    %reduce_or3A_1145 = arith.cmpf ogt, %reduce_or3A_1142, %reduce_or3A_1144 : vector<128xf32>
    %broadcast_in_dim3A_1146 = vector.shape_cast %reduce_or3A_1145 : vector<128xi1> to vector<128x1xi1>
    %slice3A_1147 = vector.extract_strided_slice %get3A_1 {offsets = [0, 3584], sizes = [1, 512], strides = [1, 1]} : vector<1x4096xi32> to vector<1x512xi32>
    %eq3A_1148 = vector.broadcast %slice3A_1147 : vector<1x512xi32> to vector<128x512xi32>
    %eq3A_1149 = vector.broadcast %get3A_1130 : vector<128x1xi32> to vector<128x512xi32>
    %eq3A_1150 = arith.cmpi eq, %eq3A_1148, %eq3A_1149 : vector<128x512xi32>
    %reduce_or3A_1151 = arith.constant 1.000000e+00 : f32
    %reduce_or3A_1152 = arith.constant 0.000000e+00 : f32
    %reduce_or3A_1153 = vector.broadcast %reduce_or3A_1151 : f32 to vector<128x512xf32>
    %reduce_or3A_1154 = vector.broadcast %reduce_or3A_1152 : f32 to vector<128x512xf32>
    %reduce_or3A_1155 = arith.select %eq3A_1150, %reduce_or3A_1153, %reduce_or3A_1154 : vector<128x512xi1>, vector<128x512xf32>
    %reduce_or3A_1156 = arith.constant dense<0xFF800000> : vector<128xf32>
    %reduce_or3A_1157 = vector.multi_reduction <maximumf>, %reduce_or3A_1155, %reduce_or3A_1156 [1] : vector<128x512xf32> to vector<128xf32>
    %reduce_or3A_1158 = arith.constant 0.000000e+00 : f32
    %reduce_or3A_1159 = vector.broadcast %reduce_or3A_1158 : f32 to vector<128xf32>
    %reduce_or3A_1160 = arith.cmpf ogt, %reduce_or3A_1157, %reduce_or3A_1159 : vector<128xf32>
    %broadcast_in_dim3A_1161 = vector.shape_cast %reduce_or3A_1160 : vector<128xi1> to vector<128x1xi1>
    %or3A_1162 = arith.ori %broadcast_in_dim3A_1146, %broadcast_in_dim3A_1161 : vector<128x1xi1>
    %convert_element_type3A_1163 = arith.extui %or3A_1162 : vector<128x1xi1> to vector<128x1xi32>
    %sub3A_1164 = arith.constant 1 : i32
    %sub3A_1165 = vector.broadcast %sub3A_1164 : i32 to vector<128x1xi32>
    %sub3A_1166 = arith.subi %sub3A_1165, %convert_element_type3A_1163 : vector<128x1xi32>
    %swap3A_1167 = arith.constant 3456 : index
    %swap3A_1168 = arith.constant 0 : index
    %swap3A_1169 = vector.load %arg2[%swap3A_1167, %swap3A_1168] : memref<4096x1xi32, #tpu.memory_space<vmem>>, vector<128x1xi32>
    tpu.vector_store %arg2[%swap3A_1167, %swap3A_1168], %sub3A_1166 {strides = array<i32>} : memref<4096x1xi32, #tpu.memory_space<vmem>>, vector<128x1xi32>,
    %get3A_1170 = arith.constant 3584 : index
    %get3A_1171 = arith.constant 0 : index
    %get3A_1172 = vector.load %arg1[%get3A_1170, %get3A_1171] : memref<4096x1xi32, #tpu.memory_space<vmem>>, vector<128x1xi32>
    %slice3A_1173 = vector.extract_strided_slice %get3A_1 {offsets = [0, 3584], sizes = [1, 128], strides = [1, 1]} : vector<1x4096xi32> to vector<1x128xi32>
    %eq3A_1174 = vector.broadcast %slice3A_1173 : vector<1x128xi32> to vector<128x128xi32>
    %eq3A_1175 = vector.broadcast %get3A_1172 : vector<128x1xi32> to vector<128x128xi32>
    %eq3A_1176 = arith.cmpi eq, %eq3A_1174, %eq3A_1175 : vector<128x128xi32>
    %and3A_1177 = arith.andi %eq3A_1176, %gt3A : vector<128x128xi1>
    %reduce_or3A_1178 = arith.constant 1.000000e+00 : f32
    %reduce_or3A_1179 = arith.constant 0.000000e+00 : f32
    %reduce_or3A_1180 = vector.broadcast %reduce_or3A_1178 : f32 to vector<128x128xf32>
    %reduce_or3A_1181 = vector.broadcast %reduce_or3A_1179 : f32 to vector<128x128xf32>
    %reduce_or3A_1182 = arith.select %and3A_1177, %reduce_or3A_1180, %reduce_or3A_1181 : vector<128x128xi1>, vector<128x128xf32>
    %reduce_or3A_1183 = arith.constant dense<0xFF800000> : vector<128xf32>
    %reduce_or3A_1184 = vector.multi_reduction <maximumf>, %reduce_or3A_1182, %reduce_or3A_1183 [1] : vector<128x128xf32> to vector<128xf32>
    %reduce_or3A_1185 = arith.constant 0.000000e+00 : f32
    %reduce_or3A_1186 = vector.broadcast %reduce_or3A_1185 : f32 to vector<128xf32>
    %reduce_or3A_1187 = arith.cmpf ogt, %reduce_or3A_1184, %reduce_or3A_1186 : vector<128xf32>
    %broadcast_in_dim3A_1188 = vector.shape_cast %reduce_or3A_1187 : vector<128xi1> to vector<128x1xi1>
    %slice3A_1189 = vector.extract_strided_slice %get3A_1 {offsets = [0, 3712], sizes = [1, 384], strides = [1, 1]} : vector<1x4096xi32> to vector<1x384xi32>
    %eq3A_1190 = vector.broadcast %slice3A_1189 : vector<1x384xi32> to vector<128x384xi32>
    %eq3A_1191 = vector.broadcast %get3A_1172 : vector<128x1xi32> to vector<128x384xi32>
    %eq3A_1192 = arith.cmpi eq, %eq3A_1190, %eq3A_1191 : vector<128x384xi32>
    %reduce_or3A_1193 = arith.constant 1.000000e+00 : f32
    %reduce_or3A_1194 = arith.constant 0.000000e+00 : f32
    %reduce_or3A_1195 = vector.broadcast %reduce_or3A_1193 : f32 to vector<128x384xf32>
    %reduce_or3A_1196 = vector.broadcast %reduce_or3A_1194 : f32 to vector<128x384xf32>
    %reduce_or3A_1197 = arith.select %eq3A_1192, %reduce_or3A_1195, %reduce_or3A_1196 : vector<128x384xi1>, vector<128x384xf32>
    %reduce_or3A_1198 = arith.constant dense<0xFF800000> : vector<128xf32>
    %reduce_or3A_1199 = vector.multi_reduction <maximumf>, %reduce_or3A_1197, %reduce_or3A_1198 [1] : vector<128x384xf32> to vector<128xf32>
    %reduce_or3A_1200 = arith.constant 0.000000e+00 : f32
    %reduce_or3A_1201 = vector.broadcast %reduce_or3A_1200 : f32 to vector<128xf32>
    %reduce_or3A_1202 = arith.cmpf ogt, %reduce_or3A_1199, %reduce_or3A_1201 : vector<128xf32>
    %broadcast_in_dim3A_1203 = vector.shape_cast %reduce_or3A_1202 : vector<128xi1> to vector<128x1xi1>
    %or3A_1204 = arith.ori %broadcast_in_dim3A_1188, %broadcast_in_dim3A_1203 : vector<128x1xi1>
    %convert_element_type3A_1205 = arith.extui %or3A_1204 : vector<128x1xi1> to vector<128x1xi32>
    %sub3A_1206 = arith.constant 1 : i32
    %sub3A_1207 = vector.broadcast %sub3A_1206 : i32 to vector<128x1xi32>
    %sub3A_1208 = arith.subi %sub3A_1207, %convert_element_type3A_1205 : vector<128x1xi32>
    %swap3A_1209 = arith.constant 3584 : index
    %swap3A_1210 = arith.constant 0 : index
    %swap3A_1211 = vector.load %arg2[%swap3A_1209, %swap3A_1210] : memref<4096x1xi32, #tpu.memory_space<vmem>>, vector<128x1xi32>
    tpu.vector_store %arg2[%swap3A_1209, %swap3A_1210], %sub3A_1208 {strides = array<i32>} : memref<4096x1xi32, #tpu.memory_space<vmem>>, vector<128x1xi32>,
    %get3A_1212 = arith.constant 3712 : index
    %get3A_1213 = arith.constant 0 : index
    %get3A_1214 = vector.load %arg1[%get3A_1212, %get3A_1213] : memref<4096x1xi32, #tpu.memory_space<vmem>>, vector<128x1xi32>
    %slice3A_1215 = vector.extract_strided_slice %get3A_1 {offsets = [0, 3712], sizes = [1, 128], strides = [1, 1]} : vector<1x4096xi32> to vector<1x128xi32>
    %eq3A_1216 = vector.broadcast %slice3A_1215 : vector<1x128xi32> to vector<128x128xi32>
    %eq3A_1217 = vector.broadcast %get3A_1214 : vector<128x1xi32> to vector<128x128xi32>
    %eq3A_1218 = arith.cmpi eq, %eq3A_1216, %eq3A_1217 : vector<128x128xi32>
    %and3A_1219 = arith.andi %eq3A_1218, %gt3A : vector<128x128xi1>
    %reduce_or3A_1220 = arith.constant 1.000000e+00 : f32
    %reduce_or3A_1221 = arith.constant 0.000000e+00 : f32
    %reduce_or3A_1222 = vector.broadcast %reduce_or3A_1220 : f32 to vector<128x128xf32>
    %reduce_or3A_1223 = vector.broadcast %reduce_or3A_1221 : f32 to vector<128x128xf32>
    %reduce_or3A_1224 = arith.select %and3A_1219, %reduce_or3A_1222, %reduce_or3A_1223 : vector<128x128xi1>, vector<128x128xf32>
    %reduce_or3A_1225 = arith.constant dense<0xFF800000> : vector<128xf32>
    %reduce_or3A_1226 = vector.multi_reduction <maximumf>, %reduce_or3A_1224, %reduce_or3A_1225 [1] : vector<128x128xf32> to vector<128xf32>
    %reduce_or3A_1227 = arith.constant 0.000000e+00 : f32
    %reduce_or3A_1228 = vector.broadcast %reduce_or3A_1227 : f32 to vector<128xf32>
    %reduce_or3A_1229 = arith.cmpf ogt, %reduce_or3A_1226, %reduce_or3A_1228 : vector<128xf32>
    %broadcast_in_dim3A_1230 = vector.shape_cast %reduce_or3A_1229 : vector<128xi1> to vector<128x1xi1>
    %slice3A_1231 = vector.extract_strided_slice %get3A_1 {offsets = [0, 3840], sizes = [1, 256], strides = [1, 1]} : vector<1x4096xi32> to vector<1x256xi32>
    %eq3A_1232 = vector.broadcast %slice3A_1231 : vector<1x256xi32> to vector<128x256xi32>
    %eq3A_1233 = vector.broadcast %get3A_1214 : vector<128x1xi32> to vector<128x256xi32>
    %eq3A_1234 = arith.cmpi eq, %eq3A_1232, %eq3A_1233 : vector<128x256xi32>
    %reduce_or3A_1235 = arith.constant 1.000000e+00 : f32
    %reduce_or3A_1236 = arith.constant 0.000000e+00 : f32
    %reduce_or3A_1237 = vector.broadcast %reduce_or3A_1235 : f32 to vector<128x256xf32>
    %reduce_or3A_1238 = vector.broadcast %reduce_or3A_1236 : f32 to vector<128x256xf32>
    %reduce_or3A_1239 = arith.select %eq3A_1234, %reduce_or3A_1237, %reduce_or3A_1238 : vector<128x256xi1>, vector<128x256xf32>
    %reduce_or3A_1240 = arith.constant dense<0xFF800000> : vector<128xf32>
    %reduce_or3A_1241 = vector.multi_reduction <maximumf>, %reduce_or3A_1239, %reduce_or3A_1240 [1] : vector<128x256xf32> to vector<128xf32>
    %reduce_or3A_1242 = arith.constant 0.000000e+00 : f32
    %reduce_or3A_1243 = vector.broadcast %reduce_or3A_1242 : f32 to vector<128xf32>
    %reduce_or3A_1244 = arith.cmpf ogt, %reduce_or3A_1241, %reduce_or3A_1243 : vector<128xf32>
    %broadcast_in_dim3A_1245 = vector.shape_cast %reduce_or3A_1244 : vector<128xi1> to vector<128x1xi1>
    %or3A_1246 = arith.ori %broadcast_in_dim3A_1230, %broadcast_in_dim3A_1245 : vector<128x1xi1>
    %convert_element_type3A_1247 = arith.extui %or3A_1246 : vector<128x1xi1> to vector<128x1xi32>
    %sub3A_1248 = arith.constant 1 : i32
    %sub3A_1249 = vector.broadcast %sub3A_1248 : i32 to vector<128x1xi32>
    %sub3A_1250 = arith.subi %sub3A_1249, %convert_element_type3A_1247 : vector<128x1xi32>
    %swap3A_1251 = arith.constant 3712 : index
    %swap3A_1252 = arith.constant 0 : index
    %swap3A_1253 = vector.load %arg2[%swap3A_1251, %swap3A_1252] : memref<4096x1xi32, #tpu.memory_space<vmem>>, vector<128x1xi32>
    tpu.vector_store %arg2[%swap3A_1251, %swap3A_1252], %sub3A_1250 {strides = array<i32>} : memref<4096x1xi32, #tpu.memory_space<vmem>>, vector<128x1xi32>,
    %get3A_1254 = arith.constant 3840 : index
    %get3A_1255 = arith.constant 0 : index
    %get3A_1256 = vector.load %arg1[%get3A_1254, %get3A_1255] : memref<4096x1xi32, #tpu.memory_space<vmem>>, vector<128x1xi32>
    %slice3A_1257 = vector.extract_strided_slice %get3A_1 {offsets = [0, 3840], sizes = [1, 128], strides = [1, 1]} : vector<1x4096xi32> to vector<1x128xi32>
    %eq3A_1258 = vector.broadcast %slice3A_1257 : vector<1x128xi32> to vector<128x128xi32>
    %eq3A_1259 = vector.broadcast %get3A_1256 : vector<128x1xi32> to vector<128x128xi32>
    %eq3A_1260 = arith.cmpi eq, %eq3A_1258, %eq3A_1259 : vector<128x128xi32>
    %and3A_1261 = arith.andi %eq3A_1260, %gt3A : vector<128x128xi1>
    %reduce_or3A_1262 = arith.constant 1.000000e+00 : f32
    %reduce_or3A_1263 = arith.constant 0.000000e+00 : f32
    %reduce_or3A_1264 = vector.broadcast %reduce_or3A_1262 : f32 to vector<128x128xf32>
    %reduce_or3A_1265 = vector.broadcast %reduce_or3A_1263 : f32 to vector<128x128xf32>
    %reduce_or3A_1266 = arith.select %and3A_1261, %reduce_or3A_1264, %reduce_or3A_1265 : vector<128x128xi1>, vector<128x128xf32>
    %reduce_or3A_1267 = arith.constant dense<0xFF800000> : vector<128xf32>
    %reduce_or3A_1268 = vector.multi_reduction <maximumf>, %reduce_or3A_1266, %reduce_or3A_1267 [1] : vector<128x128xf32> to vector<128xf32>
    %reduce_or3A_1269 = arith.constant 0.000000e+00 : f32
    %reduce_or3A_1270 = vector.broadcast %reduce_or3A_1269 : f32 to vector<128xf32>
    %reduce_or3A_1271 = arith.cmpf ogt, %reduce_or3A_1268, %reduce_or3A_1270 : vector<128xf32>
    %broadcast_in_dim3A_1272 = vector.shape_cast %reduce_or3A_1271 : vector<128xi1> to vector<128x1xi1>
    %slice3A_1273 = vector.extract_strided_slice %get3A_1 {offsets = [0, 3968], sizes = [1, 128], strides = [1, 1]} : vector<1x4096xi32> to vector<1x128xi32>
    %eq3A_1274 = vector.broadcast %slice3A_1273 : vector<1x128xi32> to vector<128x128xi32>
    %eq3A_1275 = vector.broadcast %get3A_1256 : vector<128x1xi32> to vector<128x128xi32>
    %eq3A_1276 = arith.cmpi eq, %eq3A_1274, %eq3A_1275 : vector<128x128xi32>
    %reduce_or3A_1277 = arith.constant 1.000000e+00 : f32
    %reduce_or3A_1278 = arith.constant 0.000000e+00 : f32
    %reduce_or3A_1279 = vector.broadcast %reduce_or3A_1277 : f32 to vector<128x128xf32>
    %reduce_or3A_1280 = vector.broadcast %reduce_or3A_1278 : f32 to vector<128x128xf32>
    %reduce_or3A_1281 = arith.select %eq3A_1276, %reduce_or3A_1279, %reduce_or3A_1280 : vector<128x128xi1>, vector<128x128xf32>
    %reduce_or3A_1282 = arith.constant dense<0xFF800000> : vector<128xf32>
    %reduce_or3A_1283 = vector.multi_reduction <maximumf>, %reduce_or3A_1281, %reduce_or3A_1282 [1] : vector<128x128xf32> to vector<128xf32>
    %reduce_or3A_1284 = arith.constant 0.000000e+00 : f32
    %reduce_or3A_1285 = vector.broadcast %reduce_or3A_1284 : f32 to vector<128xf32>
    %reduce_or3A_1286 = arith.cmpf ogt, %reduce_or3A_1283, %reduce_or3A_1285 : vector<128xf32>
    %broadcast_in_dim3A_1287 = vector.shape_cast %reduce_or3A_1286 : vector<128xi1> to vector<128x1xi1>
    %or3A_1288 = arith.ori %broadcast_in_dim3A_1272, %broadcast_in_dim3A_1287 : vector<128x1xi1>
    %convert_element_type3A_1289 = arith.extui %or3A_1288 : vector<128x1xi1> to vector<128x1xi32>
    %sub3A_1290 = arith.constant 1 : i32
    %sub3A_1291 = vector.broadcast %sub3A_1290 : i32 to vector<128x1xi32>
    %sub3A_1292 = arith.subi %sub3A_1291, %convert_element_type3A_1289 : vector<128x1xi32>
    %swap3A_1293 = arith.constant 3840 : index
    %swap3A_1294 = arith.constant 0 : index
    %swap3A_1295 = vector.load %arg2[%swap3A_1293, %swap3A_1294] : memref<4096x1xi32, #tpu.memory_space<vmem>>, vector<128x1xi32>
    tpu.vector_store %arg2[%swap3A_1293, %swap3A_1294], %sub3A_1292 {strides = array<i32>} : memref<4096x1xi32, #tpu.memory_space<vmem>>, vector<128x1xi32>,
    %get3A_1296 = arith.constant 3968 : index
    %get3A_1297 = arith.constant 0 : index
    %get3A_1298 = vector.load %arg1[%get3A_1296, %get3A_1297] : memref<4096x1xi32, #tpu.memory_space<vmem>>, vector<128x1xi32>
    %slice3A_1299 = vector.extract_strided_slice %get3A_1 {offsets = [0, 3968], sizes = [1, 128], strides = [1, 1]} : vector<1x4096xi32> to vector<1x128xi32>
    %eq3A_1300 = vector.broadcast %slice3A_1299 : vector<1x128xi32> to vector<128x128xi32>
    %eq3A_1301 = vector.broadcast %get3A_1298 : vector<128x1xi32> to vector<128x128xi32>
    %eq3A_1302 = arith.cmpi eq, %eq3A_1300, %eq3A_1301 : vector<128x128xi32>
    %and3A_1303 = arith.andi %eq3A_1302, %gt3A : vector<128x128xi1>
    %reduce_or3A_1304 = arith.constant 1.000000e+00 : f32
    %reduce_or3A_1305 = arith.constant 0.000000e+00 : f32
    %reduce_or3A_1306 = vector.broadcast %reduce_or3A_1304 : f32 to vector<128x128xf32>
    %reduce_or3A_1307 = vector.broadcast %reduce_or3A_1305 : f32 to vector<128x128xf32>
    %reduce_or3A_1308 = arith.select %and3A_1303, %reduce_or3A_1306, %reduce_or3A_1307 : vector<128x128xi1>, vector<128x128xf32>
    %reduce_or3A_1309 = arith.constant dense<0xFF800000> : vector<128xf32>
    %reduce_or3A_1310 = vector.multi_reduction <maximumf>, %reduce_or3A_1308, %reduce_or3A_1309 [1] : vector<128x128xf32> to vector<128xf32>
    %reduce_or3A_1311 = arith.constant 0.000000e+00 : f32
    %reduce_or3A_1312 = vector.broadcast %reduce_or3A_1311 : f32 to vector<128xf32>
    %reduce_or3A_1313 = arith.cmpf ogt, %reduce_or3A_1310, %reduce_or3A_1312 : vector<128xf32>
    %broadcast_in_dim3A_1314 = vector.shape_cast %reduce_or3A_1313 : vector<128xi1> to vector<128x1xi1>
    %convert_element_type3A_1315 = arith.extui %broadcast_in_dim3A_1314 : vector<128x1xi1> to vector<128x1xi32>
    %sub3A_1316 = arith.constant 1 : i32
    %sub3A_1317 = vector.broadcast %sub3A_1316 : i32 to vector<128x1xi32>
    %sub3A_1318 = arith.subi %sub3A_1317, %convert_element_type3A_1315 : vector<128x1xi32>
    %swap3A_1319 = arith.constant 3968 : index
    %swap3A_1320 = arith.constant 0 : index
    %swap3A_1321 = vector.load %arg2[%swap3A_1319, %swap3A_1320] : memref<4096x1xi32, #tpu.memory_space<vmem>>, vector<128x1xi32>
    tpu.vector_store %arg2[%swap3A_1319, %swap3A_1320], %sub3A_1318 {strides = array<i32>} : memref<4096x1xi32, #tpu.memory_space<vmem>>, vector<128x1xi32>,
    return
  }
}

module attributes {stable_mosaic.version = 14 : i64} {
  func.func @body(%arg0: memref<4096x128xf32, #tpu.memory_space<vmem>>, %arg1: memref<4096x128xf32, #tpu.memory_space<vmem>>, %arg2: memref<128x128xf32, #tpu.memory_space<vmem>>, %arg3: memref<1x128xf32, #tpu.memory_space<vmem>>, %arg4: memref<128x256xf32, #tpu.memory_space<vmem>>, %arg5: memref<1x256xf32, #tpu.memory_space<vmem>>, %arg6: memref<1x256xf32, #tpu.memory_space<vmem>>, %arg7: memref<1x256xf32, #tpu.memory_space<vmem>>, %arg8: memref<256x64xf32, #tpu.memory_space<vmem>>, %arg9: memref<1x64xf32, #tpu.memory_space<vmem>>, %arg10: memref<64x256xf32, #tpu.memory_space<vmem>>, %arg11: memref<1x256xf32, #tpu.memory_space<vmem>>, %arg12: memref<1x256xf32, #tpu.memory_space<vmem>>, %arg13: memref<1x256xf32, #tpu.memory_space<vmem>>, %arg14: memref<256x64xf32, #tpu.memory_space<vmem>>, %arg15: memref<1x64xf32, #tpu.memory_space<vmem>>, %arg16: memref<4096x128xf32, #tpu.memory_space<vmem>>, %arg17: memref<4096x64xf32, #tpu.memory_space<vmem>>, %arg18: memref<4096x64xf32, #tpu.memory_space<vmem>>, %arg19: memref<4096x128xf32, #tpu.memory_space<vmem>>, %arg20: memref<4096x64xf32, #tpu.memory_space<vmem>>, %arg21: memref<4096x64xf32, #tpu.memory_space<vmem>>) attributes {dimension_semantics = [], scalar_prefetch = 0 : i64, scratch_operands = 0 : i64, tpu.core_type = #tpu.core_type<tc>} {
    %get3A = arith.constant 0 : index
    %get3A_0 = arith.constant 0 : index
    %get3A_1 = vector.load %arg2[%get3A, %get3A_0] : memref<128x128xf32, #tpu.memory_space<vmem>>, vector<128x128xf32>
    %get3A_2 = arith.constant 0 : index
    %get3A_3 = arith.constant 0 : index
    %get3A_4 = vector.load %arg3[%get3A_2, %get3A_3] : memref<1x128xf32, #tpu.memory_space<vmem>>, vector<1x128xf32>
    %get3A_5 = arith.constant 0 : index
    %get3A_6 = arith.constant 0 : index
    %get3A_7 = vector.load %arg0[%get3A_5, %get3A_6] : memref<4096x128xf32, #tpu.memory_space<vmem>>, vector<4096x128xf32>
    %convert_element_type3A = arith.truncf %get3A_7 : vector<4096x128xf32> to vector<4096x128xbf16>
    %convert_element_type3A_8 = arith.truncf %get3A_1 : vector<128x128xf32> to vector<128x128xbf16>
    %dot_general3A = arith.constant dense<0.000000e+00> : vector<4096x128xf32>
    %dot_general3A_9 = tpu.matmul %convert_element_type3A, %convert_element_type3A_8, %dot_general3A {dimension_numbers = #tpu.dot_dimension_numbers<[1], [0], [0], [1], [0, 0, 1, 1], [], []>, transpose_lhs_hint = false} : vector<4096x128xbf16>, vector<128x128xbf16>, vector<4096x128xf32> -> vector<4096x128xf32>
    %add3A = vector.broadcast %get3A_4 : vector<1x128xf32> to vector<4096x128xf32>
    %add3A_10 = arith.addf %dot_general3A_9, %add3A : vector<4096x128xf32>
    %tanh3A = math.tanh %add3A_10 : vector<4096x128xf32>
    %swap3A = arith.constant 0 : index
    %swap3A_11 = arith.constant 0 : index
    %swap3A_12 = vector.load %arg16[%swap3A, %swap3A_11] : memref<4096x128xf32, #tpu.memory_space<vmem>>, vector<4096x128xf32>
    tpu.vector_store %arg16[%swap3A, %swap3A_11], %tanh3A {strides = array<i32>} : memref<4096x128xf32, #tpu.memory_space<vmem>>, vector<4096x128xf32>,
    %get3A_13 = arith.constant 0 : index
    %get3A_14 = arith.constant 0 : index
    %get3A_15 = vector.load %arg4[%get3A_13, %get3A_14] : memref<128x256xf32, #tpu.memory_space<vmem>>, vector<128x256xf32>
    %get3A_16 = arith.constant 0 : index
    %get3A_17 = arith.constant 0 : index
    %get3A_18 = vector.load %arg5[%get3A_16, %get3A_17] : memref<1x256xf32, #tpu.memory_space<vmem>>, vector<1x256xf32>
    %get3A_19 = arith.constant 0 : index
    %get3A_20 = arith.constant 0 : index
    %get3A_21 = vector.load %arg6[%get3A_19, %get3A_20] : memref<1x256xf32, #tpu.memory_space<vmem>>, vector<1x256xf32>
    %get3A_22 = arith.constant 0 : index
    %get3A_23 = arith.constant 0 : index
    %get3A_24 = vector.load %arg7[%get3A_22, %get3A_23] : memref<1x256xf32, #tpu.memory_space<vmem>>, vector<1x256xf32>
    %get3A_25 = arith.constant 0 : index
    %get3A_26 = arith.constant 0 : index
    %get3A_27 = vector.load %arg8[%get3A_25, %get3A_26] : memref<256x64xf32, #tpu.memory_space<vmem>>, vector<256x64xf32>
    %get3A_28 = arith.constant 0 : index
    %get3A_29 = arith.constant 0 : index
    %get3A_30 = vector.load %arg9[%get3A_28, %get3A_29] : memref<1x64xf32, #tpu.memory_space<vmem>>, vector<1x64xf32>
    %convert_element_type3A_31 = arith.truncf %tanh3A : vector<4096x128xf32> to vector<4096x128xbf16>
    %convert_element_type3A_32 = arith.truncf %get3A_15 : vector<128x256xf32> to vector<128x256xbf16>
    %dot_general3A_33 = arith.constant dense<0.000000e+00> : vector<4096x256xf32>
    %dot_general3A_34 = tpu.matmul %convert_element_type3A_31, %convert_element_type3A_32, %dot_general3A_33 {dimension_numbers = #tpu.dot_dimension_numbers<[1], [0], [0], [1], [0, 0, 1, 1], [], []>, transpose_lhs_hint = false} : vector<4096x128xbf16>, vector<128x256xbf16>, vector<4096x256xf32> -> vector<4096x256xf32>
    %add3A_35 = vector.broadcast %get3A_18 : vector<1x256xf32> to vector<4096x256xf32>
    %add3A_36 = arith.addf %dot_general3A_34, %add3A_35 : vector<4096x256xf32>
    %reduce_sum3A = arith.constant dense<0.000000e+00> : vector<256xf32>
    %reduce_sum3A_37 = vector.multi_reduction <add>, %add3A_36, %reduce_sum3A [0] : vector<4096x256xf32> to vector<256xf32>
    %broadcast_in_dim3A = vector.shape_cast %reduce_sum3A_37 : vector<256xf32> to vector<1x256xf32>
    %div3A = arith.constant 4.096000e+03 : f32
    %div3A_38 = vector.broadcast %div3A : f32 to vector<1x256xf32>
    %div3A_39 = arith.divf %broadcast_in_dim3A, %div3A_38 : vector<1x256xf32>
    %sub3A = vector.broadcast %div3A_39 : vector<1x256xf32> to vector<4096x256xf32>
    %sub3A_40 = arith.subf %add3A_36, %sub3A : vector<4096x256xf32>
    %integer_pow3A = arith.mulf %sub3A_40, %sub3A_40 : vector<4096x256xf32>
    %reduce_sum3A_41 = arith.constant dense<0.000000e+00> : vector<256xf32>
    %reduce_sum3A_42 = vector.multi_reduction <add>, %integer_pow3A, %reduce_sum3A_41 [0] : vector<4096x256xf32> to vector<256xf32>
    %broadcast_in_dim3A_43 = vector.shape_cast %reduce_sum3A_42 : vector<256xf32> to vector<1x256xf32>
    %div3A_44 = arith.constant 4.096000e+03 : f32
    %div3A_45 = vector.broadcast %div3A_44 : f32 to vector<1x256xf32>
    %div3A_46 = arith.divf %broadcast_in_dim3A_43, %div3A_45 : vector<1x256xf32>
    %sub3A_47 = vector.broadcast %div3A_39 : vector<1x256xf32> to vector<4096x256xf32>
    %sub3A_48 = arith.subf %add3A_36, %sub3A_47 : vector<4096x256xf32>
    %add3A_49 = arith.constant 9.99999974E-6 : f32
    %add3A_50 = vector.broadcast %add3A_49 : f32 to vector<1x256xf32>
    %add3A_51 = arith.addf %div3A_46, %add3A_50 : vector<1x256xf32>
    %sqrt3A = math.sqrt %add3A_51 : vector<1x256xf32>
    %div3A_52 = vector.broadcast %sqrt3A : vector<1x256xf32> to vector<4096x256xf32>
    %div3A_53 = arith.divf %sub3A_48, %div3A_52 : vector<4096x256xf32>
    %mul3A = vector.broadcast %get3A_21 : vector<1x256xf32> to vector<4096x256xf32>
    %mul3A_54 = arith.mulf %div3A_53, %mul3A : vector<4096x256xf32>
    %add3A_55 = vector.broadcast %get3A_24 : vector<1x256xf32> to vector<4096x256xf32>
    %add3A_56 = arith.addf %mul3A_54, %add3A_55 : vector<4096x256xf32>
    %max3A = arith.constant 0.000000e+00 : f32
    %max3A_57 = vector.broadcast %max3A : f32 to vector<4096x256xf32>
    %max3A_58 = arith.maximumf %add3A_56, %max3A_57 : vector<4096x256xf32>
    %convert_element_type3A_59 = arith.truncf %max3A_58 : vector<4096x256xf32> to vector<4096x256xbf16>
    %convert_element_type3A_60 = arith.truncf %get3A_27 : vector<256x64xf32> to vector<256x64xbf16>
    %dot_general3A_61 = arith.constant dense<0.000000e+00> : vector<4096x64xf32>
    %dot_general3A_62 = tpu.matmul %convert_element_type3A_59, %convert_element_type3A_60, %dot_general3A_61 {dimension_numbers = #tpu.dot_dimension_numbers<[1], [0], [0], [1], [0, 0, 1, 1], [], []>, transpose_lhs_hint = false} : vector<4096x256xbf16>, vector<256x64xbf16>, vector<4096x64xf32> -> vector<4096x64xf32>
    %add3A_63 = vector.broadcast %get3A_30 : vector<1x64xf32> to vector<4096x64xf32>
    %add3A_64 = arith.addf %dot_general3A_62, %add3A_63 : vector<4096x64xf32>
    %swap3A_65 = arith.constant 0 : index
    %swap3A_66 = arith.constant 0 : index
    %swap3A_67 = vector.load %arg17[%swap3A_65, %swap3A_66] : memref<4096x64xf32, #tpu.memory_space<vmem>>, vector<4096x64xf32>
    tpu.vector_store %arg17[%swap3A_65, %swap3A_66], %add3A_64 {strides = array<i32>} : memref<4096x64xf32, #tpu.memory_space<vmem>>, vector<4096x64xf32>,
    %get3A_68 = arith.constant 0 : index
    %get3A_69 = arith.constant 0 : index
    %get3A_70 = vector.load %arg10[%get3A_68, %get3A_69] : memref<64x256xf32, #tpu.memory_space<vmem>>, vector<64x256xf32>
    %get3A_71 = arith.constant 0 : index
    %get3A_72 = arith.constant 0 : index
    %get3A_73 = vector.load %arg11[%get3A_71, %get3A_72] : memref<1x256xf32, #tpu.memory_space<vmem>>, vector<1x256xf32>
    %get3A_74 = arith.constant 0 : index
    %get3A_75 = arith.constant 0 : index
    %get3A_76 = vector.load %arg12[%get3A_74, %get3A_75] : memref<1x256xf32, #tpu.memory_space<vmem>>, vector<1x256xf32>
    %get3A_77 = arith.constant 0 : index
    %get3A_78 = arith.constant 0 : index
    %get3A_79 = vector.load %arg13[%get3A_77, %get3A_78] : memref<1x256xf32, #tpu.memory_space<vmem>>, vector<1x256xf32>
    %get3A_80 = arith.constant 0 : index
    %get3A_81 = arith.constant 0 : index
    %get3A_82 = vector.load %arg14[%get3A_80, %get3A_81] : memref<256x64xf32, #tpu.memory_space<vmem>>, vector<256x64xf32>
    %get3A_83 = arith.constant 0 : index
    %get3A_84 = arith.constant 0 : index
    %get3A_85 = vector.load %arg15[%get3A_83, %get3A_84] : memref<1x64xf32, #tpu.memory_space<vmem>>, vector<1x64xf32>
    %convert_element_type3A_86 = arith.truncf %add3A_64 : vector<4096x64xf32> to vector<4096x64xbf16>
    %convert_element_type3A_87 = arith.truncf %get3A_70 : vector<64x256xf32> to vector<64x256xbf16>
    %dot_general3A_88 = arith.constant dense<0.000000e+00> : vector<4096x256xf32>
    %dot_general3A_89 = tpu.matmul %convert_element_type3A_86, %convert_element_type3A_87, %dot_general3A_88 {dimension_numbers = #tpu.dot_dimension_numbers<[1], [0], [0], [1], [0, 0, 1, 1], [], []>, transpose_lhs_hint = false} : vector<4096x64xbf16>, vector<64x256xbf16>, vector<4096x256xf32> -> vector<4096x256xf32>
    %add3A_90 = vector.broadcast %get3A_73 : vector<1x256xf32> to vector<4096x256xf32>
    %add3A_91 = arith.addf %dot_general3A_89, %add3A_90 : vector<4096x256xf32>
    %reduce_sum3A_92 = arith.constant dense<0.000000e+00> : vector<256xf32>
    %reduce_sum3A_93 = vector.multi_reduction <add>, %add3A_91, %reduce_sum3A_92 [0] : vector<4096x256xf32> to vector<256xf32>
    %broadcast_in_dim3A_94 = vector.shape_cast %reduce_sum3A_93 : vector<256xf32> to vector<1x256xf32>
    %div3A_95 = arith.constant 4.096000e+03 : f32
    %div3A_96 = vector.broadcast %div3A_95 : f32 to vector<1x256xf32>
    %div3A_97 = arith.divf %broadcast_in_dim3A_94, %div3A_96 : vector<1x256xf32>
    %sub3A_98 = vector.broadcast %div3A_97 : vector<1x256xf32> to vector<4096x256xf32>
    %sub3A_99 = arith.subf %add3A_91, %sub3A_98 : vector<4096x256xf32>
    %integer_pow3A_100 = arith.mulf %sub3A_99, %sub3A_99 : vector<4096x256xf32>
    %reduce_sum3A_101 = arith.constant dense<0.000000e+00> : vector<256xf32>
    %reduce_sum3A_102 = vector.multi_reduction <add>, %integer_pow3A_100, %reduce_sum3A_101 [0] : vector<4096x256xf32> to vector<256xf32>
    %broadcast_in_dim3A_103 = vector.shape_cast %reduce_sum3A_102 : vector<256xf32> to vector<1x256xf32>
    %div3A_104 = arith.constant 4.096000e+03 : f32
    %div3A_105 = vector.broadcast %div3A_104 : f32 to vector<1x256xf32>
    %div3A_106 = arith.divf %broadcast_in_dim3A_103, %div3A_105 : vector<1x256xf32>
    %sub3A_107 = vector.broadcast %div3A_97 : vector<1x256xf32> to vector<4096x256xf32>
    %sub3A_108 = arith.subf %add3A_91, %sub3A_107 : vector<4096x256xf32>
    %add3A_109 = arith.constant 9.99999974E-6 : f32
    %add3A_110 = vector.broadcast %add3A_109 : f32 to vector<1x256xf32>
    %add3A_111 = arith.addf %div3A_106, %add3A_110 : vector<1x256xf32>
    %sqrt3A_112 = math.sqrt %add3A_111 : vector<1x256xf32>
    %div3A_113 = vector.broadcast %sqrt3A_112 : vector<1x256xf32> to vector<4096x256xf32>
    %div3A_114 = arith.divf %sub3A_108, %div3A_113 : vector<4096x256xf32>
    %mul3A_115 = vector.broadcast %get3A_76 : vector<1x256xf32> to vector<4096x256xf32>
    %mul3A_116 = arith.mulf %div3A_114, %mul3A_115 : vector<4096x256xf32>
    %add3A_117 = vector.broadcast %get3A_79 : vector<1x256xf32> to vector<4096x256xf32>
    %add3A_118 = arith.addf %mul3A_116, %add3A_117 : vector<4096x256xf32>
    %max3A_119 = arith.constant 0.000000e+00 : f32
    %max3A_120 = vector.broadcast %max3A_119 : f32 to vector<4096x256xf32>
    %max3A_121 = arith.maximumf %add3A_118, %max3A_120 : vector<4096x256xf32>
    %convert_element_type3A_122 = arith.truncf %max3A_121 : vector<4096x256xf32> to vector<4096x256xbf16>
    %convert_element_type3A_123 = arith.truncf %get3A_82 : vector<256x64xf32> to vector<256x64xbf16>
    %dot_general3A_124 = arith.constant dense<0.000000e+00> : vector<4096x64xf32>
    %dot_general3A_125 = tpu.matmul %convert_element_type3A_122, %convert_element_type3A_123, %dot_general3A_124 {dimension_numbers = #tpu.dot_dimension_numbers<[1], [0], [0], [1], [0, 0, 1, 1], [], []>, transpose_lhs_hint = false} : vector<4096x256xbf16>, vector<256x64xbf16>, vector<4096x64xf32> -> vector<4096x64xf32>
    %add3A_126 = vector.broadcast %get3A_85 : vector<1x64xf32> to vector<4096x64xf32>
    %add3A_127 = arith.addf %dot_general3A_125, %add3A_126 : vector<4096x64xf32>
    %swap3A_128 = arith.constant 0 : index
    %swap3A_129 = arith.constant 0 : index
    %swap3A_130 = vector.load %arg18[%swap3A_128, %swap3A_129] : memref<4096x64xf32, #tpu.memory_space<vmem>>, vector<4096x64xf32>
    tpu.vector_store %arg18[%swap3A_128, %swap3A_129], %add3A_127 {strides = array<i32>} : memref<4096x64xf32, #tpu.memory_space<vmem>>, vector<4096x64xf32>,
    %get3A_131 = arith.constant 0 : index
    %get3A_132 = arith.constant 0 : index
    %get3A_133 = vector.load %arg1[%get3A_131, %get3A_132] : memref<4096x128xf32, #tpu.memory_space<vmem>>, vector<4096x128xf32>
    %convert_element_type3A_134 = arith.truncf %get3A_133 : vector<4096x128xf32> to vector<4096x128xbf16>
    %convert_element_type3A_135 = arith.truncf %get3A_1 : vector<128x128xf32> to vector<128x128xbf16>
    %dot_general3A_136 = arith.constant dense<0.000000e+00> : vector<4096x128xf32>
    %dot_general3A_137 = tpu.matmul %convert_element_type3A_134, %convert_element_type3A_135, %dot_general3A_136 {dimension_numbers = #tpu.dot_dimension_numbers<[1], [0], [0], [1], [0, 0, 1, 1], [], []>, transpose_lhs_hint = false} : vector<4096x128xbf16>, vector<128x128xbf16>, vector<4096x128xf32> -> vector<4096x128xf32>
    %add3A_138 = vector.broadcast %get3A_4 : vector<1x128xf32> to vector<4096x128xf32>
    %add3A_139 = arith.addf %dot_general3A_137, %add3A_138 : vector<4096x128xf32>
    %tanh3A_140 = math.tanh %add3A_139 : vector<4096x128xf32>
    %swap3A_141 = arith.constant 0 : index
    %swap3A_142 = arith.constant 0 : index
    %swap3A_143 = vector.load %arg19[%swap3A_141, %swap3A_142] : memref<4096x128xf32, #tpu.memory_space<vmem>>, vector<4096x128xf32>
    tpu.vector_store %arg19[%swap3A_141, %swap3A_142], %tanh3A_140 {strides = array<i32>} : memref<4096x128xf32, #tpu.memory_space<vmem>>, vector<4096x128xf32>,
    %get3A_144 = arith.constant 0 : index
    %get3A_145 = arith.constant 0 : index
    %get3A_146 = vector.load %arg4[%get3A_144, %get3A_145] : memref<128x256xf32, #tpu.memory_space<vmem>>, vector<128x256xf32>
    %get3A_147 = arith.constant 0 : index
    %get3A_148 = arith.constant 0 : index
    %get3A_149 = vector.load %arg5[%get3A_147, %get3A_148] : memref<1x256xf32, #tpu.memory_space<vmem>>, vector<1x256xf32>
    %get3A_150 = arith.constant 0 : index
    %get3A_151 = arith.constant 0 : index
    %get3A_152 = vector.load %arg6[%get3A_150, %get3A_151] : memref<1x256xf32, #tpu.memory_space<vmem>>, vector<1x256xf32>
    %get3A_153 = arith.constant 0 : index
    %get3A_154 = arith.constant 0 : index
    %get3A_155 = vector.load %arg7[%get3A_153, %get3A_154] : memref<1x256xf32, #tpu.memory_space<vmem>>, vector<1x256xf32>
    %get3A_156 = arith.constant 0 : index
    %get3A_157 = arith.constant 0 : index
    %get3A_158 = vector.load %arg8[%get3A_156, %get3A_157] : memref<256x64xf32, #tpu.memory_space<vmem>>, vector<256x64xf32>
    %get3A_159 = arith.constant 0 : index
    %get3A_160 = arith.constant 0 : index
    %get3A_161 = vector.load %arg9[%get3A_159, %get3A_160] : memref<1x64xf32, #tpu.memory_space<vmem>>, vector<1x64xf32>
    %convert_element_type3A_162 = arith.truncf %tanh3A_140 : vector<4096x128xf32> to vector<4096x128xbf16>
    %convert_element_type3A_163 = arith.truncf %get3A_146 : vector<128x256xf32> to vector<128x256xbf16>
    %dot_general3A_164 = arith.constant dense<0.000000e+00> : vector<4096x256xf32>
    %dot_general3A_165 = tpu.matmul %convert_element_type3A_162, %convert_element_type3A_163, %dot_general3A_164 {dimension_numbers = #tpu.dot_dimension_numbers<[1], [0], [0], [1], [0, 0, 1, 1], [], []>, transpose_lhs_hint = false} : vector<4096x128xbf16>, vector<128x256xbf16>, vector<4096x256xf32> -> vector<4096x256xf32>
    %add3A_166 = vector.broadcast %get3A_149 : vector<1x256xf32> to vector<4096x256xf32>
    %add3A_167 = arith.addf %dot_general3A_165, %add3A_166 : vector<4096x256xf32>
    %reduce_sum3A_168 = arith.constant dense<0.000000e+00> : vector<256xf32>
    %reduce_sum3A_169 = vector.multi_reduction <add>, %add3A_167, %reduce_sum3A_168 [0] : vector<4096x256xf32> to vector<256xf32>
    %broadcast_in_dim3A_170 = vector.shape_cast %reduce_sum3A_169 : vector<256xf32> to vector<1x256xf32>
    %div3A_171 = arith.constant 4.096000e+03 : f32
    %div3A_172 = vector.broadcast %div3A_171 : f32 to vector<1x256xf32>
    %div3A_173 = arith.divf %broadcast_in_dim3A_170, %div3A_172 : vector<1x256xf32>
    %sub3A_174 = vector.broadcast %div3A_173 : vector<1x256xf32> to vector<4096x256xf32>
    %sub3A_175 = arith.subf %add3A_167, %sub3A_174 : vector<4096x256xf32>
    %integer_pow3A_176 = arith.mulf %sub3A_175, %sub3A_175 : vector<4096x256xf32>
    %reduce_sum3A_177 = arith.constant dense<0.000000e+00> : vector<256xf32>
    %reduce_sum3A_178 = vector.multi_reduction <add>, %integer_pow3A_176, %reduce_sum3A_177 [0] : vector<4096x256xf32> to vector<256xf32>
    %broadcast_in_dim3A_179 = vector.shape_cast %reduce_sum3A_178 : vector<256xf32> to vector<1x256xf32>
    %div3A_180 = arith.constant 4.096000e+03 : f32
    %div3A_181 = vector.broadcast %div3A_180 : f32 to vector<1x256xf32>
    %div3A_182 = arith.divf %broadcast_in_dim3A_179, %div3A_181 : vector<1x256xf32>
    %sub3A_183 = vector.broadcast %div3A_173 : vector<1x256xf32> to vector<4096x256xf32>
    %sub3A_184 = arith.subf %add3A_167, %sub3A_183 : vector<4096x256xf32>
    %add3A_185 = arith.constant 9.99999974E-6 : f32
    %add3A_186 = vector.broadcast %add3A_185 : f32 to vector<1x256xf32>
    %add3A_187 = arith.addf %div3A_182, %add3A_186 : vector<1x256xf32>
    %sqrt3A_188 = math.sqrt %add3A_187 : vector<1x256xf32>
    %div3A_189 = vector.broadcast %sqrt3A_188 : vector<1x256xf32> to vector<4096x256xf32>
    %div3A_190 = arith.divf %sub3A_184, %div3A_189 : vector<4096x256xf32>
    %mul3A_191 = vector.broadcast %get3A_152 : vector<1x256xf32> to vector<4096x256xf32>
    %mul3A_192 = arith.mulf %div3A_190, %mul3A_191 : vector<4096x256xf32>
    %add3A_193 = vector.broadcast %get3A_155 : vector<1x256xf32> to vector<4096x256xf32>
    %add3A_194 = arith.addf %mul3A_192, %add3A_193 : vector<4096x256xf32>
    %max3A_195 = arith.constant 0.000000e+00 : f32
    %max3A_196 = vector.broadcast %max3A_195 : f32 to vector<4096x256xf32>
    %max3A_197 = arith.maximumf %add3A_194, %max3A_196 : vector<4096x256xf32>
    %convert_element_type3A_198 = arith.truncf %max3A_197 : vector<4096x256xf32> to vector<4096x256xbf16>
    %convert_element_type3A_199 = arith.truncf %get3A_158 : vector<256x64xf32> to vector<256x64xbf16>
    %dot_general3A_200 = arith.constant dense<0.000000e+00> : vector<4096x64xf32>
    %dot_general3A_201 = tpu.matmul %convert_element_type3A_198, %convert_element_type3A_199, %dot_general3A_200 {dimension_numbers = #tpu.dot_dimension_numbers<[1], [0], [0], [1], [0, 0, 1, 1], [], []>, transpose_lhs_hint = false} : vector<4096x256xbf16>, vector<256x64xbf16>, vector<4096x64xf32> -> vector<4096x64xf32>
    %add3A_202 = vector.broadcast %get3A_161 : vector<1x64xf32> to vector<4096x64xf32>
    %add3A_203 = arith.addf %dot_general3A_201, %add3A_202 : vector<4096x64xf32>
    %swap3A_204 = arith.constant 0 : index
    %swap3A_205 = arith.constant 0 : index
    %swap3A_206 = vector.load %arg20[%swap3A_204, %swap3A_205] : memref<4096x64xf32, #tpu.memory_space<vmem>>, vector<4096x64xf32>
    tpu.vector_store %arg20[%swap3A_204, %swap3A_205], %add3A_203 {strides = array<i32>} : memref<4096x64xf32, #tpu.memory_space<vmem>>, vector<4096x64xf32>,
    %get3A_207 = arith.constant 0 : index
    %get3A_208 = arith.constant 0 : index
    %get3A_209 = vector.load %arg10[%get3A_207, %get3A_208] : memref<64x256xf32, #tpu.memory_space<vmem>>, vector<64x256xf32>
    %get3A_210 = arith.constant 0 : index
    %get3A_211 = arith.constant 0 : index
    %get3A_212 = vector.load %arg11[%get3A_210, %get3A_211] : memref<1x256xf32, #tpu.memory_space<vmem>>, vector<1x256xf32>
    %get3A_213 = arith.constant 0 : index
    %get3A_214 = arith.constant 0 : index
    %get3A_215 = vector.load %arg12[%get3A_213, %get3A_214] : memref<1x256xf32, #tpu.memory_space<vmem>>, vector<1x256xf32>
    %get3A_216 = arith.constant 0 : index
    %get3A_217 = arith.constant 0 : index
    %get3A_218 = vector.load %arg13[%get3A_216, %get3A_217] : memref<1x256xf32, #tpu.memory_space<vmem>>, vector<1x256xf32>
    %get3A_219 = arith.constant 0 : index
    %get3A_220 = arith.constant 0 : index
    %get3A_221 = vector.load %arg14[%get3A_219, %get3A_220] : memref<256x64xf32, #tpu.memory_space<vmem>>, vector<256x64xf32>
    %get3A_222 = arith.constant 0 : index
    %get3A_223 = arith.constant 0 : index
    %get3A_224 = vector.load %arg15[%get3A_222, %get3A_223] : memref<1x64xf32, #tpu.memory_space<vmem>>, vector<1x64xf32>
    %convert_element_type3A_225 = arith.truncf %add3A_203 : vector<4096x64xf32> to vector<4096x64xbf16>
    %convert_element_type3A_226 = arith.truncf %get3A_209 : vector<64x256xf32> to vector<64x256xbf16>
    %dot_general3A_227 = arith.constant dense<0.000000e+00> : vector<4096x256xf32>
    %dot_general3A_228 = tpu.matmul %convert_element_type3A_225, %convert_element_type3A_226, %dot_general3A_227 {dimension_numbers = #tpu.dot_dimension_numbers<[1], [0], [0], [1], [0, 0, 1, 1], [], []>, transpose_lhs_hint = false} : vector<4096x64xbf16>, vector<64x256xbf16>, vector<4096x256xf32> -> vector<4096x256xf32>
    %add3A_229 = vector.broadcast %get3A_212 : vector<1x256xf32> to vector<4096x256xf32>
    %add3A_230 = arith.addf %dot_general3A_228, %add3A_229 : vector<4096x256xf32>
    %reduce_sum3A_231 = arith.constant dense<0.000000e+00> : vector<256xf32>
    %reduce_sum3A_232 = vector.multi_reduction <add>, %add3A_230, %reduce_sum3A_231 [0] : vector<4096x256xf32> to vector<256xf32>
    %broadcast_in_dim3A_233 = vector.shape_cast %reduce_sum3A_232 : vector<256xf32> to vector<1x256xf32>
    %div3A_234 = arith.constant 4.096000e+03 : f32
    %div3A_235 = vector.broadcast %div3A_234 : f32 to vector<1x256xf32>
    %div3A_236 = arith.divf %broadcast_in_dim3A_233, %div3A_235 : vector<1x256xf32>
    %sub3A_237 = vector.broadcast %div3A_236 : vector<1x256xf32> to vector<4096x256xf32>
    %sub3A_238 = arith.subf %add3A_230, %sub3A_237 : vector<4096x256xf32>
    %integer_pow3A_239 = arith.mulf %sub3A_238, %sub3A_238 : vector<4096x256xf32>
    %reduce_sum3A_240 = arith.constant dense<0.000000e+00> : vector<256xf32>
    %reduce_sum3A_241 = vector.multi_reduction <add>, %integer_pow3A_239, %reduce_sum3A_240 [0] : vector<4096x256xf32> to vector<256xf32>
    %broadcast_in_dim3A_242 = vector.shape_cast %reduce_sum3A_241 : vector<256xf32> to vector<1x256xf32>
    %div3A_243 = arith.constant 4.096000e+03 : f32
    %div3A_244 = vector.broadcast %div3A_243 : f32 to vector<1x256xf32>
    %div3A_245 = arith.divf %broadcast_in_dim3A_242, %div3A_244 : vector<1x256xf32>
    %sub3A_246 = vector.broadcast %div3A_236 : vector<1x256xf32> to vector<4096x256xf32>
    %sub3A_247 = arith.subf %add3A_230, %sub3A_246 : vector<4096x256xf32>
    %add3A_248 = arith.constant 9.99999974E-6 : f32
    %add3A_249 = vector.broadcast %add3A_248 : f32 to vector<1x256xf32>
    %add3A_250 = arith.addf %div3A_245, %add3A_249 : vector<1x256xf32>
    %sqrt3A_251 = math.sqrt %add3A_250 : vector<1x256xf32>
    %div3A_252 = vector.broadcast %sqrt3A_251 : vector<1x256xf32> to vector<4096x256xf32>
    %div3A_253 = arith.divf %sub3A_247, %div3A_252 : vector<4096x256xf32>
    %mul3A_254 = vector.broadcast %get3A_215 : vector<1x256xf32> to vector<4096x256xf32>
    %mul3A_255 = arith.mulf %div3A_253, %mul3A_254 : vector<4096x256xf32>
    %add3A_256 = vector.broadcast %get3A_218 : vector<1x256xf32> to vector<4096x256xf32>
    %add3A_257 = arith.addf %mul3A_255, %add3A_256 : vector<4096x256xf32>
    %max3A_258 = arith.constant 0.000000e+00 : f32
    %max3A_259 = vector.broadcast %max3A_258 : f32 to vector<4096x256xf32>
    %max3A_260 = arith.maximumf %add3A_257, %max3A_259 : vector<4096x256xf32>
    %convert_element_type3A_261 = arith.truncf %max3A_260 : vector<4096x256xf32> to vector<4096x256xbf16>
    %convert_element_type3A_262 = arith.truncf %get3A_221 : vector<256x64xf32> to vector<256x64xbf16>
    %dot_general3A_263 = arith.constant dense<0.000000e+00> : vector<4096x64xf32>
    %dot_general3A_264 = tpu.matmul %convert_element_type3A_261, %convert_element_type3A_262, %dot_general3A_263 {dimension_numbers = #tpu.dot_dimension_numbers<[1], [0], [0], [1], [0, 0, 1, 1], [], []>, transpose_lhs_hint = false} : vector<4096x256xbf16>, vector<256x64xbf16>, vector<4096x64xf32> -> vector<4096x64xf32>
    %add3A_265 = vector.broadcast %get3A_224 : vector<1x64xf32> to vector<4096x64xf32>
    %add3A_266 = arith.addf %dot_general3A_264, %add3A_265 : vector<4096x64xf32>
    %swap3A_267 = arith.constant 0 : index
    %swap3A_268 = arith.constant 0 : index
    %swap3A_269 = vector.load %arg21[%swap3A_267, %swap3A_268] : memref<4096x64xf32, #tpu.memory_space<vmem>>, vector<4096x64xf32>
    tpu.vector_store %arg21[%swap3A_267, %swap3A_268], %add3A_266 {strides = array<i32>} : memref<4096x64xf32, #tpu.memory_space<vmem>>, vector<4096x64xf32>,
    return
  }
}

</mosaic_0001>

<sc_bundles>
// kernel: gather_offload_async_start.1
scs
__scs_entry_jumppad:
0x0: {  	(pc) =	sbr.rel $0x88, $3  }
0x1: {  	(tag) =	ssettag $0x0;
	lr =	simm.s32 $0x1  }
0x2: {  	[smem:$0x3F89] =	sst lr;
	_ =	strace $0xD0000000  }
0x3: {  	_ = 	snop  }
0x4: {  	_ = 	snop  }
0x5: {  	_ = 	snop  }
0x6: {  	_ = 	snop  }
0x7: {  	_ = 	snop  }
__scs_overlays_trampoline_lowered:
0x8: {  	[smem:$0x3F98] =	sst s0  }
0x9: {  	[smem:$0x3F99] =	sst s1  }
0xa: {  	[smem:$0x3F9A] =	sst s2  }
0xb: {  	[smem:$0x3F9B] =	sst s3  }
0xc: {  	[smem:$0x3F9C] =	sst s4  }
0xd: {  	[smem:$0x3F9D] =	sst s5  }
0xe: {  	[smem:$0x3F9E] =	sst s6  }
0xf: {  	[smem:$0x3F9F] =	sst s7  }
0x10: {  	[smem:$0x3FA0] =	sst s8  }
0x11: {  	[smem:$0x3FA1] =	sst s9;
	s0 =	simm.s32 @!p0 $0x0  }
0x12: {  	s1 =	sld [smem:$0x3F87];
	s0 =	simm.s32 @p0 $0x1  }
0x13: {  	[smem:$0x3FA2] =	sst s0;
	s0 =	simm.s32 @!p1 $0x0  }
0x14: {  	s2 =	sld [smem:$0x3F86];
	s0 =	simm.s32 @p1 $0x1  }
0x15: {  	[smem:$0x3FA3] =	sst s0;
	s0 =	simm.s32 @!p2 $0x0  }
0x16: {  	s3 =	sld [smem:$0x3FDB];
	s0 =	simm.s32 @p2 $0x1  }
0x17: {  	s4 =	simm.s32 $0x1BF5;
	[smem:$0x3FA5] =	sst s0  }
0x18: {  	s0 =	sld [smem:$0x3F88];
	_ =	swait.ge [sflag:s4], $0x0  }
0x19: {  	s7 =	sld [smem:$0x3F89]  }
0x1a: {  	s8 =	sadd.s32 $0xFFFFE003, lr  }
0x1b: {  	s9 =	sadd.s32 $0xFFFFFEF7, lr;
	s5 =	simm.s32 $0xFFFFFFFF;
	p2 =	slt.u32 s8, $0xFFFFF086  }
0x1c: {  	p1 =	slt.u32 s9, $0xF7A;
	s5 =	simm.s32 @!p2 $0x0  }
0x1d: {  	s5 =	simm.s32 @p1 $0x1;
	p0 =	seq.s32 s7, s2  }
0x1e: {  	s7 =	smul.u32 @!p0 $0xF7A, s2;
	p2 =	seq.s32 @!p0 s5, $0x0  }
0x1f: {  	s9 =	smul.u32 $0xF7A, s1;
	s8 =	simm.s32 @!p0 $0x1BF5;
	p2 =	por !p2, p0  }
0x20: {  	[sflag:s8] =	ssyncset.s32 @!p0 $0xFFFFF086;
	s6 =	sadd.s32 @!p0 s3, s7;
	s7 =	simm.s32 @!p0 $0x108  }
0x21: {  	s3 =	sadd.s32 s3, s9;
	s6 =	sadd.s32 @!p0 $0x88, s6;
	s7 =	simm.s32 @p2 $0x1082  }
0x22: {  	[simem:s7], [sflag:s8] =	dma.local @!p0 [hbm:s6], $0xF7A  }
0x23: {  	s9 =	sor.u32 $0xD0000000, s2;
	s6 =	simm.s32 $0x108;
	_ =	swait.ge @!p0 [sflag:s8], $0x0  }
0x24: {  	s3 =	sadd.s32 $0x88, s3;
	s6 =	simm.s32 @!p1 $0x1082;
	[sflag:s4] =	ssyncset.s32 $0xFFFFF086  }
0x25: {  	[simem:s6], [sflag:s4] =	dma.local [hbm:s3], $0xF7A  }
0x26: {  	[smem:$0x3F89] =	sst s1;
	(tag) =	ssettag s2;
	_ =	strace s9  }
0x27: {  	s1 =	sld [smem:$0x3F99]  }
0x28: {  	s2 =	sld [smem:$0x3F9A]  }
0x29: {  	s4 =	sld [smem:$0x3F9C]  }
0x2a: {  	p0 =	seq.s32 s5, $0x0;
	s5 =	sld [smem:$0x3F9D]  }
0x2b: {  	s6 =	sld [smem:$0x3F9E]  }
0x2c: {  	s7 =	sld [smem:$0x3F9F]  }
0x2d: {  	s3 =	simm.s32 $0x108;
	s8 =	sld [smem:$0x3FA0]  }
0x2e: {  	s3 =	simm.s32 @!p0 $0x1082;
	s9 =	sld [smem:$0x3FA1]  }
0x2f: {  	lr =	sadd.s32 s0, s3;
	s0 =	sld [smem:$0x3F98]  }
0x30: {  	s3 =	sld [smem:$0x3F9B]  }
0x31: {  	[smem:$0x3FA4] =	sst s10  }
0x32: {  	s10 =	sld [smem:$0x3FA2];
	_ =	sdelay $0x3  }
0x33: {  	p0 =	seq.s32 s10, $0x1;
	s10 =	sld [smem:$0x3FA4];
	_ =	sdelay $0x3  }
0x34: {  	[smem:$0x3FA4] =	sst s10  }
0x35: {  	s10 =	sld [smem:$0x3FA3];
	_ =	sdelay $0x3  }
0x36: {  	p1 =	seq.s32 s10, $0x1;
	s10 =	sld [smem:$0x3FA4];
	_ =	sdelay $0x3  }
0x37: {  	[smem:$0x3FA4] =	sst s10  }
0x38: {  	s10 =	sld [smem:$0x3FA5]  }
0x39: {  	_ = 	snop;
	(pc) =	sbr.ind lr, $3  }
0x3a: {  	_ = 	snop  }
0x3b: {  	_ = 	snop  }
0x3c: {  	p2 =	seq.s32 s10, $0x1;
	s10 =	sld [smem:$0x3FA4]  }
0x3d: {  	_ =	shalt  }
0x3e: {  	_ =	shalt  }
0x3f: {  	_ =	shalt  }
0x40: {  	_ =	shalt  }
0x41: {  	_ =	shalt  }
0x42: {  	_ =	shalt  }
0x43: {  	_ =	shalt  }
0x44: {  	_ =	shalt  }
0x45: {  	_ =	shalt  }
0x46: {  	_ =	shalt  }
0x47: {  	_ =	shalt  }
0x48: {  	_ =	shalt  }
0x49: {  	_ =	shalt  }
0x4a: {  	_ =	shalt  }
0x4b: {  	_ =	shalt  }
0x4c: {  	_ =	shalt  }
0x4d: {  	_ =	shalt  }
0x4e: {  	_ =	shalt  }
0x4f: {  	_ =	shalt  }
0x50: {  	_ =	shalt  }
0x51: {  	_ =	shalt  }
0x52: {  	_ =	shalt  }
0x53: {  	_ =	shalt  }
0x54: {  	_ =	shalt  }
0x55: {  	_ =	shalt  }
0x56: {  	_ =	shalt  }
0x57: {  	_ =	shalt  }
0x58: {  	_ =	shalt  }
0x59: {  	_ =	shalt  }
0x5a: {  	_ =	shalt  }
0x5b: {  	_ =	shalt  }
0x5c: {  	_ =	shalt  }
0x5d: {  	_ =	shalt  }
0x5e: {  	_ =	shalt  }
0x5f: {  	_ =	shalt  }
0x60: {  	_ =	shalt  }
0x61: {  	_ =	shalt  }
0x62: {  	_ =	shalt  }
0x63: {  	_ =	shalt  }
0x64: {  	_ =	shalt  }
0x65: {  	_ =	shalt  }
0x66: {  	_ =	shalt  }
0x67: {  	_ =	shalt  }
0x68: {  	_ =	shalt  }
0x69: {  	_ =	shalt  }
0x6a: {  	_ =	shalt  }
0x6b: {  	_ =	shalt  }
0x6c: {  	_ =	shalt  }
0x6d: {  	_ =	shalt  }
0x6e: {  	_ =	shalt  }
0x6f: {  	_ =	shalt  }
0x70: {  	_ =	shalt  }
0x71: {  	_ =	shalt  }
0x72: {  	_ =	shalt  }
0x73: {  	_ =	shalt  }
0x74: {  	_ =	shalt  }
0x75: {  	_ =	shalt  }
0x76: {  	_ =	shalt  }
0x77: {  	_ =	shalt  }
0x78: {  	_ =	shalt  }
0x79: {  	_ =	shalt  }
0x7a: {  	_ =	shalt  }
0x7b: {  	_ =	shalt  }
0x7c: {  	_ =	shalt  }
0x7d: {  	_ =	shalt  }
0x7e: {  	_ =	shalt  }
0x7f: {  	_ =	shalt  }
0x80: {  	_ =	shalt  }
0x81: {  	_ =	shalt  }
0x82: {  	_ =	shalt  }
0x83: {  	_ =	shalt  }
0x84: {  	_ =	shalt  }
0x85: {  	_ =	shalt  }
0x86: {  	_ =	shalt  }
0x87: {  	_ =	shalt  }
.Lfunc_end0:
.L_simem_size_0:
called_computation.1_lowered:
.L_overlay_start_0:
0x88: {  	s2 =	sld [smem:$0x3FD9]  }
0x89: {  	s3 =	sld [smem:$0x3FFE];
	_ =	sdelay $0x1  }
0x8a: {  	s1 =	srdreg.scid  }
0x8b: {  	s0 =	sand.u32 $0x1, s1  }
0x8c: {  	s14 =	sshll.u32 s0, $0xA;
	s2 =	sadd.s32 s3, s2  }
0x8d: {  	s2 =	sadd.s32 s2, s14  }
0x8e: {  	[smem:$0x3FB0] =	sst s2  }
0x8f: {  	_ = 	snop  }
0x90: {  	s2 =	sld [smem:$0x3FD0];
	_ =	sdelay $0x2  }
0x91: {  	s4 =	simm.s32 $0xB;
	s5 =	simm.s32 $0x10;
	s15 =	sld [smem:$0x3FC3]  }
0x92: {  	[smem:s5], [sflag:s4] =	dma.local [hbm:s2], $0x1  }
0x93: {  	_ =	swait.eq [sflag:s4], $0x1  }
0x94: {  	[sflag:s4] =	ssyncset.done $0x0  }
0x95: {  	[sflag:s4] =	ssyncadd.s32 $0xFFFFFFFF  }
0x96: {  	s16 =	sld [smem:$0x15];
	(tm) =	ssettm $0x1  }
0x97: {  	s17 =	sld [smem:$0x3FFB];
	_ =	sdelay $0x3  }
0x98: {  	_ =	strace s17  }
0x99: {  	s4 =	sld [smem:$0x3FFC];
	_ =	sdelay $0x3  }
0x9a: {  	_ =	strace s4  }
0x9b: {  	s4 =	sld [smem:$0x3FFD];
	_ =	sdelay $0x3  }
0x9c: {  	_ =	strace s4  }
0x9d: {  	_ =	strace $0x8FFFFFFF  }
0x9e: {  	s18 =	sld [smem:$0x3FDB];
	_ =	sdelay $0x1  }
0x9f: {  	s19 =	simm.s32 $_scs_section_size  }
0xa0: {  	s6 =	simm.s32 $_size__tile_overlayer_lowered;
	s7 =	simm.s32 $_tile_overlayer_lowered  }
0xa1: {  	s22 =	simm.s32 $0x1BFF;
	s21 =	sshll.u32 s7, $0x1;
	s4 =	sadd.s32 s19, s18  }
0xa2: {  	s8 =	simm.s32 $0x0;
	s20 =	sshll.u32 s6, $0x1;
	s6 =	sadd.s32 s21, s4  }
0xa3: {  	[timem:s8], [sflag:s22] =	dma.local [hbm:s6], s20  }
0xa4: {  	_ =	swait.ge [sflag:s22], s20  }
0xa5: {  	s5 =	ssub.s32 $0x0, s20;
	[sflag:s22] =	ssyncset.done $0x0  }
0xa6: {  	[sflag:s22] =	ssyncadd.s32 s5;
	_ =	sdelay $0x1  }
0xa7: {  	s23 =	simm.s32 $0x1B8B  }
0xa8: {  	_ =	swait.ge [sflag:s23], $0x1  }
0xa9: {  	[sflag:s23] =	ssyncset.done $0x0  }
0xaa: {  	s25 =	simm.s32 $0x1B8E;
	s24 =	sld [smem:$0x3FFE];
	[sflag:s23] =	ssyncadd.s32 $0xFFFFFFFF  }
0xab: {  	s26 =	simm.s32 $execute0_lowered;
	[smem:$0x3FD2] =	sst s25  }
0xac: {  	s6 =	sshll.u32 s26, $0x1;
	_ =	strace $0x80000046;
	[dreg:$0x1] =	wrdreg $0xFFFFFFFF  }
0xad: {  	s28 =	simm.s32 $_size_execute0_lowered;
	s4 =	sadd.s32 s4, s6;
	[dreg:$0x0] =	wrdreg $0x0  }
0xae: {  	s6 =	sshll.u32 s28, $0x1;
	[dreg:$0x2] =	wrdreg s4  }
0xaf: {  	[dreg:$0x3] =	wrdreg s6  }
0xb0: {  	[dreg:$0x4] =	wrdreg $0xC0  }
0xb1: {  	_ =	task [dreg:s8], $0x5FFFF  }
0xb2: {  	[dreg:$0x1] =	wrdreg $0xFFFFFFFF  }
0xb3: {  	[dreg:$0x0] =	wrdreg $0x60  }
0xb4: {  	[dreg:$0x2] =	wrdreg s15  }
0xb5: {  	[dreg:$0x3] =	wrdreg s16  }
0xb6: {  	[dreg:$0x4] =	wrdreg s24  }
0xb7: {  	[dreg:$0x5] =	wrdreg $0xA  }
0xb8: {  	_ =	task.clear_ibuf [dreg:s8], $0x6FFFF;
	_ =	strace $0x90000046  }
0xb9: {  	s29 =	simm.s32 $0xA;
	_ =	strace $0x80000048  }
0xba: {  	_ =	swait.ge [sflag:s29], $0x1  }
0xbb: {  	[sflag:s29] =	ssyncadd.s32 $0xFFFFFFFF  }
0xbc: {  	_ =	strace $0x90000048  }
0xbd: {  	_ =	sfence  }
0xbe: {  	s30 =	sld [smem:$0x0];
	_ =	sdelay $0x2  }
0xbf: {  	s31 =	sshll.u32 s1, $0xD;
	s1 =	sshrl.u32 s1, $0x2  }
0xc0: {  	s3 =	sand.u32 $0x4000, s31;
	s1 =	sadd.s32 s1, s30  }
0xc1: {  	s0 =	sor.u32 s3, s0;
	s1 =	sshll.u32 s1, $0x11  }
0xc2: {  	s0 =	sor.u32 s1, s0  }
0xc3: {  	s0 =	sadd.s32 $0x8F2B, s0  }
0xc4: {  	[sflag:s0] =	ssyncadd.remote.s32 $0x1  }
0xc5: {  	_ =	sfence.sel $0xFFFF  }
0xc6: {  	[dreg:$0x0] =	wrdreg $0xFFFFFFFF;
	(pc) =	sbr.abs _section_cstart, $3  }
0xc7: {  	[dreg:$0x1] =	wrdreg $0xFFFFFFFF  }
0xc8: {  	_ =	task.clear_ibuf [dreg:s8], $0x2FFFF;
	_ =	strace $0x9FFFFFFF  }
0xc9: {  	(tm) =	ssettm $0x7FFFFFFF  }
tec
execute0_lowered:
.L_overlay_start_1:
0x0: {  	(tag) =	ssettag $0x1  }
0x1: {  	s2 =	rddreg [dreg:$0x0]  }
0x2: {  	s3 =	rddreg [dreg:$0x1];
	s0 =	srdreg.scid  }
0x3: {  	s7 =	rddreg [dreg:$0x2];
	s1 =	stileid.u32;
	s6 =	simm.s32 $0x2  }
0x4: {  	s4 =	sshll.u32 s0, $0x4;
	s0 =	rddreg [dreg:$0x3];
	_ =	strace $0x80000047  }
.Ltmp0:
0x5: {  	s5 =	sand.u32 $0x10, s4;
	s4 =	simm.s32 $0x1;
	(pc) =	sbr.rel .LBB2_1-.Ltmp0, $4  }
0x6: {  	s9 =	simm.s32 $0x3;
	s5 =	sor.u32 s1, s5;
	[sflag:s4] =	ssyncpa.u1 $0x0  }
0x7: {  	s11 =	simm.s32 $0x0;
	s5 =	smul.u32 $0x1900, s5;
	[sflag:s6] =	ssyncpa.u1 $0x0  }
0x8: {  	p0 =	por $0x0, $0x0;
	s7 =	sadd.s32 $0x2C00, s7;
	[sflag:s9] =	ssyncpa.u1 $0x0  }
0x9: {  	vm0 =	vmmov $0xff;
	vm1 =	vcmask $0x3F20;
	s9 =	simm.s32 $0x0;
	s8 =	sadd.s32 $0x1900, s5;
	s10 =	smov.u32 s5  }
.LBB2_6:
0xa: {  	[hbm:s15] =	stream.linear.scatter [tilespmem:s12], [sflag:$0x3], $0x400, $0x38;
	[tilespmem:$0x14280] =	vst v63  }
.LBB2_7:
0xb: {  	p1 =	slt.u32 s9, $0x2;
	s11 =	sadd.s32 $0x140, s10  }
0xc: {  	s13 =	smov.u32 s5;
	s9 =	sadd.s32 $0x1, s9;
	p2 =	slt.s32 s11, s8  }
0xd: {  	s13 =	smov.u32 @p2 s11;
	p2 =	sne.s32 s9, $0x16  }
.Ltmp1:
0xe: {  	_ = 	snop;
	(pc) =	sbr.rel @!p2 .LBB2_8-.Ltmp1, $4  }
0xf: {  	s12 =	simm.s32 @!p1 $0x3  }
0x10: {  	_ =	swait.ge @!p1 [sflag:s12], $0xA000  }
0x11: {  	p0 =	por !p0, !p0;
	[sflag:s12] =	ssyncset.done @!p1 $0x0  }
0x12: {  	s11 =	smov.u32 s10;
	s10 =	smov.u32 s13;
	[sflag:s12] =	ssyncadd.s32 @!p1 $0xFFFF6000  }
.LBB2_1:
0x13: {  	p1 =	sgt.u32 s9, $0x13  }
0x14: {  	s12 =	sxor.u32 @!p1 $0xFFFFFFFF, s9  }
0x15: {  	s12 =	sand.u32 @!p1 $0x1, s12  }
0x16: {  	s12 =	smul.u32 @!p1 $0x500, s12  }
0x17: {  	s31 =	sadd.s32 $0xFFFFFFFF, s9;
	s13 =	sshrl.u32 @!p1 s10, $0x3  }
0x18: {  	s14 =	sand.u32 @!p1 $0x7, s10;
	s13 =	sadd.s32 @!p1 s3, s13;
	s12 =	sshrl.u32 @!p1 s12, $0x2  }
0x19: {  	[tilespmem:s12], [sflag:$0x2] =	stream.linear.gather @!p1 [hbm4b:s13+s14], $0x140, $0x38;
	[tilespmem:$0x14280] =	vst v63  }
0x1a: {  	p1 =	sgt.u32 s31, $0x13  }
.Ltmp2:
0x1b: {  	_ = 	snop;
	(pc) =	sbr.rel @p1 .LBB2_7-.Ltmp2, $1  }
0x1c: {  	_ =	sdelay $0x3  }
0x1d: {  	s12 =	simm.s32 $0x1  }
0x1e: {  	s12 =	simm.s32 @!p0 $0x0  }
0x1f: {  	s13 =	smul.u32 $0x500, s12  }
0x20: {  	_ =	swait.ge [sflag:s6], $0x140  }
0x21: {  	[sflag:s6] =	ssyncset.done $0x0;
	s14 =	sshrl.u32 s13, $0x2  }
0x22: {  	[sflag:s6] =	ssyncadd.s32 $0xFFFFFEC0;
	s13 =	sadd.s32 $0x0, s14  }
0x23: {  	v0 =	vld.msk [tilespmem:s13+$0x0 ss:$0x1], $0xffff;
	_ =	sdelay $0x4  }
0x24: {  	vm2 =	vgt.s32 v0, $0x0  }
0x25: {  	v0 =	vnsel vm2, $0x0, v0  }
0x26: {  	v0 =	vmin.u32 v0, $0x1869F  }
0x27: {  	v0 =	vshll.u32 v0, $0x4  }
0x28: {  	s12 =	smul.u32 $0x28000, s12;
	_ =	sdelay $0x1  }
0x29: {  	s12 =	sshrl.u32 s12, $0x2  }
0x2a: {  	s12 =	sor.u32 $0x280, s12  }
0x2b: {  	[tilespmem:s12], [sflag:$0x1] =	stream.indirect_vreg.gather [hbm:s2], $0x80, v0, vm0, $0x38;
	[tilespmem:$0x14280] =	vst v63  }
0x2c: {  	s15 =	sadd.s32 $0x10, s14;
	s13 =	sadd.s32 $0x400, s12  }
0x2d: {  	[tilespmem:s13], [sflag:$0x1] =	stream.indirect_vreg.gather [hbm:s2], $0x80, v0, vm1, $0x38;
	[tilespmem:$0x14280] =	vst v63  }
0x2e: {  	s16 =	simm.s32 $0x80;
	v0 =	vld.msk [tilespmem:s15+$0x0 ss:$0x1], $0xffff;
	s15 =	smov.u32 s12  }
.LBB2_3:
0x2f: {  	p1 =	sne.s32 s16, $0x4C0;
	_ =	sdelay $0x4  }
0x30: {  	vm2 =	vgt.s32 v0, $0x0  }
0x31: {  	v0 =	vnsel vm2, $0x0, v0  }
0x32: {  	v0 =	vmin.u32 v0, $0x1869F  }
0x33: {  	v0 =	vshll.u32 v0, $0x4;
	_ =	sdelay $0x3  }
.Ltmp3:
0x34: {  	s17 =	sshra.s32 s16, $0x2;
	s15 =	sadd.s32 $0x800, s15;
	(pc) =	sbr.rel @p1 .LBB2_3-.Ltmp3, $4  }
0x35: {  	[tilespmem:s15], [sflag:$0x1] =	stream.indirect_vreg.gather [hbm:s2], $0x80, v0, vm0, $0x38;
	[tilespmem:$0x14280] =	vst v63  }
0x36: {  	s17 =	sadd.s32 s17, s14;
	s18 =	sadd.s32 $0x400, s15  }
0x37: {  	[tilespmem:s18], [sflag:$0x1] =	stream.indirect_vreg.gather [hbm:s2], $0x80, v0, vm1, $0x38;
	[tilespmem:$0x14280] =	vst v63  }
0x38: {  	s16 =	sadd.s32 $0x40, s16;
	v0 =	vld.msk [tilespmem:s17+$0x0 ss:$0x1], $0xffff  }
0x39: {  	_ =	sdelay $0x3  }
0x3a: {  	vm2 =	vgt.s32 v0, $0x0  }
0x3b: {  	v0 =	vnsel vm2, $0x0, v0  }
0x3c: {  	v0 =	vmin.u32 v0, $0x1869F  }
0x3d: {  	v0 =	vshll.u32 v0, $0x4;
	_ =	sdelay $0x3  }
0x3e: {  	s14 =	sadd.s32 $0x800, s15  }
0x3f: {  	[tilespmem:s14], [sflag:$0x1] =	stream.indirect_vreg.gather [hbm:s2], $0x80, v0, vm0, $0x38;
	[tilespmem:$0x14280] =	vst v63  }
0x40: {  	s14 =	sadd.s32 $0x400, s14  }
0x41: {  	[tilespmem:s14], [sflag:$0x1] =	stream.indirect_vreg.gather [hbm:s2], $0x80, v0, vm1, $0x38;
	[tilespmem:$0x14280] =	vst v63  }
0x42: {  	s11 =	sshll.u32 s11, $0x4;
	_ =	swait.ge [sflag:s4], $0xA000  }
0x43: {  	s11 =	sadd.s32 s11, s7;
	[sflag:s4] =	ssyncset.done $0x0  }
0x44: {  	s15 =	sadd.s32 $0x0, s11;
	s14 =	simm.s32 $0x80;
	[sflag:s4] =	ssyncadd.s32 $0xFFFF6000  }
.LBB2_5:
0x45: {  	[hbm:s15] =	stream.linear.scatter [tilespmem:s12], [sflag:$0x3], $0x400, $0x38;
	[tilespmem:$0x14280] =	vst v63  }
0x46: {  	s15 =	smov.u32 s14;
	s12 =	smov.u32 s13;
	p1 =	sne.s32 s14, $0x1380  }
.Ltmp4:
0x47: {  	s14 =	sadd.s32 $0x80, s14;
	(pc) =	sbr.rel @p1 .LBB2_5-.Ltmp4, $2  }
0x48: {  	_ =	sdelay $0x2  }
0x49: {  	s13 =	sadd.s32 $0x400, s13;
	s15 =	sadd.s32 s15, s11  }
.Ltmp5:
0x4a: {  	_ = 	snop;
	(pc) =	sbr.rel .LBB2_6-.Ltmp5, $1  }
0x4b: {  	_ =	sdelay $0x3  }
.LBB2_8:
0x4c: {  	_ =	sfence.sel $0x180000  }
0x4d: {  	s2 =	simm.s32 $0x2;
	[bflag:$0x0] =	sbarrier.arrive $0xFFFF  }
0x4e: {  	s30 =	simm.s32 $0x3;
	[sflag:s2] =	ssyncpa.u1 $0x1  }
0x4f: {  	s31 =	simm.s32 $0x1;
	[sflag:s30] =	ssyncpa.u1 $0x1  }
0x50: {  	[sflag:s31] =	ssyncpa.u1 $0x1  }
0x51: {  	p0 =	sne.s32 s1, $0x0;
	_ =	strace $0x90000047  }
0x52: {  	s0 =	sadd.s32 @!p0 $0x100000, s0;
	[bflag:$0x2] =	sbarrier.arrive $0xFFFF  }
0x53: {  	[sflag:s0] =	ssyncadd.tile.s32 @!p0 $0x1;
	_ =	shalt  }
.Lfunc_end2:
_tile_overlayer_lowered:
.L_overlay_start_2:
0x54: {  	(tag) =	ssettag $0x2  }
0x55: {  	s0 =	rddreg [dreg:$0x0];
	s2 =	stileid.u32  }
0x56: {  	s1 =	rddreg [dreg:$0x1];
	p0 =	sne.s32 s2, $0x0  }
0x57: {  	s3 =	rddreg [dreg:$0x2];
	[bflag:$0x3] =	sbarrier.arrive $0xFFFF;
	s2 =	simm.s32 @!p0 $0x1C01  }
0x58: {  	[timem:s3], [sflag:s2] =	dma.local @!p0 [hbm:s0], s1  }
0x59: {  	s0 =	simm.s32 @!p0 $0x1  }
0x5a: {  	_ =	swait.ge @!p0 [sflag:s0], s1  }
0x5b: {  	s1 =	ssub.s32 @!p0 $0x0, s1;
	[sflag:s0] =	ssyncset.done @!p0 $0x0  }
0x5c: {  	[sflag:s0] =	ssyncadd.s32 @!p0 s1  }
0x5d: {  	[bflag:$0x3] =	sbarrier.arrive $0xFFFF  }
0x5e: {  	_ =	shalt  }

// kernel: gather_offload_async_start
scs
__scs_entry_jumppad:
0x0: {  	(pc) =	sbr.rel $0x88, $3  }
0x1: {  	(tag) =	ssettag $0x0;
	lr =	simm.s32 $0x1  }
0x2: {  	[smem:$0x3F89] =	sst lr;
	_ =	strace $0xD0000000  }
0x3: {  	_ = 	snop  }
0x4: {  	_ = 	snop  }
0x5: {  	_ = 	snop  }
0x6: {  	_ = 	snop  }
0x7: {  	_ = 	snop  }
__scs_overlays_trampoline_lowered:
0x8: {  	[smem:$0x3F98] =	sst s0  }
0x9: {  	[smem:$0x3F99] =	sst s1  }
0xa: {  	[smem:$0x3F9A] =	sst s2  }
0xb: {  	[smem:$0x3F9B] =	sst s3  }
0xc: {  	[smem:$0x3F9C] =	sst s4  }
0xd: {  	[smem:$0x3F9D] =	sst s5  }
0xe: {  	[smem:$0x3F9E] =	sst s6  }
0xf: {  	[smem:$0x3F9F] =	sst s7  }
0x10: {  	[smem:$0x3FA0] =	sst s8  }
0x11: {  	[smem:$0x3FA1] =	sst s9;
	s0 =	simm.s32 @!p0 $0x0  }
0x12: {  	s1 =	sld [smem:$0x3F87];
	s0 =	simm.s32 @p0 $0x1  }
0x13: {  	[smem:$0x3FA2] =	sst s0;
	s0 =	simm.s32 @!p1 $0x0  }
0x14: {  	s2 =	sld [smem:$0x3F86];
	s0 =	simm.s32 @p1 $0x1  }
0x15: {  	[smem:$0x3FA3] =	sst s0;
	s0 =	simm.s32 @!p2 $0x0  }
0x16: {  	s3 =	sld [smem:$0x3FDB];
	s0 =	simm.s32 @p2 $0x1  }
0x17: {  	s4 =	simm.s32 $0x1BF5;
	[smem:$0x3FA5] =	sst s0  }
0x18: {  	s0 =	sld [smem:$0x3F88];
	_ =	swait.ge [sflag:s4], $0x0  }
0x19: {  	s7 =	sld [smem:$0x3F89]  }
0x1a: {  	s8 =	sadd.s32 $0xFFFFE003, lr  }
0x1b: {  	s9 =	sadd.s32 $0xFFFFFEF7, lr;
	s5 =	simm.s32 $0xFFFFFFFF;
	p2 =	slt.u32 s8, $0xFFFFF086  }
0x1c: {  	p1 =	slt.u32 s9, $0xF7A;
	s5 =	simm.s32 @!p2 $0x0  }
0x1d: {  	s5 =	simm.s32 @p1 $0x1;
	p0 =	seq.s32 s7, s2  }
0x1e: {  	s7 =	smul.u32 @!p0 $0xF7A, s2;
	p2 =	seq.s32 @!p0 s5, $0x0  }
0x1f: {  	s9 =	smul.u32 $0xF7A, s1;
	s8 =	simm.s32 @!p0 $0x1BF5;
	p2 =	por !p2, p0  }
0x20: {  	[sflag:s8] =	ssyncset.s32 @!p0 $0xFFFFF086;
	s6 =	sadd.s32 @!p0 s3, s7;
	s7 =	simm.s32 @!p0 $0x108  }
0x21: {  	s3 =	sadd.s32 s3, s9;
	s6 =	sadd.s32 @!p0 $0x88, s6;
	s7 =	simm.s32 @p2 $0x1082  }
0x22: {  	[simem:s7], [sflag:s8] =	dma.local @!p0 [hbm:s6], $0xF7A  }
0x23: {  	s9 =	sor.u32 $0xD0000000, s2;
	s6 =	simm.s32 $0x108;
	_ =	swait.ge @!p0 [sflag:s8], $0x0  }
0x24: {  	s3 =	sadd.s32 $0x88, s3;
	s6 =	simm.s32 @!p1 $0x1082;
	[sflag:s4] =	ssyncset.s32 $0xFFFFF086  }
0x25: {  	[simem:s6], [sflag:s4] =	dma.local [hbm:s3], $0xF7A  }
0x26: {  	[smem:$0x3F89] =	sst s1;
	(tag) =	ssettag s2;
	_ =	strace s9  }
0x27: {  	s1 =	sld [smem:$0x3F99]  }
0x28: {  	s2 =	sld [smem:$0x3F9A]  }
0x29: {  	s4 =	sld [smem:$0x3F9C]  }
0x2a: {  	p0 =	seq.s32 s5, $0x0;
	s5 =	sld [smem:$0x3F9D]  }
0x2b: {  	s6 =	sld [smem:$0x3F9E]  }
0x2c: {  	s7 =	sld [smem:$0x3F9F]  }
0x2d: {  	s3 =	simm.s32 $0x108;
	s8 =	sld [smem:$0x3FA0]  }
0x2e: {  	s3 =	simm.s32 @!p0 $0x1082;
	s9 =	sld [smem:$0x3FA1]  }
0x2f: {  	lr =	sadd.s32 s0, s3;
	s0 =	sld [smem:$0x3F98]  }
0x30: {  	s3 =	sld [smem:$0x3F9B]  }
0x31: {  	[smem:$0x3FA4] =	sst s10  }
0x32: {  	s10 =	sld [smem:$0x3FA2];
	_ =	sdelay $0x3  }
0x33: {  	p0 =	seq.s32 s10, $0x1;
	s10 =	sld [smem:$0x3FA4];
	_ =	sdelay $0x3  }
0x34: {  	[smem:$0x3FA4] =	sst s10  }
0x35: {  	s10 =	sld [smem:$0x3FA3];
	_ =	sdelay $0x3  }
0x36: {  	p1 =	seq.s32 s10, $0x1;
	s10 =	sld [smem:$0x3FA4];
	_ =	sdelay $0x3  }
0x37: {  	[smem:$0x3FA4] =	sst s10  }
0x38: {  	s10 =	sld [smem:$0x3FA5]  }
0x39: {  	_ = 	snop;
	(pc) =	sbr.ind lr, $3  }
0x3a: {  	_ = 	snop  }
0x3b: {  	_ = 	snop  }
0x3c: {  	p2 =	seq.s32 s10, $0x1;
	s10 =	sld [smem:$0x3FA4]  }
0x3d: {  	_ =	shalt  }
0x3e: {  	_ =	shalt  }
0x3f: {  	_ =	shalt  }
0x40: {  	_ =	shalt  }
0x41: {  	_ =	shalt  }
0x42: {  	_ =	shalt  }
0x43: {  	_ =	shalt  }
0x44: {  	_ =	shalt  }
0x45: {  	_ =	shalt  }
0x46: {  	_ =	shalt  }
0x47: {  	_ =	shalt  }
0x48: {  	_ =	shalt  }
0x49: {  	_ =	shalt  }
0x4a: {  	_ =	shalt  }
0x4b: {  	_ =	shalt  }
0x4c: {  	_ =	shalt  }
0x4d: {  	_ =	shalt  }
0x4e: {  	_ =	shalt  }
0x4f: {  	_ =	shalt  }
0x50: {  	_ =	shalt  }
0x51: {  	_ =	shalt  }
0x52: {  	_ =	shalt  }
0x53: {  	_ =	shalt  }
0x54: {  	_ =	shalt  }
0x55: {  	_ =	shalt  }
0x56: {  	_ =	shalt  }
0x57: {  	_ =	shalt  }
0x58: {  	_ =	shalt  }
0x59: {  	_ =	shalt  }
0x5a: {  	_ =	shalt  }
0x5b: {  	_ =	shalt  }
0x5c: {  	_ =	shalt  }
0x5d: {  	_ =	shalt  }
0x5e: {  	_ =	shalt  }
0x5f: {  	_ =	shalt  }
0x60: {  	_ =	shalt  }
0x61: {  	_ =	shalt  }
0x62: {  	_ =	shalt  }
0x63: {  	_ =	shalt  }
0x64: {  	_ =	shalt  }
0x65: {  	_ =	shalt  }
0x66: {  	_ =	shalt  }
0x67: {  	_ =	shalt  }
0x68: {  	_ =	shalt  }
0x69: {  	_ =	shalt  }
0x6a: {  	_ =	shalt  }
0x6b: {  	_ =	shalt  }
0x6c: {  	_ =	shalt  }
0x6d: {  	_ =	shalt  }
0x6e: {  	_ =	shalt  }
0x6f: {  	_ =	shalt  }
0x70: {  	_ =	shalt  }
0x71: {  	_ =	shalt  }
0x72: {  	_ =	shalt  }
0x73: {  	_ =	shalt  }
0x74: {  	_ =	shalt  }
0x75: {  	_ =	shalt  }
0x76: {  	_ =	shalt  }
0x77: {  	_ =	shalt  }
0x78: {  	_ =	shalt  }
0x79: {  	_ =	shalt  }
0x7a: {  	_ =	shalt  }
0x7b: {  	_ =	shalt  }
0x7c: {  	_ =	shalt  }
0x7d: {  	_ =	shalt  }
0x7e: {  	_ =	shalt  }
0x7f: {  	_ =	shalt  }
0x80: {  	_ =	shalt  }
0x81: {  	_ =	shalt  }
0x82: {  	_ =	shalt  }
0x83: {  	_ =	shalt  }
0x84: {  	_ =	shalt  }
0x85: {  	_ =	shalt  }
0x86: {  	_ =	shalt  }
0x87: {  	_ =	shalt  }
.Lfunc_end0:
.L_simem_size_0:
called_computation_lowered:
.L_overlay_start_0:
0x88: {  	s2 =	sld [smem:$0x3FD9]  }
0x89: {  	s3 =	sld [smem:$0x3FFE];
	_ =	sdelay $0x1  }
0x8a: {  	s1 =	srdreg.scid  }
0x8b: {  	s0 =	sand.u32 $0x1, s1  }
0x8c: {  	s15 =	sshll.u32 s0, $0xA;
	s2 =	sadd.s32 s3, s2  }
0x8d: {  	s2 =	sadd.s32 s2, s15  }
0x8e: {  	[smem:$0x3FB0] =	sst s2  }
0x8f: {  	_ = 	snop  }
0x90: {  	s16 =	sld [smem:$0x3FD0];
	_ =	sdelay $0x2  }
0x91: {  	s4 =	simm.s32 $0xB;
	s5 =	simm.s32 $0x10;
	s2 =	sld [smem:$0x3FC2]  }
0x92: {  	[smem:s5], [sflag:s4] =	dma.local [hbm:s16], $0x1  }
0x93: {  	_ =	swait.eq [sflag:s4], $0x1  }
0x94: {  	[sflag:s4] =	ssyncset.done $0x0  }
0x95: {  	[sflag:s4] =	ssyncadd.s32 $0xFFFFFFFF  }
0x96: {  	s17 =	sld [smem:$0x14];
	(tm) =	ssettm $0x1  }
0x97: {  	s18 =	sld [smem:$0x3FFB];
	_ =	sdelay $0x3  }
0x98: {  	_ =	strace s18  }
0x99: {  	s3 =	sld [smem:$0x3FFC];
	_ =	sdelay $0x3  }
0x9a: {  	_ =	strace s3  }
0x9b: {  	s3 =	sld [smem:$0x3FFD];
	_ =	sdelay $0x3  }
0x9c: {  	_ =	strace s3  }
0x9d: {  	_ =	strace $0x8FFFFFFF  }
0x9e: {  	s19 =	sld [smem:$0x3FDB];
	_ =	sdelay $0x1  }
0x9f: {  	s20 =	simm.s32 $_scs_section_size  }
0xa0: {  	s6 =	simm.s32 $_size__tile_overlayer_lowered;
	s7 =	simm.s32 $_tile_overlayer_lowered  }
0xa1: {  	s8 =	simm.s32 $0x1BFF;
	s21 =	sshll.u32 s7, $0x1;
	s5 =	sadd.s32 s20, s19  }
0xa2: {  	s22 =	simm.s32 $0x0;
	s6 =	sshll.u32 s6, $0x1;
	s7 =	sadd.s32 s21, s5  }
0xa3: {  	[timem:s22], [sflag:s8] =	dma.local [hbm:s7], s6  }
0xa4: {  	_ =	swait.ge [sflag:s8], s6  }
0xa5: {  	s6 =	ssub.s32 $0x0, s6;
	[sflag:s8] =	ssyncset.done $0x0  }
0xa6: {  	[sflag:s8] =	ssyncadd.s32 s6;
	_ =	sdelay $0x1  }
0xa7: {  	s23 =	simm.s32 $0x1B8B  }
0xa8: {  	_ =	swait.ge [sflag:s23], $0x1  }
0xa9: {  	[sflag:s23] =	ssyncset.done $0x0  }
0xaa: {  	[sflag:s23] =	ssyncadd.s32 $0xFFFFFFFF  }
0xab: {  	s6 =	sld [smem:$0x0]  }
0xac: {  	s7 =	sand.u32 $0xFFFFFFFE, s1  }
0xad: {  	p0 =	sne.s32 s1, s7  }
0xae: {  	s7 =	sshll.u32 @p0 s7, $0xE  }
0xaf: {  	s7 =	sadd.s32 @p0 $0x11B8D, s7;
	s8 =	sshll.u32 @p0 s6, $0x11  }
0xb0: {  	s7 =	sor.u32 @p0 s8, s7  }
0xb1: {  	[sflag:s7] =	ssyncadd.remote.s32 @p0 $0x1;
	_ =	sdelay $0x1  }
0xb2: {  	s7 =	simm.s32 @p0 $0x1B8D  }
0xb3: {  	_ =	swait.eq @p0 [sflag:s7], $0x1  }
0xb4: {  	[sflag:s7] =	ssyncadd.s32 @p0 $0xFFFFFFFF  }
0xb5: {  	s8 =	sshll.u32 @!p0 s1, $0xE  }
0xb6: {  	s8 =	sor.u32 @!p0 $0x4000, s8;
	s7 =	simm.s32 @!p0 $0x1B8D  }
0xb7: {  	s6 =	sshll.u32 @!p0 s6, $0x11;
	s8 =	sadd.s32 @!p0 $0x11B8D, s8;
	_ =	swait.eq @!p0 [sflag:s7], $0x1  }
0xb8: {  	s6 =	sor.u32 @!p0 s6, s8;
	[sflag:s7] =	ssyncadd.s32 @!p0 $0xFFFFFFFF  }
0xb9: {  	s25 =	simm.s32 $0x1B8E;
	s24 =	sld [smem:$0x3FFE];
	[sflag:s6] =	ssyncadd.remote.s32 @!p0 $0x1  }
0xba: {  	s26 =	simm.s32 $execute0_lowered;
	[smem:$0x3FD2] =	sst s25  }
0xbb: {  	s7 =	sshll.u32 s26, $0x1;
	_ =	strace $0x80000049;
	[dreg:$0x1] =	wrdreg $0xFFFFFFFF  }
0xbc: {  	s28 =	simm.s32 $_size_execute0_lowered;
	s5 =	sadd.s32 s5, s7;
	[dreg:$0x0] =	wrdreg $0x0  }
0xbd: {  	s7 =	sshll.u32 s28, $0x1;
	[dreg:$0x2] =	wrdreg s5  }
0xbe: {  	[dreg:$0x3] =	wrdreg s7  }
0xbf: {  	[dreg:$0x4] =	wrdreg $0xC0  }
0xc0: {  	_ =	task [dreg:s22], $0x5FFFF  }
0xc1: {  	[dreg:$0x1] =	wrdreg $0xFFFFFFFF  }
0xc2: {  	[dreg:$0x0] =	wrdreg $0x60  }
0xc3: {  	[dreg:$0x2] =	wrdreg s2  }
0xc4: {  	[dreg:$0x3] =	wrdreg s17  }
0xc5: {  	[dreg:$0x4] =	wrdreg s24  }
0xc6: {  	[dreg:$0x5] =	wrdreg $0x9  }
0xc7: {  	_ =	task.clear_ibuf [dreg:s22], $0x6FFFF;
	_ =	strace $0x90000049  }
0xc8: {  	s29 =	simm.s32 $0x9;
	_ =	strace $0x8000004B  }
0xc9: {  	_ =	swait.ge [sflag:s29], $0x1  }
0xca: {  	[sflag:s29] =	ssyncadd.s32 $0xFFFFFFFF  }
0xcb: {  	_ =	strace $0x9000004B  }
0xcc: {  	_ =	sfence  }
0xcd: {  	s30 =	sld [smem:$0x0];
	_ =	sdelay $0x2  }
0xce: {  	s31 =	sshll.u32 s1, $0xD;
	s1 =	sshrl.u32 s1, $0x2  }
0xcf: {  	s4 =	sand.u32 $0x4000, s31;
	s1 =	sadd.s32 s1, s30  }
0xd0: {  	s0 =	sor.u32 s4, s0;
	s1 =	sshll.u32 s1, $0x11  }
0xd1: {  	s0 =	sor.u32 s1, s0  }
0xd2: {  	s0 =	sadd.s32 $0x8F2B, s0  }
0xd3: {  	[sflag:s0] =	ssyncadd.remote.s32 $0x1  }
0xd4: {  	_ =	sfence.sel $0xFFFF  }
0xd5: {  	[dreg:$0x0] =	wrdreg $0xFFFFFFFF;
	(pc) =	sbr.abs _section_cstart, $3  }
0xd6: {  	[dreg:$0x1] =	wrdreg $0xFFFFFFFF  }
0xd7: {  	_ =	task.clear_ibuf [dreg:s22], $0x2FFFF;
	_ =	strace $0x9FFFFFFF  }
0xd8: {  	(tm) =	ssettm $0x7FFFFFFF  }
0xd9: {  	_ =	shalt  }
tec
execute0_lowered:
.L_overlay_start_1:
0x0: {  	(tag) =	ssettag $0x1  }
0x1: {  	s2 =	rddreg [dreg:$0x0]  }
0x2: {  	s3 =	rddreg [dreg:$0x1];
	s0 =	srdreg.scid  }
0x3: {  	s7 =	rddreg [dreg:$0x2];
	s1 =	stileid.u32;
	s6 =	simm.s32 $0x2  }
0x4: {  	s4 =	sshll.u32 s0, $0x4;
	s0 =	rddreg [dreg:$0x3];
	_ =	strace $0x8000004A  }
.Ltmp0:
0x5: {  	s5 =	sand.u32 $0x10, s4;
	s4 =	simm.s32 $0x1;
	(pc) =	sbr.rel .LBB2_1-.Ltmp0, $4  }
0x6: {  	s9 =	simm.s32 $0x3;
	s5 =	sor.u32 s1, s5;
	[sflag:s4] =	ssyncpa.u1 $0x0  }
0x7: {  	s11 =	simm.s32 $0x0;
	s5 =	smul.u32 $0x1900, s5;
	[sflag:s6] =	ssyncpa.u1 $0x0  }
0x8: {  	p0 =	por $0x0, $0x0;
	s7 =	sadd.s32 $0x322C00, s7;
	[sflag:s9] =	ssyncpa.u1 $0x0  }
0x9: {  	vm0 =	vmmov $0xff;
	vm1 =	vcmask $0x3F20;
	s9 =	simm.s32 $0x0;
	s8 =	sadd.s32 $0x1900, s5;
	s10 =	smov.u32 s5  }
.LBB2_6:
0xa: {  	[hbm:s15] =	stream.linear.scatter [tilespmem:s12], [sflag:$0x3], $0x400, $0x38;
	[tilespmem:$0x14280] =	vst v63  }
.LBB2_7:
0xb: {  	p1 =	slt.u32 s9, $0x2;
	s11 =	sadd.s32 $0x140, s10  }
0xc: {  	s13 =	smov.u32 s5;
	s9 =	sadd.s32 $0x1, s9;
	p2 =	slt.s32 s11, s8  }
0xd: {  	s13 =	smov.u32 @p2 s11;
	p2 =	sne.s32 s9, $0x16  }
.Ltmp1:
0xe: {  	_ = 	snop;
	(pc) =	sbr.rel @!p2 .LBB2_8-.Ltmp1, $4  }
0xf: {  	s12 =	simm.s32 @!p1 $0x3  }
0x10: {  	_ =	swait.ge @!p1 [sflag:s12], $0xA000  }
0x11: {  	p0 =	por !p0, !p0;
	[sflag:s12] =	ssyncset.done @!p1 $0x0  }
0x12: {  	s11 =	smov.u32 s10;
	s10 =	smov.u32 s13;
	[sflag:s12] =	ssyncadd.s32 @!p1 $0xFFFF6000  }
.LBB2_1:
0x13: {  	p1 =	sgt.u32 s9, $0x13  }
0x14: {  	s12 =	sxor.u32 @!p1 $0xFFFFFFFF, s9  }
0x15: {  	s12 =	sand.u32 @!p1 $0x1, s12  }
0x16: {  	s12 =	smul.u32 @!p1 $0x500, s12  }
0x17: {  	s31 =	sadd.s32 $0xFFFFFFFF, s9;
	s13 =	sshrl.u32 @!p1 s10, $0x3  }
0x18: {  	s14 =	sand.u32 @!p1 $0x7, s10;
	s13 =	sadd.s32 @!p1 s3, s13;
	s12 =	sshrl.u32 @!p1 s12, $0x2  }
0x19: {  	[tilespmem:s12], [sflag:$0x2] =	stream.linear.gather @!p1 [hbm4b:s13+s14], $0x140, $0x38;
	[tilespmem:$0x14280] =	vst v63  }
0x1a: {  	p1 =	sgt.u32 s31, $0x13  }
.Ltmp2:
0x1b: {  	_ = 	snop;
	(pc) =	sbr.rel @p1 .LBB2_7-.Ltmp2, $1  }
0x1c: {  	_ =	sdelay $0x3  }
0x1d: {  	s12 =	simm.s32 $0x1  }
0x1e: {  	s12 =	simm.s32 @!p0 $0x0  }
0x1f: {  	s13 =	smul.u32 $0x500, s12  }
0x20: {  	_ =	swait.ge [sflag:s6], $0x140  }
0x21: {  	[sflag:s6] =	ssyncset.done $0x0;
	s14 =	sshrl.u32 s13, $0x2  }
0x22: {  	[sflag:s6] =	ssyncadd.s32 $0xFFFFFEC0;
	s13 =	sadd.s32 $0x0, s14  }
0x23: {  	v0 =	vld.msk [tilespmem:s13+$0x0 ss:$0x1], $0xffff;
	_ =	sdelay $0x4  }
0x24: {  	vm2 =	vgt.s32 v0, $0x0  }
0x25: {  	v0 =	vnsel vm2, $0x0, v0  }
0x26: {  	v0 =	vmin.u32 v0, $0x1869F  }
0x27: {  	v0 =	vshll.u32 v0, $0x4  }
0x28: {  	s12 =	smul.u32 $0x28000, s12;
	_ =	sdelay $0x1  }
0x29: {  	s12 =	sshrl.u32 s12, $0x2  }
0x2a: {  	s12 =	sor.u32 $0x280, s12  }
0x2b: {  	[tilespmem:s12], [sflag:$0x1] =	stream.indirect_vreg.gather [hbm:s2], $0x80, v0, vm0, $0x38;
	[tilespmem:$0x14280] =	vst v63  }
0x2c: {  	s15 =	sadd.s32 $0x10, s14;
	s13 =	sadd.s32 $0x400, s12  }
0x2d: {  	[tilespmem:s13], [sflag:$0x1] =	stream.indirect_vreg.gather [hbm:s2], $0x80, v0, vm1, $0x38;
	[tilespmem:$0x14280] =	vst v63  }
0x2e: {  	s16 =	simm.s32 $0x80;
	v0 =	vld.msk [tilespmem:s15+$0x0 ss:$0x1], $0xffff;
	s15 =	smov.u32 s12  }
.LBB2_3:
0x2f: {  	p1 =	sne.s32 s16, $0x4C0;
	_ =	sdelay $0x4  }
0x30: {  	vm2 =	vgt.s32 v0, $0x0  }
0x31: {  	v0 =	vnsel vm2, $0x0, v0  }
0x32: {  	v0 =	vmin.u32 v0, $0x1869F  }
0x33: {  	v0 =	vshll.u32 v0, $0x4;
	_ =	sdelay $0x3  }
.Ltmp3:
0x34: {  	s17 =	sshra.s32 s16, $0x2;
	s15 =	sadd.s32 $0x800, s15;
	(pc) =	sbr.rel @p1 .LBB2_3-.Ltmp3, $4  }
0x35: {  	[tilespmem:s15], [sflag:$0x1] =	stream.indirect_vreg.gather [hbm:s2], $0x80, v0, vm0, $0x38;
	[tilespmem:$0x14280] =	vst v63  }
0x36: {  	s17 =	sadd.s32 s17, s14;
	s18 =	sadd.s32 $0x400, s15  }
0x37: {  	[tilespmem:s18], [sflag:$0x1] =	stream.indirect_vreg.gather [hbm:s2], $0x80, v0, vm1, $0x38;
	[tilespmem:$0x14280] =	vst v63  }
0x38: {  	s16 =	sadd.s32 $0x40, s16;
	v0 =	vld.msk [tilespmem:s17+$0x0 ss:$0x1], $0xffff  }
0x39: {  	_ =	sdelay $0x3  }
0x3a: {  	vm2 =	vgt.s32 v0, $0x0  }
0x3b: {  	v0 =	vnsel vm2, $0x0, v0  }
0x3c: {  	v0 =	vmin.u32 v0, $0x1869F  }
0x3d: {  	v0 =	vshll.u32 v0, $0x4;
	_ =	sdelay $0x3  }
0x3e: {  	s14 =	sadd.s32 $0x800, s15  }
0x3f: {  	[tilespmem:s14], [sflag:$0x1] =	stream.indirect_vreg.gather [hbm:s2], $0x80, v0, vm0, $0x38;
	[tilespmem:$0x14280] =	vst v63  }
0x40: {  	s14 =	sadd.s32 $0x400, s14  }
0x41: {  	[tilespmem:s14], [sflag:$0x1] =	stream.indirect_vreg.gather [hbm:s2], $0x80, v0, vm1, $0x38;
	[tilespmem:$0x14280] =	vst v63  }
0x42: {  	s11 =	sshll.u32 s11, $0x4;
	_ =	swait.ge [sflag:s4], $0xA000  }
0x43: {  	s11 =	sadd.s32 s11, s7;
	[sflag:s4] =	ssyncset.done $0x0  }
0x44: {  	s15 =	sadd.s32 $0x0, s11;
	s14 =	simm.s32 $0x80;
	[sflag:s4] =	ssyncadd.s32 $0xFFFF6000  }
.LBB2_5:
0x45: {  	[hbm:s15] =	stream.linear.scatter [tilespmem:s12], [sflag:$0x3], $0x400, $0x38;
	[tilespmem:$0x14280] =	vst v63  }
0x46: {  	s15 =	smov.u32 s14;
	s12 =	smov.u32 s13;
	p1 =	sne.s32 s14, $0x1380  }
.Ltmp4:
0x47: {  	s14 =	sadd.s32 $0x80, s14;
	(pc) =	sbr.rel @p1 .LBB2_5-.Ltmp4, $2  }
0x48: {  	_ =	sdelay $0x2  }
0x49: {  	s13 =	sadd.s32 $0x400, s13;
	s15 =	sadd.s32 s15, s11  }
.Ltmp5:
0x4a: {  	_ = 	snop;
	(pc) =	sbr.rel .LBB2_6-.Ltmp5, $1  }
0x4b: {  	_ =	sdelay $0x3  }
.LBB2_8:
0x4c: {  	_ =	sfence.sel $0x180000  }
0x4d: {  	s2 =	simm.s32 $0x2;
	[bflag:$0x0] =	sbarrier.arrive $0xFFFF  }
0x4e: {  	s30 =	simm.s32 $0x3;
	[sflag:s2] =	ssyncpa.u1 $0x1  }
0x4f: {  	s31 =	simm.s32 $0x1;
	[sflag:s30] =	ssyncpa.u1 $0x1  }
0x50: {  	[sflag:s31] =	ssyncpa.u1 $0x1  }
0x51: {  	p0 =	sne.s32 s1, $0x0;
	_ =	strace $0x9000004A  }
0x52: {  	s0 =	sadd.s32 @!p0 $0x100000, s0;
	[bflag:$0x2] =	sbarrier.arrive $0xFFFF  }
0x53: {  	[sflag:s0] =	ssyncadd.tile.s32 @!p0 $0x1;
	_ =	shalt  }
.Lfunc_end2:
_tile_overlayer_lowered:
.L_overlay_start_2:
0x54: {  	(tag) =	ssettag $0x2  }
0x55: {  	s0 =	rddreg [dreg:$0x0];
	s2 =	stileid.u32  }
0x56: {  	s1 =	rddreg [dreg:$0x1];
	p0 =	sne.s32 s2, $0x0  }
0x57: {  	s3 =	rddreg [dreg:$0x2];
	[bflag:$0x3] =	sbarrier.arrive $0xFFFF;
	s2 =	simm.s32 @!p0 $0x1C01  }
0x58: {  	[timem:s3], [sflag:s2] =	dma.local @!p0 [hbm:s0], s1  }
0x59: {  	s0 =	simm.s32 @!p0 $0x1  }
0x5a: {  	_ =	swait.ge @!p0 [sflag:s0], s1  }
0x5b: {  	s1 =	ssub.s32 @!p0 $0x0, s1;
	[sflag:s0] =	ssyncset.done @!p0 $0x0  }
0x5c: {  	[sflag:s0] =	ssyncadd.s32 @!p0 s1  }
0x5d: {  	[bflag:$0x3] =	sbarrier.arrive $0xFFFF  }
0x5e: {  	_ =	shalt  }

// kernel: kernel.6.cloned.1.call-start
scs
__scs_entry_jumppad:
0x0: {  	(pc) =	sbr.rel $0x88, $3  }
0x1: {  	(tag) =	ssettag $0x0;
	lr =	simm.s32 $0x1  }
0x2: {  	[smem:$0x3F89] =	sst lr;
	_ =	strace $0xD0000000  }
0x3: {  	_ = 	snop  }
0x4: {  	_ = 	snop  }
0x5: {  	_ = 	snop  }
0x6: {  	_ = 	snop  }
0x7: {  	_ = 	snop  }
__scs_overlays_trampoline_lowered:
0x8: {  	[smem:$0x3F98] =	sst s0  }
0x9: {  	[smem:$0x3F99] =	sst s1  }
0xa: {  	[smem:$0x3F9A] =	sst s2  }
0xb: {  	[smem:$0x3F9B] =	sst s3  }
0xc: {  	[smem:$0x3F9C] =	sst s4  }
0xd: {  	[smem:$0x3F9D] =	sst s5  }
0xe: {  	[smem:$0x3F9E] =	sst s6  }
0xf: {  	[smem:$0x3F9F] =	sst s7  }
0x10: {  	[smem:$0x3FA0] =	sst s8  }
0x11: {  	[smem:$0x3FA1] =	sst s9;
	s0 =	simm.s32 @!p0 $0x0  }
0x12: {  	s1 =	sld [smem:$0x3F87];
	s0 =	simm.s32 @p0 $0x1  }
0x13: {  	[smem:$0x3FA2] =	sst s0;
	s0 =	simm.s32 @!p1 $0x0  }
0x14: {  	s2 =	sld [smem:$0x3F86];
	s0 =	simm.s32 @p1 $0x1  }
0x15: {  	[smem:$0x3FA3] =	sst s0;
	s0 =	simm.s32 @!p2 $0x0  }
0x16: {  	s3 =	sld [smem:$0x3FDB];
	s0 =	simm.s32 @p2 $0x1  }
0x17: {  	s4 =	simm.s32 $0x1BF5;
	[smem:$0x3FA5] =	sst s0  }
0x18: {  	s0 =	sld [smem:$0x3F88];
	_ =	swait.ge [sflag:s4], $0x0  }
0x19: {  	s7 =	sld [smem:$0x3F89]  }
0x1a: {  	s8 =	sadd.s32 $0xFFFFE003, lr  }
0x1b: {  	s9 =	sadd.s32 $0xFFFFFEF7, lr;
	s5 =	simm.s32 $0xFFFFFFFF;
	p2 =	slt.u32 s8, $0xFFFFF086  }
0x1c: {  	p1 =	slt.u32 s9, $0xF7A;
	s5 =	simm.s32 @!p2 $0x0  }
0x1d: {  	s5 =	simm.s32 @p1 $0x1;
	p0 =	seq.s32 s7, s2  }
0x1e: {  	s7 =	smul.u32 @!p0 $0xF7A, s2;
	p2 =	seq.s32 @!p0 s5, $0x0  }
0x1f: {  	s9 =	smul.u32 $0xF7A, s1;
	s8 =	simm.s32 @!p0 $0x1BF5;
	p2 =	por !p2, p0  }
0x20: {  	[sflag:s8] =	ssyncset.s32 @!p0 $0xFFFFF086;
	s6 =	sadd.s32 @!p0 s3, s7;
	s7 =	simm.s32 @!p0 $0x108  }
0x21: {  	s3 =	sadd.s32 s3, s9;
	s6 =	sadd.s32 @!p0 $0x88, s6;
	s7 =	simm.s32 @p2 $0x1082  }
0x22: {  	[simem:s7], [sflag:s8] =	dma.local @!p0 [hbm:s6], $0xF7A  }
0x23: {  	s9 =	sor.u32 $0xD0000000, s2;
	s6 =	simm.s32 $0x108;
	_ =	swait.ge @!p0 [sflag:s8], $0x0  }
0x24: {  	s3 =	sadd.s32 $0x88, s3;
	s6 =	simm.s32 @!p1 $0x1082;
	[sflag:s4] =	ssyncset.s32 $0xFFFFF086  }
0x25: {  	[simem:s6], [sflag:s4] =	dma.local [hbm:s3], $0xF7A  }
0x26: {  	[smem:$0x3F89] =	sst s1;
	(tag) =	ssettag s2;
	_ =	strace s9  }
0x27: {  	s1 =	sld [smem:$0x3F99]  }
0x28: {  	s2 =	sld [smem:$0x3F9A]  }
0x29: {  	s4 =	sld [smem:$0x3F9C]  }
0x2a: {  	p0 =	seq.s32 s5, $0x0;
	s5 =	sld [smem:$0x3F9D]  }
0x2b: {  	s6 =	sld [smem:$0x3F9E]  }
0x2c: {  	s7 =	sld [smem:$0x3F9F]  }
0x2d: {  	s3 =	simm.s32 $0x108;
	s8 =	sld [smem:$0x3FA0]  }
0x2e: {  	s3 =	simm.s32 @!p0 $0x1082;
	s9 =	sld [smem:$0x3FA1]  }
0x2f: {  	lr =	sadd.s32 s0, s3;
	s0 =	sld [smem:$0x3F98]  }
0x30: {  	s3 =	sld [smem:$0x3F9B]  }
0x31: {  	[smem:$0x3FA4] =	sst s10  }
0x32: {  	s10 =	sld [smem:$0x3FA2];
	_ =	sdelay $0x3  }
0x33: {  	p0 =	seq.s32 s10, $0x1;
	s10 =	sld [smem:$0x3FA4];
	_ =	sdelay $0x3  }
0x34: {  	[smem:$0x3FA4] =	sst s10  }
0x35: {  	s10 =	sld [smem:$0x3FA3];
	_ =	sdelay $0x3  }
0x36: {  	p1 =	seq.s32 s10, $0x1;
	s10 =	sld [smem:$0x3FA4];
	_ =	sdelay $0x3  }
0x37: {  	[smem:$0x3FA4] =	sst s10  }
0x38: {  	s10 =	sld [smem:$0x3FA5]  }
0x39: {  	_ = 	snop;
	(pc) =	sbr.ind lr, $3  }
0x3a: {  	_ = 	snop  }
0x3b: {  	_ = 	snop  }
0x3c: {  	p2 =	seq.s32 s10, $0x1;
	s10 =	sld [smem:$0x3FA4]  }
0x3d: {  	_ =	shalt  }
0x3e: {  	_ =	shalt  }
0x3f: {  	_ =	shalt  }
0x40: {  	_ =	shalt  }
0x41: {  	_ =	shalt  }
0x42: {  	_ =	shalt  }
0x43: {  	_ =	shalt  }
0x44: {  	_ =	shalt  }
0x45: {  	_ =	shalt  }
0x46: {  	_ =	shalt  }
0x47: {  	_ =	shalt  }
0x48: {  	_ =	shalt  }
0x49: {  	_ =	shalt  }
0x4a: {  	_ =	shalt  }
0x4b: {  	_ =	shalt  }
0x4c: {  	_ =	shalt  }
0x4d: {  	_ =	shalt  }
0x4e: {  	_ =	shalt  }
0x4f: {  	_ =	shalt  }
0x50: {  	_ =	shalt  }
0x51: {  	_ =	shalt  }
0x52: {  	_ =	shalt  }
0x53: {  	_ =	shalt  }
0x54: {  	_ =	shalt  }
0x55: {  	_ =	shalt  }
0x56: {  	_ =	shalt  }
0x57: {  	_ =	shalt  }
0x58: {  	_ =	shalt  }
0x59: {  	_ =	shalt  }
0x5a: {  	_ =	shalt  }
0x5b: {  	_ =	shalt  }
0x5c: {  	_ =	shalt  }
0x5d: {  	_ =	shalt  }
0x5e: {  	_ =	shalt  }
0x5f: {  	_ =	shalt  }
0x60: {  	_ =	shalt  }
0x61: {  	_ =	shalt  }
0x62: {  	_ =	shalt  }
0x63: {  	_ =	shalt  }
0x64: {  	_ =	shalt  }
0x65: {  	_ =	shalt  }
0x66: {  	_ =	shalt  }
0x67: {  	_ =	shalt  }
0x68: {  	_ =	shalt  }
0x69: {  	_ =	shalt  }
0x6a: {  	_ =	shalt  }
0x6b: {  	_ =	shalt  }
0x6c: {  	_ =	shalt  }
0x6d: {  	_ =	shalt  }
0x6e: {  	_ =	shalt  }
0x6f: {  	_ =	shalt  }
0x70: {  	_ =	shalt  }
0x71: {  	_ =	shalt  }
0x72: {  	_ =	shalt  }
0x73: {  	_ =	shalt  }
0x74: {  	_ =	shalt  }
0x75: {  	_ =	shalt  }
0x76: {  	_ =	shalt  }
0x77: {  	_ =	shalt  }
0x78: {  	_ =	shalt  }
0x79: {  	_ =	shalt  }
0x7a: {  	_ =	shalt  }
0x7b: {  	_ =	shalt  }
0x7c: {  	_ =	shalt  }
0x7d: {  	_ =	shalt  }
0x7e: {  	_ =	shalt  }
0x7f: {  	_ =	shalt  }
0x80: {  	_ =	shalt  }
0x81: {  	_ =	shalt  }
0x82: {  	_ =	shalt  }
0x83: {  	_ =	shalt  }
0x84: {  	_ =	shalt  }
0x85: {  	_ =	shalt  }
0x86: {  	_ =	shalt  }
0x87: {  	_ =	shalt  }
.Lfunc_end0:
.L_simem_size_0:
called_computation.2_lowered:
.L_overlay_start_0:
0x88: {  	s2 =	sld [smem:$0x3FD9]  }
0x89: {  	s3 =	sld [smem:$0x3FFE];
	_ =	sdelay $0x1  }
0x8a: {  	s1 =	srdreg.scid  }
0x8b: {  	s0 =	sand.u32 $0x1, s1  }
0x8c: {  	s14 =	sshll.u32 s0, $0xA;
	s2 =	sadd.s32 s3, s2  }
0x8d: {  	s2 =	sadd.s32 s2, s14  }
0x8e: {  	[smem:$0x3FB0] =	sst s2  }
0x8f: {  	_ = 	snop  }
0x90: {  	s2 =	sld [smem:$0x3FC9]  }
0x91: {  	s15 =	sld [smem:$0x3FD0]  }
0x92: {  	s4 =	sld [smem:$0x3FC6]  }
0x93: {  	s5 =	sld [smem:$0x3FC3]  }
0x94: {  	s7 =	simm.s32 $0xB;
	s8 =	simm.s32 $0x10;
	s6 =	sld [smem:$0x3FC2]  }
0x95: {  	[smem:s8], [sflag:s7] =	dma.local [hbm:s15], $0x1  }
0x96: {  	_ =	swait.eq [sflag:s7], $0x1  }
0x97: {  	s16 =	sld [smem:$0x10]  }
0x98: {  	s17 =	sld [smem:$0x13];
	[sflag:s7] =	ssyncset.done $0x0  }
0x99: {  	s9 =	sld [smem:$0x16];
	[sflag:s7] =	ssyncadd.s32 $0xFFFFFFFF  }
0x9a: {  	s18 =	sld [smem:$0x17];
	(tm) =	ssettm $0x1  }
0x9b: {  	s10 =	sld [smem:$0x3FFB];
	_ =	sdelay $0x3  }
0x9c: {  	_ =	strace s10  }
0x9d: {  	s10 =	sld [smem:$0x3FFC];
	_ =	sdelay $0x3  }
0x9e: {  	_ =	strace s10  }
0x9f: {  	s10 =	sld [smem:$0x3FFD];
	_ =	sdelay $0x3  }
0xa0: {  	_ =	strace s10  }
0xa1: {  	_ =	strace $0x8FFFFFFF  }
0xa2: {  	s19 =	sld [smem:$0x3FDB];
	_ =	sdelay $0x1  }
0xa3: {  	s11 =	simm.s32 $_scs_section_size  }
0xa4: {  	s12 =	simm.s32 $_size__tile_overlayer_lowered;
	s13 =	simm.s32 $_tile_overlayer_lowered  }
0xa5: {  	s22 =	simm.s32 $0x1BFF;
	s21 =	sshll.u32 s13, $0x1;
	s10 =	sadd.s32 s11, s19  }
0xa6: {  	s20 =	sshll.u32 s12, $0x1;
	s14 =	simm.s32 $0x0;
	s12 =	sadd.s32 s21, s10  }
0xa7: {  	[timem:s14], [sflag:s22] =	dma.local [hbm:s12], s20  }
0xa8: {  	_ =	swait.ge [sflag:s22], s20  }
0xa9: {  	s11 =	ssub.s32 $0x0, s20;
	[sflag:s22] =	ssyncset.done $0x0  }
0xaa: {  	[sflag:s22] =	ssyncadd.s32 s11;
	_ =	sdelay $0x1  }
0xab: {  	s23 =	simm.s32 $0x1B8B  }
0xac: {  	_ =	swait.ge [sflag:s23], $0x1  }
0xad: {  	[sflag:s23] =	ssyncset.done $0x0  }
0xae: {  	s25 =	simm.s32 $0x1B8E;
	s24 =	sld [smem:$0x3FFE];
	[sflag:s23] =	ssyncadd.s32 $0xFFFFFFFF  }
0xaf: {  	s26 =	simm.s32 $execute0_lowered;
	[smem:$0x3FD2] =	sst s25  }
0xb0: {  	s12 =	sshll.u32 s26, $0x1;
	_ =	strace $0x8000004C;
	[dreg:$0x1] =	wrdreg $0xFFFFFFFF  }
0xb1: {  	s28 =	simm.s32 $_size_execute0_lowered;
	s10 =	sadd.s32 s10, s12;
	[dreg:$0x0] =	wrdreg $0x0  }
0xb2: {  	s12 =	sshll.u32 s28, $0x1;
	[dreg:$0x2] =	wrdreg s10  }
0xb3: {  	[dreg:$0x3] =	wrdreg s12  }
0xb4: {  	[dreg:$0x4] =	wrdreg $0xC0  }
0xb5: {  	_ =	task [dreg:s14], $0x5FFFF  }
0xb6: {  	[dreg:$0x1] =	wrdreg $0xFFFFFFFF  }
0xb7: {  	[dreg:$0x0] =	wrdreg $0x60  }
0xb8: {  	[dreg:$0x2] =	wrdreg s5  }
0xb9: {  	[dreg:$0x3] =	wrdreg s6  }
0xba: {  	[dreg:$0x4] =	wrdreg s2  }
0xbb: {  	[dreg:$0x5] =	wrdreg s4  }
0xbc: {  	[dreg:$0x6] =	wrdreg s24  }
0xbd: {  	[dreg:$0x7] =	wrdreg s16  }
0xbe: {  	[dreg:$0x8] =	wrdreg s17  }
0xbf: {  	[dreg:$0x9] =	wrdreg s9  }
0xc0: {  	[dreg:$0xa] =	wrdreg s18  }
0xc1: {  	[dreg:$0xb] =	wrdreg $0x9  }
0xc2: {  	_ =	task.clear_ibuf [dreg:s14], $0xCFFFF;
	_ =	strace $0x9000004C  }
0xc3: {  	s29 =	simm.s32 $0x9;
	_ =	strace $0x8000004E  }
0xc4: {  	_ =	swait.ge [sflag:s29], $0x1  }
0xc5: {  	[sflag:s29] =	ssyncadd.s32 $0xFFFFFFFF  }
0xc6: {  	_ =	strace $0x9000004E  }
0xc7: {  	_ =	sfence  }
0xc8: {  	s30 =	sld [smem:$0x0];
	_ =	sdelay $0x2  }
0xc9: {  	s31 =	sshll.u32 s1, $0xD;
	s1 =	sshrl.u32 s1, $0x2  }
0xca: {  	s3 =	sand.u32 $0x4000, s31;
	s1 =	sadd.s32 s1, s30  }
0xcb: {  	s0 =	sor.u32 s3, s0;
	s1 =	sshll.u32 s1, $0x11  }
0xcc: {  	s0 =	sor.u32 s1, s0  }
0xcd: {  	s0 =	sadd.s32 $0x8F2B, s0  }
0xce: {  	[sflag:s0] =	ssyncadd.remote.s32 $0x1  }
0xcf: {  	_ =	sfence.sel $0xFFFF  }
0xd0: {  	[dreg:$0x0] =	wrdreg $0xFFFFFFFF;
	(pc) =	sbr.abs _section_cstart, $3  }
0xd1: {  	[dreg:$0x1] =	wrdreg $0xFFFFFFFF  }
0xd2: {  	_ =	task.clear_ibuf [dreg:s14], $0x2FFFF;
	_ =	strace $0x9FFFFFFF  }
0xd3: {  	(tm) =	ssettm $0x7FFFFFFF  }
tec
execute0_lowered:
.L_overlay_start_1:
0x0: {  	(tag) =	ssettag $0x1  }
0x1: {  	s0 =	rddreg [dreg:$0x0]  }
0x2: {  	s1 =	rddreg [dreg:$0x1]  }
0x3: {  	s2 =	rddreg [dreg:$0x4]  }
0x4: {  	s5 =	rddreg [dreg:$0x5]  }
0x5: {  	s6 =	rddreg [dreg:$0x6]  }
0x6: {  	s8 =	rddreg [dreg:$0x7]  }
0x7: {  	s9 =	rddreg [dreg:$0x8];
	s3 =	srdreg.scid  }
0x8: {  	s14 =	stileid.u32;
	s10 =	simm.s32 $0x0;
	s29 =	simm.s32 $0x0  }
0x9: {  	s3 =	sand.u32 $0x1, s3;
	s4 =	sshll.u32 s14, $0x1;
	s12 =	sadd.s32 $0x642C00, s2  }
0xa: {  	[smem:$0x7FF] =	sst s10;
	s2 =	sadd.s32 $0x642E00, s2;
	s30 =	smul.u32 $0xC3000, s14  }
0xb: {  	p1 =	slt.u32 s14, $0xA;
	p0 =	sgt.u32 s14, $0x9;
	s14 =	simm.s32 $0x10000  }
0xc: {  	s4 =	sor.u32 s3, s4;
	s7 =	ssub.s32 $0x2, s3;
	s3 =	smul.u32 $0x61800, s3  }
0xd: {  	_ =	strace $0x8000004D;
	[dreg:$0xa] =	wrdreg s12;
	s11 =	smul.u32 $0x61800, s4  }
0xe: {  	[dreg:$0xb] =	wrdreg s2;
	s21 =	sshrl.u32 s7, $0x1;
	s13 =	smul.u32 $0xC300, s4  }
0xf: {  	s16 =	smul.u32 $0xC30, s4;
	s17 =	sshll.u32 s4, $0x7;
	s4 =	sshll.u32 s4, $0x3  }
0x10: {  	s22 =	ssub.s32 s7, s21;
	s18 =	sor.u32 $0x186000, s17;
	s24 =	sadd.s32 s0, s13  }
0x11: {  	s3 =	sadd.s32 s3, s30;
	s13 =	sadd.s32 s1, s13;
	[dreg:$0xc] =	wrdreg s24  }
0x12: {  	s23 =	sshrl.u32 s11, $0x3;
	s19 =	sadd.s32 s0, s18;
	[dreg:$0xf] =	wrdreg s13  }
0x13: {  	s20 =	sadd.s32 s8, s18;
	s21 =	sadd.s32 s1, s18;
	[dreg:$0x12] =	wrdreg s19  }
0x14: {  	s2 =	smax.u32 s22, $0x1;
	s31 =	sadd.s32 $0x10000, s3;
	[dreg:$0x13] =	wrdreg s20  }
0x15: {  	s17 =	sadd.s32 $0xC30, s16;
	v0 =	vmov s16;
	s16 =	simm.s32 $0x5;
	[dreg:$0x14] =	wrdreg s21  }
0x16: {  	s25 =	sadd.s32 $0xC000, s23;
	s19 =	sor.u32 $0x18600, s4;
	[dreg:$0x16] =	wrdreg s2  }
0x17: {  	s20 =	sadd.s32 $0x18608, s4;
	[dreg:$0x1d] =	wrdreg s31;
	s26 =	sadd.s32 s0, s25  }
0x18: {  	s22 =	sadd.s32 $0xB000, s23;
	s28 =	sadd.s32 s8, s25;
	[dreg:$0xd] =	wrdreg s26  }
0x19: {  	s23 =	sadd.s32 $0xA000, s23;
	s15 =	sadd.s32 s1, s25;
	[dreg:$0xe] =	wrdreg s28  }
0x1a: {  	s13 =	simm.s32 $0x8000;
	s11 =	sadd.s32 s9, s25;
	[dreg:$0x10] =	wrdreg s15  }
0x1b: {  	v1 =	vmov s17;
	s17 =	simm.s32 $0x3;
	s7 =	sadd.s32 s8, s23;
	[dreg:$0x11] =	wrdreg s11  }
0x1c: {  	s21 =	simm.s32 $0x80;
	s4 =	sadd.s32 s9, s23;
	[dreg:$0x17] =	wrdreg s7  }
0x1d: {  	s24 =	sadd.s32 s0, s22;
	s25 =	sadd.s32 s8, s22;
	[dreg:$0x18] =	wrdreg s4  }
0x1e: {  	s2 =	sadd.s32 s9, s22;
	v2 =	vmov s19;
	s19 =	simm.s32 $0x2000;
	[dreg:$0x19] =	wrdreg s24  }
0x1f: {  	v3 =	vmov s20;
	s20 =	simm.s32 $0x3000;
	s23 =	simm.s32 $0x1;
	[dreg:$0x1a] =	wrdreg s25  }
0x20: {  	s11 =	sadd.s32 s9, s18;
	s26 =	sadd.s32 s1, s22;
	[dreg:$0x1c] =	wrdreg s2  }
.Ltmp0:
0x21: {  	s28 =	sshrl.u32 s3, $0x3;
	s3 =	sadd.s32 $0x8000, s3;
	(pc) =	sbr.rel .LBB2_1-.Ltmp0, $4  }
0x22: {  	s15 =	simm.s32 $0x2;
	s18 =	simm.s32 $0x4;
	[dreg:$0x15] =	wrdreg s11  }
0x23: {  	s22 =	simm.s32 $0x4000;
	[dreg:$0x1b] =	wrdreg s26;
	s30 =	sshrl.u32 s3, $0x3  }
0x24: {  	vm0 =	vmxor vm0, vm0;
	s3 =	sadd.s32 s28, s8;
	s7 =	sadd.s32 s28, s9;
	s2 =	sadd.s32 s30, s8  }
0x25: {  	v4 =	vimm.s32 $0x0;
	v5 =	vlaneseq.u32;
	vm0 =	vmneg @p1 vm0;
	s4 =	sadd.s32 s30, s0;
	s11 =	sadd.s32 s30, s9;
	s12 =	sadd.s32 s30, s1  }
.LBB2_16:
0x26: {  	[sflag:s23] =	ssyncadd.s32 $0xFFFFC000;
	s29 =	rddreg [dreg:$0x1e]  }
.LBB2_17:
0x27: {  	s29 =	sadd.s32 $0x1, s29;
	s24 =	rddreg [dreg:$0x16]  }
0x28: {  	p1 =	sne.s32 s29, s24  }
.Ltmp1:
0x29: {  	_ = 	snop;
	(pc) =	sbr.rel @!p1 .LBB2_18-.Ltmp1, $1  }
0x2a: {  	_ =	sdelay $0x3  }
.LBB2_1:
0x2b: {  	s24 =	rddreg [dreg:$0xc]  }
0x2c: {  	[tilespmem:s13], [sflag:$0x2] =	stream.linear.gather [hbm4b:s24+s10], $0x8000, $0x38;
	[tilespmem:$0x18000] =	vst v63  }
0x2d: {  	[dreg:$0x1e] =	wrdreg s29;
	s25 =	sadd.s32 $0x0, s4  }
0x2e: {  	[tilespmem:s14], [sflag:$0x3] =	stream.linear.gather [hbm4b:s25+s10], $0x8000, $0x38;
	[tilespmem:$0x18000] =	vst v63  }
0x2f: {  	_ =	swait.ge [sflag:s15], $0x8000  }
0x30: {  	[sflag:s15] =	ssyncset.done $0x0  }
0x31: {  	s26 =	sadd.s32 $0x0, s3;
	[sflag:s15] =	ssyncadd.s32 $0xFFFF8000  }
0x32: {  	[hbm4b:s26+s10] =	stream.linear.scatter [tilespmem:s13], [sflag:$0x5], $0x8000, $0x38;
	[tilespmem:$0x18000] =	vst v63  }
0x33: {  	_ =	swait.ge [sflag:s16], $0x8000  }
0x34: {  	s25 =	sshrl.u32 s31, $0x3;
	[sflag:s16] =	ssyncset.done $0x0  }
0x35: {  	s26 =	sadd.s32 s0, s25;
	[sflag:s16] =	ssyncadd.s32 $0xFFFF8000  }
0x36: {  	[tilespmem:s13], [sflag:$0x2] =	stream.linear.gather [hbm4b:s26+s10], $0x8000, $0x38;
	[tilespmem:$0x18000] =	vst v63  }
0x37: {  	_ =	swait.ge [sflag:s17], $0x8000  }
0x38: {  	[sflag:s17] =	ssyncset.done $0x0  }
0x39: {  	s30 =	sadd.s32 $0x0, s2;
	[sflag:s17] =	ssyncadd.s32 $0xFFFF8000  }
0x3a: {  	[hbm4b:s30+s10] =	stream.linear.scatter [tilespmem:s14], [sflag:$0x4], $0x8000, $0x38;
	[tilespmem:$0x18000] =	vst v63  }
0x3b: {  	s29 =	simm.s32 $0x4000;
	_ =	swait.ge [sflag:s18], $0x8000  }
0x3c: {  	s28 =	sadd.s32 $0x10000, s31;
	s26 =	simm.s32 $0x2000;
	[sflag:s18] =	ssyncset.done $0x0  }
.LBB2_2:
0x3d: {  	s30 =	sadd.s32 s26, s4  }
0x3e: {  	[sflag:s18] =	ssyncadd.s32 $0xFFFF8000;
	s31 =	smov.u32 s29;
	s24 =	sadd.s32 $0x2000, s29  }
0x3f: {  	[tilespmem:s14], [sflag:$0x3] =	stream.linear.gather [hbm4b:s30+s10], $0x8000, $0x38;
	[tilespmem:$0x18000] =	vst v63  }
0x40: {  	p1 =	sne.s32 s29, $0x8000;
	_ =	swait.ge [sflag:s15], $0x8000  }
0x41: {  	[sflag:s15] =	ssyncset.done $0x0  }
0x42: {  	s29 =	sadd.s32 s26, s3;
	[sflag:s15] =	ssyncadd.s32 $0xFFFF8000  }
0x43: {  	[hbm4b:s29+s10] =	stream.linear.scatter [tilespmem:s13], [sflag:$0x5], $0x8000, $0x38;
	[tilespmem:$0x18000] =	vst v63  }
0x44: {  	_ =	swait.ge [sflag:s16], $0x8000  }
0x45: {  	s29 =	sshrl.u32 s28, $0x3;
	[sflag:s16] =	ssyncset.done $0x0  }
0x46: {  	s29 =	sadd.s32 s0, s29;
	[sflag:s16] =	ssyncadd.s32 $0xFFFF8000  }
0x47: {  	[tilespmem:s13], [sflag:$0x2] =	stream.linear.gather [hbm4b:s29+s10], $0x8000, $0x38;
	[tilespmem:$0x18000] =	vst v63  }
0x48: {  	_ =	swait.ge [sflag:s17], $0x8000  }
.Ltmp2:
0x49: {  	[sflag:s17] =	ssyncset.done $0x0;
	(pc) =	sbr.rel @p1 .LBB2_2-.Ltmp2, $4  }
0x4a: {  	s29 =	sadd.s32 s26, s2;
	s26 =	smov.u32 s31;
	[sflag:s17] =	ssyncadd.s32 $0xFFFF8000  }
0x4b: {  	[hbm4b:s29+s10] =	stream.linear.scatter [tilespmem:s14], [sflag:$0x4], $0x8000, $0x38;
	[tilespmem:$0x18000] =	vst v63  }
0x4c: {  	_ =	swait.ge [sflag:s18], $0x8000  }
0x4d: {  	s28 =	sadd.s32 $0x10000, s28;
	s29 =	smov.u32 s24;
	[sflag:s18] =	ssyncset.done $0x0  }
0x4e: {  	s24 =	sadd.s32 s26, s4;
	[sflag:s18] =	ssyncadd.s32 $0xFFFF8000  }
0x4f: {  	[tilespmem:s14], [sflag:$0x3] =	stream.linear.gather [hbm4b:s24+s10], $0x8000, $0x38;
	[tilespmem:$0x18000] =	vst v63  }
0x50: {  	_ =	swait.ge [sflag:s15], $0x8000  }
0x51: {  	[sflag:s15] =	ssyncset.done $0x0  }
0x52: {  	s29 =	sadd.s32 s26, s3;
	[sflag:s15] =	ssyncadd.s32 $0xFFFF8000  }
0x53: {  	[hbm4b:s29+s10] =	stream.linear.scatter [tilespmem:s13], [sflag:$0x5], $0x8000, $0x38;
	[tilespmem:$0x18000] =	vst v63  }
0x54: {  	_ =	swait.ge [sflag:s16], $0x8000  }
0x55: {  	s30 =	sshrl.u32 s28, $0x3;
	[sflag:s16] =	ssyncset.done $0x0  }
0x56: {  	s24 =	sadd.s32 s0, s30;
	[sflag:s16] =	ssyncadd.s32 $0xFFFF8000  }
0x57: {  	[tilespmem:s13], [sflag:$0x2] =	stream.linear.gather [hbm4b:s24+s10], $0x8000, $0x38;
	[tilespmem:$0x18000] =	vst v63  }
0x58: {  	_ =	swait.ge [sflag:s17], $0x8000  }
0x59: {  	[sflag:s17] =	ssyncset.done $0x0  }
0x5a: {  	s29 =	sadd.s32 s26, s2;
	[sflag:s17] =	ssyncadd.s32 $0xFFFF8000  }
0x5b: {  	[hbm4b:s29+s10] =	stream.linear.scatter [tilespmem:s14], [sflag:$0x4], $0x8000, $0x38;
	[tilespmem:$0x18000] =	vst v63  }
0x5c: {  	_ =	swait.ge [sflag:s18], $0x8000  }
0x5d: {  	[sflag:s18] =	ssyncset.done $0x0  }
0x5e: {  	s24 =	simm.s32 $0x0;
	s30 =	rddreg [dreg:$0x19];
	[sflag:s18] =	ssyncadd.s32 $0xFFFF8000  }
0x5f: {  	[tilespmem:s14], [sflag:$0x3] =	stream.linear.gather [hbm4b:s30+s24], $0x8000, $0x38;
	[tilespmem:$0x18000] =	vst v63  }
0x60: {  	_ =	swait.ge [sflag:s15], $0x8000  }
0x61: {  	[sflag:s15] =	ssyncset.done $0x0  }
0x62: {  	s29 =	rddreg [dreg:$0x17];
	[sflag:s15] =	ssyncadd.s32 $0xFFFF8000  }
0x63: {  	[hbm4b:s29+s24] =	stream.linear.scatter [tilespmem:s13], [sflag:$0x5], $0x8000, $0x38;
	[tilespmem:$0x18000] =	vst v63  }
0x64: {  	_ =	swait.ge [sflag:s16], $0x8000  }
0x65: {  	[sflag:s16] =	ssyncset.done $0x0  }
0x66: {  	[sflag:s16] =	ssyncadd.s32 $0xFFFF8000  }
0x67: {  	_ =	swait.ge [sflag:s17], $0x8000  }
0x68: {  	[sflag:s17] =	ssyncset.done $0x0  }
0x69: {  	s30 =	rddreg [dreg:$0x1a];
	[sflag:s17] =	ssyncadd.s32 $0xFFFF8000  }
0x6a: {  	[hbm4b:s30+s24] =	stream.linear.scatter [tilespmem:s14], [sflag:$0x4], $0x8000, $0x38;
	[tilespmem:$0x18000] =	vst v63  }
0x6b: {  	_ =	swait.ge [sflag:s18], $0x8000  }
0x6c: {  	[sflag:s18] =	ssyncset.done $0x0  }
0x6d: {  	s29 =	rddreg [dreg:$0xd];
	[sflag:s18] =	ssyncadd.s32 $0xFFFF8000  }
0x6e: {  	[tilespmem:s13], [sflag:$0x2] =	stream.linear.gather [hbm4b:s29+s24], $0x1800, $0x38;
	[tilespmem:$0x18000] =	vst v63  }
0x6f: {  	_ =	swait.ge [sflag:s15], $0x1800  }
0x70: {  	[sflag:s15] =	ssyncset.done $0x0  }
0x71: {  	s30 =	rddreg [dreg:$0xe];
	[sflag:s15] =	ssyncadd.s32 $0xFFFFE800  }
0x72: {  	[hbm4b:s30+s24] =	stream.linear.scatter [tilespmem:s13], [sflag:$0x4], $0x1800, $0x38;
	[tilespmem:$0x18000] =	vst v63  }
0x73: {  	_ =	swait.ge [sflag:s18], $0x1800  }
0x74: {  	[sflag:s18] =	ssyncset.done $0x0  }
0x75: {  	s29 =	rddreg [dreg:$0xf];
	[sflag:s18] =	ssyncadd.s32 $0xFFFFE800  }
0x76: {  	[tilespmem:s13], [sflag:$0x2] =	stream.linear.gather [hbm4b:s29+s24], $0x8000, $0x38;
	[tilespmem:$0x18000] =	vst v63  }
0x77: {  	s30 =	sadd.s32 $0x0, s12  }
0x78: {  	[tilespmem:s14], [sflag:$0x3] =	stream.linear.gather [hbm4b:s30+s10], $0x8000, $0x38;
	[tilespmem:$0x18000] =	vst v63  }
0x79: {  	_ =	swait.ge [sflag:s15], $0x8000  }
0x7a: {  	[sflag:s15] =	ssyncset.done $0x0  }
0x7b: {  	s26 =	sadd.s32 $0x0, s7;
	[sflag:s15] =	ssyncadd.s32 $0xFFFF8000  }
0x7c: {  	[hbm4b:s26+s10] =	stream.linear.scatter [tilespmem:s13], [sflag:$0x5], $0x8000, $0x38;
	[tilespmem:$0x18000] =	vst v63  }
0x7d: {  	_ =	swait.ge [sflag:s16], $0x8000  }
0x7e: {  	[sflag:s16] =	ssyncset.done $0x0  }
0x7f: {  	s29 =	sadd.s32 s1, s25;
	[sflag:s16] =	ssyncadd.s32 $0xFFFF8000  }
0x80: {  	[tilespmem:s13], [sflag:$0x2] =	stream.linear.gather [hbm4b:s29+s10], $0x8000, $0x38;
	[tilespmem:$0x18000] =	vst v63  }
0x81: {  	_ =	swait.ge [sflag:s17], $0x8000  }
0x82: {  	[sflag:s17] =	ssyncset.done $0x0  }
0x83: {  	s30 =	sadd.s32 $0x0, s11;
	[sflag:s17] =	ssyncadd.s32 $0xFFFF8000  }
0x84: {  	[hbm4b:s30+s10] =	stream.linear.scatter [tilespmem:s14], [sflag:$0x4], $0x8000, $0x38;
	[tilespmem:$0x18000] =	vst v63  }
0x85: {  	_ =	swait.ge [sflag:s18], $0x8000  }
0x86: {  	s28 =	simm.s32 $0x4000;
	s31 =	rddreg [dreg:$0x1d]  }
0x87: {  	s25 =	simm.s32 $0x2000;
	[sflag:s18] =	ssyncset.done $0x0;
	s26 =	sadd.s32 $0x10000, s31  }
.LBB2_4:
0x88: {  	s24 =	sadd.s32 s25, s12  }
0x89: {  	[sflag:s18] =	ssyncadd.s32 $0xFFFF8000;
	s29 =	smov.u32 s28;
	s30 =	sadd.s32 $0x2000, s28  }
0x8a: {  	[tilespmem:s14], [sflag:$0x3] =	stream.linear.gather [hbm4b:s24+s10], $0x8000, $0x38;
	[tilespmem:$0x18000] =	vst v63  }
0x8b: {  	p1 =	sne.s32 s28, $0x8000;
	_ =	swait.ge [sflag:s15], $0x8000  }
0x8c: {  	[sflag:s15] =	ssyncset.done $0x0  }
0x8d: {  	s24 =	sadd.s32 s25, s7;
	[sflag:s15] =	ssyncadd.s32 $0xFFFF8000  }
0x8e: {  	[hbm4b:s24+s10] =	stream.linear.scatter [tilespmem:s13], [sflag:$0x5], $0x8000, $0x38;
	[tilespmem:$0x18000] =	vst v63  }
0x8f: {  	_ =	swait.ge [sflag:s16], $0x8000  }
0x90: {  	s24 =	sshrl.u32 s26, $0x3;
	[sflag:s16] =	ssyncset.done $0x0  }
0x91: {  	s24 =	sadd.s32 s1, s24;
	[sflag:s16] =	ssyncadd.s32 $0xFFFF8000  }
0x92: {  	[tilespmem:s13], [sflag:$0x2] =	stream.linear.gather [hbm4b:s24+s10], $0x8000, $0x38;
	[tilespmem:$0x18000] =	vst v63  }
0x93: {  	_ =	swait.ge [sflag:s17], $0x8000  }
.Ltmp3:
0x94: {  	[sflag:s17] =	ssyncset.done $0x0;
	(pc) =	sbr.rel @p1 .LBB2_4-.Ltmp3, $4  }
0x95: {  	s24 =	sadd.s32 s25, s11;
	s25 =	smov.u32 s29;
	[sflag:s17] =	ssyncadd.s32 $0xFFFF8000  }
0x96: {  	[hbm4b:s24+s10] =	stream.linear.scatter [tilespmem:s14], [sflag:$0x4], $0x8000, $0x38;
	[tilespmem:$0x18000] =	vst v63  }
0x97: {  	_ =	swait.ge [sflag:s18], $0x8000  }
0x98: {  	s28 =	smov.u32 s30;
	s26 =	sadd.s32 $0x10000, s26;
	[sflag:s18] =	ssyncset.done $0x0  }
0x99: {  	s24 =	sadd.s32 s25, s12;
	[sflag:s18] =	ssyncadd.s32 $0xFFFF8000  }
0x9a: {  	[tilespmem:s14], [sflag:$0x3] =	stream.linear.gather [hbm4b:s24+s10], $0x8000, $0x38;
	[tilespmem:$0x18000] =	vst v63  }
0x9b: {  	_ =	swait.ge [sflag:s15], $0x8000  }
0x9c: {  	[sflag:s15] =	ssyncset.done $0x0  }
0x9d: {  	s24 =	sadd.s32 s25, s7;
	[sflag:s15] =	ssyncadd.s32 $0xFFFF8000  }
0x9e: {  	[hbm4b:s24+s10] =	stream.linear.scatter [tilespmem:s13], [sflag:$0x5], $0x8000, $0x38;
	[tilespmem:$0x18000] =	vst v63  }
0x9f: {  	_ =	swait.ge [sflag:s16], $0x8000  }
0xa0: {  	s26 =	sshrl.u32 s26, $0x3;
	[sflag:s16] =	ssyncset.done $0x0  }
0xa1: {  	s24 =	sadd.s32 s1, s26;
	[sflag:s16] =	ssyncadd.s32 $0xFFFF8000  }
0xa2: {  	[tilespmem:s13], [sflag:$0x2] =	stream.linear.gather [hbm4b:s24+s10], $0x8000, $0x38;
	[tilespmem:$0x18000] =	vst v63  }
0xa3: {  	_ =	swait.ge [sflag:s17], $0x8000  }
0xa4: {  	[sflag:s17] =	ssyncset.done $0x0  }
0xa5: {  	s26 =	sadd.s32 s25, s11;
	[sflag:s17] =	ssyncadd.s32 $0xFFFF8000  }
0xa6: {  	[hbm4b:s26+s10] =	stream.linear.scatter [tilespmem:s14], [sflag:$0x4], $0x8000, $0x38;
	[tilespmem:$0x18000] =	vst v63  }
0xa7: {  	_ =	swait.ge [sflag:s18], $0x8000  }
0xa8: {  	[sflag:s18] =	ssyncset.done $0x0  }
0xa9: {  	s25 =	rddreg [dreg:$0x1b];
	[sflag:s18] =	ssyncadd.s32 $0xFFFF8000  }
0xaa: {  	[tilespmem:s14], [sflag:$0x3] =	stream.linear.gather [hbm4b:s25+s10], $0x8000, $0x38;
	[tilespmem:$0x18000] =	vst v63  }
0xab: {  	_ =	swait.ge [sflag:s15], $0x8000  }
0xac: {  	[sflag:s15] =	ssyncset.done $0x0  }
0xad: {  	s26 =	rddreg [dreg:$0x18];
	[sflag:s15] =	ssyncadd.s32 $0xFFFF8000  }
0xae: {  	[hbm4b:s26+s10] =	stream.linear.scatter [tilespmem:s13], [sflag:$0x5], $0x8000, $0x38;
	[tilespmem:$0x18000] =	vst v63  }
0xaf: {  	_ =	swait.ge [sflag:s16], $0x8000  }
0xb0: {  	[sflag:s16] =	ssyncset.done $0x0  }
0xb1: {  	[sflag:s16] =	ssyncadd.s32 $0xFFFF8000  }
0xb2: {  	_ =	swait.ge [sflag:s17], $0x8000  }
0xb3: {  	[sflag:s17] =	ssyncset.done $0x0  }
0xb4: {  	s25 =	rddreg [dreg:$0x1c];
	[sflag:s17] =	ssyncadd.s32 $0xFFFF8000  }
0xb5: {  	[hbm4b:s25+s10] =	stream.linear.scatter [tilespmem:s14], [sflag:$0x4], $0x8000, $0x38;
	[tilespmem:$0x18000] =	vst v63  }
0xb6: {  	_ =	swait.ge [sflag:s18], $0x8000  }
0xb7: {  	[sflag:s18] =	ssyncset.done $0x0  }
0xb8: {  	s26 =	rddreg [dreg:$0x10];
	[sflag:s18] =	ssyncadd.s32 $0xFFFF8000  }
0xb9: {  	[tilespmem:s13], [sflag:$0x2] =	stream.linear.gather [hbm4b:s26+s10], $0x1800, $0x38;
	[tilespmem:$0x18000] =	vst v63  }
0xba: {  	_ =	swait.ge [sflag:s15], $0x1800  }
0xbb: {  	[sflag:s15] =	ssyncset.done $0x0  }
0xbc: {  	s25 =	rddreg [dreg:$0x11];
	[sflag:s15] =	ssyncadd.s32 $0xFFFFE800  }
0xbd: {  	[hbm4b:s25+s10] =	stream.linear.scatter [tilespmem:s13], [sflag:$0x4], $0x1800, $0x38;
	[tilespmem:$0x18000] =	vst v63  }
0xbe: {  	_ =	swait.ge [sflag:s18], $0x1800  }
0xbf: {  	s24 =	simm.s32 @!p0 $0x0;
	[sflag:s18] =	ssyncset.done $0x0  }
0xc0: {  	s25 =	simm.s32 @!p0 $0x8000;
	s26 =	rddreg [dreg:$0x12];
	[sflag:s18] =	ssyncadd.s32 $0xFFFFE800  }
0xc1: {  	[tilespmem:s25], [sflag:$0x2] =	stream.linear.gather @!p0 [hbm4b:s26+s24], $0x400, $0x38;
	[tilespmem:$0x18000] =	vst v63  }
0xc2: {  	s26 =	simm.s32 @!p0 $0x2  }
0xc3: {  	_ =	swait.ge @!p0 [sflag:s26], $0x400  }
0xc4: {  	[sflag:s26] =	ssyncset.done @!p0 $0x0  }
0xc5: {  	s28 =	rddreg [dreg:$0x13];
	[sflag:s26] =	ssyncadd.s32 @!p0 $0xFFFFFC00  }
0xc6: {  	[hbm4b:s28+s24] =	stream.linear.scatter @!p0 [tilespmem:s25], [sflag:$0x4], $0x400, $0x38;
	[tilespmem:$0x18000] =	vst v63  }
0xc7: {  	s28 =	simm.s32 @!p0 $0x4  }
0xc8: {  	_ =	swait.ge @!p0 [sflag:s28], $0x400  }
0xc9: {  	[sflag:s28] =	ssyncset.done @!p0 $0x0  }
0xca: {  	s29 =	rddreg [dreg:$0x14];
	[sflag:s28] =	ssyncadd.s32 @!p0 $0xFFFFFC00  }
0xcb: {  	[tilespmem:s25], [sflag:$0x2] =	stream.linear.gather @!p0 [hbm4b:s29+s24], $0x400, $0x38;
	[tilespmem:$0x18000] =	vst v63  }
0xcc: {  	_ =	swait.ge @!p0 [sflag:s26], $0x400  }
0xcd: {  	[sflag:s26] =	ssyncset.done @!p0 $0x0  }
0xce: {  	[sflag:s26] =	ssyncadd.s32 @!p0 $0xFFFFFC00;
	s26 =	rddreg [dreg:$0x15]  }
0xcf: {  	[hbm4b:s26+s24] =	stream.linear.scatter @!p0 [tilespmem:s25], [sflag:$0x4], $0x400, $0x38;
	[tilespmem:$0x18000] =	vst v63  }
0xd0: {  	_ =	swait.ge @!p0 [sflag:s28], $0x400  }
0xd1: {  	[sflag:s28] =	ssyncset.done @!p0 $0x0  }
0xd2: {  	[sflag:s28] =	ssyncadd.s32 @!p0 $0xFFFFFC00  }
0xd3: {  	s25 =	simm.s32 $0x0;
	s26 =	rddreg [dreg:$0x2]  }
0xd4: {  	[tilespmem:s25], [sflag:$0x4] =	stream.linear.gather [hbm4b:s26+s25], $0x1000, $0x38;
	[tilespmem:$0x18000] =	vst v63  }
0xd5: {  	_ =	swait.ge [sflag:s18], $0x1000  }
0xd6: {  	[sflag:s18] =	ssyncset.done $0x0  }
0xd7: {  	s28 =	simm.s32 $0x1000;
	s26 =	rddreg [dreg:$0xa];
	[sflag:s18] =	ssyncadd.s32 $0xFFFFF000  }
0xd8: {  	[tilespmem:s28], [sflag:$0x4] =	stream.linear.gather [hbm4b:s26+s25], $0x1000, $0x38;
	[tilespmem:$0x18000] =	vst v63  }
0xd9: {  	_ =	swait.ge [sflag:s18], $0x1000  }
0xda: {  	[sflag:s18] =	ssyncset.done $0x0  }
0xdb: {  	[sflag:s18] =	ssyncadd.s32 $0xFFFFF000  }
0xdc: {  	v6 =	vld [tilespmem:s25+$0x0];
	_ =	sdelay $0x2  }
0xdd: {  	v7 =	vld [tilespmem:s28+$0x0];
	_ =	sdelay $0x1  }
0xde: {  	vm1 =	vge.s32 v6, v2;
	vm2 =	vlt.s32 v6, v3  }
0xdf: {  	vm3 =	vge.s32 v6, v0;
	vm4 =	vlt.s32 v6, v1;
	vm1 =	vmand vm1, vm2  }
0xe0: {  	vm2 =	vmand vm3, vm4;
	vm1 =	vmand vm1, vm0  }
0xe1: {  	vm3 =	vne.s32 v7, $0x0;
	vm1 =	vmor vm2, vm1  }
0xe2: {  	vm1 =	vmand vm3, vm1  }
0xe3: {  	v7 =	vsel vm1, $0x1, v4  }
0xe4: {  	(xrf0) =	vadd.scan.msk.s32 $0xffff, v7;
	_ =	sdelay $0x2  }
0xe5: {  	v7 =	vmov s25  }
0xe6: {  	v7 =	vadd.s32 $0xFFFFFFFF, v7  }
0xe7: {  	v7 =	vbroadcast v7, $0x0  }
0xe8: {  	v8, _, _ =	vpop (xrf0)  }
0xe9: {  	v7 =	vadd.s32 v8, v7;
	(v2sf) =	vpush v8, $0xF;
	_ =	sdelay $0x4  }
0xea: {  	[tilespmem:v7+s19+$0x0] =	vst.idx.msk vm1, v6;
	v6 =	vor.u32 s25, v5  }
0xeb: {  	s26 =	simm.s32 $0x10;
	[tilespmem:v7+s20+$0x0] =	vst.idx.msk vm1, v6  }
0xec: {  	s30 =	simm.s32 $0x10;
	s29 =	simm.s32 $0x20;
	v6 =	vld [tilespmem:s26+$0x0]  }
.LBB2_6:
0xed: {  	p1 =	sne.s32 s29, $0xFF0  }
0xee: {  	s28 =	sadd.s32 $0x10, s28  }
0xef: {  	v7 =	vld [tilespmem:s28+$0x0];
	_ =	sdelay $0x1  }
0xf0: {  	vm1 =	vge.s32 v6, v2;
	vm2 =	vlt.s32 v6, v3  }
0xf1: {  	vm3 =	vge.s32 v6, v0;
	vm4 =	vlt.s32 v6, v1;
	vm1 =	vmand vm1, vm2  }
0xf2: {  	vm2 =	vmand vm3, vm4;
	vm1 =	vmand vm1, vm0  }
0xf3: {  	vm3 =	vne.s32 v7, $0x0;
	vm1 =	vmor vm2, vm1;
	s24 =	spop (v2sf)  }
0xf4: {  	vm1 =	vmand vm3, vm1;
	s25 =	sadd.s32 s25, s24  }
0xf5: {  	v7 =	vsel vm1, $0x1, v4;
	v8 =	vmov s25  }
0xf6: {  	v8 =	vadd.s32 $0xFFFFFFFF, v8;
	(xrf0) =	vadd.scan.msk.s32 $0xffff, v7  }
0xf7: {  	v7 =	vbroadcast v8, $0x0;
	_ =	sdelay $0x4  }
0xf8: {  	v8, _, _ =	vpop (xrf0)  }
0xf9: {  	v7 =	vadd.s32 v8, v7;
	(v2sf) =	vpush v8, $0xF;
	_ =	sdelay $0x2  }
.Ltmp4:
0xfa: {  	(pc) =	sbr.rel @p1 .LBB2_6-.Ltmp4, $4  }
0xfb: {  	_ = 	snop  }
0xfc: {  	[tilespmem:v7+s19+$0x0] =	vst.idx.msk vm1, v6;
	v6 =	vor.u32 s26, v5;
	s26 =	smov.u32 s29  }
0xfd: {  	s30 =	sadd.s32 $0x10, s30;
	[tilespmem:v7+s20+$0x0] =	vst.idx.msk vm1, v6  }
0xfe: {  	s29 =	sadd.s32 $0x10, s29;
	v6 =	vld [tilespmem:s30+$0x0]  }
0xff: {  	_ = 	snop  }
0x100: {  	s24 =	sadd.s32 $0x10, s28  }
0x101: {  	v7 =	vld [tilespmem:s24+$0x0];
	_ =	sdelay $0x1  }
0x102: {  	vm1 =	vge.s32 v6, v2;
	vm2 =	vlt.s32 v6, v3  }
0x103: {  	vm3 =	vge.s32 v6, v0;
	vm4 =	vlt.s32 v6, v1;
	vm1 =	vmand vm1, vm2  }
0x104: {  	vm2 =	vmand vm3, vm4;
	vm1 =	vmand vm1, vm0  }
0x105: {  	vm3 =	vne.s32 v7, $0x0;
	vm1 =	vmor vm2, vm1  }
0x106: {  	vm1 =	vmand vm3, vm1  }
0x107: {  	v7 =	vsel vm1, $0x1, v4  }
0x108: {  	(xrf0) =	vadd.scan.msk.s32 $0xffff, v7;
	_ =	sdelay $0x5  }
0x109: {  	v7, _, _ =	vpop (xrf0)  }
0x10a: {  	(v2sf) =	vpush v7, $0xF;
	_ =	sdelay $0xd  }
0x10b: {  	s29 =	spop (v2sf)  }
0x10c: {  	s24 =	sadd.s32 s25, s29;
	s30 =	spop (v2sf)  }
0x10d: {  	s28 =	sadd.s32 s24, s30  }
0x10e: {  	v8 =	vmov s24;
	p1 =	slt.s32 s28, $0x1  }
0x10f: {  	v8 =	vadd.s32 $0xFFFFFFFF, v8;
	s24 =	sadd.s32 @!p1 $0x7F, s28  }
0x110: {  	v8 =	vbroadcast v8, $0x0;
	s25 =	sand.u32 @!p1 $0x7F, s24  }
0x111: {  	p2 =	slt.s32 @!p1 s24, $0x0;
	p3 =	sne.s32 @!p1 s25, $0x0  }
0x112: {  	v7 =	vadd.s32 v7, v8;
	s25 =	sshra.s32 @!p1 s24, $0x1F;
	p2 =	por @!p1 !p2, !p3  }
0x113: {  	s29 =	sadd.s32 @!p1 $0xFFFFFFFF, s28;
	s25 =	sshrl.u32 @!p1 s25, $0x19;
	p2 =	por @!p1 !p2, !p2  }
0x114: {  	v8 =	vmov @!p1 s29;
	s24 =	sadd.s32 @!p1 s25, s24;
	s25 =	simm.s32 @!p1 $0x1;
	p2 =	por !p2, p1  }
0x115: {  	s24 =	sshrl.u32 @!p1 s24, $0x7;
	s25 =	simm.s32 @p2 $0x0  }
0x116: {  	v9 =	vlaneseq.u32 @!p1;
	s24 =	ssub.s32 @!p1 s24, s25  }
0x117: {  	[tilespmem:v7+s19+$0x0] =	vst.idx.msk vm1, v6;
	v6 =	vor.u32 s26, v5;
	v10 =	vadd.s32 @!p1 s28, v9;
	s24 =	sshll.u32 @!p1 s24, $0x7  }
0x118: {  	[tilespmem:v7+s20+$0x0] =	vst.idx.msk vm1, v6;
	s29 =	sadd.s32 @!p1 $0x10, s28;
	s25 =	simm.s32 @!p1 $0x2000;
	vm1 =	vlt.s32 @!p1 v10, s24  }
0x119: {  	s26 =	simm.s32 @!p1 $0x3000;
	v7 =	vadd.s32 @!p1 s29, v9;
	v6 =	vld.idx.msk @!p1 [tilespmem:v8+s25+$0x0], $0xffff  }
0x11a: {  	s29 =	sadd.s32 @!p1 $0x20, s28;
	v8 =	vld.idx.msk @!p1 [tilespmem:v8+s26+$0x0], $0xffff;
	vm2 =	vlt.s32 @!p1 v7, s24  }
0x11b: {  	v11 =	vadd.s32 @!p1 s29, v9  }
0x11c: {  	s29 =	sadd.s32 @!p1 $0x30, s28;
	vm3 =	vlt.s32 @!p1 v11, s24  }
0x11d: {  	v12 =	vadd.s32 @!p1 s29, v9  }
0x11e: {  	s29 =	sadd.s32 @!p1 $0x40, s28;
	vm4 =	vlt.s32 @!p1 v12, s24;
	[tilespmem:v10+s25+$0x0] =	vst.idx.msk @!p1 vm1, v6  }
0x11f: {  	[tilespmem:v10+s26+$0x0] =	vst.idx.msk @!p1 vm1, v8;
	v10 =	vadd.s32 @!p1 s29, v9  }
0x120: {  	s29 =	sadd.s32 @!p1 $0x50, s28;
	[tilespmem:v7+s25+$0x0] =	vst.idx.msk @!p1 vm2, v6;
	vm1 =	vlt.s32 @!p1 v10, s24  }
0x121: {  	[tilespmem:v7+s26+$0x0] =	vst.idx.msk @!p1 vm2, v8;
	v7 =	vadd.s32 @!p1 s29, v9  }
0x122: {  	s29 =	sadd.s32 @!p1 $0x60, s28;
	[tilespmem:v11+s25+$0x0] =	vst.idx.msk @!p1 vm3, v6;
	vm2 =	vlt.s32 @!p1 v7, s24  }
0x123: {  	[tilespmem:v11+s26+$0x0] =	vst.idx.msk @!p1 vm3, v8;
	v11 =	vadd.s32 @!p1 s29, v9  }
0x124: {  	s28 =	sadd.s32 @!p1 $0x70, s28;
	[tilespmem:v12+s25+$0x0] =	vst.idx.msk @!p1 vm4, v6;
	vm3 =	vlt.s32 @!p1 v11, s24  }
0x125: {  	v9 =	vadd.s32 @!p1 s28, v9;
	[tilespmem:v12+s26+$0x0] =	vst.idx.msk @!p1 vm4, v8  }
0x126: {  	s28 =	sshra.s32 @!p1 s24, $0x7;
	vm4 =	vlt.s32 @!p1 v9, s24;
	[tilespmem:v10+s25+$0x0] =	vst.idx.msk @!p1 vm1, v6  }
0x127: {  	p2 =	slt.s32 @!p1 s28, $0x1;
	[tilespmem:v10+s26+$0x0] =	vst.idx.msk @!p1 vm1, v8  }
0x128: {  	p2 =	por p1, p2;
	[tilespmem:v7+s25+$0x0] =	vst.idx.msk @!p1 vm2, v6  }
.Ltmp5:
0x129: {  	[tilespmem:v7+s26+$0x0] =	vst.idx.msk @!p1 vm2, v8;
	(pc) =	sbr.rel @p2 .LBB2_11-.Ltmp5, $4  }
0x12a: {  	[tilespmem:v11+s25+$0x0] =	vst.idx.msk @!p1 vm3, v6  }
0x12b: {  	[tilespmem:v11+s26+$0x0] =	vst.idx.msk @!p1 vm3, v8  }
0x12c: {  	[tilespmem:v9+s25+$0x0] =	vst.idx.msk @!p1 vm4, v6  }
0x12d: {  	[tilespmem:v9+s26+$0x0] =	vst.idx.msk @!p1 vm4, v8  }
0x12e: {  	[tilespmem:s22], [sflag:$0x1] =	stream.indirect.gather [hbm4b:s5+s21], $0x80, s26, s21, $0xb8;
	[tilespmem:$0x18000] =	vst v63  }
0x12f: {  	p1 =	sne.s32 s28, $0x1;
	_ =	swait.ge [sflag:s23], $0x4000  }
.Ltmp6:
0x130: {  	[sflag:s23] =	ssyncset.done $0x0;
	(pc) =	sbr.rel @!p1 .LBB2_10-.Ltmp6, $4  }
0x131: {  	[sflag:s23] =	ssyncadd.s32 $0xFFFFC000  }
0x132: {  	[hbm4b:s8+s21] =	stream.indirect.scatter [tilespmem:s22], [sflag:$0x1], $0x80, s25, s21, $0xb8;
	[tilespmem:$0x18000] =	vst v63  }
0x133: {  	_ =	swait.ge [sflag:s23], $0x4000  }
0x134: {  	s28 =	sadd.s32 $0xFFFFFFFF, s28;
	[sflag:s23] =	ssyncset.done $0x0  }
.LBB2_9:
0x135: {  	[sflag:s23] =	ssyncadd.s32 $0xFFFFC000;
	s26 =	sadd.s32 $0x80, s26;
	s25 =	sadd.s32 $0x80, s25  }
0x136: {  	[tilespmem:s22], [sflag:$0x1] =	stream.indirect.gather [hbm4b:s5+s21], $0x80, s26, s21, $0xb8;
	[tilespmem:$0x18000] =	vst v63  }
0x137: {  	p1 =	sne.s32 s28, $0x1;
	s28 =	sadd.s32 $0xFFFFFFFF, s28;
	_ =	swait.ge [sflag:s23], $0x4000  }
.Ltmp7:
0x138: {  	[sflag:s23] =	ssyncset.done $0x0;
	(pc) =	sbr.rel @p1 .LBB2_9-.Ltmp7, $4  }
0x139: {  	[sflag:s23] =	ssyncadd.s32 $0xFFFFC000  }
0x13a: {  	[hbm4b:s8+s21] =	stream.indirect.scatter [tilespmem:s22], [sflag:$0x1], $0x80, s25, s21, $0xb8;
	[tilespmem:$0x18000] =	vst v63  }
0x13b: {  	_ =	swait.ge [sflag:s23], $0x4000  }
0x13c: {  	[sflag:s23] =	ssyncset.done $0x0  }
.LBB2_10:
0x13d: {  	[sflag:s23] =	ssyncadd.s32 $0xFFFFC000  }
.LBB2_11:
0x13e: {  	s25 =	simm.s32 $0x0;
	s24 =	rddreg [dreg:$0x3]  }
0x13f: {  	[tilespmem:s25], [sflag:$0x4] =	stream.linear.gather [hbm4b:s24+s25], $0x1000, $0x38;
	[tilespmem:$0x18000] =	vst v63  }
0x140: {  	_ =	swait.ge [sflag:s18], $0x1000  }
0x141: {  	[sflag:s18] =	ssyncset.done $0x0  }
0x142: {  	s28 =	simm.s32 $0x1000;
	s26 =	rddreg [dreg:$0xb];
	[sflag:s18] =	ssyncadd.s32 $0xFFFFF000  }
0x143: {  	[tilespmem:s28], [sflag:$0x4] =	stream.linear.gather [hbm4b:s26+s25], $0x1000, $0x38;
	[tilespmem:$0x18000] =	vst v63  }
0x144: {  	_ =	swait.ge [sflag:s18], $0x1000  }
0x145: {  	[sflag:s18] =	ssyncset.done $0x0  }
0x146: {  	[sflag:s18] =	ssyncadd.s32 $0xFFFFF000  }
0x147: {  	v6 =	vld [tilespmem:s25+$0x0];
	_ =	sdelay $0x2  }
0x148: {  	v7 =	vld [tilespmem:s28+$0x0];
	_ =	sdelay $0x1  }
0x149: {  	vm1 =	vge.s32 v6, v2;
	vm2 =	vlt.s32 v6, v3  }
0x14a: {  	vm3 =	vge.s32 v6, v0;
	vm4 =	vlt.s32 v6, v1;
	vm1 =	vmand vm1, vm2  }
0x14b: {  	vm2 =	vmand vm3, vm4;
	vm1 =	vmand vm1, vm0  }
0x14c: {  	vm3 =	vne.s32 v7, $0x0;
	vm1 =	vmor vm2, vm1  }
0x14d: {  	vm1 =	vmand vm3, vm1  }
0x14e: {  	v7 =	vsel vm1, $0x1, v4  }
0x14f: {  	(xrf0) =	vadd.scan.msk.s32 $0xffff, v7;
	_ =	sdelay $0x2  }
0x150: {  	v7 =	vmov s25  }
0x151: {  	v7 =	vadd.s32 $0xFFFFFFFF, v7  }
0x152: {  	v7 =	vbroadcast v7, $0x0  }
0x153: {  	v8, _, _ =	vpop (xrf0)  }
0x154: {  	v7 =	vadd.s32 v8, v7;
	(v2sf) =	vpush v8, $0xF;
	_ =	sdelay $0x4  }
0x155: {  	[tilespmem:v7+s19+$0x0] =	vst.idx.msk vm1, v6;
	v6 =	vor.u32 s25, v5  }
0x156: {  	s26 =	simm.s32 $0x10;
	[tilespmem:v7+s20+$0x0] =	vst.idx.msk vm1, v6  }
0x157: {  	s29 =	simm.s32 $0x20;
	s30 =	simm.s32 $0x10;
	v6 =	vld [tilespmem:s26+$0x0]  }
.LBB2_12:
0x158: {  	p1 =	sne.s32 s29, $0xFF0  }
0x159: {  	s28 =	sadd.s32 $0x10, s28  }
0x15a: {  	v7 =	vld [tilespmem:s28+$0x0];
	_ =	sdelay $0x1  }
0x15b: {  	vm1 =	vge.s32 v6, v2;
	vm2 =	vlt.s32 v6, v3  }
0x15c: {  	vm3 =	vge.s32 v6, v0;
	vm4 =	vlt.s32 v6, v1;
	vm1 =	vmand vm1, vm2  }
0x15d: {  	vm2 =	vmand vm3, vm4;
	vm1 =	vmand vm1, vm0  }
0x15e: {  	vm3 =	vne.s32 v7, $0x0;
	vm1 =	vmor vm2, vm1;
	s24 =	spop (v2sf)  }
0x15f: {  	vm1 =	vmand vm3, vm1;
	s25 =	sadd.s32 s25, s24  }
0x160: {  	v7 =	vsel vm1, $0x1, v4;
	v8 =	vmov s25  }
0x161: {  	v8 =	vadd.s32 $0xFFFFFFFF, v8;
	(xrf0) =	vadd.scan.msk.s32 $0xffff, v7  }
0x162: {  	v7 =	vbroadcast v8, $0x0;
	_ =	sdelay $0x4  }
0x163: {  	v8, _, _ =	vpop (xrf0)  }
0x164: {  	v7 =	vadd.s32 v8, v7;
	(v2sf) =	vpush v8, $0xF;
	_ =	sdelay $0x2  }
.Ltmp8:
0x165: {  	(pc) =	sbr.rel @p1 .LBB2_12-.Ltmp8, $4  }
0x166: {  	_ = 	snop  }
0x167: {  	[tilespmem:v7+s19+$0x0] =	vst.idx.msk vm1, v6;
	v6 =	vor.u32 s26, v5;
	s26 =	smov.u32 s29  }
0x168: {  	s30 =	sadd.s32 $0x10, s30;
	[tilespmem:v7+s20+$0x0] =	vst.idx.msk vm1, v6  }
0x169: {  	s29 =	sadd.s32 $0x10, s29;
	v6 =	vld [tilespmem:s30+$0x0]  }
0x16a: {  	_ = 	snop  }
0x16b: {  	s24 =	sadd.s32 $0x10, s28  }
0x16c: {  	v7 =	vld [tilespmem:s24+$0x0];
	_ =	sdelay $0x1  }
0x16d: {  	vm1 =	vge.s32 v6, v2;
	vm2 =	vlt.s32 v6, v3  }
0x16e: {  	vm3 =	vge.s32 v6, v0;
	vm4 =	vlt.s32 v6, v1;
	vm1 =	vmand vm1, vm2  }
0x16f: {  	vm2 =	vmand vm3, vm4;
	vm1 =	vmand vm1, vm0  }
0x170: {  	vm3 =	vne.s32 v7, $0x0;
	vm1 =	vmor vm2, vm1  }
0x171: {  	vm1 =	vmand vm3, vm1  }
0x172: {  	v7 =	vsel vm1, $0x1, v4  }
0x173: {  	(xrf0) =	vadd.scan.msk.s32 $0xffff, v7;
	_ =	sdelay $0x5  }
0x174: {  	v7, _, _ =	vpop (xrf0)  }
0x175: {  	(v2sf) =	vpush v7, $0xF;
	_ =	sdelay $0xd  }
0x176: {  	s30 =	spop (v2sf)  }
0x177: {  	s24 =	sadd.s32 s25, s30;
	s30 =	spop (v2sf)  }
0x178: {  	s28 =	sadd.s32 s24, s30  }
0x179: {  	v8 =	vmov s24;
	p1 =	slt.s32 s28, $0x1  }
0x17a: {  	v8 =	vadd.s32 $0xFFFFFFFF, v8;
	s24 =	sadd.s32 @!p1 $0x7F, s28  }
0x17b: {  	v8 =	vbroadcast v8, $0x0;
	s25 =	sand.u32 @!p1 $0x7F, s24  }
0x17c: {  	p2 =	slt.s32 @!p1 s24, $0x0;
	p3 =	sne.s32 @!p1 s25, $0x0  }
0x17d: {  	v7 =	vadd.s32 v7, v8;
	s25 =	sshra.s32 @!p1 s24, $0x1F;
	p2 =	por @!p1 !p2, !p3  }
0x17e: {  	s29 =	sadd.s32 @!p1 $0xFFFFFFFF, s28;
	s25 =	sshrl.u32 @!p1 s25, $0x19;
	p2 =	por @!p1 !p2, !p2  }
0x17f: {  	v8 =	vmov @!p1 s29;
	s24 =	sadd.s32 @!p1 s25, s24;
	s25 =	simm.s32 @!p1 $0x1;
	p2 =	por !p2, p1  }
0x180: {  	s24 =	sshrl.u32 @!p1 s24, $0x7;
	s25 =	simm.s32 @p2 $0x0  }
0x181: {  	v9 =	vlaneseq.u32 @!p1;
	s24 =	ssub.s32 @!p1 s24, s25  }
0x182: {  	[tilespmem:v7+s19+$0x0] =	vst.idx.msk vm1, v6;
	v6 =	vor.u32 s26, v5;
	v10 =	vadd.s32 @!p1 s28, v9;
	s24 =	sshll.u32 @!p1 s24, $0x7  }
0x183: {  	[tilespmem:v7+s20+$0x0] =	vst.idx.msk vm1, v6;
	s29 =	sadd.s32 @!p1 $0x10, s28;
	s25 =	simm.s32 @!p1 $0x2000;
	vm1 =	vlt.s32 @!p1 v10, s24  }
0x184: {  	s26 =	simm.s32 @!p1 $0x3000;
	v7 =	vadd.s32 @!p1 s29, v9;
	v6 =	vld.idx.msk @!p1 [tilespmem:v8+s25+$0x0], $0xffff  }
0x185: {  	s29 =	sadd.s32 @!p1 $0x20, s28;
	v8 =	vld.idx.msk @!p1 [tilespmem:v8+s26+$0x0], $0xffff;
	vm2 =	vlt.s32 @!p1 v7, s24  }
0x186: {  	v11 =	vadd.s32 @!p1 s29, v9  }
0x187: {  	s29 =	sadd.s32 @!p1 $0x30, s28;
	vm3 =	vlt.s32 @!p1 v11, s24  }
0x188: {  	v12 =	vadd.s32 @!p1 s29, v9  }
0x189: {  	s29 =	sadd.s32 @!p1 $0x40, s28;
	vm4 =	vlt.s32 @!p1 v12, s24;
	[tilespmem:v10+s25+$0x0] =	vst.idx.msk @!p1 vm1, v6  }
0x18a: {  	[tilespmem:v10+s26+$0x0] =	vst.idx.msk @!p1 vm1, v8;
	v10 =	vadd.s32 @!p1 s29, v9  }
0x18b: {  	s29 =	sadd.s32 @!p1 $0x50, s28;
	[tilespmem:v7+s25+$0x0] =	vst.idx.msk @!p1 vm2, v6;
	vm1 =	vlt.s32 @!p1 v10, s24  }
0x18c: {  	[tilespmem:v7+s26+$0x0] =	vst.idx.msk @!p1 vm2, v8;
	v7 =	vadd.s32 @!p1 s29, v9  }
0x18d: {  	s29 =	sadd.s32 @!p1 $0x60, s28;
	[tilespmem:v11+s25+$0x0] =	vst.idx.msk @!p1 vm3, v6;
	vm2 =	vlt.s32 @!p1 v7, s24  }
0x18e: {  	[tilespmem:v11+s26+$0x0] =	vst.idx.msk @!p1 vm3, v8;
	v11 =	vadd.s32 @!p1 s29, v9  }
0x18f: {  	s28 =	sadd.s32 @!p1 $0x70, s28;
	[tilespmem:v12+s25+$0x0] =	vst.idx.msk @!p1 vm4, v6;
	vm3 =	vlt.s32 @!p1 v11, s24  }
0x190: {  	v9 =	vadd.s32 @!p1 s28, v9;
	[tilespmem:v12+s26+$0x0] =	vst.idx.msk @!p1 vm4, v8  }
0x191: {  	s28 =	sshra.s32 @!p1 s24, $0x7;
	vm4 =	vlt.s32 @!p1 v9, s24;
	[tilespmem:v10+s25+$0x0] =	vst.idx.msk @!p1 vm1, v6  }
0x192: {  	p2 =	slt.s32 @!p1 s28, $0x1;
	[tilespmem:v10+s26+$0x0] =	vst.idx.msk @!p1 vm1, v8  }
0x193: {  	p2 =	por p1, p2;
	[tilespmem:v7+s25+$0x0] =	vst.idx.msk @!p1 vm2, v6  }
.Ltmp9:
0x194: {  	[tilespmem:v7+s26+$0x0] =	vst.idx.msk @!p1 vm2, v8;
	(pc) =	sbr.rel @p2 .LBB2_17-.Ltmp9, $4  }
0x195: {  	[tilespmem:v11+s25+$0x0] =	vst.idx.msk @!p1 vm3, v6  }
0x196: {  	[tilespmem:v11+s26+$0x0] =	vst.idx.msk @!p1 vm3, v8  }
0x197: {  	[tilespmem:v9+s25+$0x0] =	vst.idx.msk @!p1 vm4, v6  }
0x198: {  	s29 =	rddreg [dreg:$0x1e];
	[tilespmem:v9+s26+$0x0] =	vst.idx.msk @!p1 vm4, v8  }
0x199: {  	[tilespmem:s22], [sflag:$0x1] =	stream.indirect.gather [hbm4b:s6+s21], $0x80, s26, s21, $0xb8;
	[tilespmem:$0x18000] =	vst v63  }
0x19a: {  	p1 =	sne.s32 s28, $0x1;
	_ =	swait.ge [sflag:s23], $0x4000  }
.Ltmp10:
0x19b: {  	[sflag:s23] =	ssyncset.done $0x0;
	(pc) =	sbr.rel @!p1 .LBB2_16-.Ltmp10, $4  }
0x19c: {  	[sflag:s23] =	ssyncadd.s32 $0xFFFFC000  }
0x19d: {  	[hbm4b:s9+s21] =	stream.indirect.scatter [tilespmem:s22], [sflag:$0x1], $0x80, s25, s21, $0xb8;
	[tilespmem:$0x18000] =	vst v63  }
0x19e: {  	_ =	swait.ge [sflag:s23], $0x4000  }
0x19f: {  	s28 =	sadd.s32 $0xFFFFFFFF, s28;
	[sflag:s23] =	ssyncset.done $0x0  }
.LBB2_15:
0x1a0: {  	[sflag:s23] =	ssyncadd.s32 $0xFFFFC000;
	s26 =	sadd.s32 $0x80, s26;
	s25 =	sadd.s32 $0x80, s25  }
0x1a1: {  	[tilespmem:s22], [sflag:$0x1] =	stream.indirect.gather [hbm4b:s6+s21], $0x80, s26, s21, $0xb8;
	[tilespmem:$0x18000] =	vst v63  }
0x1a2: {  	p1 =	sne.s32 s28, $0x1;
	s28 =	sadd.s32 $0xFFFFFFFF, s28;
	_ =	swait.ge [sflag:s23], $0x4000  }
.Ltmp11:
0x1a3: {  	[sflag:s23] =	ssyncset.done $0x0;
	(pc) =	sbr.rel @p1 .LBB2_15-.Ltmp11, $4  }
0x1a4: {  	[sflag:s23] =	ssyncadd.s32 $0xFFFFC000  }
0x1a5: {  	[hbm4b:s9+s21] =	stream.indirect.scatter [tilespmem:s22], [sflag:$0x1], $0x80, s25, s21, $0xb8;
	[tilespmem:$0x18000] =	vst v63  }
0x1a6: {  	_ =	swait.ge [sflag:s23], $0x4000  }
0x1a7: {  	[sflag:s23] =	ssyncset.done $0x0  }
.Ltmp12:
0x1a8: {  	_ = 	snop;
	(pc) =	sbr.rel .LBB2_16-.Ltmp12, $1  }
0x1a9: {  	_ =	sdelay $0x3  }
.LBB2_18:
0x1aa: {  	_ =	sfence.sel $0x180000  }
0x1ab: {  	[bflag:$0x0] =	sbarrier.arrive $0xFFFF  }
0x1ac: {  	_ =	strace $0x9000004D  }
0x1ad: {  	s0 =	stileid.u32;
	[bflag:$0x2] =	sbarrier.arrive $0xFFFF  }
0x1ae: {  	p0 =	sne.s32 s0, $0x0;
	s0 =	rddreg [dreg:$0x9]  }
0x1af: {  	s0 =	sadd.s32 @!p0 $0x100000, s0  }
0x1b0: {  	[sflag:s0] =	ssyncadd.tile.s32 @!p0 $0x1;
	_ =	shalt  }
.Lfunc_end2:
_tile_overlayer_lowered:
.L_overlay_start_2:
0x1b1: {  	(tag) =	ssettag $0x2  }
0x1b2: {  	s0 =	rddreg [dreg:$0x0];
	s2 =	stileid.u32  }
0x1b3: {  	s1 =	rddreg [dreg:$0x1];
	p0 =	sne.s32 s2, $0x0  }
0x1b4: {  	s3 =	rddreg [dreg:$0x2];
	[bflag:$0x3] =	sbarrier.arrive $0xFFFF;
	s2 =	simm.s32 @!p0 $0x1C04  }
0x1b5: {  	[timem:s3], [sflag:s2] =	dma.local @!p0 [hbm:s0], s1  }
0x1b6: {  	s0 =	simm.s32 @!p0 $0x4  }
0x1b7: {  	_ =	swait.ge @!p0 [sflag:s0], s1  }
0x1b8: {  	s1 =	ssub.s32 @!p0 $0x0, s1;
	[sflag:s0] =	ssyncset.done @!p0 $0x0  }
0x1b9: {  	[sflag:s0] =	ssyncadd.s32 @!p0 s1  }
0x1ba: {  	[bflag:$0x3] =	sbarrier.arrive $0xFFFF  }
0x1bb: {  	_ =	shalt  }

</sc_bundles>
